<compile_context>
chip_gen: v7x
topology: tpu7x:2x2x1
jax: 0.10.2.dev20260603
libtpu: 0.0.44.dev20260713+nightly
codegen_flags: <defaults>
</compile_context>

<pallas_src>
import functools

import jax
import jax.numpy as jnp
from jax import lax
from jax.experimental import pallas as pl
from jax.experimental.pallas import tpu as pltpu
from jax.experimental.pallas import tpu_sc as plsc

NC, NS = 2, 16
NW = NC * NS
CHUNK = 96
DEGW = 128
BM = 1000
NBUF = 3
SPLIT0 = 80


def _mesh():
  return plsc.VectorSubcoreMesh(
      core_axis_name="c", subcore_axis_name="s", num_cores=NC, num_subcores=NS)


def _make_deg_kernel(npad, cpw, rpt):
  ngrp = cpw // 2

  @functools.partial(
      pl.kernel,
      out_type=jax.ShapeDtypeStruct((NC, npad, DEGW), jnp.float32),
      mesh=_mesh(),
      scratch_types=[
          pltpu.VMEM((2, CHUNK), jnp.int32),
          pltpu.VMEM((CHUNK, DEGW), jnp.float32),
          pltpu.VMEM_SHARED((npad, DEGW), jnp.float32),
          pltpu.SemaphoreType.DMA,
          pltpu.SemaphoreType.DMA,
      ],
  )
  def deg_kernel(dst_hbm, ones_hbm, zeros_hbm, out_hbm,
                 didx, ones_v, acc_sh, si0, si1):
    c = lax.axis_index("c")
    s = lax.axis_index("s")
    base = (s * NC + c) * cpw
    si = (si0, si1)

    pltpu.sync_copy(zeros_hbm, acc_sh.at[pl.ds(s * rpt, rpt)])
    pltpu.sync_copy(ones_hbm, ones_v)
    plsc.subcore_barrier()

    def load_idx(row, slot):
      pltpu.async_copy(dst_hbm.at[row], didx.at[slot], si[slot])

    def wait_idx(slot):
      pltpu.make_async_copy(dst_hbm.at[0], didx.at[slot], si[slot]).wait()

    def scatter(slot):
      pltpu.sync_copy(ones_v, acc_sh.at[didx.at[slot]], add=True)

    load_idx(base, 0)

    def body(gi, carry):
      j0 = base + 2 * gi
      wait_idx(0)
      load_idx(j0 + 1, 1)
      scatter(0)
      wait_idx(1)

      @pl.when(gi < ngrp - 1)
      def _():
        load_idx(j0 + 2, 0)

      scatter(1)
      return carry

    lax.fori_loop(0, ngrp, body, 0)
    plsc.subcore_barrier()
    pltpu.sync_copy(acc_sh.at[pl.ds(s * rpt, rpt)],
                    out_hbm.at[c, pl.ds(s * rpt, rpt)])

  return deg_kernel


def _make_edge_kernel(n, d, npad, k0, k1, rpt):
  assert k0 % NBUF == 0 and k1 % NBUF == 0
  lag = NBUF - 1

  @functools.partial(
      pl.kernel,
      out_type=jax.ShapeDtypeStruct((NC, npad, d), jnp.float32),
      mesh=_mesh(),
      scratch_types=[
          pltpu.VMEM((NBUF, CHUNK), jnp.int32),
          pltpu.VMEM((NBUF, CHUNK), jnp.int32),
          pltpu.VMEM((NBUF, CHUNK, d), jnp.float32),
          pltpu.VMEM_SHARED((npad, d), jnp.float32),
          [pltpu.SemaphoreType.DMA] * NBUF,
          [pltpu.SemaphoreType.DMA] * NBUF,
      ],
  )
  def edge_kernel(y_hbm, src_hbm, dst_hbm, zeros_hbm, out_hbm,
                  sidx, didx, rows, acc_sh, si, sg):
    c = lax.axis_index("c")
    s = lax.axis_index("s")
    base = jnp.where(c == 0, s * k0, NS * k0 + s * k1)
    ngrp = jnp.where(c == 0, k0 // NBUF, k1 // NBUF)

    pltpu.sync_copy(zeros_hbm, acc_sh.at[pl.ds(s * rpt, rpt)])
    plsc.subcore_barrier()

    def load_idx(row, slot):
      pltpu.async_copy(src_hbm.at[row], sidx.at[slot], si[slot])
      pltpu.async_copy(dst_hbm.at[row], didx.at[slot], si[slot])

    def wait_idx(slot):
      pltpu.make_async_copy(src_hbm.at[0], sidx.at[slot], si[slot]).wait()
      pltpu.make_async_copy(dst_hbm.at[0], didx.at[slot], si[slot]).wait()

    def start_gather(slot):
      pltpu.async_copy(y_hbm.at[sidx.at[slot]], rows.at[slot], sg[slot])

    def wait_gather(slot):
      pltpu.make_async_copy(y_hbm.at[sidx.at[slot]], rows.at[slot],
                            sg[slot]).wait()

    def scatter(slot):
      pltpu.sync_copy(rows.at[slot], acc_sh.at[didx.at[slot]], add=True)

    load_idx(base, 0)
    for b in range(lag):
      wait_idx(b)
      start_gather(b)
      load_idx(base + b + 1, b + 1)

    def body(gi, carry):
      j0 = base + NBUF * gi
      for b in range(NBUF):
        k = (b - lag) % NBUF

        def step(prefetch_next):
          wait_idx(b)
          start_gather(b)
          wait_gather(k)
          scatter(k)
          if prefetch_next:
            load_idx(j0 + b + 1, (b + 1) % NBUF)

        if b >= lag:
          step(prefetch_next=False)

          @pl.when(gi < ngrp - 1)
          def _():
            load_idx(j0 + b + 1, (b + 1) % NBUF)
        else:
          @pl.when(gi > 0)
          def _():
            step(prefetch_next=True)
      return carry

    lax.fori_loop(0, ngrp, body, 0)
    for b in range(lag):
      slot = (b - lag) % NBUF
      wait_gather(slot)
      scatter(slot)
    plsc.subcore_barrier()
    pltpu.sync_copy(acc_sh.at[pl.ds(s * rpt, rpt)],
                    out_hbm.at[c, pl.ds(s * rpt, rpt)])

  return edge_kernel


def _dis_col(degp_ref):
  deg = degp_ref[0] + degp_ref[1] + 1.0
  return lax.rsqrt(deg[:, 0:1])


def _mm1_body(x_ref, w_ref, degp_ref, y_ref):
  xw = jnp.dot(x_ref[...], w_ref[...], preferred_element_type=jnp.float32)
  y_ref[...] = xw * _dis_col(degp_ref)


def _mm2_body(accp_ref, y_ref, degp_ref, b_ref, w_ref, y2_ref):
  dis = _dis_col(degp_ref)
  h = (accp_ref[0] + accp_ref[1] + y_ref[...]) * dis + b_ref[...]
  h = jnp.maximum(h, 0.0)
  y2_ref[...] = jnp.dot(h, w_ref[...], preferred_element_type=jnp.float32) * dis


def _mm3_body(accp_ref, y_ref, degp_ref, b_ref, out_ref):
  dis = _dis_col(degp_ref)
  out_ref[...] = (accp_ref[0] + accp_ref[1] + y_ref[...]) * dis + b_ref[...]


def kernel(x, edge_index, W1, b1, W2, b2):
  n, d = x.shape
  e = edge_index.shape[1]
  npad = -(-(n + 1) // (NS * 8)) * (NS * 8)
  rpt = npad // NS
  cpw = -(-e // (NW * CHUNK))
  rnd = NBUF if NBUF % 2 == 0 else 2 * NBUF
  cpw = -(-cpw // rnd) * rnd
  epad = NW * cpw * CHUNK
  nchunks = NW * cpw
  k0 = (2 * cpw * SPLIT0 // 160) // NBUF * NBUF
  k1 = 2 * cpw - k0

  pad_ids = jnp.arange(epad - e, dtype=jnp.int32)
  src_p = jnp.concatenate(
      [edge_index[0], pad_ids % jnp.int32(n)]).reshape(nchunks, CHUNK)
  dst_p = jnp.concatenate(
      [edge_index[1], n + pad_ids % jnp.int32(npad - n)]).reshape(nchunks, CHUNK)
  zeros_deg = jnp.zeros((rpt, DEGW), jnp.float32)
  ones_deg = jnp.ones((CHUNK, DEGW), jnp.float32)
  zeros_acc = jnp.zeros((rpt, d), jnp.float32)

  deg_kernel = _make_deg_kernel(npad, cpw, rpt)
  edge_kernel = _make_edge_kernel(n, d, npad, k0, k1, rpt)

  grid = n // BM
  w_spec = pl.BlockSpec((d, d), lambda i: (0, 0))
  row_spec = pl.BlockSpec((BM, d), lambda i: (i, 0))
  degp_spec = pl.BlockSpec((NC, BM, DEGW), lambda i: (0, i, 0))
  accp_spec = pl.BlockSpec((NC, BM, d), lambda i: (0, i, 0))
  b_spec = pl.BlockSpec((1, d), lambda i: (0, 0))

  mm1 = pl.pallas_call(
      _mm1_body,
      grid=(grid,),
      in_specs=[row_spec, w_spec, degp_spec],
      out_specs=row_spec,
      out_shape=jax.ShapeDtypeStruct((n, d), jnp.float32),
  )
  mm2 = pl.pallas_call(
      _mm2_body,
      grid=(grid,),
      in_specs=[accp_spec, row_spec, degp_spec, b_spec, w_spec],
      out_specs=row_spec,
      out_shape=jax.ShapeDtypeStruct((n, d), jnp.float32),
  )
  mm3 = pl.pallas_call(
      _mm3_body,
      grid=(grid,),
      in_specs=[accp_spec, row_spec, degp_spec, b_spec],
      out_specs=row_spec,
      out_shape=jax.ShapeDtypeStruct((n, d), jnp.float32),
  )

  degp = deg_kernel(dst_p, ones_deg, zeros_deg)
  y1 = mm1(x, W1, degp)
  accp1 = edge_kernel(y1, src_p, dst_p, zeros_acc)
  y2 = mm2(accp1, y1, degp, b1.reshape(1, d), W2)
  accp2 = edge_kernel(y2, src_p, dst_p, zeros_acc)
  return mm3(accp2, y2, degp, b2.reshape(1, d))

# --- scband reference (transcript-rebuilt; emitter-appended) ---
"""Pipeline reference for scband-gnn-49100066128394 (READ-ONLY COPY).

The authoritative reference and input builder live on the scoring server;
editing this copy changes nothing except your own understanding.
"""

import jax, jax.numpy as jnp
import numpy as np


def gcn_conv(x, edge_index, W, b):
    # Faithful translation of torch_geometric GCNConv (add_self_loops=True,
    # symmetric normalization): out = D^{-1/2} (A + I) D^{-1/2} X W + b
    N = x.shape[0]
    loop = jnp.arange(N, dtype=edge_index.dtype)
    src = jnp.concatenate([edge_index[0], loop])
    dst = jnp.concatenate([edge_index[1], loop])
    deg = jnp.zeros((N,), dtype=x.dtype).at[dst].add(jnp.ones_like(dst, dtype=x.dtype))
    deg_inv_sqrt = jnp.where(deg > 0, 1.0 / jnp.sqrt(deg), 0.0)
    norm = deg_inv_sqrt[src] * deg_inv_sqrt[dst]
    xw = x @ W
    msg = xw[src] * norm[:, None]
    out = jnp.zeros((N, W.shape[1]), dtype=x.dtype).at[dst].add(msg)
    return out + b


def setup_inputs(seed: int = 0) -> dict:
    key = jax.random.key(seed)
    k1, k2, k3, k4, k5, k6 = jax.random.split(key, 6)
    N, E = 10000, 320000
    d_in, d_hidden, d_out = 128, 128, 128
    x = jax.random.normal(k1, (N, d_in), dtype=jnp.float32)
    edge_index = jax.random.randint(k2, (2, E), 0, N, dtype=jnp.int32)
    # GCNConv params: lin weight (in, out) with glorot init + zero bias
    s1 = float(np.sqrt(2.0 / (d_in + d_hidden)))
    s2 = float(np.sqrt(2.0 / (d_hidden + d_out)))
    W1 = jax.random.normal(k3, (d_in, d_hidden), dtype=jnp.float32) * s1
    b1 = jnp.zeros((d_hidden,), dtype=jnp.float32)
    W2 = jax.random.normal(k4, (d_hidden, d_out), dtype=jnp.float32) * s2
    b2 = jnp.zeros((d_out,), dtype=jnp.float32)
    return {"x": x, "edge_index": edge_index, "W1": W1, "b1": b1, "W2": W2, "b2": b2}


def reference(x, edge_index, W1, b1, W2, b2):
    h = gcn_conv(x, edge_index, W1, b1)
    h = jax.nn.relu(h)
    out = gcn_conv(h, edge_index, W2, b2)
    return out

if __name__ == "__main__":
    import jax
    _d = setup_inputs()
    print(jax.jit(kernel)(*tuple(_d.values())))

</pallas_src>

<mosaic_0001>
#map = affine_map<(d0, d1) -> (0, 0)>
#map1 = affine_map<(d0, d1) -> (0, 0, 0)>
module attributes {stable_mosaic.version = 14 : i64} {
  func.func @deg_kernel(%arg0: i32, %arg1: i32, %arg2: memref<3456x96xi32, #tpu.memory_space<hbm>>, %arg3: memref<96x128xf32, #tpu.memory_space<hbm>>, %arg4: memref<632x128xf32, #tpu.memory_space<hbm>>, %arg5: memref<2x10112x128xf32, #tpu.memory_space<hbm>>, %arg6: memref<2x96xi32, #tpu.memory_space<vmem>>, %arg7: memref<96x128xf32, #tpu.memory_space<vmem>>, %arg8: memref<10112x128xf32, #tpu.memory_space<vmem_shared>>, %arg9: memref<!tpu.dma_semaphore, #tpu.memory_space<semaphore_mem>>, %arg10: memref<!tpu.dma_semaphore, #tpu.memory_space<semaphore_mem>>) attributes {dimension_semantics = [#tpu.dimension_semantics<core_parallel>, #tpu.dimension_semantics<subcore_parallel>], iteration_bounds = array<i64: 2, 16>, scalar_prefetch = 0 : i64, scratch_operands = 5 : i64, tpu.core_type = #tpu.core_type<sc_vector_subcore>, window_params = [{transform_indices = #map}, {transform_indices = #map}, {transform_indices = #map}, {transform_indices = #map1}]} {
    %mul3A = arith.constant 2 : i32
    %mul3A_0 = arith.muli %arg1, %mul3A : i32
    %add3A = arith.addi %mul3A_0, %arg0 : i32
    %mul3A_1 = arith.constant 108 : i32
    %mul3A_2 = arith.muli %add3A, %mul3A_1 : i32
    %mul3A_3 = arith.constant 632 : i32
    %mul3A_4 = arith.muli %arg1, %mul3A_3 : i32
    "tpu.region"() ({
      %run_scoped3A = tpu.sem_alloc : memref<!tpu.dma_semaphore, #tpu.memory_space<semaphore_mem>>
      %dma_start3A_27 = arith.constant 0 : i32
      %dma_start3A_28 = tpu.memref_slice %arg8[%mul3A_4, %dma_start3A_27] : memref<10112x128xf32, #tpu.memory_space<vmem_shared>> -> memref<632x128xf32, #tpu.memory_space<vmem_shared>>
      tpu.enqueue_dma source(%arg4 : memref<632x128xf32, #tpu.memory_space<hbm>>) target(%dma_start3A_28 : memref<632x128xf32, #tpu.memory_space<vmem_shared>>) target_semaphore(%run_scoped3A : memref<!tpu.dma_semaphore, #tpu.memory_space<semaphore_mem>>)
      %dma_wait3A = arith.constant 0 : i32
      %dma_wait3A_29 = tpu.memref_slice %arg8[%mul3A_4, %dma_wait3A] : memref<10112x128xf32, #tpu.memory_space<vmem_shared>> -> memref<632x128xf32, #tpu.memory_space<vmem_shared>>
      tpu.wait_dma2 semaphore(%run_scoped3A : memref<!tpu.dma_semaphore, #tpu.memory_space<semaphore_mem>>) src(%arg4 : memref<632x128xf32, #tpu.memory_space<hbm>>) dst(%dma_wait3A_29 : memref<632x128xf32, #tpu.memory_space<vmem_shared>>)
      tpu.yield
    }) : () -> ()
    "tpu.region"() ({
      %run_scoped3A = tpu.sem_alloc : memref<!tpu.dma_semaphore, #tpu.memory_space<semaphore_mem>>
      tpu.enqueue_dma source(%arg3 : memref<96x128xf32, #tpu.memory_space<hbm>>) target(%arg7 : memref<96x128xf32, #tpu.memory_space<vmem>>) target_semaphore(%run_scoped3A : memref<!tpu.dma_semaphore, #tpu.memory_space<semaphore_mem>>)
      tpu.wait_dma2 semaphore(%run_scoped3A : memref<!tpu.dma_semaphore, #tpu.memory_space<semaphore_mem>>) src(%arg3 : memref<96x128xf32, #tpu.memory_space<hbm>>) dst(%arg7 : memref<96x128xf32, #tpu.memory_space<vmem>>)
      tpu.yield
    }) : () -> ()
    %barrier3A = arith.constant 0 : index
    tpu.barrier barrier_id(%barrier3A)
    %dma_start3A = arith.constant 0 : i32
    %dma_start3A_5 = arith.constant 0 : i32
    %dma_start3A_6 = tpu.memref_slice %arg6[%dma_start3A, %dma_start3A_5] : memref<2x96xi32, #tpu.memory_space<vmem>> -> memref<1x96xi32, #tpu.memory_space<vmem>>
    %dma_start3A_7 = tpu.memref_squeeze %dma_start3A_6 : memref<1x96xi32, #tpu.memory_space<vmem>> -> memref<96xi32, #tpu.memory_space<vmem>>
    %dma_start3A_8 = arith.constant 0 : i32
    %dma_start3A_9 = tpu.memref_slice %arg2[%mul3A_2, %dma_start3A_8] : memref<3456x96xi32, #tpu.memory_space<hbm>> -> memref<1x96xi32, #tpu.memory_space<hbm>>
    %dma_start3A_10 = tpu.memref_squeeze %dma_start3A_9 : memref<1x96xi32, #tpu.memory_space<hbm>> -> memref<96xi32, #tpu.memory_space<hbm>>
    %dma_start3A_11 = arith.constant 0 : i32
    %dma_start3A_12 = tpu.memref_slice %arg6[%dma_start3A, %dma_start3A_11] : memref<2x96xi32, #tpu.memory_space<vmem>> -> memref<1x96xi32, #tpu.memory_space<vmem>>
    %dma_start3A_13 = tpu.memref_squeeze %dma_start3A_12 : memref<1x96xi32, #tpu.memory_space<vmem>> -> memref<96xi32, #tpu.memory_space<vmem>>
    %dma_start3A_14 = arith.constant 0 : i32
    %dma_start3A_15 = tpu.memref_slice %arg2[%mul3A_2, %dma_start3A_14] : memref<3456x96xi32, #tpu.memory_space<hbm>> -> memref<1x96xi32, #tpu.memory_space<hbm>>
    %dma_start3A_16 = tpu.memref_squeeze %dma_start3A_15 : memref<1x96xi32, #tpu.memory_space<hbm>> -> memref<96xi32, #tpu.memory_space<hbm>>
    tpu.enqueue_dma source(%dma_start3A_16 : memref<96xi32, #tpu.memory_space<hbm>>) target(%dma_start3A_13 : memref<96xi32, #tpu.memory_space<vmem>>) target_semaphore(%arg9 : memref<!tpu.dma_semaphore, #tpu.memory_space<semaphore_mem>>)
    %scan3A = arith.constant 0 : i32
    %scan3A_17 = arith.constant 0 : i32
    %scan3A_18 = arith.constant 54 : i32
    %scan3A_19 = arith.addi %scan3A_17, %scan3A_18 : i32
    %scan3A_20 = arith.constant 1 : i32
    scf.for %scan3A_27 = %scan3A_17 to %scan3A_19 step %scan3A_20  : i32 {
      %mul3A_28 = arith.constant 2 : i32
      %mul3A_29 = arith.muli %mul3A_28, %scan3A_27 : i32
      %add3A_30 = arith.addi %mul3A_2, %mul3A_29 : i32
      %dma_wait3A = arith.constant 0 : i32
      %dma_wait3A_31 = arith.constant 0 : i32
      %dma_wait3A_32 = arith.constant 0 : i32
      %dma_wait3A_33 = tpu.memref_slice %arg6[%dma_wait3A_31, %dma_wait3A_32] : memref<2x96xi32, #tpu.memory_space<vmem>> -> memref<1x96xi32, #tpu.memory_space<vmem>>
      %dma_wait3A_34 = tpu.memref_squeeze %dma_wait3A_33 : memref<1x96xi32, #tpu.memory_space<vmem>> -> memref<96xi32, #tpu.memory_space<vmem>>
      %dma_wait3A_35 = arith.constant 0 : i32
      %dma_wait3A_36 = tpu.memref_slice %arg2[%dma_wait3A, %dma_wait3A_35] : memref<3456x96xi32, #tpu.memory_space<hbm>> -> memref<1x96xi32, #tpu.memory_space<hbm>>
      %dma_wait3A_37 = tpu.memref_squeeze %dma_wait3A_36 : memref<1x96xi32, #tpu.memory_space<hbm>> -> memref<96xi32, #tpu.memory_space<hbm>>
      %dma_wait3A_38 = arith.constant 0 : i32
      %dma_wait3A_39 = tpu.memref_slice %arg6[%dma_wait3A_31, %dma_wait3A_38] : memref<2x96xi32, #tpu.memory_space<vmem>> -> memref<1x96xi32, #tpu.memory_space<vmem>>
      %dma_wait3A_40 = tpu.memref_squeeze %dma_wait3A_39 : memref<1x96xi32, #tpu.memory_space<vmem>> -> memref<96xi32, #tpu.memory_space<vmem>>
      %dma_wait3A_41 = arith.constant 0 : i32
      %dma_wait3A_42 = tpu.memref_slice %arg2[%dma_wait3A, %dma_wait3A_41] : memref<3456x96xi32, #tpu.memory_space<hbm>> -> memref<1x96xi32, #tpu.memory_space<hbm>>
      %dma_wait3A_43 = tpu.memref_squeeze %dma_wait3A_42 : memref<1x96xi32, #tpu.memory_space<hbm>> -> memref<96xi32, #tpu.memory_space<hbm>>
      tpu.wait_dma2 semaphore(%arg9 : memref<!tpu.dma_semaphore, #tpu.memory_space<semaphore_mem>>) src(%dma_wait3A_43 : memref<96xi32, #tpu.memory_space<hbm>>) dst(%dma_wait3A_40 : memref<96xi32, #tpu.memory_space<vmem>>)
      %add3A_44 = arith.constant 1 : i32
      %add3A_45 = arith.addi %add3A_30, %add3A_44 : i32
      %dma_start3A_46 = arith.constant 1 : i32
      %dma_start3A_47 = arith.constant 0 : i32
      %dma_start3A_48 = tpu.memref_slice %arg6[%dma_start3A_46, %dma_start3A_47] : memref<2x96xi32, #tpu.memory_space<vmem>> -> memref<1x96xi32, #tpu.memory_space<vmem>>
      %dma_start3A_49 = tpu.memref_squeeze %dma_start3A_48 : memref<1x96xi32, #tpu.memory_space<vmem>> -> memref<96xi32, #tpu.memory_space<vmem>>
      %dma_start3A_50 = arith.constant 0 : i32
      %dma_start3A_51 = tpu.memref_slice %arg2[%add3A_45, %dma_start3A_50] : memref<3456x96xi32, #tpu.memory_space<hbm>> -> memref<1x96xi32, #tpu.memory_space<hbm>>
      %dma_start3A_52 = tpu.memref_squeeze %dma_start3A_51 : memref<1x96xi32, #tpu.memory_space<hbm>> -> memref<96xi32, #tpu.memory_space<hbm>>
      %dma_start3A_53 = arith.constant 0 : i32
      %dma_start3A_54 = tpu.memref_slice %arg6[%dma_start3A_46, %dma_start3A_53] : memref<2x96xi32, #tpu.memory_space<vmem>> -> memref<1x96xi32, #tpu.memory_space<vmem>>
      %dma_start3A_55 = tpu.memref_squeeze %dma_start3A_54 : memref<1x96xi32, #tpu.memory_space<vmem>> -> memref<96xi32, #tpu.memory_space<vmem>>
      %dma_start3A_56 = arith.constant 0 : i32
      %dma_start3A_57 = tpu.memref_slice %arg2[%add3A_45, %dma_start3A_56] : memref<3456x96xi32, #tpu.memory_space<hbm>> -> memref<1x96xi32, #tpu.memory_space<hbm>>
      %dma_start3A_58 = tpu.memref_squeeze %dma_start3A_57 : memref<1x96xi32, #tpu.memory_space<hbm>> -> memref<96xi32, #tpu.memory_space<hbm>>
      tpu.enqueue_dma source(%dma_start3A_58 : memref<96xi32, #tpu.memory_space<hbm>>) target(%dma_start3A_55 : memref<96xi32, #tpu.memory_space<vmem>>) target_semaphore(%arg10 : memref<!tpu.dma_semaphore, #tpu.memory_space<semaphore_mem>>)
      %run_scoped3A = arith.constant 0 : i32
      "tpu.region"() ({
        %run_scoped3A_76 = tpu.sem_alloc : memref<!tpu.dma_semaphore, #tpu.memory_space<semaphore_mem>>
        %dma_start3A_77 = arith.constant 0 : i32
        %dma_start3A_78 = tpu.memref_slice %arg6[%run_scoped3A, %dma_start3A_77] : memref<2x96xi32, #tpu.memory_space<vmem>> -> memref<1x96xi32, #tpu.memory_space<vmem>>
        %dma_start3A_79 = tpu.memref_squeeze %dma_start3A_78 : memref<1x96xi32, #tpu.memory_space<vmem>> -> memref<96xi32, #tpu.memory_space<vmem>>
        %dma_start3A_80 = arith.constant 0 : i32
        %dma_start3A_81 = arith.constant 0 : i32
        %dma_start3A_82 = tpu.memref_slice %arg8[%dma_start3A_80, %dma_start3A_81] : memref<10112x128xf32, #tpu.memory_space<vmem_shared>> -> memref<10112x128xf32, #tpu.memory_space<vmem_shared>>
        tpu.enqueue_indirect_dma source(%arg7 : memref<96x128xf32, #tpu.memory_space<vmem>>) target(%dma_start3A_82 : memref<10112x128xf32, #tpu.memory_space<vmem_shared>>) offsets(%dma_start3A_79 : memref<96xi32, #tpu.memory_space<vmem>>) semaphore(%run_scoped3A_76 : memref<!tpu.dma_semaphore, #tpu.memory_space<semaphore_mem>>) {add = true}
        %dma_wait3A_83 = arith.constant 0 : i32
        %dma_wait3A_84 = tpu.memref_slice %arg6[%run_scoped3A, %dma_wait3A_83] : memref<2x96xi32, #tpu.memory_space<vmem>> -> memref<1x96xi32, #tpu.memory_space<vmem>>
        %dma_wait3A_85 = tpu.memref_squeeze %dma_wait3A_84 : memref<1x96xi32, #tpu.memory_space<vmem>> -> memref<96xi32, #tpu.memory_space<vmem>>
        %dma_wait3A_86 = arith.constant 0 : i32
        %dma_wait3A_87 = arith.constant 0 : i32
        %dma_wait3A_88 = tpu.memref_slice %arg8[%dma_wait3A_86, %dma_wait3A_87] : memref<10112x128xf32, #tpu.memory_space<vmem_shared>> -> memref<10112x128xf32, #tpu.memory_space<vmem_shared>>
        tpu.wait_indirect_dma semaphore(%run_scoped3A_76 : memref<!tpu.dma_semaphore, #tpu.memory_space<semaphore_mem>>) src(%arg7 : memref<96x128xf32, #tpu.memory_space<vmem>>) dst(%dma_wait3A_88 : memref<10112x128xf32, #tpu.memory_space<vmem_shared>>)
        tpu.yield
      }) : () -> ()
      %dma_wait3A_59 = arith.constant 0 : i32
      %dma_wait3A_60 = arith.constant 1 : i32
      %dma_wait3A_61 = arith.constant 0 : i32
      %dma_wait3A_62 = tpu.memref_slice %arg6[%dma_wait3A_60, %dma_wait3A_61] : memref<2x96xi32, #tpu.memory_space<vmem>> -> memref<1x96xi32, #tpu.memory_space<vmem>>
      %dma_wait3A_63 = tpu.memref_squeeze %dma_wait3A_62 : memref<1x96xi32, #tpu.memory_space<vmem>> -> memref<96xi32, #tpu.memory_space<vmem>>
      %dma_wait3A_64 = arith.constant 0 : i32
      %dma_wait3A_65 = tpu.memref_slice %arg2[%dma_wait3A_59, %dma_wait3A_64] : memref<3456x96xi32, #tpu.memory_space<hbm>> -> memref<1x96xi32, #tpu.memory_space<hbm>>
      %dma_wait3A_66 = tpu.memref_squeeze %dma_wait3A_65 : memref<1x96xi32, #tpu.memory_space<hbm>> -> memref<96xi32, #tpu.memory_space<hbm>>
      %dma_wait3A_67 = arith.constant 0 : i32
      %dma_wait3A_68 = tpu.memref_slice %arg6[%dma_wait3A_60, %dma_wait3A_67] : memref<2x96xi32, #tpu.memory_space<vmem>> -> memref<1x96xi32, #tpu.memory_space<vmem>>
      %dma_wait3A_69 = tpu.memref_squeeze %dma_wait3A_68 : memref<1x96xi32, #tpu.memory_space<vmem>> -> memref<96xi32, #tpu.memory_space<vmem>>
      %dma_wait3A_70 = arith.constant 0 : i32
      %dma_wait3A_71 = tpu.memref_slice %arg2[%dma_wait3A_59, %dma_wait3A_70] : memref<3456x96xi32, #tpu.memory_space<hbm>> -> memref<1x96xi32, #tpu.memory_space<hbm>>
      %dma_wait3A_72 = tpu.memref_squeeze %dma_wait3A_71 : memref<1x96xi32, #tpu.memory_space<hbm>> -> memref<96xi32, #tpu.memory_space<hbm>>
      tpu.wait_dma2 semaphore(%arg10 : memref<!tpu.dma_semaphore, #tpu.memory_space<semaphore_mem>>) src(%dma_wait3A_72 : memref<96xi32, #tpu.memory_space<hbm>>) dst(%dma_wait3A_69 : memref<96xi32, #tpu.memory_space<vmem>>)
      %lt3A = arith.constant 53 : i32
      %lt3A_73 = arith.cmpi slt, %scan3A_27, %lt3A : i32
      %convert_element_type3A = arith.extui %lt3A_73 : i1 to i32
      %cond3A = arith.constant 0 : i32
      %cond3A_74 = arith.cmpi ne, %convert_element_type3A, %cond3A : i32
      scf.if %cond3A_74 {
        %add3A_76 = arith.constant 2 : i32
        %add3A_77 = arith.addi %add3A_30, %add3A_76 : i32
        %dma_start3A_78 = arith.constant 0 : i32
        %dma_start3A_79 = arith.constant 0 : i32
        %dma_start3A_80 = tpu.memref_slice %arg6[%dma_start3A_78, %dma_start3A_79] : memref<2x96xi32, #tpu.memory_space<vmem>> -> memref<1x96xi32, #tpu.memory_space<vmem>>
        %dma_start3A_81 = tpu.memref_squeeze %dma_start3A_80 : memref<1x96xi32, #tpu.memory_space<vmem>> -> memref<96xi32, #tpu.memory_space<vmem>>
        %dma_start3A_82 = arith.constant 0 : i32
        %dma_start3A_83 = tpu.memref_slice %arg2[%add3A_77, %dma_start3A_82] : memref<3456x96xi32, #tpu.memory_space<hbm>> -> memref<1x96xi32, #tpu.memory_space<hbm>>
        %dma_start3A_84 = tpu.memref_squeeze %dma_start3A_83 : memref<1x96xi32, #tpu.memory_space<hbm>> -> memref<96xi32, #tpu.memory_space<hbm>>
        %dma_start3A_85 = arith.constant 0 : i32
        %dma_start3A_86 = tpu.memref_slice %arg6[%dma_start3A_78, %dma_start3A_85] : memref<2x96xi32, #tpu.memory_space<vmem>> -> memref<1x96xi32, #tpu.memory_space<vmem>>
        %dma_start3A_87 = tpu.memref_squeeze %dma_start3A_86 : memref<1x96xi32, #tpu.memory_space<vmem>> -> memref<96xi32, #tpu.memory_space<vmem>>
        %dma_start3A_88 = arith.constant 0 : i32
        %dma_start3A_89 = tpu.memref_slice %arg2[%add3A_77, %dma_start3A_88] : memref<3456x96xi32, #tpu.memory_space<hbm>> -> memref<1x96xi32, #tpu.memory_space<hbm>>
        %dma_start3A_90 = tpu.memref_squeeze %dma_start3A_89 : memref<1x96xi32, #tpu.memory_space<hbm>> -> memref<96xi32, #tpu.memory_space<hbm>>
        tpu.enqueue_dma source(%dma_start3A_90 : memref<96xi32, #tpu.memory_space<hbm>>) target(%dma_start3A_87 : memref<96xi32, #tpu.memory_space<vmem>>) target_semaphore(%arg9 : memref<!tpu.dma_semaphore, #tpu.memory_space<semaphore_mem>>)
      } else {
      }
      %run_scoped3A_75 = arith.constant 1 : i32
      "tpu.region"() ({
        %run_scoped3A_76 = tpu.sem_alloc : memref<!tpu.dma_semaphore, #tpu.memory_space<semaphore_mem>>
        %dma_start3A_77 = arith.constant 0 : i32
        %dma_start3A_78 = tpu.memref_slice %arg6[%run_scoped3A_75, %dma_start3A_77] : memref<2x96xi32, #tpu.memory_space<vmem>> -> memref<1x96xi32, #tpu.memory_space<vmem>>
        %dma_start3A_79 = tpu.memref_squeeze %dma_start3A_78 : memref<1x96xi32, #tpu.memory_space<vmem>> -> memref<96xi32, #tpu.memory_space<vmem>>
        %dma_start3A_80 = arith.constant 0 : i32
        %dma_start3A_81 = arith.constant 0 : i32
        %dma_start3A_82 = tpu.memref_slice %arg8[%dma_start3A_80, %dma_start3A_81] : memref<10112x128xf32, #tpu.memory_space<vmem_shared>> -> memref<10112x128xf32, #tpu.memory_space<vmem_shared>>
        tpu.enqueue_indirect_dma source(%arg7 : memref<96x128xf32, #tpu.memory_space<vmem>>) target(%dma_start3A_82 : memref<10112x128xf32, #tpu.memory_space<vmem_shared>>) offsets(%dma_start3A_79 : memref<96xi32, #tpu.memory_space<vmem>>) semaphore(%run_scoped3A_76 : memref<!tpu.dma_semaphore, #tpu.memory_space<semaphore_mem>>) {add = true}
        %dma_wait3A_83 = arith.constant 0 : i32
        %dma_wait3A_84 = tpu.memref_slice %arg6[%run_scoped3A_75, %dma_wait3A_83] : memref<2x96xi32, #tpu.memory_space<vmem>> -> memref<1x96xi32, #tpu.memory_space<vmem>>
        %dma_wait3A_85 = tpu.memref_squeeze %dma_wait3A_84 : memref<1x96xi32, #tpu.memory_space<vmem>> -> memref<96xi32, #tpu.memory_space<vmem>>
        %dma_wait3A_86 = arith.constant 0 : i32
        %dma_wait3A_87 = arith.constant 0 : i32
        %dma_wait3A_88 = tpu.memref_slice %arg8[%dma_wait3A_86, %dma_wait3A_87] : memref<10112x128xf32, #tpu.memory_space<vmem_shared>> -> memref<10112x128xf32, #tpu.memory_space<vmem_shared>>
        tpu.wait_indirect_dma semaphore(%run_scoped3A_76 : memref<!tpu.dma_semaphore, #tpu.memory_space<semaphore_mem>>) src(%arg7 : memref<96x128xf32, #tpu.memory_space<vmem>>) dst(%dma_wait3A_88 : memref<10112x128xf32, #tpu.memory_space<vmem_shared>>)
        tpu.yield
      }) : () -> ()
    }
    %scan3A_21 = arith.constant 54 : i32
    %barrier3A_22 = arith.constant 0 : index
    tpu.barrier barrier_id(%barrier3A_22)
    %mul3A_23 = arith.constant 632 : i32
    %mul3A_24 = arith.muli %arg1, %mul3A_23 : i32
    %mul3A_25 = arith.constant 632 : i32
    %mul3A_26 = arith.muli %arg1, %mul3A_25 : i32
    "tpu.region"() ({
      %run_scoped3A = tpu.sem_alloc : memref<!tpu.dma_semaphore, #tpu.memory_space<semaphore_mem>>
      %dma_start3A_27 = arith.constant 0 : i32
      %dma_start3A_28 = tpu.memref_slice %arg5[%arg0, %mul3A_26, %dma_start3A_27] : memref<2x10112x128xf32, #tpu.memory_space<hbm>> -> memref<1x632x128xf32, #tpu.memory_space<hbm>>
      %dma_start3A_29 = tpu.memref_squeeze %dma_start3A_28 : memref<1x632x128xf32, #tpu.memory_space<hbm>> -> memref<632x128xf32, #tpu.memory_space<hbm>>
      %dma_start3A_30 = arith.constant 0 : i32
      %dma_start3A_31 = tpu.memref_slice %arg8[%mul3A_24, %dma_start3A_30] : memref<10112x128xf32, #tpu.memory_space<vmem_shared>> -> memref<632x128xf32, #tpu.memory_space<vmem_shared>>
      tpu.enqueue_dma source(%dma_start3A_31 : memref<632x128xf32, #tpu.memory_space<vmem_shared>>) target(%dma_start3A_29 : memref<632x128xf32, #tpu.memory_space<hbm>>) target_semaphore(%run_scoped3A : memref<!tpu.dma_semaphore, #tpu.memory_space<semaphore_mem>>)
      %dma_wait3A = arith.constant 0 : i32
      %dma_wait3A_32 = tpu.memref_slice %arg5[%arg0, %mul3A_26, %dma_wait3A] : memref<2x10112x128xf32, #tpu.memory_space<hbm>> -> memref<1x632x128xf32, #tpu.memory_space<hbm>>
      %dma_wait3A_33 = tpu.memref_squeeze %dma_wait3A_32 : memref<1x632x128xf32, #tpu.memory_space<hbm>> -> memref<632x128xf32, #tpu.memory_space<hbm>>
      %dma_wait3A_34 = arith.constant 0 : i32
      %dma_wait3A_35 = tpu.memref_slice %arg8[%mul3A_24, %dma_wait3A_34] : memref<10112x128xf32, #tpu.memory_space<vmem_shared>> -> memref<632x128xf32, #tpu.memory_space<vmem_shared>>
      tpu.wait_dma2 semaphore(%run_scoped3A : memref<!tpu.dma_semaphore, #tpu.memory_space<semaphore_mem>>) src(%dma_wait3A_35 : memref<632x128xf32, #tpu.memory_space<vmem_shared>>) dst(%dma_wait3A_33 : memref<632x128xf32, #tpu.memory_space<hbm>>)
      tpu.yield
    }) : () -> ()
    return
  }
}

#map = affine_map<(d0, d1) -> (0, 0)>
#map1 = affine_map<(d0, d1) -> (0, 0, 0)>
module attributes {stable_mosaic.version = 14 : i64} {
  func.func @edge_kernel(%arg0: i32, %arg1: i32, %arg2: memref<10000x128xf32, #tpu.memory_space<hbm>>, %arg3: memref<3456x96xi32, #tpu.memory_space<hbm>>, %arg4: memref<3456x96xi32, #tpu.memory_space<hbm>>, %arg5: memref<632x128xf32, #tpu.memory_space<hbm>>, %arg6: memref<2x10112x128xf32, #tpu.memory_space<hbm>>, %arg7: memref<3x96xi32, #tpu.memory_space<vmem>>, %arg8: memref<3x96xi32, #tpu.memory_space<vmem>>, %arg9: memref<3x96x128xf32, #tpu.memory_space<vmem>>, %arg10: memref<10112x128xf32, #tpu.memory_space<vmem_shared>>, %arg11: memref<!tpu.dma_semaphore, #tpu.memory_space<semaphore_mem>>, %arg12: memref<!tpu.dma_semaphore, #tpu.memory_space<semaphore_mem>>, %arg13: memref<!tpu.dma_semaphore, #tpu.memory_space<semaphore_mem>>, %arg14: memref<!tpu.dma_semaphore, #tpu.memory_space<semaphore_mem>>, %arg15: memref<!tpu.dma_semaphore, #tpu.memory_space<semaphore_mem>>, %arg16: memref<!tpu.dma_semaphore, #tpu.memory_space<semaphore_mem>>) attributes {dimension_semantics = [#tpu.dimension_semantics<core_parallel>, #tpu.dimension_semantics<subcore_parallel>], iteration_bounds = array<i64: 2, 16>, scalar_prefetch = 0 : i64, scratch_operands = 10 : i64, tpu.core_type = #tpu.core_type<sc_vector_subcore>, window_params = [{transform_indices = #map}, {transform_indices = #map}, {transform_indices = #map}, {transform_indices = #map}, {transform_indices = #map1}]} {
    %eq3A = arith.constant 0 : i32
    %eq3A_0 = arith.cmpi eq, %arg0, %eq3A : i32
    %mul3A = arith.constant 108 : i32
    %mul3A_1 = arith.muli %arg1, %mul3A : i32
    %mul3A_2 = arith.constant 108 : i32
    %mul3A_3 = arith.muli %arg1, %mul3A_2 : i32
    %add3A = arith.constant 1728 : i32
    %add3A_4 = arith.addi %add3A, %mul3A_3 : i32
    %select_n3A = arith.select %eq3A_0, %mul3A_1, %add3A_4 : i32
    %eq3A_5 = arith.constant 0 : i32
    %eq3A_6 = arith.cmpi eq, %arg0, %eq3A_5 : i32
    %jit3A = arith.constant 36 : i32
    %jit3A_7 = arith.constant 36 : i32
    %select_n3A_8 = arith.select %eq3A_6, %jit3A, %jit3A_7 : i32
    %mul3A_9 = arith.constant 632 : i32
    %mul3A_10 = arith.muli %arg1, %mul3A_9 : i32
    "tpu.region"() ({
      %run_scoped3A_216 = tpu.sem_alloc : memref<!tpu.dma_semaphore, #tpu.memory_space<semaphore_mem>>
      %dma_start3A_217 = arith.constant 0 : i32
      %dma_start3A_218 = tpu.memref_slice %arg10[%mul3A_10, %dma_start3A_217] : memref<10112x128xf32, #tpu.memory_space<vmem_shared>> -> memref<632x128xf32, #tpu.memory_space<vmem_shared>>
      tpu.enqueue_dma source(%arg5 : memref<632x128xf32, #tpu.memory_space<hbm>>) target(%dma_start3A_218 : memref<632x128xf32, #tpu.memory_space<vmem_shared>>) target_semaphore(%run_scoped3A_216 : memref<!tpu.dma_semaphore, #tpu.memory_space<semaphore_mem>>)
      %dma_wait3A_219 = arith.constant 0 : i32
      %dma_wait3A_220 = tpu.memref_slice %arg10[%mul3A_10, %dma_wait3A_219] : memref<10112x128xf32, #tpu.memory_space<vmem_shared>> -> memref<632x128xf32, #tpu.memory_space<vmem_shared>>
      tpu.wait_dma2 semaphore(%run_scoped3A_216 : memref<!tpu.dma_semaphore, #tpu.memory_space<semaphore_mem>>) src(%arg5 : memref<632x128xf32, #tpu.memory_space<hbm>>) dst(%dma_wait3A_220 : memref<632x128xf32, #tpu.memory_space<vmem_shared>>)
      tpu.yield
    }) : () -> ()
    %barrier3A = arith.constant 0 : index
    tpu.barrier barrier_id(%barrier3A)
    %dma_start3A = arith.constant 0 : i32
    %dma_start3A_11 = arith.constant 0 : i32
    %dma_start3A_12 = tpu.memref_slice %arg7[%dma_start3A, %dma_start3A_11] : memref<3x96xi32, #tpu.memory_space<vmem>> -> memref<1x96xi32, #tpu.memory_space<vmem>>
    %dma_start3A_13 = tpu.memref_squeeze %dma_start3A_12 : memref<1x96xi32, #tpu.memory_space<vmem>> -> memref<96xi32, #tpu.memory_space<vmem>>
    %dma_start3A_14 = arith.constant 0 : i32
    %dma_start3A_15 = tpu.memref_slice %arg3[%select_n3A, %dma_start3A_14] : memref<3456x96xi32, #tpu.memory_space<hbm>> -> memref<1x96xi32, #tpu.memory_space<hbm>>
    %dma_start3A_16 = tpu.memref_squeeze %dma_start3A_15 : memref<1x96xi32, #tpu.memory_space<hbm>> -> memref<96xi32, #tpu.memory_space<hbm>>
    %dma_start3A_17 = arith.constant 0 : i32
    %dma_start3A_18 = tpu.memref_slice %arg7[%dma_start3A, %dma_start3A_17] : memref<3x96xi32, #tpu.memory_space<vmem>> -> memref<1x96xi32, #tpu.memory_space<vmem>>
    %dma_start3A_19 = tpu.memref_squeeze %dma_start3A_18 : memref<1x96xi32, #tpu.memory_space<vmem>> -> memref<96xi32, #tpu.memory_space<vmem>>
    %dma_start3A_20 = arith.constant 0 : i32
    %dma_start3A_21 = tpu.memref_slice %arg3[%select_n3A, %dma_start3A_20] : memref<3456x96xi32, #tpu.memory_space<hbm>> -> memref<1x96xi32, #tpu.memory_space<hbm>>
    %dma_start3A_22 = tpu.memref_squeeze %dma_start3A_21 : memref<1x96xi32, #tpu.memory_space<hbm>> -> memref<96xi32, #tpu.memory_space<hbm>>
    tpu.enqueue_dma source(%dma_start3A_22 : memref<96xi32, #tpu.memory_space<hbm>>) target(%dma_start3A_19 : memref<96xi32, #tpu.memory_space<vmem>>) target_semaphore(%arg11 : memref<!tpu.dma_semaphore, #tpu.memory_space<semaphore_mem>>)
    %dma_start3A_23 = arith.constant 0 : i32
    %dma_start3A_24 = arith.constant 0 : i32
    %dma_start3A_25 = tpu.memref_slice %arg8[%dma_start3A_23, %dma_start3A_24] : memref<3x96xi32, #tpu.memory_space<vmem>> -> memref<1x96xi32, #tpu.memory_space<vmem>>
    %dma_start3A_26 = tpu.memref_squeeze %dma_start3A_25 : memref<1x96xi32, #tpu.memory_space<vmem>> -> memref<96xi32, #tpu.memory_space<vmem>>
    %dma_start3A_27 = arith.constant 0 : i32
    %dma_start3A_28 = tpu.memref_slice %arg4[%select_n3A, %dma_start3A_27] : memref<3456x96xi32, #tpu.memory_space<hbm>> -> memref<1x96xi32, #tpu.memory_space<hbm>>
    %dma_start3A_29 = tpu.memref_squeeze %dma_start3A_28 : memref<1x96xi32, #tpu.memory_space<hbm>> -> memref<96xi32, #tpu.memory_space<hbm>>
    %dma_start3A_30 = arith.constant 0 : i32
    %dma_start3A_31 = tpu.memref_slice %arg8[%dma_start3A_23, %dma_start3A_30] : memref<3x96xi32, #tpu.memory_space<vmem>> -> memref<1x96xi32, #tpu.memory_space<vmem>>
    %dma_start3A_32 = tpu.memref_squeeze %dma_start3A_31 : memref<1x96xi32, #tpu.memory_space<vmem>> -> memref<96xi32, #tpu.memory_space<vmem>>
    %dma_start3A_33 = arith.constant 0 : i32
    %dma_start3A_34 = tpu.memref_slice %arg4[%select_n3A, %dma_start3A_33] : memref<3456x96xi32, #tpu.memory_space<hbm>> -> memref<1x96xi32, #tpu.memory_space<hbm>>
    %dma_start3A_35 = tpu.memref_squeeze %dma_start3A_34 : memref<1x96xi32, #tpu.memory_space<hbm>> -> memref<96xi32, #tpu.memory_space<hbm>>
    tpu.enqueue_dma source(%dma_start3A_35 : memref<96xi32, #tpu.memory_space<hbm>>) target(%dma_start3A_32 : memref<96xi32, #tpu.memory_space<vmem>>) target_semaphore(%arg11 : memref<!tpu.dma_semaphore, #tpu.memory_space<semaphore_mem>>)
    %dma_wait3A = arith.constant 0 : i32
    %dma_wait3A_36 = arith.constant 0 : i32
    %dma_wait3A_37 = arith.constant 0 : i32
    %dma_wait3A_38 = tpu.memref_slice %arg7[%dma_wait3A_36, %dma_wait3A_37] : memref<3x96xi32, #tpu.memory_space<vmem>> -> memref<1x96xi32, #tpu.memory_space<vmem>>
    %dma_wait3A_39 = tpu.memref_squeeze %dma_wait3A_38 : memref<1x96xi32, #tpu.memory_space<vmem>> -> memref<96xi32, #tpu.memory_space<vmem>>
    %dma_wait3A_40 = arith.constant 0 : i32
    %dma_wait3A_41 = tpu.memref_slice %arg3[%dma_wait3A, %dma_wait3A_40] : memref<3456x96xi32, #tpu.memory_space<hbm>> -> memref<1x96xi32, #tpu.memory_space<hbm>>
    %dma_wait3A_42 = tpu.memref_squeeze %dma_wait3A_41 : memref<1x96xi32, #tpu.memory_space<hbm>> -> memref<96xi32, #tpu.memory_space<hbm>>
    %dma_wait3A_43 = arith.constant 0 : i32
    %dma_wait3A_44 = tpu.memref_slice %arg7[%dma_wait3A_36, %dma_wait3A_43] : memref<3x96xi32, #tpu.memory_space<vmem>> -> memref<1x96xi32, #tpu.memory_space<vmem>>
    %dma_wait3A_45 = tpu.memref_squeeze %dma_wait3A_44 : memref<1x96xi32, #tpu.memory_space<vmem>> -> memref<96xi32, #tpu.memory_space<vmem>>
    %dma_wait3A_46 = arith.constant 0 : i32
    %dma_wait3A_47 = tpu.memref_slice %arg3[%dma_wait3A, %dma_wait3A_46] : memref<3456x96xi32, #tpu.memory_space<hbm>> -> memref<1x96xi32, #tpu.memory_space<hbm>>
    %dma_wait3A_48 = tpu.memref_squeeze %dma_wait3A_47 : memref<1x96xi32, #tpu.memory_space<hbm>> -> memref<96xi32, #tpu.memory_space<hbm>>
    tpu.wait_dma2 semaphore(%arg11 : memref<!tpu.dma_semaphore, #tpu.memory_space<semaphore_mem>>) src(%dma_wait3A_48 : memref<96xi32, #tpu.memory_space<hbm>>) dst(%dma_wait3A_45 : memref<96xi32, #tpu.memory_space<vmem>>)
    %dma_wait3A_49 = arith.constant 0 : i32
    %dma_wait3A_50 = arith.constant 0 : i32
    %dma_wait3A_51 = arith.constant 0 : i32
    %dma_wait3A_52 = tpu.memref_slice %arg8[%dma_wait3A_50, %dma_wait3A_51] : memref<3x96xi32, #tpu.memory_space<vmem>> -> memref<1x96xi32, #tpu.memory_space<vmem>>
    %dma_wait3A_53 = tpu.memref_squeeze %dma_wait3A_52 : memref<1x96xi32, #tpu.memory_space<vmem>> -> memref<96xi32, #tpu.memory_space<vmem>>
    %dma_wait3A_54 = arith.constant 0 : i32
    %dma_wait3A_55 = tpu.memref_slice %arg4[%dma_wait3A_49, %dma_wait3A_54] : memref<3456x96xi32, #tpu.memory_space<hbm>> -> memref<1x96xi32, #tpu.memory_space<hbm>>
    %dma_wait3A_56 = tpu.memref_squeeze %dma_wait3A_55 : memref<1x96xi32, #tpu.memory_space<hbm>> -> memref<96xi32, #tpu.memory_space<hbm>>
    %dma_wait3A_57 = arith.constant 0 : i32
    %dma_wait3A_58 = tpu.memref_slice %arg8[%dma_wait3A_50, %dma_wait3A_57] : memref<3x96xi32, #tpu.memory_space<vmem>> -> memref<1x96xi32, #tpu.memory_space<vmem>>
    %dma_wait3A_59 = tpu.memref_squeeze %dma_wait3A_58 : memref<1x96xi32, #tpu.memory_space<vmem>> -> memref<96xi32, #tpu.memory_space<vmem>>
    %dma_wait3A_60 = arith.constant 0 : i32
    %dma_wait3A_61 = tpu.memref_slice %arg4[%dma_wait3A_49, %dma_wait3A_60] : memref<3456x96xi32, #tpu.memory_space<hbm>> -> memref<1x96xi32, #tpu.memory_space<hbm>>
    %dma_wait3A_62 = tpu.memref_squeeze %dma_wait3A_61 : memref<1x96xi32, #tpu.memory_space<hbm>> -> memref<96xi32, #tpu.memory_space<hbm>>
    tpu.wait_dma2 semaphore(%arg11 : memref<!tpu.dma_semaphore, #tpu.memory_space<semaphore_mem>>) src(%dma_wait3A_62 : memref<96xi32, #tpu.memory_space<hbm>>) dst(%dma_wait3A_59 : memref<96xi32, #tpu.memory_space<vmem>>)
    %dma_start3A_63 = arith.constant 0 : i32
    %dma_start3A_64 = arith.constant 0 : i32
    %dma_start3A_65 = arith.constant 0 : i32
    %dma_start3A_66 = arith.constant 0 : i32
    %dma_start3A_67 = tpu.memref_slice %arg9[%dma_start3A_64, %dma_start3A_65, %dma_start3A_66] : memref<3x96x128xf32, #tpu.memory_space<vmem>> -> memref<1x96x128xf32, #tpu.memory_space<vmem>>
    %dma_start3A_68 = tpu.memref_squeeze %dma_start3A_67 : memref<1x96x128xf32, #tpu.memory_space<vmem>> -> memref<96x128xf32, #tpu.memory_space<vmem>>
    %dma_start3A_69 = arith.constant 0 : i32
    %dma_start3A_70 = tpu.memref_slice %arg7[%dma_start3A_63, %dma_start3A_69] : memref<3x96xi32, #tpu.memory_space<vmem>> -> memref<1x96xi32, #tpu.memory_space<vmem>>
    %dma_start3A_71 = tpu.memref_squeeze %dma_start3A_70 : memref<1x96xi32, #tpu.memory_space<vmem>> -> memref<96xi32, #tpu.memory_space<vmem>>
    %dma_start3A_72 = arith.constant 0 : i32
    %dma_start3A_73 = arith.constant 0 : i32
    %dma_start3A_74 = tpu.memref_slice %arg2[%dma_start3A_72, %dma_start3A_73] : memref<10000x128xf32, #tpu.memory_space<hbm>> -> memref<10000x128xf32, #tpu.memory_space<hbm>>
    tpu.enqueue_indirect_dma source(%dma_start3A_74 : memref<10000x128xf32, #tpu.memory_space<hbm>>) target(%dma_start3A_68 : memref<96x128xf32, #tpu.memory_space<vmem>>) offsets(%dma_start3A_71 : memref<96xi32, #tpu.memory_space<vmem>>) semaphore(%arg14 : memref<!tpu.dma_semaphore, #tpu.memory_space<semaphore_mem>>)
    %add3A_75 = arith.constant 0 : i32
    %add3A_76 = arith.addi %select_n3A, %add3A_75 : i32
    %add3A_77 = arith.constant 1 : i32
    %add3A_78 = arith.addi %add3A_76, %add3A_77 : i32
    %dma_start3A_79 = arith.constant 1 : i32
    %dma_start3A_80 = arith.constant 0 : i32
    %dma_start3A_81 = tpu.memref_slice %arg7[%dma_start3A_79, %dma_start3A_80] : memref<3x96xi32, #tpu.memory_space<vmem>> -> memref<1x96xi32, #tpu.memory_space<vmem>>
    %dma_start3A_82 = tpu.memref_squeeze %dma_start3A_81 : memref<1x96xi32, #tpu.memory_space<vmem>> -> memref<96xi32, #tpu.memory_space<vmem>>
    %dma_start3A_83 = arith.constant 0 : i32
    %dma_start3A_84 = tpu.memref_slice %arg3[%add3A_78, %dma_start3A_83] : memref<3456x96xi32, #tpu.memory_space<hbm>> -> memref<1x96xi32, #tpu.memory_space<hbm>>
    %dma_start3A_85 = tpu.memref_squeeze %dma_start3A_84 : memref<1x96xi32, #tpu.memory_space<hbm>> -> memref<96xi32, #tpu.memory_space<hbm>>
    %dma_start3A_86 = arith.constant 0 : i32
    %dma_start3A_87 = tpu.memref_slice %arg7[%dma_start3A_79, %dma_start3A_86] : memref<3x96xi32, #tpu.memory_space<vmem>> -> memref<1x96xi32, #tpu.memory_space<vmem>>
    %dma_start3A_88 = tpu.memref_squeeze %dma_start3A_87 : memref<1x96xi32, #tpu.memory_space<vmem>> -> memref<96xi32, #tpu.memory_space<vmem>>
    %dma_start3A_89 = arith.constant 0 : i32
    %dma_start3A_90 = tpu.memref_slice %arg3[%add3A_78, %dma_start3A_89] : memref<3456x96xi32, #tpu.memory_space<hbm>> -> memref<1x96xi32, #tpu.memory_space<hbm>>
    %dma_start3A_91 = tpu.memref_squeeze %dma_start3A_90 : memref<1x96xi32, #tpu.memory_space<hbm>> -> memref<96xi32, #tpu.memory_space<hbm>>
    tpu.enqueue_dma source(%dma_start3A_91 : memref<96xi32, #tpu.memory_space<hbm>>) target(%dma_start3A_88 : memref<96xi32, #tpu.memory_space<vmem>>) target_semaphore(%arg12 : memref<!tpu.dma_semaphore, #tpu.memory_space<semaphore_mem>>)
    %dma_start3A_92 = arith.constant 1 : i32
    %dma_start3A_93 = arith.constant 0 : i32
    %dma_start3A_94 = tpu.memref_slice %arg8[%dma_start3A_92, %dma_start3A_93] : memref<3x96xi32, #tpu.memory_space<vmem>> -> memref<1x96xi32, #tpu.memory_space<vmem>>
    %dma_start3A_95 = tpu.memref_squeeze %dma_start3A_94 : memref<1x96xi32, #tpu.memory_space<vmem>> -> memref<96xi32, #tpu.memory_space<vmem>>
    %dma_start3A_96 = arith.constant 0 : i32
    %dma_start3A_97 = tpu.memref_slice %arg4[%add3A_78, %dma_start3A_96] : memref<3456x96xi32, #tpu.memory_space<hbm>> -> memref<1x96xi32, #tpu.memory_space<hbm>>
    %dma_start3A_98 = tpu.memref_squeeze %dma_start3A_97 : memref<1x96xi32, #tpu.memory_space<hbm>> -> memref<96xi32, #tpu.memory_space<hbm>>
    %dma_start3A_99 = arith.constant 0 : i32
    %dma_start3A_100 = tpu.memref_slice %arg8[%dma_start3A_92, %dma_start3A_99] : memref<3x96xi32, #tpu.memory_space<vmem>> -> memref<1x96xi32, #tpu.memory_space<vmem>>
    %dma_start3A_101 = tpu.memref_squeeze %dma_start3A_100 : memref<1x96xi32, #tpu.memory_space<vmem>> -> memref<96xi32, #tpu.memory_space<vmem>>
    %dma_start3A_102 = arith.constant 0 : i32
    %dma_start3A_103 = tpu.memref_slice %arg4[%add3A_78, %dma_start3A_102] : memref<3456x96xi32, #tpu.memory_space<hbm>> -> memref<1x96xi32, #tpu.memory_space<hbm>>
    %dma_start3A_104 = tpu.memref_squeeze %dma_start3A_103 : memref<1x96xi32, #tpu.memory_space<hbm>> -> memref<96xi32, #tpu.memory_space<hbm>>
    tpu.enqueue_dma source(%dma_start3A_104 : memref<96xi32, #tpu.memory_space<hbm>>) target(%dma_start3A_101 : memref<96xi32, #tpu.memory_space<vmem>>) target_semaphore(%arg12 : memref<!tpu.dma_semaphore, #tpu.memory_space<semaphore_mem>>)
    %dma_wait3A_105 = arith.constant 0 : i32
    %dma_wait3A_106 = arith.constant 1 : i32
    %dma_wait3A_107 = arith.constant 0 : i32
    %dma_wait3A_108 = tpu.memref_slice %arg7[%dma_wait3A_106, %dma_wait3A_107] : memref<3x96xi32, #tpu.memory_space<vmem>> -> memref<1x96xi32, #tpu.memory_space<vmem>>
    %dma_wait3A_109 = tpu.memref_squeeze %dma_wait3A_108 : memref<1x96xi32, #tpu.memory_space<vmem>> -> memref<96xi32, #tpu.memory_space<vmem>>
    %dma_wait3A_110 = arith.constant 0 : i32
    %dma_wait3A_111 = tpu.memref_slice %arg3[%dma_wait3A_105, %dma_wait3A_110] : memref<3456x96xi32, #tpu.memory_space<hbm>> -> memref<1x96xi32, #tpu.memory_space<hbm>>
    %dma_wait3A_112 = tpu.memref_squeeze %dma_wait3A_111 : memref<1x96xi32, #tpu.memory_space<hbm>> -> memref<96xi32, #tpu.memory_space<hbm>>
    %dma_wait3A_113 = arith.constant 0 : i32
    %dma_wait3A_114 = tpu.memref_slice %arg7[%dma_wait3A_106, %dma_wait3A_113] : memref<3x96xi32, #tpu.memory_space<vmem>> -> memref<1x96xi32, #tpu.memory_space<vmem>>
    %dma_wait3A_115 = tpu.memref_squeeze %dma_wait3A_114 : memref<1x96xi32, #tpu.memory_space<vmem>> -> memref<96xi32, #tpu.memory_space<vmem>>
    %dma_wait3A_116 = arith.constant 0 : i32
    %dma_wait3A_117 = tpu.memref_slice %arg3[%dma_wait3A_105, %dma_wait3A_116] : memref<3456x96xi32, #tpu.memory_space<hbm>> -> memref<1x96xi32, #tpu.memory_space<hbm>>
    %dma_wait3A_118 = tpu.memref_squeeze %dma_wait3A_117 : memref<1x96xi32, #tpu.memory_space<hbm>> -> memref<96xi32, #tpu.memory_space<hbm>>
    tpu.wait_dma2 semaphore(%arg12 : memref<!tpu.dma_semaphore, #tpu.memory_space<semaphore_mem>>) src(%dma_wait3A_118 : memref<96xi32, #tpu.memory_space<hbm>>) dst(%dma_wait3A_115 : memref<96xi32, #tpu.memory_space<vmem>>)
    %dma_wait3A_119 = arith.constant 0 : i32
    %dma_wait3A_120 = arith.constant 1 : i32
    %dma_wait3A_121 = arith.constant 0 : i32
    %dma_wait3A_122 = tpu.memref_slice %arg8[%dma_wait3A_120, %dma_wait3A_121] : memref<3x96xi32, #tpu.memory_space<vmem>> -> memref<1x96xi32, #tpu.memory_space<vmem>>
    %dma_wait3A_123 = tpu.memref_squeeze %dma_wait3A_122 : memref<1x96xi32, #tpu.memory_space<vmem>> -> memref<96xi32, #tpu.memory_space<vmem>>
    %dma_wait3A_124 = arith.constant 0 : i32
    %dma_wait3A_125 = tpu.memref_slice %arg4[%dma_wait3A_119, %dma_wait3A_124] : memref<3456x96xi32, #tpu.memory_space<hbm>> -> memref<1x96xi32, #tpu.memory_space<hbm>>
    %dma_wait3A_126 = tpu.memref_squeeze %dma_wait3A_125 : memref<1x96xi32, #tpu.memory_space<hbm>> -> memref<96xi32, #tpu.memory_space<hbm>>
    %dma_wait3A_127 = arith.constant 0 : i32
    %dma_wait3A_128 = tpu.memref_slice %arg8[%dma_wait3A_120, %dma_wait3A_127] : memref<3x96xi32, #tpu.memory_space<vmem>> -> memref<1x96xi32, #tpu.memory_space<vmem>>
    %dma_wait3A_129 = tpu.memref_squeeze %dma_wait3A_128 : memref<1x96xi32, #tpu.memory_space<vmem>> -> memref<96xi32, #tpu.memory_space<vmem>>
    %dma_wait3A_130 = arith.constant 0 : i32
    %dma_wait3A_131 = tpu.memref_slice %arg4[%dma_wait3A_119, %dma_wait3A_130] : memref<3456x96xi32, #tpu.memory_space<hbm>> -> memref<1x96xi32, #tpu.memory_space<hbm>>
    %dma_wait3A_132 = tpu.memref_squeeze %dma_wait3A_131 : memref<1x96xi32, #tpu.memory_space<hbm>> -> memref<96xi32, #tpu.memory_space<hbm>>
    tpu.wait_dma2 semaphore(%arg12 : memref<!tpu.dma_semaphore, #tpu.memory_space<semaphore_mem>>) src(%dma_wait3A_132 : memref<96xi32, #tpu.memory_space<hbm>>) dst(%dma_wait3A_129 : memref<96xi32, #tpu.memory_space<vmem>>)
    %dma_start3A_133 = arith.constant 1 : i32
    %dma_start3A_134 = arith.constant 1 : i32
    %dma_start3A_135 = arith.constant 0 : i32
    %dma_start3A_136 = arith.constant 0 : i32
    %dma_start3A_137 = tpu.memref_slice %arg9[%dma_start3A_134, %dma_start3A_135, %dma_start3A_136] : memref<3x96x128xf32, #tpu.memory_space<vmem>> -> memref<1x96x128xf32, #tpu.memory_space<vmem>>
    %dma_start3A_138 = tpu.memref_squeeze %dma_start3A_137 : memref<1x96x128xf32, #tpu.memory_space<vmem>> -> memref<96x128xf32, #tpu.memory_space<vmem>>
    %dma_start3A_139 = arith.constant 0 : i32
    %dma_start3A_140 = tpu.memref_slice %arg7[%dma_start3A_133, %dma_start3A_139] : memref<3x96xi32, #tpu.memory_space<vmem>> -> memref<1x96xi32, #tpu.memory_space<vmem>>
    %dma_start3A_141 = tpu.memref_squeeze %dma_start3A_140 : memref<1x96xi32, #tpu.memory_space<vmem>> -> memref<96xi32, #tpu.memory_space<vmem>>
    %dma_start3A_142 = arith.constant 0 : i32
    %dma_start3A_143 = arith.constant 0 : i32
    %dma_start3A_144 = tpu.memref_slice %arg2[%dma_start3A_142, %dma_start3A_143] : memref<10000x128xf32, #tpu.memory_space<hbm>> -> memref<10000x128xf32, #tpu.memory_space<hbm>>
    tpu.enqueue_indirect_dma source(%dma_start3A_144 : memref<10000x128xf32, #tpu.memory_space<hbm>>) target(%dma_start3A_138 : memref<96x128xf32, #tpu.memory_space<vmem>>) offsets(%dma_start3A_141 : memref<96xi32, #tpu.memory_space<vmem>>) semaphore(%arg15 : memref<!tpu.dma_semaphore, #tpu.memory_space<semaphore_mem>>)
    %add3A_145 = arith.constant 1 : i32
    %add3A_146 = arith.addi %select_n3A, %add3A_145 : i32
    %add3A_147 = arith.constant 1 : i32
    %add3A_148 = arith.addi %add3A_146, %add3A_147 : i32
    %dma_start3A_149 = arith.constant 2 : i32
    %dma_start3A_150 = arith.constant 0 : i32
    %dma_start3A_151 = tpu.memref_slice %arg7[%dma_start3A_149, %dma_start3A_150] : memref<3x96xi32, #tpu.memory_space<vmem>> -> memref<1x96xi32, #tpu.memory_space<vmem>>
    %dma_start3A_152 = tpu.memref_squeeze %dma_start3A_151 : memref<1x96xi32, #tpu.memory_space<vmem>> -> memref<96xi32, #tpu.memory_space<vmem>>
    %dma_start3A_153 = arith.constant 0 : i32
    %dma_start3A_154 = tpu.memref_slice %arg3[%add3A_148, %dma_start3A_153] : memref<3456x96xi32, #tpu.memory_space<hbm>> -> memref<1x96xi32, #tpu.memory_space<hbm>>
    %dma_start3A_155 = tpu.memref_squeeze %dma_start3A_154 : memref<1x96xi32, #tpu.memory_space<hbm>> -> memref<96xi32, #tpu.memory_space<hbm>>
    %dma_start3A_156 = arith.constant 0 : i32
    %dma_start3A_157 = tpu.memref_slice %arg7[%dma_start3A_149, %dma_start3A_156] : memref<3x96xi32, #tpu.memory_space<vmem>> -> memref<1x96xi32, #tpu.memory_space<vmem>>
    %dma_start3A_158 = tpu.memref_squeeze %dma_start3A_157 : memref<1x96xi32, #tpu.memory_space<vmem>> -> memref<96xi32, #tpu.memory_space<vmem>>
    %dma_start3A_159 = arith.constant 0 : i32
    %dma_start3A_160 = tpu.memref_slice %arg3[%add3A_148, %dma_start3A_159] : memref<3456x96xi32, #tpu.memory_space<hbm>> -> memref<1x96xi32, #tpu.memory_space<hbm>>
    %dma_start3A_161 = tpu.memref_squeeze %dma_start3A_160 : memref<1x96xi32, #tpu.memory_space<hbm>> -> memref<96xi32, #tpu.memory_space<hbm>>
    tpu.enqueue_dma source(%dma_start3A_161 : memref<96xi32, #tpu.memory_space<hbm>>) target(%dma_start3A_158 : memref<96xi32, #tpu.memory_space<vmem>>) target_semaphore(%arg13 : memref<!tpu.dma_semaphore, #tpu.memory_space<semaphore_mem>>)
    %dma_start3A_162 = arith.constant 2 : i32
    %dma_start3A_163 = arith.constant 0 : i32
    %dma_start3A_164 = tpu.memref_slice %arg8[%dma_start3A_162, %dma_start3A_163] : memref<3x96xi32, #tpu.memory_space<vmem>> -> memref<1x96xi32, #tpu.memory_space<vmem>>
    %dma_start3A_165 = tpu.memref_squeeze %dma_start3A_164 : memref<1x96xi32, #tpu.memory_space<vmem>> -> memref<96xi32, #tpu.memory_space<vmem>>
    %dma_start3A_166 = arith.constant 0 : i32
    %dma_start3A_167 = tpu.memref_slice %arg4[%add3A_148, %dma_start3A_166] : memref<3456x96xi32, #tpu.memory_space<hbm>> -> memref<1x96xi32, #tpu.memory_space<hbm>>
    %dma_start3A_168 = tpu.memref_squeeze %dma_start3A_167 : memref<1x96xi32, #tpu.memory_space<hbm>> -> memref<96xi32, #tpu.memory_space<hbm>>
    %dma_start3A_169 = arith.constant 0 : i32
    %dma_start3A_170 = tpu.memref_slice %arg8[%dma_start3A_162, %dma_start3A_169] : memref<3x96xi32, #tpu.memory_space<vmem>> -> memref<1x96xi32, #tpu.memory_space<vmem>>
    %dma_start3A_171 = tpu.memref_squeeze %dma_start3A_170 : memref<1x96xi32, #tpu.memory_space<vmem>> -> memref<96xi32, #tpu.memory_space<vmem>>
    %dma_start3A_172 = arith.constant 0 : i32
    %dma_start3A_173 = tpu.memref_slice %arg4[%add3A_148, %dma_start3A_172] : memref<3456x96xi32, #tpu.memory_space<hbm>> -> memref<1x96xi32, #tpu.memory_space<hbm>>
    %dma_start3A_174 = tpu.memref_squeeze %dma_start3A_173 : memref<1x96xi32, #tpu.memory_space<hbm>> -> memref<96xi32, #tpu.memory_space<hbm>>
    tpu.enqueue_dma source(%dma_start3A_174 : memref<96xi32, #tpu.memory_space<hbm>>) target(%dma_start3A_171 : memref<96xi32, #tpu.memory_space<vmem>>) target_semaphore(%arg13 : memref<!tpu.dma_semaphore, #tpu.memory_space<semaphore_mem>>)
    %while3A = arith.constant 0 : i32
    %while3A_175 = arith.constant 0 : i32
    %while3A_176 = arith.subi %select_n3A_8, %while3A_175 : i32
    %while3A_177 = arith.addi %while3A_175, %while3A_176 : i32
    %while3A_178 = arith.constant 1 : i32
    %while3A_179 = arith.divsi %while3A_176, %while3A_178 : i32
    %while3A_180 = arith.muli %while3A_179, %while3A_178 : i32
    %while3A_181 = arith.addi %while3A_175, %while3A_180 : i32
    %while3A_182 = arith.constant 1 : i32
    scf.for %while3A_216 = %while3A_175 to %while3A_181 step %while3A_182  : i32 {
      %mul3A_217 = arith.constant 3 : i32
      %mul3A_218 = arith.muli %mul3A_217, %while3A_216 : i32
      %add3A_219 = arith.addi %select_n3A, %mul3A_218 : i32
      %gt3A = arith.constant 0 : i32
      %gt3A_220 = arith.cmpi sgt, %while3A_216, %gt3A : i32
      %convert_element_type3A = arith.extui %gt3A_220 : i1 to i32
      %cond3A = arith.constant 0 : i32
      %cond3A_221 = arith.cmpi ne, %convert_element_type3A, %cond3A : i32
      scf.if %cond3A_221 {
        %dma_wait3A_285 = arith.constant 0 : i32
        %dma_wait3A_286 = arith.constant 0 : i32
        %dma_wait3A_287 = arith.constant 0 : i32
        %dma_wait3A_288 = tpu.memref_slice %arg7[%dma_wait3A_286, %dma_wait3A_287] : memref<3x96xi32, #tpu.memory_space<vmem>> -> memref<1x96xi32, #tpu.memory_space<vmem>>
        %dma_wait3A_289 = tpu.memref_squeeze %dma_wait3A_288 : memref<1x96xi32, #tpu.memory_space<vmem>> -> memref<96xi32, #tpu.memory_space<vmem>>
        %dma_wait3A_290 = arith.constant 0 : i32
        %dma_wait3A_291 = tpu.memref_slice %arg3[%dma_wait3A_285, %dma_wait3A_290] : memref<3456x96xi32, #tpu.memory_space<hbm>> -> memref<1x96xi32, #tpu.memory_space<hbm>>
        %dma_wait3A_292 = tpu.memref_squeeze %dma_wait3A_291 : memref<1x96xi32, #tpu.memory_space<hbm>> -> memref<96xi32, #tpu.memory_space<hbm>>
        %dma_wait3A_293 = arith.constant 0 : i32
        %dma_wait3A_294 = tpu.memref_slice %arg7[%dma_wait3A_286, %dma_wait3A_293] : memref<3x96xi32, #tpu.memory_space<vmem>> -> memref<1x96xi32, #tpu.memory_space<vmem>>
        %dma_wait3A_295 = tpu.memref_squeeze %dma_wait3A_294 : memref<1x96xi32, #tpu.memory_space<vmem>> -> memref<96xi32, #tpu.memory_space<vmem>>
        %dma_wait3A_296 = arith.constant 0 : i32
        %dma_wait3A_297 = tpu.memref_slice %arg3[%dma_wait3A_285, %dma_wait3A_296] : memref<3456x96xi32, #tpu.memory_space<hbm>> -> memref<1x96xi32, #tpu.memory_space<hbm>>
        %dma_wait3A_298 = tpu.memref_squeeze %dma_wait3A_297 : memref<1x96xi32, #tpu.memory_space<hbm>> -> memref<96xi32, #tpu.memory_space<hbm>>
        tpu.wait_dma2 semaphore(%arg11 : memref<!tpu.dma_semaphore, #tpu.memory_space<semaphore_mem>>) src(%dma_wait3A_298 : memref<96xi32, #tpu.memory_space<hbm>>) dst(%dma_wait3A_295 : memref<96xi32, #tpu.memory_space<vmem>>)
        %dma_wait3A_299 = arith.constant 0 : i32
        %dma_wait3A_300 = arith.constant 0 : i32
        %dma_wait3A_301 = arith.constant 0 : i32
        %dma_wait3A_302 = tpu.memref_slice %arg8[%dma_wait3A_300, %dma_wait3A_301] : memref<3x96xi32, #tpu.memory_space<vmem>> -> memref<1x96xi32, #tpu.memory_space<vmem>>
        %dma_wait3A_303 = tpu.memref_squeeze %dma_wait3A_302 : memref<1x96xi32, #tpu.memory_space<vmem>> -> memref<96xi32, #tpu.memory_space<vmem>>
        %dma_wait3A_304 = arith.constant 0 : i32
        %dma_wait3A_305 = tpu.memref_slice %arg4[%dma_wait3A_299, %dma_wait3A_304] : memref<3456x96xi32, #tpu.memory_space<hbm>> -> memref<1x96xi32, #tpu.memory_space<hbm>>
        %dma_wait3A_306 = tpu.memref_squeeze %dma_wait3A_305 : memref<1x96xi32, #tpu.memory_space<hbm>> -> memref<96xi32, #tpu.memory_space<hbm>>
        %dma_wait3A_307 = arith.constant 0 : i32
        %dma_wait3A_308 = tpu.memref_slice %arg8[%dma_wait3A_300, %dma_wait3A_307] : memref<3x96xi32, #tpu.memory_space<vmem>> -> memref<1x96xi32, #tpu.memory_space<vmem>>
        %dma_wait3A_309 = tpu.memref_squeeze %dma_wait3A_308 : memref<1x96xi32, #tpu.memory_space<vmem>> -> memref<96xi32, #tpu.memory_space<vmem>>
        %dma_wait3A_310 = arith.constant 0 : i32
        %dma_wait3A_311 = tpu.memref_slice %arg4[%dma_wait3A_299, %dma_wait3A_310] : memref<3456x96xi32, #tpu.memory_space<hbm>> -> memref<1x96xi32, #tpu.memory_space<hbm>>
        %dma_wait3A_312 = tpu.memref_squeeze %dma_wait3A_311 : memref<1x96xi32, #tpu.memory_space<hbm>> -> memref<96xi32, #tpu.memory_space<hbm>>
        tpu.wait_dma2 semaphore(%arg11 : memref<!tpu.dma_semaphore, #tpu.memory_space<semaphore_mem>>) src(%dma_wait3A_312 : memref<96xi32, #tpu.memory_space<hbm>>) dst(%dma_wait3A_309 : memref<96xi32, #tpu.memory_space<vmem>>)
        %dma_start3A_313 = arith.constant 0 : i32
        %dma_start3A_314 = arith.constant 0 : i32
        %dma_start3A_315 = arith.constant 0 : i32
        %dma_start3A_316 = arith.constant 0 : i32
        %dma_start3A_317 = tpu.memref_slice %arg9[%dma_start3A_314, %dma_start3A_315, %dma_start3A_316] : memref<3x96x128xf32, #tpu.memory_space<vmem>> -> memref<1x96x128xf32, #tpu.memory_space<vmem>>
        %dma_start3A_318 = tpu.memref_squeeze %dma_start3A_317 : memref<1x96x128xf32, #tpu.memory_space<vmem>> -> memref<96x128xf32, #tpu.memory_space<vmem>>
        %dma_start3A_319 = arith.constant 0 : i32
        %dma_start3A_320 = tpu.memref_slice %arg7[%dma_start3A_313, %dma_start3A_319] : memref<3x96xi32, #tpu.memory_space<vmem>> -> memref<1x96xi32, #tpu.memory_space<vmem>>
        %dma_start3A_321 = tpu.memref_squeeze %dma_start3A_320 : memref<1x96xi32, #tpu.memory_space<vmem>> -> memref<96xi32, #tpu.memory_space<vmem>>
        %dma_start3A_322 = arith.constant 0 : i32
        %dma_start3A_323 = arith.constant 0 : i32
        %dma_start3A_324 = tpu.memref_slice %arg2[%dma_start3A_322, %dma_start3A_323] : memref<10000x128xf32, #tpu.memory_space<hbm>> -> memref<10000x128xf32, #tpu.memory_space<hbm>>
        tpu.enqueue_indirect_dma source(%dma_start3A_324 : memref<10000x128xf32, #tpu.memory_space<hbm>>) target(%dma_start3A_318 : memref<96x128xf32, #tpu.memory_space<vmem>>) offsets(%dma_start3A_321 : memref<96xi32, #tpu.memory_space<vmem>>) semaphore(%arg14 : memref<!tpu.dma_semaphore, #tpu.memory_space<semaphore_mem>>)
        %dma_wait3A_325 = arith.constant 1 : i32
        %dma_wait3A_326 = arith.constant 1 : i32
        %dma_wait3A_327 = arith.constant 0 : i32
        %dma_wait3A_328 = arith.constant 0 : i32
        %dma_wait3A_329 = tpu.memref_slice %arg9[%dma_wait3A_326, %dma_wait3A_327, %dma_wait3A_328] : memref<3x96x128xf32, #tpu.memory_space<vmem>> -> memref<1x96x128xf32, #tpu.memory_space<vmem>>
        %dma_wait3A_330 = tpu.memref_squeeze %dma_wait3A_329 : memref<1x96x128xf32, #tpu.memory_space<vmem>> -> memref<96x128xf32, #tpu.memory_space<vmem>>
        %dma_wait3A_331 = arith.constant 0 : i32
        %dma_wait3A_332 = tpu.memref_slice %arg7[%dma_wait3A_325, %dma_wait3A_331] : memref<3x96xi32, #tpu.memory_space<vmem>> -> memref<1x96xi32, #tpu.memory_space<vmem>>
        %dma_wait3A_333 = tpu.memref_squeeze %dma_wait3A_332 : memref<1x96xi32, #tpu.memory_space<vmem>> -> memref<96xi32, #tpu.memory_space<vmem>>
        %dma_wait3A_334 = arith.constant 0 : i32
        %dma_wait3A_335 = arith.constant 0 : i32
        %dma_wait3A_336 = tpu.memref_slice %arg2[%dma_wait3A_334, %dma_wait3A_335] : memref<10000x128xf32, #tpu.memory_space<hbm>> -> memref<10000x128xf32, #tpu.memory_space<hbm>>
        tpu.wait_indirect_dma semaphore(%arg15 : memref<!tpu.dma_semaphore, #tpu.memory_space<semaphore_mem>>) src(%dma_wait3A_336 : memref<10000x128xf32, #tpu.memory_space<hbm>>) dst(%dma_wait3A_330 : memref<96x128xf32, #tpu.memory_space<vmem>>)
        %run_scoped3A_337 = arith.constant 1 : i32
        %run_scoped3A_338 = arith.constant 1 : i32
        "tpu.region"() ({
          %run_scoped3A_369 = tpu.sem_alloc : memref<!tpu.dma_semaphore, #tpu.memory_space<semaphore_mem>>
          %dma_start3A_370 = arith.constant 0 : i32
          %dma_start3A_371 = arith.constant 0 : i32
          %dma_start3A_372 = tpu.memref_slice %arg9[%run_scoped3A_337, %dma_start3A_370, %dma_start3A_371] : memref<3x96x128xf32, #tpu.memory_space<vmem>> -> memref<1x96x128xf32, #tpu.memory_space<vmem>>
          %dma_start3A_373 = tpu.memref_squeeze %dma_start3A_372 : memref<1x96x128xf32, #tpu.memory_space<vmem>> -> memref<96x128xf32, #tpu.memory_space<vmem>>
          %dma_start3A_374 = arith.constant 0 : i32
          %dma_start3A_375 = tpu.memref_slice %arg8[%run_scoped3A_338, %dma_start3A_374] : memref<3x96xi32, #tpu.memory_space<vmem>> -> memref<1x96xi32, #tpu.memory_space<vmem>>
          %dma_start3A_376 = tpu.memref_squeeze %dma_start3A_375 : memref<1x96xi32, #tpu.memory_space<vmem>> -> memref<96xi32, #tpu.memory_space<vmem>>
          %dma_start3A_377 = arith.constant 0 : i32
          %dma_start3A_378 = arith.constant 0 : i32
          %dma_start3A_379 = tpu.memref_slice %arg10[%dma_start3A_377, %dma_start3A_378] : memref<10112x128xf32, #tpu.memory_space<vmem_shared>> -> memref<10112x128xf32, #tpu.memory_space<vmem_shared>>
          tpu.enqueue_indirect_dma source(%dma_start3A_373 : memref<96x128xf32, #tpu.memory_space<vmem>>) target(%dma_start3A_379 : memref<10112x128xf32, #tpu.memory_space<vmem_shared>>) offsets(%dma_start3A_376 : memref<96xi32, #tpu.memory_space<vmem>>) semaphore(%run_scoped3A_369 : memref<!tpu.dma_semaphore, #tpu.memory_space<semaphore_mem>>) {add = true}
          %dma_wait3A_380 = arith.constant 0 : i32
          %dma_wait3A_381 = arith.constant 0 : i32
          %dma_wait3A_382 = tpu.memref_slice %arg9[%run_scoped3A_337, %dma_wait3A_380, %dma_wait3A_381] : memref<3x96x128xf32, #tpu.memory_space<vmem>> -> memref<1x96x128xf32, #tpu.memory_space<vmem>>
          %dma_wait3A_383 = tpu.memref_squeeze %dma_wait3A_382 : memref<1x96x128xf32, #tpu.memory_space<vmem>> -> memref<96x128xf32, #tpu.memory_space<vmem>>
          %dma_wait3A_384 = arith.constant 0 : i32
          %dma_wait3A_385 = tpu.memref_slice %arg8[%run_scoped3A_338, %dma_wait3A_384] : memref<3x96xi32, #tpu.memory_space<vmem>> -> memref<1x96xi32, #tpu.memory_space<vmem>>
          %dma_wait3A_386 = tpu.memref_squeeze %dma_wait3A_385 : memref<1x96xi32, #tpu.memory_space<vmem>> -> memref<96xi32, #tpu.memory_space<vmem>>
          %dma_wait3A_387 = arith.constant 0 : i32
          %dma_wait3A_388 = arith.constant 0 : i32
          %dma_wait3A_389 = tpu.memref_slice %arg10[%dma_wait3A_387, %dma_wait3A_388] : memref<10112x128xf32, #tpu.memory_space<vmem_shared>> -> memref<10112x128xf32, #tpu.memory_space<vmem_shared>>
          tpu.wait_indirect_dma semaphore(%run_scoped3A_369 : memref<!tpu.dma_semaphore, #tpu.memory_space<semaphore_mem>>) src(%dma_wait3A_383 : memref<96x128xf32, #tpu.memory_space<vmem>>) dst(%dma_wait3A_389 : memref<10112x128xf32, #tpu.memory_space<vmem_shared>>)
          tpu.yield
        }) : () -> ()
        %add3A_339 = arith.constant 0 : i32
        %add3A_340 = arith.addi %add3A_219, %add3A_339 : i32
        %add3A_341 = arith.constant 1 : i32
        %add3A_342 = arith.addi %add3A_340, %add3A_341 : i32
        %dma_start3A_343 = arith.constant 1 : i32
        %dma_start3A_344 = arith.constant 0 : i32
        %dma_start3A_345 = tpu.memref_slice %arg7[%dma_start3A_343, %dma_start3A_344] : memref<3x96xi32, #tpu.memory_space<vmem>> -> memref<1x96xi32, #tpu.memory_space<vmem>>
        %dma_start3A_346 = tpu.memref_squeeze %dma_start3A_345 : memref<1x96xi32, #tpu.memory_space<vmem>> -> memref<96xi32, #tpu.memory_space<vmem>>
        %dma_start3A_347 = arith.constant 0 : i32
        %dma_start3A_348 = tpu.memref_slice %arg3[%add3A_342, %dma_start3A_347] : memref<3456x96xi32, #tpu.memory_space<hbm>> -> memref<1x96xi32, #tpu.memory_space<hbm>>
        %dma_start3A_349 = tpu.memref_squeeze %dma_start3A_348 : memref<1x96xi32, #tpu.memory_space<hbm>> -> memref<96xi32, #tpu.memory_space<hbm>>
        %dma_start3A_350 = arith.constant 0 : i32
        %dma_start3A_351 = tpu.memref_slice %arg7[%dma_start3A_343, %dma_start3A_350] : memref<3x96xi32, #tpu.memory_space<vmem>> -> memref<1x96xi32, #tpu.memory_space<vmem>>
        %dma_start3A_352 = tpu.memref_squeeze %dma_start3A_351 : memref<1x96xi32, #tpu.memory_space<vmem>> -> memref<96xi32, #tpu.memory_space<vmem>>
        %dma_start3A_353 = arith.constant 0 : i32
        %dma_start3A_354 = tpu.memref_slice %arg3[%add3A_342, %dma_start3A_353] : memref<3456x96xi32, #tpu.memory_space<hbm>> -> memref<1x96xi32, #tpu.memory_space<hbm>>
        %dma_start3A_355 = tpu.memref_squeeze %dma_start3A_354 : memref<1x96xi32, #tpu.memory_space<hbm>> -> memref<96xi32, #tpu.memory_space<hbm>>
        tpu.enqueue_dma source(%dma_start3A_355 : memref<96xi32, #tpu.memory_space<hbm>>) target(%dma_start3A_352 : memref<96xi32, #tpu.memory_space<vmem>>) target_semaphore(%arg12 : memref<!tpu.dma_semaphore, #tpu.memory_space<semaphore_mem>>)
        %dma_start3A_356 = arith.constant 1 : i32
        %dma_start3A_357 = arith.constant 0 : i32
        %dma_start3A_358 = tpu.memref_slice %arg8[%dma_start3A_356, %dma_start3A_357] : memref<3x96xi32, #tpu.memory_space<vmem>> -> memref<1x96xi32, #tpu.memory_space<vmem>>
        %dma_start3A_359 = tpu.memref_squeeze %dma_start3A_358 : memref<1x96xi32, #tpu.memory_space<vmem>> -> memref<96xi32, #tpu.memory_space<vmem>>
        %dma_start3A_360 = arith.constant 0 : i32
        %dma_start3A_361 = tpu.memref_slice %arg4[%add3A_342, %dma_start3A_360] : memref<3456x96xi32, #tpu.memory_space<hbm>> -> memref<1x96xi32, #tpu.memory_space<hbm>>
        %dma_start3A_362 = tpu.memref_squeeze %dma_start3A_361 : memref<1x96xi32, #tpu.memory_space<hbm>> -> memref<96xi32, #tpu.memory_space<hbm>>
        %dma_start3A_363 = arith.constant 0 : i32
        %dma_start3A_364 = tpu.memref_slice %arg8[%dma_start3A_356, %dma_start3A_363] : memref<3x96xi32, #tpu.memory_space<vmem>> -> memref<1x96xi32, #tpu.memory_space<vmem>>
        %dma_start3A_365 = tpu.memref_squeeze %dma_start3A_364 : memref<1x96xi32, #tpu.memory_space<vmem>> -> memref<96xi32, #tpu.memory_space<vmem>>
        %dma_start3A_366 = arith.constant 0 : i32
        %dma_start3A_367 = tpu.memref_slice %arg4[%add3A_342, %dma_start3A_366] : memref<3456x96xi32, #tpu.memory_space<hbm>> -> memref<1x96xi32, #tpu.memory_space<hbm>>
        %dma_start3A_368 = tpu.memref_squeeze %dma_start3A_367 : memref<1x96xi32, #tpu.memory_space<hbm>> -> memref<96xi32, #tpu.memory_space<hbm>>
        tpu.enqueue_dma source(%dma_start3A_368 : memref<96xi32, #tpu.memory_space<hbm>>) target(%dma_start3A_365 : memref<96xi32, #tpu.memory_space<vmem>>) target_semaphore(%arg12 : memref<!tpu.dma_semaphore, #tpu.memory_space<semaphore_mem>>)
      } else {
      }
      %gt3A_222 = arith.constant 0 : i32
      %gt3A_223 = arith.cmpi sgt, %while3A_216, %gt3A_222 : i32
      %convert_element_type3A_224 = arith.extui %gt3A_223 : i1 to i32
      %cond3A_225 = arith.constant 0 : i32
      %cond3A_226 = arith.cmpi ne, %convert_element_type3A_224, %cond3A_225 : i32
      scf.if %cond3A_226 {
        %dma_wait3A_285 = arith.constant 0 : i32
        %dma_wait3A_286 = arith.constant 1 : i32
        %dma_wait3A_287 = arith.constant 0 : i32
        %dma_wait3A_288 = tpu.memref_slice %arg7[%dma_wait3A_286, %dma_wait3A_287] : memref<3x96xi32, #tpu.memory_space<vmem>> -> memref<1x96xi32, #tpu.memory_space<vmem>>
        %dma_wait3A_289 = tpu.memref_squeeze %dma_wait3A_288 : memref<1x96xi32, #tpu.memory_space<vmem>> -> memref<96xi32, #tpu.memory_space<vmem>>
        %dma_wait3A_290 = arith.constant 0 : i32
        %dma_wait3A_291 = tpu.memref_slice %arg3[%dma_wait3A_285, %dma_wait3A_290] : memref<3456x96xi32, #tpu.memory_space<hbm>> -> memref<1x96xi32, #tpu.memory_space<hbm>>
        %dma_wait3A_292 = tpu.memref_squeeze %dma_wait3A_291 : memref<1x96xi32, #tpu.memory_space<hbm>> -> memref<96xi32, #tpu.memory_space<hbm>>
        %dma_wait3A_293 = arith.constant 0 : i32
        %dma_wait3A_294 = tpu.memref_slice %arg7[%dma_wait3A_286, %dma_wait3A_293] : memref<3x96xi32, #tpu.memory_space<vmem>> -> memref<1x96xi32, #tpu.memory_space<vmem>>
        %dma_wait3A_295 = tpu.memref_squeeze %dma_wait3A_294 : memref<1x96xi32, #tpu.memory_space<vmem>> -> memref<96xi32, #tpu.memory_space<vmem>>
        %dma_wait3A_296 = arith.constant 0 : i32
        %dma_wait3A_297 = tpu.memref_slice %arg3[%dma_wait3A_285, %dma_wait3A_296] : memref<3456x96xi32, #tpu.memory_space<hbm>> -> memref<1x96xi32, #tpu.memory_space<hbm>>
        %dma_wait3A_298 = tpu.memref_squeeze %dma_wait3A_297 : memref<1x96xi32, #tpu.memory_space<hbm>> -> memref<96xi32, #tpu.memory_space<hbm>>
        tpu.wait_dma2 semaphore(%arg12 : memref<!tpu.dma_semaphore, #tpu.memory_space<semaphore_mem>>) src(%dma_wait3A_298 : memref<96xi32, #tpu.memory_space<hbm>>) dst(%dma_wait3A_295 : memref<96xi32, #tpu.memory_space<vmem>>)
        %dma_wait3A_299 = arith.constant 0 : i32
        %dma_wait3A_300 = arith.constant 1 : i32
        %dma_wait3A_301 = arith.constant 0 : i32
        %dma_wait3A_302 = tpu.memref_slice %arg8[%dma_wait3A_300, %dma_wait3A_301] : memref<3x96xi32, #tpu.memory_space<vmem>> -> memref<1x96xi32, #tpu.memory_space<vmem>>
        %dma_wait3A_303 = tpu.memref_squeeze %dma_wait3A_302 : memref<1x96xi32, #tpu.memory_space<vmem>> -> memref<96xi32, #tpu.memory_space<vmem>>
        %dma_wait3A_304 = arith.constant 0 : i32
        %dma_wait3A_305 = tpu.memref_slice %arg4[%dma_wait3A_299, %dma_wait3A_304] : memref<3456x96xi32, #tpu.memory_space<hbm>> -> memref<1x96xi32, #tpu.memory_space<hbm>>
        %dma_wait3A_306 = tpu.memref_squeeze %dma_wait3A_305 : memref<1x96xi32, #tpu.memory_space<hbm>> -> memref<96xi32, #tpu.memory_space<hbm>>
        %dma_wait3A_307 = arith.constant 0 : i32
        %dma_wait3A_308 = tpu.memref_slice %arg8[%dma_wait3A_300, %dma_wait3A_307] : memref<3x96xi32, #tpu.memory_space<vmem>> -> memref<1x96xi32, #tpu.memory_space<vmem>>
        %dma_wait3A_309 = tpu.memref_squeeze %dma_wait3A_308 : memref<1x96xi32, #tpu.memory_space<vmem>> -> memref<96xi32, #tpu.memory_space<vmem>>
        %dma_wait3A_310 = arith.constant 0 : i32
        %dma_wait3A_311 = tpu.memref_slice %arg4[%dma_wait3A_299, %dma_wait3A_310] : memref<3456x96xi32, #tpu.memory_space<hbm>> -> memref<1x96xi32, #tpu.memory_space<hbm>>
        %dma_wait3A_312 = tpu.memref_squeeze %dma_wait3A_311 : memref<1x96xi32, #tpu.memory_space<hbm>> -> memref<96xi32, #tpu.memory_space<hbm>>
        tpu.wait_dma2 semaphore(%arg12 : memref<!tpu.dma_semaphore, #tpu.memory_space<semaphore_mem>>) src(%dma_wait3A_312 : memref<96xi32, #tpu.memory_space<hbm>>) dst(%dma_wait3A_309 : memref<96xi32, #tpu.memory_space<vmem>>)
        %dma_start3A_313 = arith.constant 1 : i32
        %dma_start3A_314 = arith.constant 1 : i32
        %dma_start3A_315 = arith.constant 0 : i32
        %dma_start3A_316 = arith.constant 0 : i32
        %dma_start3A_317 = tpu.memref_slice %arg9[%dma_start3A_314, %dma_start3A_315, %dma_start3A_316] : memref<3x96x128xf32, #tpu.memory_space<vmem>> -> memref<1x96x128xf32, #tpu.memory_space<vmem>>
        %dma_start3A_318 = tpu.memref_squeeze %dma_start3A_317 : memref<1x96x128xf32, #tpu.memory_space<vmem>> -> memref<96x128xf32, #tpu.memory_space<vmem>>
        %dma_start3A_319 = arith.constant 0 : i32
        %dma_start3A_320 = tpu.memref_slice %arg7[%dma_start3A_313, %dma_start3A_319] : memref<3x96xi32, #tpu.memory_space<vmem>> -> memref<1x96xi32, #tpu.memory_space<vmem>>
        %dma_start3A_321 = tpu.memref_squeeze %dma_start3A_320 : memref<1x96xi32, #tpu.memory_space<vmem>> -> memref<96xi32, #tpu.memory_space<vmem>>
        %dma_start3A_322 = arith.constant 0 : i32
        %dma_start3A_323 = arith.constant 0 : i32
        %dma_start3A_324 = tpu.memref_slice %arg2[%dma_start3A_322, %dma_start3A_323] : memref<10000x128xf32, #tpu.memory_space<hbm>> -> memref<10000x128xf32, #tpu.memory_space<hbm>>
        tpu.enqueue_indirect_dma source(%dma_start3A_324 : memref<10000x128xf32, #tpu.memory_space<hbm>>) target(%dma_start3A_318 : memref<96x128xf32, #tpu.memory_space<vmem>>) offsets(%dma_start3A_321 : memref<96xi32, #tpu.memory_space<vmem>>) semaphore(%arg15 : memref<!tpu.dma_semaphore, #tpu.memory_space<semaphore_mem>>)
        %dma_wait3A_325 = arith.constant 2 : i32
        %dma_wait3A_326 = arith.constant 2 : i32
        %dma_wait3A_327 = arith.constant 0 : i32
        %dma_wait3A_328 = arith.constant 0 : i32
        %dma_wait3A_329 = tpu.memref_slice %arg9[%dma_wait3A_326, %dma_wait3A_327, %dma_wait3A_328] : memref<3x96x128xf32, #tpu.memory_space<vmem>> -> memref<1x96x128xf32, #tpu.memory_space<vmem>>
        %dma_wait3A_330 = tpu.memref_squeeze %dma_wait3A_329 : memref<1x96x128xf32, #tpu.memory_space<vmem>> -> memref<96x128xf32, #tpu.memory_space<vmem>>
        %dma_wait3A_331 = arith.constant 0 : i32
        %dma_wait3A_332 = tpu.memref_slice %arg7[%dma_wait3A_325, %dma_wait3A_331] : memref<3x96xi32, #tpu.memory_space<vmem>> -> memref<1x96xi32, #tpu.memory_space<vmem>>
        %dma_wait3A_333 = tpu.memref_squeeze %dma_wait3A_332 : memref<1x96xi32, #tpu.memory_space<vmem>> -> memref<96xi32, #tpu.memory_space<vmem>>
        %dma_wait3A_334 = arith.constant 0 : i32
        %dma_wait3A_335 = arith.constant 0 : i32
        %dma_wait3A_336 = tpu.memref_slice %arg2[%dma_wait3A_334, %dma_wait3A_335] : memref<10000x128xf32, #tpu.memory_space<hbm>> -> memref<10000x128xf32, #tpu.memory_space<hbm>>
        tpu.wait_indirect_dma semaphore(%arg16 : memref<!tpu.dma_semaphore, #tpu.memory_space<semaphore_mem>>) src(%dma_wait3A_336 : memref<10000x128xf32, #tpu.memory_space<hbm>>) dst(%dma_wait3A_330 : memref<96x128xf32, #tpu.memory_space<vmem>>)
        %run_scoped3A_337 = arith.constant 2 : i32
        %run_scoped3A_338 = arith.constant 2 : i32
        "tpu.region"() ({
          %run_scoped3A_369 = tpu.sem_alloc : memref<!tpu.dma_semaphore, #tpu.memory_space<semaphore_mem>>
          %dma_start3A_370 = arith.constant 0 : i32
          %dma_start3A_371 = arith.constant 0 : i32
          %dma_start3A_372 = tpu.memref_slice %arg9[%run_scoped3A_337, %dma_start3A_370, %dma_start3A_371] : memref<3x96x128xf32, #tpu.memory_space<vmem>> -> memref<1x96x128xf32, #tpu.memory_space<vmem>>
          %dma_start3A_373 = tpu.memref_squeeze %dma_start3A_372 : memref<1x96x128xf32, #tpu.memory_space<vmem>> -> memref<96x128xf32, #tpu.memory_space<vmem>>
          %dma_start3A_374 = arith.constant 0 : i32
          %dma_start3A_375 = tpu.memref_slice %arg8[%run_scoped3A_338, %dma_start3A_374] : memref<3x96xi32, #tpu.memory_space<vmem>> -> memref<1x96xi32, #tpu.memory_space<vmem>>
          %dma_start3A_376 = tpu.memref_squeeze %dma_start3A_375 : memref<1x96xi32, #tpu.memory_space<vmem>> -> memref<96xi32, #tpu.memory_space<vmem>>
          %dma_start3A_377 = arith.constant 0 : i32
          %dma_start3A_378 = arith.constant 0 : i32
          %dma_start3A_379 = tpu.memref_slice %arg10[%dma_start3A_377, %dma_start3A_378] : memref<10112x128xf32, #tpu.memory_space<vmem_shared>> -> memref<10112x128xf32, #tpu.memory_space<vmem_shared>>
          tpu.enqueue_indirect_dma source(%dma_start3A_373 : memref<96x128xf32, #tpu.memory_space<vmem>>) target(%dma_start3A_379 : memref<10112x128xf32, #tpu.memory_space<vmem_shared>>) offsets(%dma_start3A_376 : memref<96xi32, #tpu.memory_space<vmem>>) semaphore(%run_scoped3A_369 : memref<!tpu.dma_semaphore, #tpu.memory_space<semaphore_mem>>) {add = true}
          %dma_wait3A_380 = arith.constant 0 : i32
          %dma_wait3A_381 = arith.constant 0 : i32
          %dma_wait3A_382 = tpu.memref_slice %arg9[%run_scoped3A_337, %dma_wait3A_380, %dma_wait3A_381] : memref<3x96x128xf32, #tpu.memory_space<vmem>> -> memref<1x96x128xf32, #tpu.memory_space<vmem>>
          %dma_wait3A_383 = tpu.memref_squeeze %dma_wait3A_382 : memref<1x96x128xf32, #tpu.memory_space<vmem>> -> memref<96x128xf32, #tpu.memory_space<vmem>>
          %dma_wait3A_384 = arith.constant 0 : i32
          %dma_wait3A_385 = tpu.memref_slice %arg8[%run_scoped3A_338, %dma_wait3A_384] : memref<3x96xi32, #tpu.memory_space<vmem>> -> memref<1x96xi32, #tpu.memory_space<vmem>>
          %dma_wait3A_386 = tpu.memref_squeeze %dma_wait3A_385 : memref<1x96xi32, #tpu.memory_space<vmem>> -> memref<96xi32, #tpu.memory_space<vmem>>
          %dma_wait3A_387 = arith.constant 0 : i32
          %dma_wait3A_388 = arith.constant 0 : i32
          %dma_wait3A_389 = tpu.memref_slice %arg10[%dma_wait3A_387, %dma_wait3A_388] : memref<10112x128xf32, #tpu.memory_space<vmem_shared>> -> memref<10112x128xf32, #tpu.memory_space<vmem_shared>>
          tpu.wait_indirect_dma semaphore(%run_scoped3A_369 : memref<!tpu.dma_semaphore, #tpu.memory_space<semaphore_mem>>) src(%dma_wait3A_383 : memref<96x128xf32, #tpu.memory_space<vmem>>) dst(%dma_wait3A_389 : memref<10112x128xf32, #tpu.memory_space<vmem_shared>>)
          tpu.yield
        }) : () -> ()
        %add3A_339 = arith.constant 1 : i32
        %add3A_340 = arith.addi %add3A_219, %add3A_339 : i32
        %add3A_341 = arith.constant 1 : i32
        %add3A_342 = arith.addi %add3A_340, %add3A_341 : i32
        %dma_start3A_343 = arith.constant 2 : i32
        %dma_start3A_344 = arith.constant 0 : i32
        %dma_start3A_345 = tpu.memref_slice %arg7[%dma_start3A_343, %dma_start3A_344] : memref<3x96xi32, #tpu.memory_space<vmem>> -> memref<1x96xi32, #tpu.memory_space<vmem>>
        %dma_start3A_346 = tpu.memref_squeeze %dma_start3A_345 : memref<1x96xi32, #tpu.memory_space<vmem>> -> memref<96xi32, #tpu.memory_space<vmem>>
        %dma_start3A_347 = arith.constant 0 : i32
        %dma_start3A_348 = tpu.memref_slice %arg3[%add3A_342, %dma_start3A_347] : memref<3456x96xi32, #tpu.memory_space<hbm>> -> memref<1x96xi32, #tpu.memory_space<hbm>>
        %dma_start3A_349 = tpu.memref_squeeze %dma_start3A_348 : memref<1x96xi32, #tpu.memory_space<hbm>> -> memref<96xi32, #tpu.memory_space<hbm>>
        %dma_start3A_350 = arith.constant 0 : i32
        %dma_start3A_351 = tpu.memref_slice %arg7[%dma_start3A_343, %dma_start3A_350] : memref<3x96xi32, #tpu.memory_space<vmem>> -> memref<1x96xi32, #tpu.memory_space<vmem>>
        %dma_start3A_352 = tpu.memref_squeeze %dma_start3A_351 : memref<1x96xi32, #tpu.memory_space<vmem>> -> memref<96xi32, #tpu.memory_space<vmem>>
        %dma_start3A_353 = arith.constant 0 : i32
        %dma_start3A_354 = tpu.memref_slice %arg3[%add3A_342, %dma_start3A_353] : memref<3456x96xi32, #tpu.memory_space<hbm>> -> memref<1x96xi32, #tpu.memory_space<hbm>>
        %dma_start3A_355 = tpu.memref_squeeze %dma_start3A_354 : memref<1x96xi32, #tpu.memory_space<hbm>> -> memref<96xi32, #tpu.memory_space<hbm>>
        tpu.enqueue_dma source(%dma_start3A_355 : memref<96xi32, #tpu.memory_space<hbm>>) target(%dma_start3A_352 : memref<96xi32, #tpu.memory_space<vmem>>) target_semaphore(%arg13 : memref<!tpu.dma_semaphore, #tpu.memory_space<semaphore_mem>>)
        %dma_start3A_356 = arith.constant 2 : i32
        %dma_start3A_357 = arith.constant 0 : i32
        %dma_start3A_358 = tpu.memref_slice %arg8[%dma_start3A_356, %dma_start3A_357] : memref<3x96xi32, #tpu.memory_space<vmem>> -> memref<1x96xi32, #tpu.memory_space<vmem>>
        %dma_start3A_359 = tpu.memref_squeeze %dma_start3A_358 : memref<1x96xi32, #tpu.memory_space<vmem>> -> memref<96xi32, #tpu.memory_space<vmem>>
        %dma_start3A_360 = arith.constant 0 : i32
        %dma_start3A_361 = tpu.memref_slice %arg4[%add3A_342, %dma_start3A_360] : memref<3456x96xi32, #tpu.memory_space<hbm>> -> memref<1x96xi32, #tpu.memory_space<hbm>>
        %dma_start3A_362 = tpu.memref_squeeze %dma_start3A_361 : memref<1x96xi32, #tpu.memory_space<hbm>> -> memref<96xi32, #tpu.memory_space<hbm>>
        %dma_start3A_363 = arith.constant 0 : i32
        %dma_start3A_364 = tpu.memref_slice %arg8[%dma_start3A_356, %dma_start3A_363] : memref<3x96xi32, #tpu.memory_space<vmem>> -> memref<1x96xi32, #tpu.memory_space<vmem>>
        %dma_start3A_365 = tpu.memref_squeeze %dma_start3A_364 : memref<1x96xi32, #tpu.memory_space<vmem>> -> memref<96xi32, #tpu.memory_space<vmem>>
        %dma_start3A_366 = arith.constant 0 : i32
        %dma_start3A_367 = tpu.memref_slice %arg4[%add3A_342, %dma_start3A_366] : memref<3456x96xi32, #tpu.memory_space<hbm>> -> memref<1x96xi32, #tpu.memory_space<hbm>>
        %dma_start3A_368 = tpu.memref_squeeze %dma_start3A_367 : memref<1x96xi32, #tpu.memory_space<hbm>> -> memref<96xi32, #tpu.memory_space<hbm>>
        tpu.enqueue_dma source(%dma_start3A_368 : memref<96xi32, #tpu.memory_space<hbm>>) target(%dma_start3A_365 : memref<96xi32, #tpu.memory_space<vmem>>) target_semaphore(%arg13 : memref<!tpu.dma_semaphore, #tpu.memory_space<semaphore_mem>>)
      } else {
      }
      %dma_wait3A_227 = arith.constant 0 : i32
      %dma_wait3A_228 = arith.constant 2 : i32
      %dma_wait3A_229 = arith.constant 0 : i32
      %dma_wait3A_230 = tpu.memref_slice %arg7[%dma_wait3A_228, %dma_wait3A_229] : memref<3x96xi32, #tpu.memory_space<vmem>> -> memref<1x96xi32, #tpu.memory_space<vmem>>
      %dma_wait3A_231 = tpu.memref_squeeze %dma_wait3A_230 : memref<1x96xi32, #tpu.memory_space<vmem>> -> memref<96xi32, #tpu.memory_space<vmem>>
      %dma_wait3A_232 = arith.constant 0 : i32
      %dma_wait3A_233 = tpu.memref_slice %arg3[%dma_wait3A_227, %dma_wait3A_232] : memref<3456x96xi32, #tpu.memory_space<hbm>> -> memref<1x96xi32, #tpu.memory_space<hbm>>
      %dma_wait3A_234 = tpu.memref_squeeze %dma_wait3A_233 : memref<1x96xi32, #tpu.memory_space<hbm>> -> memref<96xi32, #tpu.memory_space<hbm>>
      %dma_wait3A_235 = arith.constant 0 : i32
      %dma_wait3A_236 = tpu.memref_slice %arg7[%dma_wait3A_228, %dma_wait3A_235] : memref<3x96xi32, #tpu.memory_space<vmem>> -> memref<1x96xi32, #tpu.memory_space<vmem>>
      %dma_wait3A_237 = tpu.memref_squeeze %dma_wait3A_236 : memref<1x96xi32, #tpu.memory_space<vmem>> -> memref<96xi32, #tpu.memory_space<vmem>>
      %dma_wait3A_238 = arith.constant 0 : i32
      %dma_wait3A_239 = tpu.memref_slice %arg3[%dma_wait3A_227, %dma_wait3A_238] : memref<3456x96xi32, #tpu.memory_space<hbm>> -> memref<1x96xi32, #tpu.memory_space<hbm>>
      %dma_wait3A_240 = tpu.memref_squeeze %dma_wait3A_239 : memref<1x96xi32, #tpu.memory_space<hbm>> -> memref<96xi32, #tpu.memory_space<hbm>>
      tpu.wait_dma2 semaphore(%arg13 : memref<!tpu.dma_semaphore, #tpu.memory_space<semaphore_mem>>) src(%dma_wait3A_240 : memref<96xi32, #tpu.memory_space<hbm>>) dst(%dma_wait3A_237 : memref<96xi32, #tpu.memory_space<vmem>>)
      %dma_wait3A_241 = arith.constant 0 : i32
      %dma_wait3A_242 = arith.constant 2 : i32
      %dma_wait3A_243 = arith.constant 0 : i32
      %dma_wait3A_244 = tpu.memref_slice %arg8[%dma_wait3A_242, %dma_wait3A_243] : memref<3x96xi32, #tpu.memory_space<vmem>> -> memref<1x96xi32, #tpu.memory_space<vmem>>
      %dma_wait3A_245 = tpu.memref_squeeze %dma_wait3A_244 : memref<1x96xi32, #tpu.memory_space<vmem>> -> memref<96xi32, #tpu.memory_space<vmem>>
      %dma_wait3A_246 = arith.constant 0 : i32
      %dma_wait3A_247 = tpu.memref_slice %arg4[%dma_wait3A_241, %dma_wait3A_246] : memref<3456x96xi32, #tpu.memory_space<hbm>> -> memref<1x96xi32, #tpu.memory_space<hbm>>
      %dma_wait3A_248 = tpu.memref_squeeze %dma_wait3A_247 : memref<1x96xi32, #tpu.memory_space<hbm>> -> memref<96xi32, #tpu.memory_space<hbm>>
      %dma_wait3A_249 = arith.constant 0 : i32
      %dma_wait3A_250 = tpu.memref_slice %arg8[%dma_wait3A_242, %dma_wait3A_249] : memref<3x96xi32, #tpu.memory_space<vmem>> -> memref<1x96xi32, #tpu.memory_space<vmem>>
      %dma_wait3A_251 = tpu.memref_squeeze %dma_wait3A_250 : memref<1x96xi32, #tpu.memory_space<vmem>> -> memref<96xi32, #tpu.memory_space<vmem>>
      %dma_wait3A_252 = arith.constant 0 : i32
      %dma_wait3A_253 = tpu.memref_slice %arg4[%dma_wait3A_241, %dma_wait3A_252] : memref<3456x96xi32, #tpu.memory_space<hbm>> -> memref<1x96xi32, #tpu.memory_space<hbm>>
      %dma_wait3A_254 = tpu.memref_squeeze %dma_wait3A_253 : memref<1x96xi32, #tpu.memory_space<hbm>> -> memref<96xi32, #tpu.memory_space<hbm>>
      tpu.wait_dma2 semaphore(%arg13 : memref<!tpu.dma_semaphore, #tpu.memory_space<semaphore_mem>>) src(%dma_wait3A_254 : memref<96xi32, #tpu.memory_space<hbm>>) dst(%dma_wait3A_251 : memref<96xi32, #tpu.memory_space<vmem>>)
      %dma_start3A_255 = arith.constant 2 : i32
      %dma_start3A_256 = arith.constant 2 : i32
      %dma_start3A_257 = arith.constant 0 : i32
      %dma_start3A_258 = arith.constant 0 : i32
      %dma_start3A_259 = tpu.memref_slice %arg9[%dma_start3A_256, %dma_start3A_257, %dma_start3A_258] : memref<3x96x128xf32, #tpu.memory_space<vmem>> -> memref<1x96x128xf32, #tpu.memory_space<vmem>>
      %dma_start3A_260 = tpu.memref_squeeze %dma_start3A_259 : memref<1x96x128xf32, #tpu.memory_space<vmem>> -> memref<96x128xf32, #tpu.memory_space<vmem>>
      %dma_start3A_261 = arith.constant 0 : i32
      %dma_start3A_262 = tpu.memref_slice %arg7[%dma_start3A_255, %dma_start3A_261] : memref<3x96xi32, #tpu.memory_space<vmem>> -> memref<1x96xi32, #tpu.memory_space<vmem>>
      %dma_start3A_263 = tpu.memref_squeeze %dma_start3A_262 : memref<1x96xi32, #tpu.memory_space<vmem>> -> memref<96xi32, #tpu.memory_space<vmem>>
      %dma_start3A_264 = arith.constant 0 : i32
      %dma_start3A_265 = arith.constant 0 : i32
      %dma_start3A_266 = tpu.memref_slice %arg2[%dma_start3A_264, %dma_start3A_265] : memref<10000x128xf32, #tpu.memory_space<hbm>> -> memref<10000x128xf32, #tpu.memory_space<hbm>>
      tpu.enqueue_indirect_dma source(%dma_start3A_266 : memref<10000x128xf32, #tpu.memory_space<hbm>>) target(%dma_start3A_260 : memref<96x128xf32, #tpu.memory_space<vmem>>) offsets(%dma_start3A_263 : memref<96xi32, #tpu.memory_space<vmem>>) semaphore(%arg16 : memref<!tpu.dma_semaphore, #tpu.memory_space<semaphore_mem>>)
      %dma_wait3A_267 = arith.constant 0 : i32
      %dma_wait3A_268 = arith.constant 0 : i32
      %dma_wait3A_269 = arith.constant 0 : i32
      %dma_wait3A_270 = arith.constant 0 : i32
      %dma_wait3A_271 = tpu.memref_slice %arg9[%dma_wait3A_268, %dma_wait3A_269, %dma_wait3A_270] : memref<3x96x128xf32, #tpu.memory_space<vmem>> -> memref<1x96x128xf32, #tpu.memory_space<vmem>>
      %dma_wait3A_272 = tpu.memref_squeeze %dma_wait3A_271 : memref<1x96x128xf32, #tpu.memory_space<vmem>> -> memref<96x128xf32, #tpu.memory_space<vmem>>
      %dma_wait3A_273 = arith.constant 0 : i32
      %dma_wait3A_274 = tpu.memref_slice %arg7[%dma_wait3A_267, %dma_wait3A_273] : memref<3x96xi32, #tpu.memory_space<vmem>> -> memref<1x96xi32, #tpu.memory_space<vmem>>
      %dma_wait3A_275 = tpu.memref_squeeze %dma_wait3A_274 : memref<1x96xi32, #tpu.memory_space<vmem>> -> memref<96xi32, #tpu.memory_space<vmem>>
      %dma_wait3A_276 = arith.constant 0 : i32
      %dma_wait3A_277 = arith.constant 0 : i32
      %dma_wait3A_278 = tpu.memref_slice %arg2[%dma_wait3A_276, %dma_wait3A_277] : memref<10000x128xf32, #tpu.memory_space<hbm>> -> memref<10000x128xf32, #tpu.memory_space<hbm>>
      tpu.wait_indirect_dma semaphore(%arg14 : memref<!tpu.dma_semaphore, #tpu.memory_space<semaphore_mem>>) src(%dma_wait3A_278 : memref<10000x128xf32, #tpu.memory_space<hbm>>) dst(%dma_wait3A_272 : memref<96x128xf32, #tpu.memory_space<vmem>>)
      %run_scoped3A_279 = arith.constant 0 : i32
      %run_scoped3A_280 = arith.constant 0 : i32
      "tpu.region"() ({
        %run_scoped3A_285 = tpu.sem_alloc : memref<!tpu.dma_semaphore, #tpu.memory_space<semaphore_mem>>
        %dma_start3A_286 = arith.constant 0 : i32
        %dma_start3A_287 = arith.constant 0 : i32
        %dma_start3A_288 = tpu.memref_slice %arg9[%run_scoped3A_279, %dma_start3A_286, %dma_start3A_287] : memref<3x96x128xf32, #tpu.memory_space<vmem>> -> memref<1x96x128xf32, #tpu.memory_space<vmem>>
        %dma_start3A_289 = tpu.memref_squeeze %dma_start3A_288 : memref<1x96x128xf32, #tpu.memory_space<vmem>> -> memref<96x128xf32, #tpu.memory_space<vmem>>
        %dma_start3A_290 = arith.constant 0 : i32
        %dma_start3A_291 = tpu.memref_slice %arg8[%run_scoped3A_280, %dma_start3A_290] : memref<3x96xi32, #tpu.memory_space<vmem>> -> memref<1x96xi32, #tpu.memory_space<vmem>>
        %dma_start3A_292 = tpu.memref_squeeze %dma_start3A_291 : memref<1x96xi32, #tpu.memory_space<vmem>> -> memref<96xi32, #tpu.memory_space<vmem>>
        %dma_start3A_293 = arith.constant 0 : i32
        %dma_start3A_294 = arith.constant 0 : i32
        %dma_start3A_295 = tpu.memref_slice %arg10[%dma_start3A_293, %dma_start3A_294] : memref<10112x128xf32, #tpu.memory_space<vmem_shared>> -> memref<10112x128xf32, #tpu.memory_space<vmem_shared>>
        tpu.enqueue_indirect_dma source(%dma_start3A_289 : memref<96x128xf32, #tpu.memory_space<vmem>>) target(%dma_start3A_295 : memref<10112x128xf32, #tpu.memory_space<vmem_shared>>) offsets(%dma_start3A_292 : memref<96xi32, #tpu.memory_space<vmem>>) semaphore(%run_scoped3A_285 : memref<!tpu.dma_semaphore, #tpu.memory_space<semaphore_mem>>) {add = true}
        %dma_wait3A_296 = arith.constant 0 : i32
        %dma_wait3A_297 = arith.constant 0 : i32
        %dma_wait3A_298 = tpu.memref_slice %arg9[%run_scoped3A_279, %dma_wait3A_296, %dma_wait3A_297] : memref<3x96x128xf32, #tpu.memory_space<vmem>> -> memref<1x96x128xf32, #tpu.memory_space<vmem>>
        %dma_wait3A_299 = tpu.memref_squeeze %dma_wait3A_298 : memref<1x96x128xf32, #tpu.memory_space<vmem>> -> memref<96x128xf32, #tpu.memory_space<vmem>>
        %dma_wait3A_300 = arith.constant 0 : i32
        %dma_wait3A_301 = tpu.memref_slice %arg8[%run_scoped3A_280, %dma_wait3A_300] : memref<3x96xi32, #tpu.memory_space<vmem>> -> memref<1x96xi32, #tpu.memory_space<vmem>>
        %dma_wait3A_302 = tpu.memref_squeeze %dma_wait3A_301 : memref<1x96xi32, #tpu.memory_space<vmem>> -> memref<96xi32, #tpu.memory_space<vmem>>
        %dma_wait3A_303 = arith.constant 0 : i32
        %dma_wait3A_304 = arith.constant 0 : i32
        %dma_wait3A_305 = tpu.memref_slice %arg10[%dma_wait3A_303, %dma_wait3A_304] : memref<10112x128xf32, #tpu.memory_space<vmem_shared>> -> memref<10112x128xf32, #tpu.memory_space<vmem_shared>>
        tpu.wait_indirect_dma semaphore(%run_scoped3A_285 : memref<!tpu.dma_semaphore, #tpu.memory_space<semaphore_mem>>) src(%dma_wait3A_299 : memref<96x128xf32, #tpu.memory_space<vmem>>) dst(%dma_wait3A_305 : memref<10112x128xf32, #tpu.memory_space<vmem_shared>>)
        tpu.yield
      }) : () -> ()
      %sub3A = arith.constant 1 : i32
      %sub3A_281 = arith.subi %select_n3A_8, %sub3A : i32
      %lt3A = arith.cmpi slt, %while3A_216, %sub3A_281 : i32
      %convert_element_type3A_282 = arith.extui %lt3A : i1 to i32
      %cond3A_283 = arith.constant 0 : i32
      %cond3A_284 = arith.cmpi ne, %convert_element_type3A_282, %cond3A_283 : i32
      scf.if %cond3A_284 {
        %add3A_285 = arith.constant 2 : i32
        %add3A_286 = arith.addi %add3A_219, %add3A_285 : i32
        %add3A_287 = arith.constant 1 : i32
        %add3A_288 = arith.addi %add3A_286, %add3A_287 : i32
        %dma_start3A_289 = arith.constant 0 : i32
        %dma_start3A_290 = arith.constant 0 : i32
        %dma_start3A_291 = tpu.memref_slice %arg7[%dma_start3A_289, %dma_start3A_290] : memref<3x96xi32, #tpu.memory_space<vmem>> -> memref<1x96xi32, #tpu.memory_space<vmem>>
        %dma_start3A_292 = tpu.memref_squeeze %dma_start3A_291 : memref<1x96xi32, #tpu.memory_space<vmem>> -> memref<96xi32, #tpu.memory_space<vmem>>
        %dma_start3A_293 = arith.constant 0 : i32
        %dma_start3A_294 = tpu.memref_slice %arg3[%add3A_288, %dma_start3A_293] : memref<3456x96xi32, #tpu.memory_space<hbm>> -> memref<1x96xi32, #tpu.memory_space<hbm>>
        %dma_start3A_295 = tpu.memref_squeeze %dma_start3A_294 : memref<1x96xi32, #tpu.memory_space<hbm>> -> memref<96xi32, #tpu.memory_space<hbm>>
        %dma_start3A_296 = arith.constant 0 : i32
        %dma_start3A_297 = tpu.memref_slice %arg7[%dma_start3A_289, %dma_start3A_296] : memref<3x96xi32, #tpu.memory_space<vmem>> -> memref<1x96xi32, #tpu.memory_space<vmem>>
        %dma_start3A_298 = tpu.memref_squeeze %dma_start3A_297 : memref<1x96xi32, #tpu.memory_space<vmem>> -> memref<96xi32, #tpu.memory_space<vmem>>
        %dma_start3A_299 = arith.constant 0 : i32
        %dma_start3A_300 = tpu.memref_slice %arg3[%add3A_288, %dma_start3A_299] : memref<3456x96xi32, #tpu.memory_space<hbm>> -> memref<1x96xi32, #tpu.memory_space<hbm>>
        %dma_start3A_301 = tpu.memref_squeeze %dma_start3A_300 : memref<1x96xi32, #tpu.memory_space<hbm>> -> memref<96xi32, #tpu.memory_space<hbm>>
        tpu.enqueue_dma source(%dma_start3A_301 : memref<96xi32, #tpu.memory_space<hbm>>) target(%dma_start3A_298 : memref<96xi32, #tpu.memory_space<vmem>>) target_semaphore(%arg11 : memref<!tpu.dma_semaphore, #tpu.memory_space<semaphore_mem>>)
        %dma_start3A_302 = arith.constant 0 : i32
        %dma_start3A_303 = arith.constant 0 : i32
        %dma_start3A_304 = tpu.memref_slice %arg8[%dma_start3A_302, %dma_start3A_303] : memref<3x96xi32, #tpu.memory_space<vmem>> -> memref<1x96xi32, #tpu.memory_space<vmem>>
        %dma_start3A_305 = tpu.memref_squeeze %dma_start3A_304 : memref<1x96xi32, #tpu.memory_space<vmem>> -> memref<96xi32, #tpu.memory_space<vmem>>
        %dma_start3A_306 = arith.constant 0 : i32
        %dma_start3A_307 = tpu.memref_slice %arg4[%add3A_288, %dma_start3A_306] : memref<3456x96xi32, #tpu.memory_space<hbm>> -> memref<1x96xi32, #tpu.memory_space<hbm>>
        %dma_start3A_308 = tpu.memref_squeeze %dma_start3A_307 : memref<1x96xi32, #tpu.memory_space<hbm>> -> memref<96xi32, #tpu.memory_space<hbm>>
        %dma_start3A_309 = arith.constant 0 : i32
        %dma_start3A_310 = tpu.memref_slice %arg8[%dma_start3A_302, %dma_start3A_309] : memref<3x96xi32, #tpu.memory_space<vmem>> -> memref<1x96xi32, #tpu.memory_space<vmem>>
        %dma_start3A_311 = tpu.memref_squeeze %dma_start3A_310 : memref<1x96xi32, #tpu.memory_space<vmem>> -> memref<96xi32, #tpu.memory_space<vmem>>
        %dma_start3A_312 = arith.constant 0 : i32
        %dma_start3A_313 = tpu.memref_slice %arg4[%add3A_288, %dma_start3A_312] : memref<3456x96xi32, #tpu.memory_space<hbm>> -> memref<1x96xi32, #tpu.memory_space<hbm>>
        %dma_start3A_314 = tpu.memref_squeeze %dma_start3A_313 : memref<1x96xi32, #tpu.memory_space<hbm>> -> memref<96xi32, #tpu.memory_space<hbm>>
        tpu.enqueue_dma source(%dma_start3A_314 : memref<96xi32, #tpu.memory_space<hbm>>) target(%dma_start3A_311 : memref<96xi32, #tpu.memory_space<vmem>>) target_semaphore(%arg11 : memref<!tpu.dma_semaphore, #tpu.memory_space<semaphore_mem>>)
      } else {
      }
    }
    %while3A_183 = arith.constant 1 : i32
    scf.for %while3A_216 = %while3A_181 to %while3A_177 step %while3A_183  : i32 {
      %mul3A_217 = arith.constant 3 : i32
      %mul3A_218 = arith.muli %mul3A_217, %while3A_216 : i32
      %add3A_219 = arith.addi %select_n3A, %mul3A_218 : i32
      %gt3A = arith.constant 0 : i32
      %gt3A_220 = arith.cmpi sgt, %while3A_216, %gt3A : i32
      %convert_element_type3A = arith.extui %gt3A_220 : i1 to i32
      %cond3A = arith.constant 0 : i32
      %cond3A_221 = arith.cmpi ne, %convert_element_type3A, %cond3A : i32
      scf.if %cond3A_221 {
        %dma_wait3A_285 = arith.constant 0 : i32
        %dma_wait3A_286 = arith.constant 0 : i32
        %dma_wait3A_287 = arith.constant 0 : i32
        %dma_wait3A_288 = tpu.memref_slice %arg7[%dma_wait3A_286, %dma_wait3A_287] : memref<3x96xi32, #tpu.memory_space<vmem>> -> memref<1x96xi32, #tpu.memory_space<vmem>>
        %dma_wait3A_289 = tpu.memref_squeeze %dma_wait3A_288 : memref<1x96xi32, #tpu.memory_space<vmem>> -> memref<96xi32, #tpu.memory_space<vmem>>
        %dma_wait3A_290 = arith.constant 0 : i32
        %dma_wait3A_291 = tpu.memref_slice %arg3[%dma_wait3A_285, %dma_wait3A_290] : memref<3456x96xi32, #tpu.memory_space<hbm>> -> memref<1x96xi32, #tpu.memory_space<hbm>>
        %dma_wait3A_292 = tpu.memref_squeeze %dma_wait3A_291 : memref<1x96xi32, #tpu.memory_space<hbm>> -> memref<96xi32, #tpu.memory_space<hbm>>
        %dma_wait3A_293 = arith.constant 0 : i32
        %dma_wait3A_294 = tpu.memref_slice %arg7[%dma_wait3A_286, %dma_wait3A_293] : memref<3x96xi32, #tpu.memory_space<vmem>> -> memref<1x96xi32, #tpu.memory_space<vmem>>
        %dma_wait3A_295 = tpu.memref_squeeze %dma_wait3A_294 : memref<1x96xi32, #tpu.memory_space<vmem>> -> memref<96xi32, #tpu.memory_space<vmem>>
        %dma_wait3A_296 = arith.constant 0 : i32
        %dma_wait3A_297 = tpu.memref_slice %arg3[%dma_wait3A_285, %dma_wait3A_296] : memref<3456x96xi32, #tpu.memory_space<hbm>> -> memref<1x96xi32, #tpu.memory_space<hbm>>
        %dma_wait3A_298 = tpu.memref_squeeze %dma_wait3A_297 : memref<1x96xi32, #tpu.memory_space<hbm>> -> memref<96xi32, #tpu.memory_space<hbm>>
        tpu.wait_dma2 semaphore(%arg11 : memref<!tpu.dma_semaphore, #tpu.memory_space<semaphore_mem>>) src(%dma_wait3A_298 : memref<96xi32, #tpu.memory_space<hbm>>) dst(%dma_wait3A_295 : memref<96xi32, #tpu.memory_space<vmem>>)
        %dma_wait3A_299 = arith.constant 0 : i32
        %dma_wait3A_300 = arith.constant 0 : i32
        %dma_wait3A_301 = arith.constant 0 : i32
        %dma_wait3A_302 = tpu.memref_slice %arg8[%dma_wait3A_300, %dma_wait3A_301] : memref<3x96xi32, #tpu.memory_space<vmem>> -> memref<1x96xi32, #tpu.memory_space<vmem>>
        %dma_wait3A_303 = tpu.memref_squeeze %dma_wait3A_302 : memref<1x96xi32, #tpu.memory_space<vmem>> -> memref<96xi32, #tpu.memory_space<vmem>>
        %dma_wait3A_304 = arith.constant 0 : i32
        %dma_wait3A_305 = tpu.memref_slice %arg4[%dma_wait3A_299, %dma_wait3A_304] : memref<3456x96xi32, #tpu.memory_space<hbm>> -> memref<1x96xi32, #tpu.memory_space<hbm>>
        %dma_wait3A_306 = tpu.memref_squeeze %dma_wait3A_305 : memref<1x96xi32, #tpu.memory_space<hbm>> -> memref<96xi32, #tpu.memory_space<hbm>>
        %dma_wait3A_307 = arith.constant 0 : i32
        %dma_wait3A_308 = tpu.memref_slice %arg8[%dma_wait3A_300, %dma_wait3A_307] : memref<3x96xi32, #tpu.memory_space<vmem>> -> memref<1x96xi32, #tpu.memory_space<vmem>>
        %dma_wait3A_309 = tpu.memref_squeeze %dma_wait3A_308 : memref<1x96xi32, #tpu.memory_space<vmem>> -> memref<96xi32, #tpu.memory_space<vmem>>
        %dma_wait3A_310 = arith.constant 0 : i32
        %dma_wait3A_311 = tpu.memref_slice %arg4[%dma_wait3A_299, %dma_wait3A_310] : memref<3456x96xi32, #tpu.memory_space<hbm>> -> memref<1x96xi32, #tpu.memory_space<hbm>>
        %dma_wait3A_312 = tpu.memref_squeeze %dma_wait3A_311 : memref<1x96xi32, #tpu.memory_space<hbm>> -> memref<96xi32, #tpu.memory_space<hbm>>
        tpu.wait_dma2 semaphore(%arg11 : memref<!tpu.dma_semaphore, #tpu.memory_space<semaphore_mem>>) src(%dma_wait3A_312 : memref<96xi32, #tpu.memory_space<hbm>>) dst(%dma_wait3A_309 : memref<96xi32, #tpu.memory_space<vmem>>)
        %dma_start3A_313 = arith.constant 0 : i32
        %dma_start3A_314 = arith.constant 0 : i32
        %dma_start3A_315 = arith.constant 0 : i32
        %dma_start3A_316 = arith.constant 0 : i32
        %dma_start3A_317 = tpu.memref_slice %arg9[%dma_start3A_314, %dma_start3A_315, %dma_start3A_316] : memref<3x96x128xf32, #tpu.memory_space<vmem>> -> memref<1x96x128xf32, #tpu.memory_space<vmem>>
        %dma_start3A_318 = tpu.memref_squeeze %dma_start3A_317 : memref<1x96x128xf32, #tpu.memory_space<vmem>> -> memref<96x128xf32, #tpu.memory_space<vmem>>
        %dma_start3A_319 = arith.constant 0 : i32
        %dma_start3A_320 = tpu.memref_slice %arg7[%dma_start3A_313, %dma_start3A_319] : memref<3x96xi32, #tpu.memory_space<vmem>> -> memref<1x96xi32, #tpu.memory_space<vmem>>
        %dma_start3A_321 = tpu.memref_squeeze %dma_start3A_320 : memref<1x96xi32, #tpu.memory_space<vmem>> -> memref<96xi32, #tpu.memory_space<vmem>>
        %dma_start3A_322 = arith.constant 0 : i32
        %dma_start3A_323 = arith.constant 0 : i32
        %dma_start3A_324 = tpu.memref_slice %arg2[%dma_start3A_322, %dma_start3A_323] : memref<10000x128xf32, #tpu.memory_space<hbm>> -> memref<10000x128xf32, #tpu.memory_space<hbm>>
        tpu.enqueue_indirect_dma source(%dma_start3A_324 : memref<10000x128xf32, #tpu.memory_space<hbm>>) target(%dma_start3A_318 : memref<96x128xf32, #tpu.memory_space<vmem>>) offsets(%dma_start3A_321 : memref<96xi32, #tpu.memory_space<vmem>>) semaphore(%arg14 : memref<!tpu.dma_semaphore, #tpu.memory_space<semaphore_mem>>)
        %dma_wait3A_325 = arith.constant 1 : i32
        %dma_wait3A_326 = arith.constant 1 : i32
        %dma_wait3A_327 = arith.constant 0 : i32
        %dma_wait3A_328 = arith.constant 0 : i32
        %dma_wait3A_329 = tpu.memref_slice %arg9[%dma_wait3A_326, %dma_wait3A_327, %dma_wait3A_328] : memref<3x96x128xf32, #tpu.memory_space<vmem>> -> memref<1x96x128xf32, #tpu.memory_space<vmem>>
        %dma_wait3A_330 = tpu.memref_squeeze %dma_wait3A_329 : memref<1x96x128xf32, #tpu.memory_space<vmem>> -> memref<96x128xf32, #tpu.memory_space<vmem>>
        %dma_wait3A_331 = arith.constant 0 : i32
        %dma_wait3A_332 = tpu.memref_slice %arg7[%dma_wait3A_325, %dma_wait3A_331] : memref<3x96xi32, #tpu.memory_space<vmem>> -> memref<1x96xi32, #tpu.memory_space<vmem>>
        %dma_wait3A_333 = tpu.memref_squeeze %dma_wait3A_332 : memref<1x96xi32, #tpu.memory_space<vmem>> -> memref<96xi32, #tpu.memory_space<vmem>>
        %dma_wait3A_334 = arith.constant 0 : i32
        %dma_wait3A_335 = arith.constant 0 : i32
        %dma_wait3A_336 = tpu.memref_slice %arg2[%dma_wait3A_334, %dma_wait3A_335] : memref<10000x128xf32, #tpu.memory_space<hbm>> -> memref<10000x128xf32, #tpu.memory_space<hbm>>
        tpu.wait_indirect_dma semaphore(%arg15 : memref<!tpu.dma_semaphore, #tpu.memory_space<semaphore_mem>>) src(%dma_wait3A_336 : memref<10000x128xf32, #tpu.memory_space<hbm>>) dst(%dma_wait3A_330 : memref<96x128xf32, #tpu.memory_space<vmem>>)
        %run_scoped3A_337 = arith.constant 1 : i32
        %run_scoped3A_338 = arith.constant 1 : i32
        "tpu.region"() ({
          %run_scoped3A_369 = tpu.sem_alloc : memref<!tpu.dma_semaphore, #tpu.memory_space<semaphore_mem>>
          %dma_start3A_370 = arith.constant 0 : i32
          %dma_start3A_371 = arith.constant 0 : i32
          %dma_start3A_372 = tpu.memref_slice %arg9[%run_scoped3A_337, %dma_start3A_370, %dma_start3A_371] : memref<3x96x128xf32, #tpu.memory_space<vmem>> -> memref<1x96x128xf32, #tpu.memory_space<vmem>>
          %dma_start3A_373 = tpu.memref_squeeze %dma_start3A_372 : memref<1x96x128xf32, #tpu.memory_space<vmem>> -> memref<96x128xf32, #tpu.memory_space<vmem>>
          %dma_start3A_374 = arith.constant 0 : i32
          %dma_start3A_375 = tpu.memref_slice %arg8[%run_scoped3A_338, %dma_start3A_374] : memref<3x96xi32, #tpu.memory_space<vmem>> -> memref<1x96xi32, #tpu.memory_space<vmem>>
          %dma_start3A_376 = tpu.memref_squeeze %dma_start3A_375 : memref<1x96xi32, #tpu.memory_space<vmem>> -> memref<96xi32, #tpu.memory_space<vmem>>
          %dma_start3A_377 = arith.constant 0 : i32
          %dma_start3A_378 = arith.constant 0 : i32
          %dma_start3A_379 = tpu.memref_slice %arg10[%dma_start3A_377, %dma_start3A_378] : memref<10112x128xf32, #tpu.memory_space<vmem_shared>> -> memref<10112x128xf32, #tpu.memory_space<vmem_shared>>
          tpu.enqueue_indirect_dma source(%dma_start3A_373 : memref<96x128xf32, #tpu.memory_space<vmem>>) target(%dma_start3A_379 : memref<10112x128xf32, #tpu.memory_space<vmem_shared>>) offsets(%dma_start3A_376 : memref<96xi32, #tpu.memory_space<vmem>>) semaphore(%run_scoped3A_369 : memref<!tpu.dma_semaphore, #tpu.memory_space<semaphore_mem>>) {add = true}
          %dma_wait3A_380 = arith.constant 0 : i32
          %dma_wait3A_381 = arith.constant 0 : i32
          %dma_wait3A_382 = tpu.memref_slice %arg9[%run_scoped3A_337, %dma_wait3A_380, %dma_wait3A_381] : memref<3x96x128xf32, #tpu.memory_space<vmem>> -> memref<1x96x128xf32, #tpu.memory_space<vmem>>
          %dma_wait3A_383 = tpu.memref_squeeze %dma_wait3A_382 : memref<1x96x128xf32, #tpu.memory_space<vmem>> -> memref<96x128xf32, #tpu.memory_space<vmem>>
          %dma_wait3A_384 = arith.constant 0 : i32
          %dma_wait3A_385 = tpu.memref_slice %arg8[%run_scoped3A_338, %dma_wait3A_384] : memref<3x96xi32, #tpu.memory_space<vmem>> -> memref<1x96xi32, #tpu.memory_space<vmem>>
          %dma_wait3A_386 = tpu.memref_squeeze %dma_wait3A_385 : memref<1x96xi32, #tpu.memory_space<vmem>> -> memref<96xi32, #tpu.memory_space<vmem>>
          %dma_wait3A_387 = arith.constant 0 : i32
          %dma_wait3A_388 = arith.constant 0 : i32
          %dma_wait3A_389 = tpu.memref_slice %arg10[%dma_wait3A_387, %dma_wait3A_388] : memref<10112x128xf32, #tpu.memory_space<vmem_shared>> -> memref<10112x128xf32, #tpu.memory_space<vmem_shared>>
          tpu.wait_indirect_dma semaphore(%run_scoped3A_369 : memref<!tpu.dma_semaphore, #tpu.memory_space<semaphore_mem>>) src(%dma_wait3A_383 : memref<96x128xf32, #tpu.memory_space<vmem>>) dst(%dma_wait3A_389 : memref<10112x128xf32, #tpu.memory_space<vmem_shared>>)
          tpu.yield
        }) : () -> ()
        %add3A_339 = arith.constant 0 : i32
        %add3A_340 = arith.addi %add3A_219, %add3A_339 : i32
        %add3A_341 = arith.constant 1 : i32
        %add3A_342 = arith.addi %add3A_340, %add3A_341 : i32
        %dma_start3A_343 = arith.constant 1 : i32
        %dma_start3A_344 = arith.constant 0 : i32
        %dma_start3A_345 = tpu.memref_slice %arg7[%dma_start3A_343, %dma_start3A_344] : memref<3x96xi32, #tpu.memory_space<vmem>> -> memref<1x96xi32, #tpu.memory_space<vmem>>
        %dma_start3A_346 = tpu.memref_squeeze %dma_start3A_345 : memref<1x96xi32, #tpu.memory_space<vmem>> -> memref<96xi32, #tpu.memory_space<vmem>>
        %dma_start3A_347 = arith.constant 0 : i32
        %dma_start3A_348 = tpu.memref_slice %arg3[%add3A_342, %dma_start3A_347] : memref<3456x96xi32, #tpu.memory_space<hbm>> -> memref<1x96xi32, #tpu.memory_space<hbm>>
        %dma_start3A_349 = tpu.memref_squeeze %dma_start3A_348 : memref<1x96xi32, #tpu.memory_space<hbm>> -> memref<96xi32, #tpu.memory_space<hbm>>
        %dma_start3A_350 = arith.constant 0 : i32
        %dma_start3A_351 = tpu.memref_slice %arg7[%dma_start3A_343, %dma_start3A_350] : memref<3x96xi32, #tpu.memory_space<vmem>> -> memref<1x96xi32, #tpu.memory_space<vmem>>
        %dma_start3A_352 = tpu.memref_squeeze %dma_start3A_351 : memref<1x96xi32, #tpu.memory_space<vmem>> -> memref<96xi32, #tpu.memory_space<vmem>>
        %dma_start3A_353 = arith.constant 0 : i32
        %dma_start3A_354 = tpu.memref_slice %arg3[%add3A_342, %dma_start3A_353] : memref<3456x96xi32, #tpu.memory_space<hbm>> -> memref<1x96xi32, #tpu.memory_space<hbm>>
        %dma_start3A_355 = tpu.memref_squeeze %dma_start3A_354 : memref<1x96xi32, #tpu.memory_space<hbm>> -> memref<96xi32, #tpu.memory_space<hbm>>
        tpu.enqueue_dma source(%dma_start3A_355 : memref<96xi32, #tpu.memory_space<hbm>>) target(%dma_start3A_352 : memref<96xi32, #tpu.memory_space<vmem>>) target_semaphore(%arg12 : memref<!tpu.dma_semaphore, #tpu.memory_space<semaphore_mem>>)
        %dma_start3A_356 = arith.constant 1 : i32
        %dma_start3A_357 = arith.constant 0 : i32
        %dma_start3A_358 = tpu.memref_slice %arg8[%dma_start3A_356, %dma_start3A_357] : memref<3x96xi32, #tpu.memory_space<vmem>> -> memref<1x96xi32, #tpu.memory_space<vmem>>
        %dma_start3A_359 = tpu.memref_squeeze %dma_start3A_358 : memref<1x96xi32, #tpu.memory_space<vmem>> -> memref<96xi32, #tpu.memory_space<vmem>>
        %dma_start3A_360 = arith.constant 0 : i32
        %dma_start3A_361 = tpu.memref_slice %arg4[%add3A_342, %dma_start3A_360] : memref<3456x96xi32, #tpu.memory_space<hbm>> -> memref<1x96xi32, #tpu.memory_space<hbm>>
        %dma_start3A_362 = tpu.memref_squeeze %dma_start3A_361 : memref<1x96xi32, #tpu.memory_space<hbm>> -> memref<96xi32, #tpu.memory_space<hbm>>
        %dma_start3A_363 = arith.constant 0 : i32
        %dma_start3A_364 = tpu.memref_slice %arg8[%dma_start3A_356, %dma_start3A_363] : memref<3x96xi32, #tpu.memory_space<vmem>> -> memref<1x96xi32, #tpu.memory_space<vmem>>
        %dma_start3A_365 = tpu.memref_squeeze %dma_start3A_364 : memref<1x96xi32, #tpu.memory_space<vmem>> -> memref<96xi32, #tpu.memory_space<vmem>>
        %dma_start3A_366 = arith.constant 0 : i32
        %dma_start3A_367 = tpu.memref_slice %arg4[%add3A_342, %dma_start3A_366] : memref<3456x96xi32, #tpu.memory_space<hbm>> -> memref<1x96xi32, #tpu.memory_space<hbm>>
        %dma_start3A_368 = tpu.memref_squeeze %dma_start3A_367 : memref<1x96xi32, #tpu.memory_space<hbm>> -> memref<96xi32, #tpu.memory_space<hbm>>
        tpu.enqueue_dma source(%dma_start3A_368 : memref<96xi32, #tpu.memory_space<hbm>>) target(%dma_start3A_365 : memref<96xi32, #tpu.memory_space<vmem>>) target_semaphore(%arg12 : memref<!tpu.dma_semaphore, #tpu.memory_space<semaphore_mem>>)
      } else {
      }
      %gt3A_222 = arith.constant 0 : i32
      %gt3A_223 = arith.cmpi sgt, %while3A_216, %gt3A_222 : i32
      %convert_element_type3A_224 = arith.extui %gt3A_223 : i1 to i32
      %cond3A_225 = arith.constant 0 : i32
      %cond3A_226 = arith.cmpi ne, %convert_element_type3A_224, %cond3A_225 : i32
      scf.if %cond3A_226 {
        %dma_wait3A_285 = arith.constant 0 : i32
        %dma_wait3A_286 = arith.constant 1 : i32
        %dma_wait3A_287 = arith.constant 0 : i32
        %dma_wait3A_288 = tpu.memref_slice %arg7[%dma_wait3A_286, %dma_wait3A_287] : memref<3x96xi32, #tpu.memory_space<vmem>> -> memref<1x96xi32, #tpu.memory_space<vmem>>
        %dma_wait3A_289 = tpu.memref_squeeze %dma_wait3A_288 : memref<1x96xi32, #tpu.memory_space<vmem>> -> memref<96xi32, #tpu.memory_space<vmem>>
        %dma_wait3A_290 = arith.constant 0 : i32
        %dma_wait3A_291 = tpu.memref_slice %arg3[%dma_wait3A_285, %dma_wait3A_290] : memref<3456x96xi32, #tpu.memory_space<hbm>> -> memref<1x96xi32, #tpu.memory_space<hbm>>
        %dma_wait3A_292 = tpu.memref_squeeze %dma_wait3A_291 : memref<1x96xi32, #tpu.memory_space<hbm>> -> memref<96xi32, #tpu.memory_space<hbm>>
        %dma_wait3A_293 = arith.constant 0 : i32
        %dma_wait3A_294 = tpu.memref_slice %arg7[%dma_wait3A_286, %dma_wait3A_293] : memref<3x96xi32, #tpu.memory_space<vmem>> -> memref<1x96xi32, #tpu.memory_space<vmem>>
        %dma_wait3A_295 = tpu.memref_squeeze %dma_wait3A_294 : memref<1x96xi32, #tpu.memory_space<vmem>> -> memref<96xi32, #tpu.memory_space<vmem>>
        %dma_wait3A_296 = arith.constant 0 : i32
        %dma_wait3A_297 = tpu.memref_slice %arg3[%dma_wait3A_285, %dma_wait3A_296] : memref<3456x96xi32, #tpu.memory_space<hbm>> -> memref<1x96xi32, #tpu.memory_space<hbm>>
        %dma_wait3A_298 = tpu.memref_squeeze %dma_wait3A_297 : memref<1x96xi32, #tpu.memory_space<hbm>> -> memref<96xi32, #tpu.memory_space<hbm>>
        tpu.wait_dma2 semaphore(%arg12 : memref<!tpu.dma_semaphore, #tpu.memory_space<semaphore_mem>>) src(%dma_wait3A_298 : memref<96xi32, #tpu.memory_space<hbm>>) dst(%dma_wait3A_295 : memref<96xi32, #tpu.memory_space<vmem>>)
        %dma_wait3A_299 = arith.constant 0 : i32
        %dma_wait3A_300 = arith.constant 1 : i32
        %dma_wait3A_301 = arith.constant 0 : i32
        %dma_wait3A_302 = tpu.memref_slice %arg8[%dma_wait3A_300, %dma_wait3A_301] : memref<3x96xi32, #tpu.memory_space<vmem>> -> memref<1x96xi32, #tpu.memory_space<vmem>>
        %dma_wait3A_303 = tpu.memref_squeeze %dma_wait3A_302 : memref<1x96xi32, #tpu.memory_space<vmem>> -> memref<96xi32, #tpu.memory_space<vmem>>
        %dma_wait3A_304 = arith.constant 0 : i32
        %dma_wait3A_305 = tpu.memref_slice %arg4[%dma_wait3A_299, %dma_wait3A_304] : memref<3456x96xi32, #tpu.memory_space<hbm>> -> memref<1x96xi32, #tpu.memory_space<hbm>>
        %dma_wait3A_306 = tpu.memref_squeeze %dma_wait3A_305 : memref<1x96xi32, #tpu.memory_space<hbm>> -> memref<96xi32, #tpu.memory_space<hbm>>
        %dma_wait3A_307 = arith.constant 0 : i32
        %dma_wait3A_308 = tpu.memref_slice %arg8[%dma_wait3A_300, %dma_wait3A_307] : memref<3x96xi32, #tpu.memory_space<vmem>> -> memref<1x96xi32, #tpu.memory_space<vmem>>
        %dma_wait3A_309 = tpu.memref_squeeze %dma_wait3A_308 : memref<1x96xi32, #tpu.memory_space<vmem>> -> memref<96xi32, #tpu.memory_space<vmem>>
        %dma_wait3A_310 = arith.constant 0 : i32
        %dma_wait3A_311 = tpu.memref_slice %arg4[%dma_wait3A_299, %dma_wait3A_310] : memref<3456x96xi32, #tpu.memory_space<hbm>> -> memref<1x96xi32, #tpu.memory_space<hbm>>
        %dma_wait3A_312 = tpu.memref_squeeze %dma_wait3A_311 : memref<1x96xi32, #tpu.memory_space<hbm>> -> memref<96xi32, #tpu.memory_space<hbm>>
        tpu.wait_dma2 semaphore(%arg12 : memref<!tpu.dma_semaphore, #tpu.memory_space<semaphore_mem>>) src(%dma_wait3A_312 : memref<96xi32, #tpu.memory_space<hbm>>) dst(%dma_wait3A_309 : memref<96xi32, #tpu.memory_space<vmem>>)
        %dma_start3A_313 = arith.constant 1 : i32
        %dma_start3A_314 = arith.constant 1 : i32
        %dma_start3A_315 = arith.constant 0 : i32
        %dma_start3A_316 = arith.constant 0 : i32
        %dma_start3A_317 = tpu.memref_slice %arg9[%dma_start3A_314, %dma_start3A_315, %dma_start3A_316] : memref<3x96x128xf32, #tpu.memory_space<vmem>> -> memref<1x96x128xf32, #tpu.memory_space<vmem>>
        %dma_start3A_318 = tpu.memref_squeeze %dma_start3A_317 : memref<1x96x128xf32, #tpu.memory_space<vmem>> -> memref<96x128xf32, #tpu.memory_space<vmem>>
        %dma_start3A_319 = arith.constant 0 : i32
        %dma_start3A_320 = tpu.memref_slice %arg7[%dma_start3A_313, %dma_start3A_319] : memref<3x96xi32, #tpu.memory_space<vmem>> -> memref<1x96xi32, #tpu.memory_space<vmem>>
        %dma_start3A_321 = tpu.memref_squeeze %dma_start3A_320 : memref<1x96xi32, #tpu.memory_space<vmem>> -> memref<96xi32, #tpu.memory_space<vmem>>
        %dma_start3A_322 = arith.constant 0 : i32
        %dma_start3A_323 = arith.constant 0 : i32
        %dma_start3A_324 = tpu.memref_slice %arg2[%dma_start3A_322, %dma_start3A_323] : memref<10000x128xf32, #tpu.memory_space<hbm>> -> memref<10000x128xf32, #tpu.memory_space<hbm>>
        tpu.enqueue_indirect_dma source(%dma_start3A_324 : memref<10000x128xf32, #tpu.memory_space<hbm>>) target(%dma_start3A_318 : memref<96x128xf32, #tpu.memory_space<vmem>>) offsets(%dma_start3A_321 : memref<96xi32, #tpu.memory_space<vmem>>) semaphore(%arg15 : memref<!tpu.dma_semaphore, #tpu.memory_space<semaphore_mem>>)
        %dma_wait3A_325 = arith.constant 2 : i32
        %dma_wait3A_326 = arith.constant 2 : i32
        %dma_wait3A_327 = arith.constant 0 : i32
        %dma_wait3A_328 = arith.constant 0 : i32
        %dma_wait3A_329 = tpu.memref_slice %arg9[%dma_wait3A_326, %dma_wait3A_327, %dma_wait3A_328] : memref<3x96x128xf32, #tpu.memory_space<vmem>> -> memref<1x96x128xf32, #tpu.memory_space<vmem>>
        %dma_wait3A_330 = tpu.memref_squeeze %dma_wait3A_329 : memref<1x96x128xf32, #tpu.memory_space<vmem>> -> memref<96x128xf32, #tpu.memory_space<vmem>>
        %dma_wait3A_331 = arith.constant 0 : i32
        %dma_wait3A_332 = tpu.memref_slice %arg7[%dma_wait3A_325, %dma_wait3A_331] : memref<3x96xi32, #tpu.memory_space<vmem>> -> memref<1x96xi32, #tpu.memory_space<vmem>>
        %dma_wait3A_333 = tpu.memref_squeeze %dma_wait3A_332 : memref<1x96xi32, #tpu.memory_space<vmem>> -> memref<96xi32, #tpu.memory_space<vmem>>
        %dma_wait3A_334 = arith.constant 0 : i32
        %dma_wait3A_335 = arith.constant 0 : i32
        %dma_wait3A_336 = tpu.memref_slice %arg2[%dma_wait3A_334, %dma_wait3A_335] : memref<10000x128xf32, #tpu.memory_space<hbm>> -> memref<10000x128xf32, #tpu.memory_space<hbm>>
        tpu.wait_indirect_dma semaphore(%arg16 : memref<!tpu.dma_semaphore, #tpu.memory_space<semaphore_mem>>) src(%dma_wait3A_336 : memref<10000x128xf32, #tpu.memory_space<hbm>>) dst(%dma_wait3A_330 : memref<96x128xf32, #tpu.memory_space<vmem>>)
        %run_scoped3A_337 = arith.constant 2 : i32
        %run_scoped3A_338 = arith.constant 2 : i32
        "tpu.region"() ({
          %run_scoped3A_369 = tpu.sem_alloc : memref<!tpu.dma_semaphore, #tpu.memory_space<semaphore_mem>>
          %dma_start3A_370 = arith.constant 0 : i32
          %dma_start3A_371 = arith.constant 0 : i32
          %dma_start3A_372 = tpu.memref_slice %arg9[%run_scoped3A_337, %dma_start3A_370, %dma_start3A_371] : memref<3x96x128xf32, #tpu.memory_space<vmem>> -> memref<1x96x128xf32, #tpu.memory_space<vmem>>
          %dma_start3A_373 = tpu.memref_squeeze %dma_start3A_372 : memref<1x96x128xf32, #tpu.memory_space<vmem>> -> memref<96x128xf32, #tpu.memory_space<vmem>>
          %dma_start3A_374 = arith.constant 0 : i32
          %dma_start3A_375 = tpu.memref_slice %arg8[%run_scoped3A_338, %dma_start3A_374] : memref<3x96xi32, #tpu.memory_space<vmem>> -> memref<1x96xi32, #tpu.memory_space<vmem>>
          %dma_start3A_376 = tpu.memref_squeeze %dma_start3A_375 : memref<1x96xi32, #tpu.memory_space<vmem>> -> memref<96xi32, #tpu.memory_space<vmem>>
          %dma_start3A_377 = arith.constant 0 : i32
          %dma_start3A_378 = arith.constant 0 : i32
          %dma_start3A_379 = tpu.memref_slice %arg10[%dma_start3A_377, %dma_start3A_378] : memref<10112x128xf32, #tpu.memory_space<vmem_shared>> -> memref<10112x128xf32, #tpu.memory_space<vmem_shared>>
          tpu.enqueue_indirect_dma source(%dma_start3A_373 : memref<96x128xf32, #tpu.memory_space<vmem>>) target(%dma_start3A_379 : memref<10112x128xf32, #tpu.memory_space<vmem_shared>>) offsets(%dma_start3A_376 : memref<96xi32, #tpu.memory_space<vmem>>) semaphore(%run_scoped3A_369 : memref<!tpu.dma_semaphore, #tpu.memory_space<semaphore_mem>>) {add = true}
          %dma_wait3A_380 = arith.constant 0 : i32
          %dma_wait3A_381 = arith.constant 0 : i32
          %dma_wait3A_382 = tpu.memref_slice %arg9[%run_scoped3A_337, %dma_wait3A_380, %dma_wait3A_381] : memref<3x96x128xf32, #tpu.memory_space<vmem>> -> memref<1x96x128xf32, #tpu.memory_space<vmem>>
          %dma_wait3A_383 = tpu.memref_squeeze %dma_wait3A_382 : memref<1x96x128xf32, #tpu.memory_space<vmem>> -> memref<96x128xf32, #tpu.memory_space<vmem>>
          %dma_wait3A_384 = arith.constant 0 : i32
          %dma_wait3A_385 = tpu.memref_slice %arg8[%run_scoped3A_338, %dma_wait3A_384] : memref<3x96xi32, #tpu.memory_space<vmem>> -> memref<1x96xi32, #tpu.memory_space<vmem>>
          %dma_wait3A_386 = tpu.memref_squeeze %dma_wait3A_385 : memref<1x96xi32, #tpu.memory_space<vmem>> -> memref<96xi32, #tpu.memory_space<vmem>>
          %dma_wait3A_387 = arith.constant 0 : i32
          %dma_wait3A_388 = arith.constant 0 : i32
          %dma_wait3A_389 = tpu.memref_slice %arg10[%dma_wait3A_387, %dma_wait3A_388] : memref<10112x128xf32, #tpu.memory_space<vmem_shared>> -> memref<10112x128xf32, #tpu.memory_space<vmem_shared>>
          tpu.wait_indirect_dma semaphore(%run_scoped3A_369 : memref<!tpu.dma_semaphore, #tpu.memory_space<semaphore_mem>>) src(%dma_wait3A_383 : memref<96x128xf32, #tpu.memory_space<vmem>>) dst(%dma_wait3A_389 : memref<10112x128xf32, #tpu.memory_space<vmem_shared>>)
          tpu.yield
        }) : () -> ()
        %add3A_339 = arith.constant 1 : i32
        %add3A_340 = arith.addi %add3A_219, %add3A_339 : i32
        %add3A_341 = arith.constant 1 : i32
        %add3A_342 = arith.addi %add3A_340, %add3A_341 : i32
        %dma_start3A_343 = arith.constant 2 : i32
        %dma_start3A_344 = arith.constant 0 : i32
        %dma_start3A_345 = tpu.memref_slice %arg7[%dma_start3A_343, %dma_start3A_344] : memref<3x96xi32, #tpu.memory_space<vmem>> -> memref<1x96xi32, #tpu.memory_space<vmem>>
        %dma_start3A_346 = tpu.memref_squeeze %dma_start3A_345 : memref<1x96xi32, #tpu.memory_space<vmem>> -> memref<96xi32, #tpu.memory_space<vmem>>
        %dma_start3A_347 = arith.constant 0 : i32
        %dma_start3A_348 = tpu.memref_slice %arg3[%add3A_342, %dma_start3A_347] : memref<3456x96xi32, #tpu.memory_space<hbm>> -> memref<1x96xi32, #tpu.memory_space<hbm>>
        %dma_start3A_349 = tpu.memref_squeeze %dma_start3A_348 : memref<1x96xi32, #tpu.memory_space<hbm>> -> memref<96xi32, #tpu.memory_space<hbm>>
        %dma_start3A_350 = arith.constant 0 : i32
        %dma_start3A_351 = tpu.memref_slice %arg7[%dma_start3A_343, %dma_start3A_350] : memref<3x96xi32, #tpu.memory_space<vmem>> -> memref<1x96xi32, #tpu.memory_space<vmem>>
        %dma_start3A_352 = tpu.memref_squeeze %dma_start3A_351 : memref<1x96xi32, #tpu.memory_space<vmem>> -> memref<96xi32, #tpu.memory_space<vmem>>
        %dma_start3A_353 = arith.constant 0 : i32
        %dma_start3A_354 = tpu.memref_slice %arg3[%add3A_342, %dma_start3A_353] : memref<3456x96xi32, #tpu.memory_space<hbm>> -> memref<1x96xi32, #tpu.memory_space<hbm>>
        %dma_start3A_355 = tpu.memref_squeeze %dma_start3A_354 : memref<1x96xi32, #tpu.memory_space<hbm>> -> memref<96xi32, #tpu.memory_space<hbm>>
        tpu.enqueue_dma source(%dma_start3A_355 : memref<96xi32, #tpu.memory_space<hbm>>) target(%dma_start3A_352 : memref<96xi32, #tpu.memory_space<vmem>>) target_semaphore(%arg13 : memref<!tpu.dma_semaphore, #tpu.memory_space<semaphore_mem>>)
        %dma_start3A_356 = arith.constant 2 : i32
        %dma_start3A_357 = arith.constant 0 : i32
        %dma_start3A_358 = tpu.memref_slice %arg8[%dma_start3A_356, %dma_start3A_357] : memref<3x96xi32, #tpu.memory_space<vmem>> -> memref<1x96xi32, #tpu.memory_space<vmem>>
        %dma_start3A_359 = tpu.memref_squeeze %dma_start3A_358 : memref<1x96xi32, #tpu.memory_space<vmem>> -> memref<96xi32, #tpu.memory_space<vmem>>
        %dma_start3A_360 = arith.constant 0 : i32
        %dma_start3A_361 = tpu.memref_slice %arg4[%add3A_342, %dma_start3A_360] : memref<3456x96xi32, #tpu.memory_space<hbm>> -> memref<1x96xi32, #tpu.memory_space<hbm>>
        %dma_start3A_362 = tpu.memref_squeeze %dma_start3A_361 : memref<1x96xi32, #tpu.memory_space<hbm>> -> memref<96xi32, #tpu.memory_space<hbm>>
        %dma_start3A_363 = arith.constant 0 : i32
        %dma_start3A_364 = tpu.memref_slice %arg8[%dma_start3A_356, %dma_start3A_363] : memref<3x96xi32, #tpu.memory_space<vmem>> -> memref<1x96xi32, #tpu.memory_space<vmem>>
        %dma_start3A_365 = tpu.memref_squeeze %dma_start3A_364 : memref<1x96xi32, #tpu.memory_space<vmem>> -> memref<96xi32, #tpu.memory_space<vmem>>
        %dma_start3A_366 = arith.constant 0 : i32
        %dma_start3A_367 = tpu.memref_slice %arg4[%add3A_342, %dma_start3A_366] : memref<3456x96xi32, #tpu.memory_space<hbm>> -> memref<1x96xi32, #tpu.memory_space<hbm>>
        %dma_start3A_368 = tpu.memref_squeeze %dma_start3A_367 : memref<1x96xi32, #tpu.memory_space<hbm>> -> memref<96xi32, #tpu.memory_space<hbm>>
        tpu.enqueue_dma source(%dma_start3A_368 : memref<96xi32, #tpu.memory_space<hbm>>) target(%dma_start3A_365 : memref<96xi32, #tpu.memory_space<vmem>>) target_semaphore(%arg13 : memref<!tpu.dma_semaphore, #tpu.memory_space<semaphore_mem>>)
      } else {
      }
      %dma_wait3A_227 = arith.constant 0 : i32
      %dma_wait3A_228 = arith.constant 2 : i32
      %dma_wait3A_229 = arith.constant 0 : i32
      %dma_wait3A_230 = tpu.memref_slice %arg7[%dma_wait3A_228, %dma_wait3A_229] : memref<3x96xi32, #tpu.memory_space<vmem>> -> memref<1x96xi32, #tpu.memory_space<vmem>>
      %dma_wait3A_231 = tpu.memref_squeeze %dma_wait3A_230 : memref<1x96xi32, #tpu.memory_space<vmem>> -> memref<96xi32, #tpu.memory_space<vmem>>
      %dma_wait3A_232 = arith.constant 0 : i32
      %dma_wait3A_233 = tpu.memref_slice %arg3[%dma_wait3A_227, %dma_wait3A_232] : memref<3456x96xi32, #tpu.memory_space<hbm>> -> memref<1x96xi32, #tpu.memory_space<hbm>>
      %dma_wait3A_234 = tpu.memref_squeeze %dma_wait3A_233 : memref<1x96xi32, #tpu.memory_space<hbm>> -> memref<96xi32, #tpu.memory_space<hbm>>
      %dma_wait3A_235 = arith.constant 0 : i32
      %dma_wait3A_236 = tpu.memref_slice %arg7[%dma_wait3A_228, %dma_wait3A_235] : memref<3x96xi32, #tpu.memory_space<vmem>> -> memref<1x96xi32, #tpu.memory_space<vmem>>
      %dma_wait3A_237 = tpu.memref_squeeze %dma_wait3A_236 : memref<1x96xi32, #tpu.memory_space<vmem>> -> memref<96xi32, #tpu.memory_space<vmem>>
      %dma_wait3A_238 = arith.constant 0 : i32
      %dma_wait3A_239 = tpu.memref_slice %arg3[%dma_wait3A_227, %dma_wait3A_238] : memref<3456x96xi32, #tpu.memory_space<hbm>> -> memref<1x96xi32, #tpu.memory_space<hbm>>
      %dma_wait3A_240 = tpu.memref_squeeze %dma_wait3A_239 : memref<1x96xi32, #tpu.memory_space<hbm>> -> memref<96xi32, #tpu.memory_space<hbm>>
      tpu.wait_dma2 semaphore(%arg13 : memref<!tpu.dma_semaphore, #tpu.memory_space<semaphore_mem>>) src(%dma_wait3A_240 : memref<96xi32, #tpu.memory_space<hbm>>) dst(%dma_wait3A_237 : memref<96xi32, #tpu.memory_space<vmem>>)
      %dma_wait3A_241 = arith.constant 0 : i32
      %dma_wait3A_242 = arith.constant 2 : i32
      %dma_wait3A_243 = arith.constant 0 : i32
      %dma_wait3A_244 = tpu.memref_slice %arg8[%dma_wait3A_242, %dma_wait3A_243] : memref<3x96xi32, #tpu.memory_space<vmem>> -> memref<1x96xi32, #tpu.memory_space<vmem>>
      %dma_wait3A_245 = tpu.memref_squeeze %dma_wait3A_244 : memref<1x96xi32, #tpu.memory_space<vmem>> -> memref<96xi32, #tpu.memory_space<vmem>>
      %dma_wait3A_246 = arith.constant 0 : i32
      %dma_wait3A_247 = tpu.memref_slice %arg4[%dma_wait3A_241, %dma_wait3A_246] : memref<3456x96xi32, #tpu.memory_space<hbm>> -> memref<1x96xi32, #tpu.memory_space<hbm>>
      %dma_wait3A_248 = tpu.memref_squeeze %dma_wait3A_247 : memref<1x96xi32, #tpu.memory_space<hbm>> -> memref<96xi32, #tpu.memory_space<hbm>>
      %dma_wait3A_249 = arith.constant 0 : i32
      %dma_wait3A_250 = tpu.memref_slice %arg8[%dma_wait3A_242, %dma_wait3A_249] : memref<3x96xi32, #tpu.memory_space<vmem>> -> memref<1x96xi32, #tpu.memory_space<vmem>>
      %dma_wait3A_251 = tpu.memref_squeeze %dma_wait3A_250 : memref<1x96xi32, #tpu.memory_space<vmem>> -> memref<96xi32, #tpu.memory_space<vmem>>
      %dma_wait3A_252 = arith.constant 0 : i32
      %dma_wait3A_253 = tpu.memref_slice %arg4[%dma_wait3A_241, %dma_wait3A_252] : memref<3456x96xi32, #tpu.memory_space<hbm>> -> memref<1x96xi32, #tpu.memory_space<hbm>>
      %dma_wait3A_254 = tpu.memref_squeeze %dma_wait3A_253 : memref<1x96xi32, #tpu.memory_space<hbm>> -> memref<96xi32, #tpu.memory_space<hbm>>
      tpu.wait_dma2 semaphore(%arg13 : memref<!tpu.dma_semaphore, #tpu.memory_space<semaphore_mem>>) src(%dma_wait3A_254 : memref<96xi32, #tpu.memory_space<hbm>>) dst(%dma_wait3A_251 : memref<96xi32, #tpu.memory_space<vmem>>)
      %dma_start3A_255 = arith.constant 2 : i32
      %dma_start3A_256 = arith.constant 2 : i32
      %dma_start3A_257 = arith.constant 0 : i32
      %dma_start3A_258 = arith.constant 0 : i32
      %dma_start3A_259 = tpu.memref_slice %arg9[%dma_start3A_256, %dma_start3A_257, %dma_start3A_258] : memref<3x96x128xf32, #tpu.memory_space<vmem>> -> memref<1x96x128xf32, #tpu.memory_space<vmem>>
      %dma_start3A_260 = tpu.memref_squeeze %dma_start3A_259 : memref<1x96x128xf32, #tpu.memory_space<vmem>> -> memref<96x128xf32, #tpu.memory_space<vmem>>
      %dma_start3A_261 = arith.constant 0 : i32
      %dma_start3A_262 = tpu.memref_slice %arg7[%dma_start3A_255, %dma_start3A_261] : memref<3x96xi32, #tpu.memory_space<vmem>> -> memref<1x96xi32, #tpu.memory_space<vmem>>
      %dma_start3A_263 = tpu.memref_squeeze %dma_start3A_262 : memref<1x96xi32, #tpu.memory_space<vmem>> -> memref<96xi32, #tpu.memory_space<vmem>>
      %dma_start3A_264 = arith.constant 0 : i32
      %dma_start3A_265 = arith.constant 0 : i32
      %dma_start3A_266 = tpu.memref_slice %arg2[%dma_start3A_264, %dma_start3A_265] : memref<10000x128xf32, #tpu.memory_space<hbm>> -> memref<10000x128xf32, #tpu.memory_space<hbm>>
      tpu.enqueue_indirect_dma source(%dma_start3A_266 : memref<10000x128xf32, #tpu.memory_space<hbm>>) target(%dma_start3A_260 : memref<96x128xf32, #tpu.memory_space<vmem>>) offsets(%dma_start3A_263 : memref<96xi32, #tpu.memory_space<vmem>>) semaphore(%arg16 : memref<!tpu.dma_semaphore, #tpu.memory_space<semaphore_mem>>)
      %dma_wait3A_267 = arith.constant 0 : i32
      %dma_wait3A_268 = arith.constant 0 : i32
      %dma_wait3A_269 = arith.constant 0 : i32
      %dma_wait3A_270 = arith.constant 0 : i32
      %dma_wait3A_271 = tpu.memref_slice %arg9[%dma_wait3A_268, %dma_wait3A_269, %dma_wait3A_270] : memref<3x96x128xf32, #tpu.memory_space<vmem>> -> memref<1x96x128xf32, #tpu.memory_space<vmem>>
      %dma_wait3A_272 = tpu.memref_squeeze %dma_wait3A_271 : memref<1x96x128xf32, #tpu.memory_space<vmem>> -> memref<96x128xf32, #tpu.memory_space<vmem>>
      %dma_wait3A_273 = arith.constant 0 : i32
      %dma_wait3A_274 = tpu.memref_slice %arg7[%dma_wait3A_267, %dma_wait3A_273] : memref<3x96xi32, #tpu.memory_space<vmem>> -> memref<1x96xi32, #tpu.memory_space<vmem>>
      %dma_wait3A_275 = tpu.memref_squeeze %dma_wait3A_274 : memref<1x96xi32, #tpu.memory_space<vmem>> -> memref<96xi32, #tpu.memory_space<vmem>>
      %dma_wait3A_276 = arith.constant 0 : i32
      %dma_wait3A_277 = arith.constant 0 : i32
      %dma_wait3A_278 = tpu.memref_slice %arg2[%dma_wait3A_276, %dma_wait3A_277] : memref<10000x128xf32, #tpu.memory_space<hbm>> -> memref<10000x128xf32, #tpu.memory_space<hbm>>
      tpu.wait_indirect_dma semaphore(%arg14 : memref<!tpu.dma_semaphore, #tpu.memory_space<semaphore_mem>>) src(%dma_wait3A_278 : memref<10000x128xf32, #tpu.memory_space<hbm>>) dst(%dma_wait3A_272 : memref<96x128xf32, #tpu.memory_space<vmem>>)
      %run_scoped3A_279 = arith.constant 0 : i32
      %run_scoped3A_280 = arith.constant 0 : i32
      "tpu.region"() ({
        %run_scoped3A_285 = tpu.sem_alloc : memref<!tpu.dma_semaphore, #tpu.memory_space<semaphore_mem>>
        %dma_start3A_286 = arith.constant 0 : i32
        %dma_start3A_287 = arith.constant 0 : i32
        %dma_start3A_288 = tpu.memref_slice %arg9[%run_scoped3A_279, %dma_start3A_286, %dma_start3A_287] : memref<3x96x128xf32, #tpu.memory_space<vmem>> -> memref<1x96x128xf32, #tpu.memory_space<vmem>>
        %dma_start3A_289 = tpu.memref_squeeze %dma_start3A_288 : memref<1x96x128xf32, #tpu.memory_space<vmem>> -> memref<96x128xf32, #tpu.memory_space<vmem>>
        %dma_start3A_290 = arith.constant 0 : i32
        %dma_start3A_291 = tpu.memref_slice %arg8[%run_scoped3A_280, %dma_start3A_290] : memref<3x96xi32, #tpu.memory_space<vmem>> -> memref<1x96xi32, #tpu.memory_space<vmem>>
        %dma_start3A_292 = tpu.memref_squeeze %dma_start3A_291 : memref<1x96xi32, #tpu.memory_space<vmem>> -> memref<96xi32, #tpu.memory_space<vmem>>
        %dma_start3A_293 = arith.constant 0 : i32
        %dma_start3A_294 = arith.constant 0 : i32
        %dma_start3A_295 = tpu.memref_slice %arg10[%dma_start3A_293, %dma_start3A_294] : memref<10112x128xf32, #tpu.memory_space<vmem_shared>> -> memref<10112x128xf32, #tpu.memory_space<vmem_shared>>
        tpu.enqueue_indirect_dma source(%dma_start3A_289 : memref<96x128xf32, #tpu.memory_space<vmem>>) target(%dma_start3A_295 : memref<10112x128xf32, #tpu.memory_space<vmem_shared>>) offsets(%dma_start3A_292 : memref<96xi32, #tpu.memory_space<vmem>>) semaphore(%run_scoped3A_285 : memref<!tpu.dma_semaphore, #tpu.memory_space<semaphore_mem>>) {add = true}
        %dma_wait3A_296 = arith.constant 0 : i32
        %dma_wait3A_297 = arith.constant 0 : i32
        %dma_wait3A_298 = tpu.memref_slice %arg9[%run_scoped3A_279, %dma_wait3A_296, %dma_wait3A_297] : memref<3x96x128xf32, #tpu.memory_space<vmem>> -> memref<1x96x128xf32, #tpu.memory_space<vmem>>
        %dma_wait3A_299 = tpu.memref_squeeze %dma_wait3A_298 : memref<1x96x128xf32, #tpu.memory_space<vmem>> -> memref<96x128xf32, #tpu.memory_space<vmem>>
        %dma_wait3A_300 = arith.constant 0 : i32
        %dma_wait3A_301 = tpu.memref_slice %arg8[%run_scoped3A_280, %dma_wait3A_300] : memref<3x96xi32, #tpu.memory_space<vmem>> -> memref<1x96xi32, #tpu.memory_space<vmem>>
        %dma_wait3A_302 = tpu.memref_squeeze %dma_wait3A_301 : memref<1x96xi32, #tpu.memory_space<vmem>> -> memref<96xi32, #tpu.memory_space<vmem>>
        %dma_wait3A_303 = arith.constant 0 : i32
        %dma_wait3A_304 = arith.constant 0 : i32
        %dma_wait3A_305 = tpu.memref_slice %arg10[%dma_wait3A_303, %dma_wait3A_304] : memref<10112x128xf32, #tpu.memory_space<vmem_shared>> -> memref<10112x128xf32, #tpu.memory_space<vmem_shared>>
        tpu.wait_indirect_dma semaphore(%run_scoped3A_285 : memref<!tpu.dma_semaphore, #tpu.memory_space<semaphore_mem>>) src(%dma_wait3A_299 : memref<96x128xf32, #tpu.memory_space<vmem>>) dst(%dma_wait3A_305 : memref<10112x128xf32, #tpu.memory_space<vmem_shared>>)
        tpu.yield
      }) : () -> ()
      %sub3A = arith.constant 1 : i32
      %sub3A_281 = arith.subi %select_n3A_8, %sub3A : i32
      %lt3A = arith.cmpi slt, %while3A_216, %sub3A_281 : i32
      %convert_element_type3A_282 = arith.extui %lt3A : i1 to i32
      %cond3A_283 = arith.constant 0 : i32
      %cond3A_284 = arith.cmpi ne, %convert_element_type3A_282, %cond3A_283 : i32
      scf.if %cond3A_284 {
        %add3A_285 = arith.constant 2 : i32
        %add3A_286 = arith.addi %add3A_219, %add3A_285 : i32
        %add3A_287 = arith.constant 1 : i32
        %add3A_288 = arith.addi %add3A_286, %add3A_287 : i32
        %dma_start3A_289 = arith.constant 0 : i32
        %dma_start3A_290 = arith.constant 0 : i32
        %dma_start3A_291 = tpu.memref_slice %arg7[%dma_start3A_289, %dma_start3A_290] : memref<3x96xi32, #tpu.memory_space<vmem>> -> memref<1x96xi32, #tpu.memory_space<vmem>>
        %dma_start3A_292 = tpu.memref_squeeze %dma_start3A_291 : memref<1x96xi32, #tpu.memory_space<vmem>> -> memref<96xi32, #tpu.memory_space<vmem>>
        %dma_start3A_293 = arith.constant 0 : i32
        %dma_start3A_294 = tpu.memref_slice %arg3[%add3A_288, %dma_start3A_293] : memref<3456x96xi32, #tpu.memory_space<hbm>> -> memref<1x96xi32, #tpu.memory_space<hbm>>
        %dma_start3A_295 = tpu.memref_squeeze %dma_start3A_294 : memref<1x96xi32, #tpu.memory_space<hbm>> -> memref<96xi32, #tpu.memory_space<hbm>>
        %dma_start3A_296 = arith.constant 0 : i32
        %dma_start3A_297 = tpu.memref_slice %arg7[%dma_start3A_289, %dma_start3A_296] : memref<3x96xi32, #tpu.memory_space<vmem>> -> memref<1x96xi32, #tpu.memory_space<vmem>>
        %dma_start3A_298 = tpu.memref_squeeze %dma_start3A_297 : memref<1x96xi32, #tpu.memory_space<vmem>> -> memref<96xi32, #tpu.memory_space<vmem>>
        %dma_start3A_299 = arith.constant 0 : i32
        %dma_start3A_300 = tpu.memref_slice %arg3[%add3A_288, %dma_start3A_299] : memref<3456x96xi32, #tpu.memory_space<hbm>> -> memref<1x96xi32, #tpu.memory_space<hbm>>
        %dma_start3A_301 = tpu.memref_squeeze %dma_start3A_300 : memref<1x96xi32, #tpu.memory_space<hbm>> -> memref<96xi32, #tpu.memory_space<hbm>>
        tpu.enqueue_dma source(%dma_start3A_301 : memref<96xi32, #tpu.memory_space<hbm>>) target(%dma_start3A_298 : memref<96xi32, #tpu.memory_space<vmem>>) target_semaphore(%arg11 : memref<!tpu.dma_semaphore, #tpu.memory_space<semaphore_mem>>)
        %dma_start3A_302 = arith.constant 0 : i32
        %dma_start3A_303 = arith.constant 0 : i32
        %dma_start3A_304 = tpu.memref_slice %arg8[%dma_start3A_302, %dma_start3A_303] : memref<3x96xi32, #tpu.memory_space<vmem>> -> memref<1x96xi32, #tpu.memory_space<vmem>>
        %dma_start3A_305 = tpu.memref_squeeze %dma_start3A_304 : memref<1x96xi32, #tpu.memory_space<vmem>> -> memref<96xi32, #tpu.memory_space<vmem>>
        %dma_start3A_306 = arith.constant 0 : i32
        %dma_start3A_307 = tpu.memref_slice %arg4[%add3A_288, %dma_start3A_306] : memref<3456x96xi32, #tpu.memory_space<hbm>> -> memref<1x96xi32, #tpu.memory_space<hbm>>
        %dma_start3A_308 = tpu.memref_squeeze %dma_start3A_307 : memref<1x96xi32, #tpu.memory_space<hbm>> -> memref<96xi32, #tpu.memory_space<hbm>>
        %dma_start3A_309 = arith.constant 0 : i32
        %dma_start3A_310 = tpu.memref_slice %arg8[%dma_start3A_302, %dma_start3A_309] : memref<3x96xi32, #tpu.memory_space<vmem>> -> memref<1x96xi32, #tpu.memory_space<vmem>>
        %dma_start3A_311 = tpu.memref_squeeze %dma_start3A_310 : memref<1x96xi32, #tpu.memory_space<vmem>> -> memref<96xi32, #tpu.memory_space<vmem>>
        %dma_start3A_312 = arith.constant 0 : i32
        %dma_start3A_313 = tpu.memref_slice %arg4[%add3A_288, %dma_start3A_312] : memref<3456x96xi32, #tpu.memory_space<hbm>> -> memref<1x96xi32, #tpu.memory_space<hbm>>
        %dma_start3A_314 = tpu.memref_squeeze %dma_start3A_313 : memref<1x96xi32, #tpu.memory_space<hbm>> -> memref<96xi32, #tpu.memory_space<hbm>>
        tpu.enqueue_dma source(%dma_start3A_314 : memref<96xi32, #tpu.memory_space<hbm>>) target(%dma_start3A_311 : memref<96xi32, #tpu.memory_space<vmem>>) target_semaphore(%arg11 : memref<!tpu.dma_semaphore, #tpu.memory_space<semaphore_mem>>)
      } else {
      }
    }
    %dma_wait3A_184 = arith.constant 1 : i32
    %dma_wait3A_185 = arith.constant 1 : i32
    %dma_wait3A_186 = arith.constant 0 : i32
    %dma_wait3A_187 = arith.constant 0 : i32
    %dma_wait3A_188 = tpu.memref_slice %arg9[%dma_wait3A_185, %dma_wait3A_186, %dma_wait3A_187] : memref<3x96x128xf32, #tpu.memory_space<vmem>> -> memref<1x96x128xf32, #tpu.memory_space<vmem>>
    %dma_wait3A_189 = tpu.memref_squeeze %dma_wait3A_188 : memref<1x96x128xf32, #tpu.memory_space<vmem>> -> memref<96x128xf32, #tpu.memory_space<vmem>>
    %dma_wait3A_190 = arith.constant 0 : i32
    %dma_wait3A_191 = tpu.memref_slice %arg7[%dma_wait3A_184, %dma_wait3A_190] : memref<3x96xi32, #tpu.memory_space<vmem>> -> memref<1x96xi32, #tpu.memory_space<vmem>>
    %dma_wait3A_192 = tpu.memref_squeeze %dma_wait3A_191 : memref<1x96xi32, #tpu.memory_space<vmem>> -> memref<96xi32, #tpu.memory_space<vmem>>
    %dma_wait3A_193 = arith.constant 0 : i32
    %dma_wait3A_194 = arith.constant 0 : i32
    %dma_wait3A_195 = tpu.memref_slice %arg2[%dma_wait3A_193, %dma_wait3A_194] : memref<10000x128xf32, #tpu.memory_space<hbm>> -> memref<10000x128xf32, #tpu.memory_space<hbm>>
    tpu.wait_indirect_dma semaphore(%arg15 : memref<!tpu.dma_semaphore, #tpu.memory_space<semaphore_mem>>) src(%dma_wait3A_195 : memref<10000x128xf32, #tpu.memory_space<hbm>>) dst(%dma_wait3A_189 : memref<96x128xf32, #tpu.memory_space<vmem>>)
    %run_scoped3A = arith.constant 1 : i32
    %run_scoped3A_196 = arith.constant 1 : i32
    "tpu.region"() ({
      %run_scoped3A_216 = tpu.sem_alloc : memref<!tpu.dma_semaphore, #tpu.memory_space<semaphore_mem>>
      %dma_start3A_217 = arith.constant 0 : i32
      %dma_start3A_218 = arith.constant 0 : i32
      %dma_start3A_219 = tpu.memref_slice %arg9[%run_scoped3A, %dma_start3A_217, %dma_start3A_218] : memref<3x96x128xf32, #tpu.memory_space<vmem>> -> memref<1x96x128xf32, #tpu.memory_space<vmem>>
      %dma_start3A_220 = tpu.memref_squeeze %dma_start3A_219 : memref<1x96x128xf32, #tpu.memory_space<vmem>> -> memref<96x128xf32, #tpu.memory_space<vmem>>
      %dma_start3A_221 = arith.constant 0 : i32
      %dma_start3A_222 = tpu.memref_slice %arg8[%run_scoped3A_196, %dma_start3A_221] : memref<3x96xi32, #tpu.memory_space<vmem>> -> memref<1x96xi32, #tpu.memory_space<vmem>>
      %dma_start3A_223 = tpu.memref_squeeze %dma_start3A_222 : memref<1x96xi32, #tpu.memory_space<vmem>> -> memref<96xi32, #tpu.memory_space<vmem>>
      %dma_start3A_224 = arith.constant 0 : i32
      %dma_start3A_225 = arith.constant 0 : i32
      %dma_start3A_226 = tpu.memref_slice %arg10[%dma_start3A_224, %dma_start3A_225] : memref<10112x128xf32, #tpu.memory_space<vmem_shared>> -> memref<10112x128xf32, #tpu.memory_space<vmem_shared>>
      tpu.enqueue_indirect_dma source(%dma_start3A_220 : memref<96x128xf32, #tpu.memory_space<vmem>>) target(%dma_start3A_226 : memref<10112x128xf32, #tpu.memory_space<vmem_shared>>) offsets(%dma_start3A_223 : memref<96xi32, #tpu.memory_space<vmem>>) semaphore(%run_scoped3A_216 : memref<!tpu.dma_semaphore, #tpu.memory_space<semaphore_mem>>) {add = true}
      %dma_wait3A_227 = arith.constant 0 : i32
      %dma_wait3A_228 = arith.constant 0 : i32
      %dma_wait3A_229 = tpu.memref_slice %arg9[%run_scoped3A, %dma_wait3A_227, %dma_wait3A_228] : memref<3x96x128xf32, #tpu.memory_space<vmem>> -> memref<1x96x128xf32, #tpu.memory_space<vmem>>
      %dma_wait3A_230 = tpu.memref_squeeze %dma_wait3A_229 : memref<1x96x128xf32, #tpu.memory_space<vmem>> -> memref<96x128xf32, #tpu.memory_space<vmem>>
      %dma_wait3A_231 = arith.constant 0 : i32
      %dma_wait3A_232 = tpu.memref_slice %arg8[%run_scoped3A_196, %dma_wait3A_231] : memref<3x96xi32, #tpu.memory_space<vmem>> -> memref<1x96xi32, #tpu.memory_space<vmem>>
      %dma_wait3A_233 = tpu.memref_squeeze %dma_wait3A_232 : memref<1x96xi32, #tpu.memory_space<vmem>> -> memref<96xi32, #tpu.memory_space<vmem>>
      %dma_wait3A_234 = arith.constant 0 : i32
      %dma_wait3A_235 = arith.constant 0 : i32
      %dma_wait3A_236 = tpu.memref_slice %arg10[%dma_wait3A_234, %dma_wait3A_235] : memref<10112x128xf32, #tpu.memory_space<vmem_shared>> -> memref<10112x128xf32, #tpu.memory_space<vmem_shared>>
      tpu.wait_indirect_dma semaphore(%run_scoped3A_216 : memref<!tpu.dma_semaphore, #tpu.memory_space<semaphore_mem>>) src(%dma_wait3A_230 : memref<96x128xf32, #tpu.memory_space<vmem>>) dst(%dma_wait3A_236 : memref<10112x128xf32, #tpu.memory_space<vmem_shared>>)
      tpu.yield
    }) : () -> ()
    %dma_wait3A_197 = arith.constant 2 : i32
    %dma_wait3A_198 = arith.constant 2 : i32
    %dma_wait3A_199 = arith.constant 0 : i32
    %dma_wait3A_200 = arith.constant 0 : i32
    %dma_wait3A_201 = tpu.memref_slice %arg9[%dma_wait3A_198, %dma_wait3A_199, %dma_wait3A_200] : memref<3x96x128xf32, #tpu.memory_space<vmem>> -> memref<1x96x128xf32, #tpu.memory_space<vmem>>
    %dma_wait3A_202 = tpu.memref_squeeze %dma_wait3A_201 : memref<1x96x128xf32, #tpu.memory_space<vmem>> -> memref<96x128xf32, #tpu.memory_space<vmem>>
    %dma_wait3A_203 = arith.constant 0 : i32
    %dma_wait3A_204 = tpu.memref_slice %arg7[%dma_wait3A_197, %dma_wait3A_203] : memref<3x96xi32, #tpu.memory_space<vmem>> -> memref<1x96xi32, #tpu.memory_space<vmem>>
    %dma_wait3A_205 = tpu.memref_squeeze %dma_wait3A_204 : memref<1x96xi32, #tpu.memory_space<vmem>> -> memref<96xi32, #tpu.memory_space<vmem>>
    %dma_wait3A_206 = arith.constant 0 : i32
    %dma_wait3A_207 = arith.constant 0 : i32
    %dma_wait3A_208 = tpu.memref_slice %arg2[%dma_wait3A_206, %dma_wait3A_207] : memref<10000x128xf32, #tpu.memory_space<hbm>> -> memref<10000x128xf32, #tpu.memory_space<hbm>>
    tpu.wait_indirect_dma semaphore(%arg16 : memref<!tpu.dma_semaphore, #tpu.memory_space<semaphore_mem>>) src(%dma_wait3A_208 : memref<10000x128xf32, #tpu.memory_space<hbm>>) dst(%dma_wait3A_202 : memref<96x128xf32, #tpu.memory_space<vmem>>)
    %run_scoped3A_209 = arith.constant 2 : i32
    %run_scoped3A_210 = arith.constant 2 : i32
    "tpu.region"() ({
      %run_scoped3A_216 = tpu.sem_alloc : memref<!tpu.dma_semaphore, #tpu.memory_space<semaphore_mem>>
      %dma_start3A_217 = arith.constant 0 : i32
      %dma_start3A_218 = arith.constant 0 : i32
      %dma_start3A_219 = tpu.memref_slice %arg9[%run_scoped3A_209, %dma_start3A_217, %dma_start3A_218] : memref<3x96x128xf32, #tpu.memory_space<vmem>> -> memref<1x96x128xf32, #tpu.memory_space<vmem>>
      %dma_start3A_220 = tpu.memref_squeeze %dma_start3A_219 : memref<1x96x128xf32, #tpu.memory_space<vmem>> -> memref<96x128xf32, #tpu.memory_space<vmem>>
      %dma_start3A_221 = arith.constant 0 : i32
      %dma_start3A_222 = tpu.memref_slice %arg8[%run_scoped3A_210, %dma_start3A_221] : memref<3x96xi32, #tpu.memory_space<vmem>> -> memref<1x96xi32, #tpu.memory_space<vmem>>
      %dma_start3A_223 = tpu.memref_squeeze %dma_start3A_222 : memref<1x96xi32, #tpu.memory_space<vmem>> -> memref<96xi32, #tpu.memory_space<vmem>>
      %dma_start3A_224 = arith.constant 0 : i32
      %dma_start3A_225 = arith.constant 0 : i32
      %dma_start3A_226 = tpu.memref_slice %arg10[%dma_start3A_224, %dma_start3A_225] : memref<10112x128xf32, #tpu.memory_space<vmem_shared>> -> memref<10112x128xf32, #tpu.memory_space<vmem_shared>>
      tpu.enqueue_indirect_dma source(%dma_start3A_220 : memref<96x128xf32, #tpu.memory_space<vmem>>) target(%dma_start3A_226 : memref<10112x128xf32, #tpu.memory_space<vmem_shared>>) offsets(%dma_start3A_223 : memref<96xi32, #tpu.memory_space<vmem>>) semaphore(%run_scoped3A_216 : memref<!tpu.dma_semaphore, #tpu.memory_space<semaphore_mem>>) {add = true}
      %dma_wait3A_227 = arith.constant 0 : i32
      %dma_wait3A_228 = arith.constant 0 : i32
      %dma_wait3A_229 = tpu.memref_slice %arg9[%run_scoped3A_209, %dma_wait3A_227, %dma_wait3A_228] : memref<3x96x128xf32, #tpu.memory_space<vmem>> -> memref<1x96x128xf32, #tpu.memory_space<vmem>>
      %dma_wait3A_230 = tpu.memref_squeeze %dma_wait3A_229 : memref<1x96x128xf32, #tpu.memory_space<vmem>> -> memref<96x128xf32, #tpu.memory_space<vmem>>
      %dma_wait3A_231 = arith.constant 0 : i32
      %dma_wait3A_232 = tpu.memref_slice %arg8[%run_scoped3A_210, %dma_wait3A_231] : memref<3x96xi32, #tpu.memory_space<vmem>> -> memref<1x96xi32, #tpu.memory_space<vmem>>
      %dma_wait3A_233 = tpu.memref_squeeze %dma_wait3A_232 : memref<1x96xi32, #tpu.memory_space<vmem>> -> memref<96xi32, #tpu.memory_space<vmem>>
      %dma_wait3A_234 = arith.constant 0 : i32
      %dma_wait3A_235 = arith.constant 0 : i32
      %dma_wait3A_236 = tpu.memref_slice %arg10[%dma_wait3A_234, %dma_wait3A_235] : memref<10112x128xf32, #tpu.memory_space<vmem_shared>> -> memref<10112x128xf32, #tpu.memory_space<vmem_shared>>
      tpu.wait_indirect_dma semaphore(%run_scoped3A_216 : memref<!tpu.dma_semaphore, #tpu.memory_space<semaphore_mem>>) src(%dma_wait3A_230 : memref<96x128xf32, #tpu.memory_space<vmem>>) dst(%dma_wait3A_236 : memref<10112x128xf32, #tpu.memory_space<vmem_shared>>)
      tpu.yield
    }) : () -> ()
    %barrier3A_211 = arith.constant 0 : index
    tpu.barrier barrier_id(%barrier3A_211)
    %mul3A_212 = arith.constant 632 : i32
    %mul3A_213 = arith.muli %arg1, %mul3A_212 : i32
    %mul3A_214 = arith.constant 632 : i32
    %mul3A_215 = arith.muli %arg1, %mul3A_214 : i32
    "tpu.region"() ({
      %run_scoped3A_216 = tpu.sem_alloc : memref<!tpu.dma_semaphore, #tpu.memory_space<semaphore_mem>>
      %dma_start3A_217 = arith.constant 0 : i32
      %dma_start3A_218 = tpu.memref_slice %arg6[%arg0, %mul3A_215, %dma_start3A_217] : memref<2x10112x128xf32, #tpu.memory_space<hbm>> -> memref<1x632x128xf32, #tpu.memory_space<hbm>>
      %dma_start3A_219 = tpu.memref_squeeze %dma_start3A_218 : memref<1x632x128xf32, #tpu.memory_space<hbm>> -> memref<632x128xf32, #tpu.memory_space<hbm>>
      %dma_start3A_220 = arith.constant 0 : i32
      %dma_start3A_221 = tpu.memref_slice %arg10[%mul3A_213, %dma_start3A_220] : memref<10112x128xf32, #tpu.memory_space<vmem_shared>> -> memref<632x128xf32, #tpu.memory_space<vmem_shared>>
      tpu.enqueue_dma source(%dma_start3A_221 : memref<632x128xf32, #tpu.memory_space<vmem_shared>>) target(%dma_start3A_219 : memref<632x128xf32, #tpu.memory_space<hbm>>) target_semaphore(%run_scoped3A_216 : memref<!tpu.dma_semaphore, #tpu.memory_space<semaphore_mem>>)
      %dma_wait3A_222 = arith.constant 0 : i32
      %dma_wait3A_223 = tpu.memref_slice %arg6[%arg0, %mul3A_215, %dma_wait3A_222] : memref<2x10112x128xf32, #tpu.memory_space<hbm>> -> memref<1x632x128xf32, #tpu.memory_space<hbm>>
      %dma_wait3A_224 = tpu.memref_squeeze %dma_wait3A_223 : memref<1x632x128xf32, #tpu.memory_space<hbm>> -> memref<632x128xf32, #tpu.memory_space<hbm>>
      %dma_wait3A_225 = arith.constant 0 : i32
      %dma_wait3A_226 = tpu.memref_slice %arg10[%mul3A_213, %dma_wait3A_225] : memref<10112x128xf32, #tpu.memory_space<vmem_shared>> -> memref<632x128xf32, #tpu.memory_space<vmem_shared>>
      tpu.wait_dma2 semaphore(%run_scoped3A_216 : memref<!tpu.dma_semaphore, #tpu.memory_space<semaphore_mem>>) src(%dma_wait3A_226 : memref<632x128xf32, #tpu.memory_space<vmem_shared>>) dst(%dma_wait3A_224 : memref<632x128xf32, #tpu.memory_space<hbm>>)
      tpu.yield
    }) : () -> ()
    return
  }
}

#map = affine_map<(d0, d1) -> (0, 0)>
#map1 = affine_map<(d0, d1) -> (0, 0, 0)>
module attributes {stable_mosaic.version = 14 : i64} {
  func.func @edge_kernel(%arg0: i32, %arg1: i32, %arg2: memref<10000x128xf32, #tpu.memory_space<hbm>>, %arg3: memref<3456x96xi32, #tpu.memory_space<hbm>>, %arg4: memref<3456x96xi32, #tpu.memory_space<hbm>>, %arg5: memref<632x128xf32, #tpu.memory_space<hbm>>, %arg6: memref<2x10112x128xf32, #tpu.memory_space<hbm>>, %arg7: memref<3x96xi32, #tpu.memory_space<vmem>>, %arg8: memref<3x96xi32, #tpu.memory_space<vmem>>, %arg9: memref<3x96x128xf32, #tpu.memory_space<vmem>>, %arg10: memref<10112x128xf32, #tpu.memory_space<vmem_shared>>, %arg11: memref<!tpu.dma_semaphore, #tpu.memory_space<semaphore_mem>>, %arg12: memref<!tpu.dma_semaphore, #tpu.memory_space<semaphore_mem>>, %arg13: memref<!tpu.dma_semaphore, #tpu.memory_space<semaphore_mem>>, %arg14: memref<!tpu.dma_semaphore, #tpu.memory_space<semaphore_mem>>, %arg15: memref<!tpu.dma_semaphore, #tpu.memory_space<semaphore_mem>>, %arg16: memref<!tpu.dma_semaphore, #tpu.memory_space<semaphore_mem>>) attributes {dimension_semantics = [#tpu.dimension_semantics<core_parallel>, #tpu.dimension_semantics<subcore_parallel>], iteration_bounds = array<i64: 2, 16>, scalar_prefetch = 0 : i64, scratch_operands = 10 : i64, tpu.core_type = #tpu.core_type<sc_vector_subcore>, window_params = [{transform_indices = #map}, {transform_indices = #map}, {transform_indices = #map}, {transform_indices = #map}, {transform_indices = #map1}]} {
    %eq3A = arith.constant 0 : i32
    %eq3A_0 = arith.cmpi eq, %arg0, %eq3A : i32
    %mul3A = arith.constant 108 : i32
    %mul3A_1 = arith.muli %arg1, %mul3A : i32
    %mul3A_2 = arith.constant 108 : i32
    %mul3A_3 = arith.muli %arg1, %mul3A_2 : i32
    %add3A = arith.constant 1728 : i32
    %add3A_4 = arith.addi %add3A, %mul3A_3 : i32
    %select_n3A = arith.select %eq3A_0, %mul3A_1, %add3A_4 : i32
    %eq3A_5 = arith.constant 0 : i32
    %eq3A_6 = arith.cmpi eq, %arg0, %eq3A_5 : i32
    %jit3A = arith.constant 36 : i32
    %jit3A_7 = arith.constant 36 : i32
    %select_n3A_8 = arith.select %eq3A_6, %jit3A, %jit3A_7 : i32
    %mul3A_9 = arith.constant 632 : i32
    %mul3A_10 = arith.muli %arg1, %mul3A_9 : i32
    "tpu.region"() ({
      %run_scoped3A_216 = tpu.sem_alloc : memref<!tpu.dma_semaphore, #tpu.memory_space<semaphore_mem>>
      %dma_start3A_217 = arith.constant 0 : i32
      %dma_start3A_218 = tpu.memref_slice %arg10[%mul3A_10, %dma_start3A_217] : memref<10112x128xf32, #tpu.memory_space<vmem_shared>> -> memref<632x128xf32, #tpu.memory_space<vmem_shared>>
      tpu.enqueue_dma source(%arg5 : memref<632x128xf32, #tpu.memory_space<hbm>>) target(%dma_start3A_218 : memref<632x128xf32, #tpu.memory_space<vmem_shared>>) target_semaphore(%run_scoped3A_216 : memref<!tpu.dma_semaphore, #tpu.memory_space<semaphore_mem>>)
      %dma_wait3A_219 = arith.constant 0 : i32
      %dma_wait3A_220 = tpu.memref_slice %arg10[%mul3A_10, %dma_wait3A_219] : memref<10112x128xf32, #tpu.memory_space<vmem_shared>> -> memref<632x128xf32, #tpu.memory_space<vmem_shared>>
      tpu.wait_dma2 semaphore(%run_scoped3A_216 : memref<!tpu.dma_semaphore, #tpu.memory_space<semaphore_mem>>) src(%arg5 : memref<632x128xf32, #tpu.memory_space<hbm>>) dst(%dma_wait3A_220 : memref<632x128xf32, #tpu.memory_space<vmem_shared>>)
      tpu.yield
    }) : () -> ()
    %barrier3A = arith.constant 0 : index
    tpu.barrier barrier_id(%barrier3A)
    %dma_start3A = arith.constant 0 : i32
    %dma_start3A_11 = arith.constant 0 : i32
    %dma_start3A_12 = tpu.memref_slice %arg7[%dma_start3A, %dma_start3A_11] : memref<3x96xi32, #tpu.memory_space<vmem>> -> memref<1x96xi32, #tpu.memory_space<vmem>>
    %dma_start3A_13 = tpu.memref_squeeze %dma_start3A_12 : memref<1x96xi32, #tpu.memory_space<vmem>> -> memref<96xi32, #tpu.memory_space<vmem>>
    %dma_start3A_14 = arith.constant 0 : i32
    %dma_start3A_15 = tpu.memref_slice %arg3[%select_n3A, %dma_start3A_14] : memref<3456x96xi32, #tpu.memory_space<hbm>> -> memref<1x96xi32, #tpu.memory_space<hbm>>
    %dma_start3A_16 = tpu.memref_squeeze %dma_start3A_15 : memref<1x96xi32, #tpu.memory_space<hbm>> -> memref<96xi32, #tpu.memory_space<hbm>>
    %dma_start3A_17 = arith.constant 0 : i32
    %dma_start3A_18 = tpu.memref_slice %arg7[%dma_start3A, %dma_start3A_17] : memref<3x96xi32, #tpu.memory_space<vmem>> -> memref<1x96xi32, #tpu.memory_space<vmem>>
    %dma_start3A_19 = tpu.memref_squeeze %dma_start3A_18 : memref<1x96xi32, #tpu.memory_space<vmem>> -> memref<96xi32, #tpu.memory_space<vmem>>
    %dma_start3A_20 = arith.constant 0 : i32
    %dma_start3A_21 = tpu.memref_slice %arg3[%select_n3A, %dma_start3A_20] : memref<3456x96xi32, #tpu.memory_space<hbm>> -> memref<1x96xi32, #tpu.memory_space<hbm>>
    %dma_start3A_22 = tpu.memref_squeeze %dma_start3A_21 : memref<1x96xi32, #tpu.memory_space<hbm>> -> memref<96xi32, #tpu.memory_space<hbm>>
    tpu.enqueue_dma source(%dma_start3A_22 : memref<96xi32, #tpu.memory_space<hbm>>) target(%dma_start3A_19 : memref<96xi32, #tpu.memory_space<vmem>>) target_semaphore(%arg11 : memref<!tpu.dma_semaphore, #tpu.memory_space<semaphore_mem>>)
    %dma_start3A_23 = arith.constant 0 : i32
    %dma_start3A_24 = arith.constant 0 : i32
    %dma_start3A_25 = tpu.memref_slice %arg8[%dma_start3A_23, %dma_start3A_24] : memref<3x96xi32, #tpu.memory_space<vmem>> -> memref<1x96xi32, #tpu.memory_space<vmem>>
    %dma_start3A_26 = tpu.memref_squeeze %dma_start3A_25 : memref<1x96xi32, #tpu.memory_space<vmem>> -> memref<96xi32, #tpu.memory_space<vmem>>
    %dma_start3A_27 = arith.constant 0 : i32
    %dma_start3A_28 = tpu.memref_slice %arg4[%select_n3A, %dma_start3A_27] : memref<3456x96xi32, #tpu.memory_space<hbm>> -> memref<1x96xi32, #tpu.memory_space<hbm>>
    %dma_start3A_29 = tpu.memref_squeeze %dma_start3A_28 : memref<1x96xi32, #tpu.memory_space<hbm>> -> memref<96xi32, #tpu.memory_space<hbm>>
    %dma_start3A_30 = arith.constant 0 : i32
    %dma_start3A_31 = tpu.memref_slice %arg8[%dma_start3A_23, %dma_start3A_30] : memref<3x96xi32, #tpu.memory_space<vmem>> -> memref<1x96xi32, #tpu.memory_space<vmem>>
    %dma_start3A_32 = tpu.memref_squeeze %dma_start3A_31 : memref<1x96xi32, #tpu.memory_space<vmem>> -> memref<96xi32, #tpu.memory_space<vmem>>
    %dma_start3A_33 = arith.constant 0 : i32
    %dma_start3A_34 = tpu.memref_slice %arg4[%select_n3A, %dma_start3A_33] : memref<3456x96xi32, #tpu.memory_space<hbm>> -> memref<1x96xi32, #tpu.memory_space<hbm>>
    %dma_start3A_35 = tpu.memref_squeeze %dma_start3A_34 : memref<1x96xi32, #tpu.memory_space<hbm>> -> memref<96xi32, #tpu.memory_space<hbm>>
    tpu.enqueue_dma source(%dma_start3A_35 : memref<96xi32, #tpu.memory_space<hbm>>) target(%dma_start3A_32 : memref<96xi32, #tpu.memory_space<vmem>>) target_semaphore(%arg11 : memref<!tpu.dma_semaphore, #tpu.memory_space<semaphore_mem>>)
    %dma_wait3A = arith.constant 0 : i32
    %dma_wait3A_36 = arith.constant 0 : i32
    %dma_wait3A_37 = arith.constant 0 : i32
    %dma_wait3A_38 = tpu.memref_slice %arg7[%dma_wait3A_36, %dma_wait3A_37] : memref<3x96xi32, #tpu.memory_space<vmem>> -> memref<1x96xi32, #tpu.memory_space<vmem>>
    %dma_wait3A_39 = tpu.memref_squeeze %dma_wait3A_38 : memref<1x96xi32, #tpu.memory_space<vmem>> -> memref<96xi32, #tpu.memory_space<vmem>>
    %dma_wait3A_40 = arith.constant 0 : i32
    %dma_wait3A_41 = tpu.memref_slice %arg3[%dma_wait3A, %dma_wait3A_40] : memref<3456x96xi32, #tpu.memory_space<hbm>> -> memref<1x96xi32, #tpu.memory_space<hbm>>
    %dma_wait3A_42 = tpu.memref_squeeze %dma_wait3A_41 : memref<1x96xi32, #tpu.memory_space<hbm>> -> memref<96xi32, #tpu.memory_space<hbm>>
    %dma_wait3A_43 = arith.constant 0 : i32
    %dma_wait3A_44 = tpu.memref_slice %arg7[%dma_wait3A_36, %dma_wait3A_43] : memref<3x96xi32, #tpu.memory_space<vmem>> -> memref<1x96xi32, #tpu.memory_space<vmem>>
    %dma_wait3A_45 = tpu.memref_squeeze %dma_wait3A_44 : memref<1x96xi32, #tpu.memory_space<vmem>> -> memref<96xi32, #tpu.memory_space<vmem>>
    %dma_wait3A_46 = arith.constant 0 : i32
    %dma_wait3A_47 = tpu.memref_slice %arg3[%dma_wait3A, %dma_wait3A_46] : memref<3456x96xi32, #tpu.memory_space<hbm>> -> memref<1x96xi32, #tpu.memory_space<hbm>>
    %dma_wait3A_48 = tpu.memref_squeeze %dma_wait3A_47 : memref<1x96xi32, #tpu.memory_space<hbm>> -> memref<96xi32, #tpu.memory_space<hbm>>
    tpu.wait_dma2 semaphore(%arg11 : memref<!tpu.dma_semaphore, #tpu.memory_space<semaphore_mem>>) src(%dma_wait3A_48 : memref<96xi32, #tpu.memory_space<hbm>>) dst(%dma_wait3A_45 : memref<96xi32, #tpu.memory_space<vmem>>)
    %dma_wait3A_49 = arith.constant 0 : i32
    %dma_wait3A_50 = arith.constant 0 : i32
    %dma_wait3A_51 = arith.constant 0 : i32
    %dma_wait3A_52 = tpu.memref_slice %arg8[%dma_wait3A_50, %dma_wait3A_51] : memref<3x96xi32, #tpu.memory_space<vmem>> -> memref<1x96xi32, #tpu.memory_space<vmem>>
    %dma_wait3A_53 = tpu.memref_squeeze %dma_wait3A_52 : memref<1x96xi32, #tpu.memory_space<vmem>> -> memref<96xi32, #tpu.memory_space<vmem>>
    %dma_wait3A_54 = arith.constant 0 : i32
    %dma_wait3A_55 = tpu.memref_slice %arg4[%dma_wait3A_49, %dma_wait3A_54] : memref<3456x96xi32, #tpu.memory_space<hbm>> -> memref<1x96xi32, #tpu.memory_space<hbm>>
    %dma_wait3A_56 = tpu.memref_squeeze %dma_wait3A_55 : memref<1x96xi32, #tpu.memory_space<hbm>> -> memref<96xi32, #tpu.memory_space<hbm>>
    %dma_wait3A_57 = arith.constant 0 : i32
    %dma_wait3A_58 = tpu.memref_slice %arg8[%dma_wait3A_50, %dma_wait3A_57] : memref<3x96xi32, #tpu.memory_space<vmem>> -> memref<1x96xi32, #tpu.memory_space<vmem>>
    %dma_wait3A_59 = tpu.memref_squeeze %dma_wait3A_58 : memref<1x96xi32, #tpu.memory_space<vmem>> -> memref<96xi32, #tpu.memory_space<vmem>>
    %dma_wait3A_60 = arith.constant 0 : i32
    %dma_wait3A_61 = tpu.memref_slice %arg4[%dma_wait3A_49, %dma_wait3A_60] : memref<3456x96xi32, #tpu.memory_space<hbm>> -> memref<1x96xi32, #tpu.memory_space<hbm>>
    %dma_wait3A_62 = tpu.memref_squeeze %dma_wait3A_61 : memref<1x96xi32, #tpu.memory_space<hbm>> -> memref<96xi32, #tpu.memory_space<hbm>>
    tpu.wait_dma2 semaphore(%arg11 : memref<!tpu.dma_semaphore, #tpu.memory_space<semaphore_mem>>) src(%dma_wait3A_62 : memref<96xi32, #tpu.memory_space<hbm>>) dst(%dma_wait3A_59 : memref<96xi32, #tpu.memory_space<vmem>>)
    %dma_start3A_63 = arith.constant 0 : i32
    %dma_start3A_64 = arith.constant 0 : i32
    %dma_start3A_65 = arith.constant 0 : i32
    %dma_start3A_66 = arith.constant 0 : i32
    %dma_start3A_67 = tpu.memref_slice %arg9[%dma_start3A_64, %dma_start3A_65, %dma_start3A_66] : memref<3x96x128xf32, #tpu.memory_space<vmem>> -> memref<1x96x128xf32, #tpu.memory_space<vmem>>
    %dma_start3A_68 = tpu.memref_squeeze %dma_start3A_67 : memref<1x96x128xf32, #tpu.memory_space<vmem>> -> memref<96x128xf32, #tpu.memory_space<vmem>>
    %dma_start3A_69 = arith.constant 0 : i32
    %dma_start3A_70 = tpu.memref_slice %arg7[%dma_start3A_63, %dma_start3A_69] : memref<3x96xi32, #tpu.memory_space<vmem>> -> memref<1x96xi32, #tpu.memory_space<vmem>>
    %dma_start3A_71 = tpu.memref_squeeze %dma_start3A_70 : memref<1x96xi32, #tpu.memory_space<vmem>> -> memref<96xi32, #tpu.memory_space<vmem>>
    %dma_start3A_72 = arith.constant 0 : i32
    %dma_start3A_73 = arith.constant 0 : i32
    %dma_start3A_74 = tpu.memref_slice %arg2[%dma_start3A_72, %dma_start3A_73] : memref<10000x128xf32, #tpu.memory_space<hbm>> -> memref<10000x128xf32, #tpu.memory_space<hbm>>
    tpu.enqueue_indirect_dma source(%dma_start3A_74 : memref<10000x128xf32, #tpu.memory_space<hbm>>) target(%dma_start3A_68 : memref<96x128xf32, #tpu.memory_space<vmem>>) offsets(%dma_start3A_71 : memref<96xi32, #tpu.memory_space<vmem>>) semaphore(%arg14 : memref<!tpu.dma_semaphore, #tpu.memory_space<semaphore_mem>>)
    %add3A_75 = arith.constant 0 : i32
    %add3A_76 = arith.addi %select_n3A, %add3A_75 : i32
    %add3A_77 = arith.constant 1 : i32
    %add3A_78 = arith.addi %add3A_76, %add3A_77 : i32
    %dma_start3A_79 = arith.constant 1 : i32
    %dma_start3A_80 = arith.constant 0 : i32
    %dma_start3A_81 = tpu.memref_slice %arg7[%dma_start3A_79, %dma_start3A_80] : memref<3x96xi32, #tpu.memory_space<vmem>> -> memref<1x96xi32, #tpu.memory_space<vmem>>
    %dma_start3A_82 = tpu.memref_squeeze %dma_start3A_81 : memref<1x96xi32, #tpu.memory_space<vmem>> -> memref<96xi32, #tpu.memory_space<vmem>>
    %dma_start3A_83 = arith.constant 0 : i32
    %dma_start3A_84 = tpu.memref_slice %arg3[%add3A_78, %dma_start3A_83] : memref<3456x96xi32, #tpu.memory_space<hbm>> -> memref<1x96xi32, #tpu.memory_space<hbm>>
    %dma_start3A_85 = tpu.memref_squeeze %dma_start3A_84 : memref<1x96xi32, #tpu.memory_space<hbm>> -> memref<96xi32, #tpu.memory_space<hbm>>
    %dma_start3A_86 = arith.constant 0 : i32
    %dma_start3A_87 = tpu.memref_slice %arg7[%dma_start3A_79, %dma_start3A_86] : memref<3x96xi32, #tpu.memory_space<vmem>> -> memref<1x96xi32, #tpu.memory_space<vmem>>
    %dma_start3A_88 = tpu.memref_squeeze %dma_start3A_87 : memref<1x96xi32, #tpu.memory_space<vmem>> -> memref<96xi32, #tpu.memory_space<vmem>>
    %dma_start3A_89 = arith.constant 0 : i32
    %dma_start3A_90 = tpu.memref_slice %arg3[%add3A_78, %dma_start3A_89] : memref<3456x96xi32, #tpu.memory_space<hbm>> -> memref<1x96xi32, #tpu.memory_space<hbm>>
    %dma_start3A_91 = tpu.memref_squeeze %dma_start3A_90 : memref<1x96xi32, #tpu.memory_space<hbm>> -> memref<96xi32, #tpu.memory_space<hbm>>
    tpu.enqueue_dma source(%dma_start3A_91 : memref<96xi32, #tpu.memory_space<hbm>>) target(%dma_start3A_88 : memref<96xi32, #tpu.memory_space<vmem>>) target_semaphore(%arg12 : memref<!tpu.dma_semaphore, #tpu.memory_space<semaphore_mem>>)
    %dma_start3A_92 = arith.constant 1 : i32
    %dma_start3A_93 = arith.constant 0 : i32
    %dma_start3A_94 = tpu.memref_slice %arg8[%dma_start3A_92, %dma_start3A_93] : memref<3x96xi32, #tpu.memory_space<vmem>> -> memref<1x96xi32, #tpu.memory_space<vmem>>
    %dma_start3A_95 = tpu.memref_squeeze %dma_start3A_94 : memref<1x96xi32, #tpu.memory_space<vmem>> -> memref<96xi32, #tpu.memory_space<vmem>>
    %dma_start3A_96 = arith.constant 0 : i32
    %dma_start3A_97 = tpu.memref_slice %arg4[%add3A_78, %dma_start3A_96] : memref<3456x96xi32, #tpu.memory_space<hbm>> -> memref<1x96xi32, #tpu.memory_space<hbm>>
    %dma_start3A_98 = tpu.memref_squeeze %dma_start3A_97 : memref<1x96xi32, #tpu.memory_space<hbm>> -> memref<96xi32, #tpu.memory_space<hbm>>
    %dma_start3A_99 = arith.constant 0 : i32
    %dma_start3A_100 = tpu.memref_slice %arg8[%dma_start3A_92, %dma_start3A_99] : memref<3x96xi32, #tpu.memory_space<vmem>> -> memref<1x96xi32, #tpu.memory_space<vmem>>
    %dma_start3A_101 = tpu.memref_squeeze %dma_start3A_100 : memref<1x96xi32, #tpu.memory_space<vmem>> -> memref<96xi32, #tpu.memory_space<vmem>>
    %dma_start3A_102 = arith.constant 0 : i32
    %dma_start3A_103 = tpu.memref_slice %arg4[%add3A_78, %dma_start3A_102] : memref<3456x96xi32, #tpu.memory_space<hbm>> -> memref<1x96xi32, #tpu.memory_space<hbm>>
    %dma_start3A_104 = tpu.memref_squeeze %dma_start3A_103 : memref<1x96xi32, #tpu.memory_space<hbm>> -> memref<96xi32, #tpu.memory_space<hbm>>
    tpu.enqueue_dma source(%dma_start3A_104 : memref<96xi32, #tpu.memory_space<hbm>>) target(%dma_start3A_101 : memref<96xi32, #tpu.memory_space<vmem>>) target_semaphore(%arg12 : memref<!tpu.dma_semaphore, #tpu.memory_space<semaphore_mem>>)
    %dma_wait3A_105 = arith.constant 0 : i32
    %dma_wait3A_106 = arith.constant 1 : i32
    %dma_wait3A_107 = arith.constant 0 : i32
    %dma_wait3A_108 = tpu.memref_slice %arg7[%dma_wait3A_106, %dma_wait3A_107] : memref<3x96xi32, #tpu.memory_space<vmem>> -> memref<1x96xi32, #tpu.memory_space<vmem>>
    %dma_wait3A_109 = tpu.memref_squeeze %dma_wait3A_108 : memref<1x96xi32, #tpu.memory_space<vmem>> -> memref<96xi32, #tpu.memory_space<vmem>>
    %dma_wait3A_110 = arith.constant 0 : i32
    %dma_wait3A_111 = tpu.memref_slice %arg3[%dma_wait3A_105, %dma_wait3A_110] : memref<3456x96xi32, #tpu.memory_space<hbm>> -> memref<1x96xi32, #tpu.memory_space<hbm>>
    %dma_wait3A_112 = tpu.memref_squeeze %dma_wait3A_111 : memref<1x96xi32, #tpu.memory_space<hbm>> -> memref<96xi32, #tpu.memory_space<hbm>>
    %dma_wait3A_113 = arith.constant 0 : i32
    %dma_wait3A_114 = tpu.memref_slice %arg7[%dma_wait3A_106, %dma_wait3A_113] : memref<3x96xi32, #tpu.memory_space<vmem>> -> memref<1x96xi32, #tpu.memory_space<vmem>>
    %dma_wait3A_115 = tpu.memref_squeeze %dma_wait3A_114 : memref<1x96xi32, #tpu.memory_space<vmem>> -> memref<96xi32, #tpu.memory_space<vmem>>
    %dma_wait3A_116 = arith.constant 0 : i32
    %dma_wait3A_117 = tpu.memref_slice %arg3[%dma_wait3A_105, %dma_wait3A_116] : memref<3456x96xi32, #tpu.memory_space<hbm>> -> memref<1x96xi32, #tpu.memory_space<hbm>>
    %dma_wait3A_118 = tpu.memref_squeeze %dma_wait3A_117 : memref<1x96xi32, #tpu.memory_space<hbm>> -> memref<96xi32, #tpu.memory_space<hbm>>
    tpu.wait_dma2 semaphore(%arg12 : memref<!tpu.dma_semaphore, #tpu.memory_space<semaphore_mem>>) src(%dma_wait3A_118 : memref<96xi32, #tpu.memory_space<hbm>>) dst(%dma_wait3A_115 : memref<96xi32, #tpu.memory_space<vmem>>)
    %dma_wait3A_119 = arith.constant 0 : i32
    %dma_wait3A_120 = arith.constant 1 : i32
    %dma_wait3A_121 = arith.constant 0 : i32
    %dma_wait3A_122 = tpu.memref_slice %arg8[%dma_wait3A_120, %dma_wait3A_121] : memref<3x96xi32, #tpu.memory_space<vmem>> -> memref<1x96xi32, #tpu.memory_space<vmem>>
    %dma_wait3A_123 = tpu.memref_squeeze %dma_wait3A_122 : memref<1x96xi32, #tpu.memory_space<vmem>> -> memref<96xi32, #tpu.memory_space<vmem>>
    %dma_wait3A_124 = arith.constant 0 : i32
    %dma_wait3A_125 = tpu.memref_slice %arg4[%dma_wait3A_119, %dma_wait3A_124] : memref<3456x96xi32, #tpu.memory_space<hbm>> -> memref<1x96xi32, #tpu.memory_space<hbm>>
    %dma_wait3A_126 = tpu.memref_squeeze %dma_wait3A_125 : memref<1x96xi32, #tpu.memory_space<hbm>> -> memref<96xi32, #tpu.memory_space<hbm>>
    %dma_wait3A_127 = arith.constant 0 : i32
    %dma_wait3A_128 = tpu.memref_slice %arg8[%dma_wait3A_120, %dma_wait3A_127] : memref<3x96xi32, #tpu.memory_space<vmem>> -> memref<1x96xi32, #tpu.memory_space<vmem>>
    %dma_wait3A_129 = tpu.memref_squeeze %dma_wait3A_128 : memref<1x96xi32, #tpu.memory_space<vmem>> -> memref<96xi32, #tpu.memory_space<vmem>>
    %dma_wait3A_130 = arith.constant 0 : i32
    %dma_wait3A_131 = tpu.memref_slice %arg4[%dma_wait3A_119, %dma_wait3A_130] : memref<3456x96xi32, #tpu.memory_space<hbm>> -> memref<1x96xi32, #tpu.memory_space<hbm>>
    %dma_wait3A_132 = tpu.memref_squeeze %dma_wait3A_131 : memref<1x96xi32, #tpu.memory_space<hbm>> -> memref<96xi32, #tpu.memory_space<hbm>>
    tpu.wait_dma2 semaphore(%arg12 : memref<!tpu.dma_semaphore, #tpu.memory_space<semaphore_mem>>) src(%dma_wait3A_132 : memref<96xi32, #tpu.memory_space<hbm>>) dst(%dma_wait3A_129 : memref<96xi32, #tpu.memory_space<vmem>>)
    %dma_start3A_133 = arith.constant 1 : i32
    %dma_start3A_134 = arith.constant 1 : i32
    %dma_start3A_135 = arith.constant 0 : i32
    %dma_start3A_136 = arith.constant 0 : i32
    %dma_start3A_137 = tpu.memref_slice %arg9[%dma_start3A_134, %dma_start3A_135, %dma_start3A_136] : memref<3x96x128xf32, #tpu.memory_space<vmem>> -> memref<1x96x128xf32, #tpu.memory_space<vmem>>
    %dma_start3A_138 = tpu.memref_squeeze %dma_start3A_137 : memref<1x96x128xf32, #tpu.memory_space<vmem>> -> memref<96x128xf32, #tpu.memory_space<vmem>>
    %dma_start3A_139 = arith.constant 0 : i32
    %dma_start3A_140 = tpu.memref_slice %arg7[%dma_start3A_133, %dma_start3A_139] : memref<3x96xi32, #tpu.memory_space<vmem>> -> memref<1x96xi32, #tpu.memory_space<vmem>>
    %dma_start3A_141 = tpu.memref_squeeze %dma_start3A_140 : memref<1x96xi32, #tpu.memory_space<vmem>> -> memref<96xi32, #tpu.memory_space<vmem>>
    %dma_start3A_142 = arith.constant 0 : i32
    %dma_start3A_143 = arith.constant 0 : i32
    %dma_start3A_144 = tpu.memref_slice %arg2[%dma_start3A_142, %dma_start3A_143] : memref<10000x128xf32, #tpu.memory_space<hbm>> -> memref<10000x128xf32, #tpu.memory_space<hbm>>
    tpu.enqueue_indirect_dma source(%dma_start3A_144 : memref<10000x128xf32, #tpu.memory_space<hbm>>) target(%dma_start3A_138 : memref<96x128xf32, #tpu.memory_space<vmem>>) offsets(%dma_start3A_141 : memref<96xi32, #tpu.memory_space<vmem>>) semaphore(%arg15 : memref<!tpu.dma_semaphore, #tpu.memory_space<semaphore_mem>>)
    %add3A_145 = arith.constant 1 : i32
    %add3A_146 = arith.addi %select_n3A, %add3A_145 : i32
    %add3A_147 = arith.constant 1 : i32
    %add3A_148 = arith.addi %add3A_146, %add3A_147 : i32
    %dma_start3A_149 = arith.constant 2 : i32
    %dma_start3A_150 = arith.constant 0 : i32
    %dma_start3A_151 = tpu.memref_slice %arg7[%dma_start3A_149, %dma_start3A_150] : memref<3x96xi32, #tpu.memory_space<vmem>> -> memref<1x96xi32, #tpu.memory_space<vmem>>
    %dma_start3A_152 = tpu.memref_squeeze %dma_start3A_151 : memref<1x96xi32, #tpu.memory_space<vmem>> -> memref<96xi32, #tpu.memory_space<vmem>>
    %dma_start3A_153 = arith.constant 0 : i32
    %dma_start3A_154 = tpu.memref_slice %arg3[%add3A_148, %dma_start3A_153] : memref<3456x96xi32, #tpu.memory_space<hbm>> -> memref<1x96xi32, #tpu.memory_space<hbm>>
    %dma_start3A_155 = tpu.memref_squeeze %dma_start3A_154 : memref<1x96xi32, #tpu.memory_space<hbm>> -> memref<96xi32, #tpu.memory_space<hbm>>
    %dma_start3A_156 = arith.constant 0 : i32
    %dma_start3A_157 = tpu.memref_slice %arg7[%dma_start3A_149, %dma_start3A_156] : memref<3x96xi32, #tpu.memory_space<vmem>> -> memref<1x96xi32, #tpu.memory_space<vmem>>
    %dma_start3A_158 = tpu.memref_squeeze %dma_start3A_157 : memref<1x96xi32, #tpu.memory_space<vmem>> -> memref<96xi32, #tpu.memory_space<vmem>>
    %dma_start3A_159 = arith.constant 0 : i32
    %dma_start3A_160 = tpu.memref_slice %arg3[%add3A_148, %dma_start3A_159] : memref<3456x96xi32, #tpu.memory_space<hbm>> -> memref<1x96xi32, #tpu.memory_space<hbm>>
    %dma_start3A_161 = tpu.memref_squeeze %dma_start3A_160 : memref<1x96xi32, #tpu.memory_space<hbm>> -> memref<96xi32, #tpu.memory_space<hbm>>
    tpu.enqueue_dma source(%dma_start3A_161 : memref<96xi32, #tpu.memory_space<hbm>>) target(%dma_start3A_158 : memref<96xi32, #tpu.memory_space<vmem>>) target_semaphore(%arg13 : memref<!tpu.dma_semaphore, #tpu.memory_space<semaphore_mem>>)
    %dma_start3A_162 = arith.constant 2 : i32
    %dma_start3A_163 = arith.constant 0 : i32
    %dma_start3A_164 = tpu.memref_slice %arg8[%dma_start3A_162, %dma_start3A_163] : memref<3x96xi32, #tpu.memory_space<vmem>> -> memref<1x96xi32, #tpu.memory_space<vmem>>
    %dma_start3A_165 = tpu.memref_squeeze %dma_start3A_164 : memref<1x96xi32, #tpu.memory_space<vmem>> -> memref<96xi32, #tpu.memory_space<vmem>>
    %dma_start3A_166 = arith.constant 0 : i32
    %dma_start3A_167 = tpu.memref_slice %arg4[%add3A_148, %dma_start3A_166] : memref<3456x96xi32, #tpu.memory_space<hbm>> -> memref<1x96xi32, #tpu.memory_space<hbm>>
    %dma_start3A_168 = tpu.memref_squeeze %dma_start3A_167 : memref<1x96xi32, #tpu.memory_space<hbm>> -> memref<96xi32, #tpu.memory_space<hbm>>
    %dma_start3A_169 = arith.constant 0 : i32
    %dma_start3A_170 = tpu.memref_slice %arg8[%dma_start3A_162, %dma_start3A_169] : memref<3x96xi32, #tpu.memory_space<vmem>> -> memref<1x96xi32, #tpu.memory_space<vmem>>
    %dma_start3A_171 = tpu.memref_squeeze %dma_start3A_170 : memref<1x96xi32, #tpu.memory_space<vmem>> -> memref<96xi32, #tpu.memory_space<vmem>>
    %dma_start3A_172 = arith.constant 0 : i32
    %dma_start3A_173 = tpu.memref_slice %arg4[%add3A_148, %dma_start3A_172] : memref<3456x96xi32, #tpu.memory_space<hbm>> -> memref<1x96xi32, #tpu.memory_space<hbm>>
    %dma_start3A_174 = tpu.memref_squeeze %dma_start3A_173 : memref<1x96xi32, #tpu.memory_space<hbm>> -> memref<96xi32, #tpu.memory_space<hbm>>
    tpu.enqueue_dma source(%dma_start3A_174 : memref<96xi32, #tpu.memory_space<hbm>>) target(%dma_start3A_171 : memref<96xi32, #tpu.memory_space<vmem>>) target_semaphore(%arg13 : memref<!tpu.dma_semaphore, #tpu.memory_space<semaphore_mem>>)
    %while3A = arith.constant 0 : i32
    %while3A_175 = arith.constant 0 : i32
    %while3A_176 = arith.subi %select_n3A_8, %while3A_175 : i32
    %while3A_177 = arith.addi %while3A_175, %while3A_176 : i32
    %while3A_178 = arith.constant 1 : i32
    %while3A_179 = arith.divsi %while3A_176, %while3A_178 : i32
    %while3A_180 = arith.muli %while3A_179, %while3A_178 : i32
    %while3A_181 = arith.addi %while3A_175, %while3A_180 : i32
    %while3A_182 = arith.constant 1 : i32
    scf.for %while3A_216 = %while3A_175 to %while3A_181 step %while3A_182  : i32 {
      %mul3A_217 = arith.constant 3 : i32
      %mul3A_218 = arith.muli %mul3A_217, %while3A_216 : i32
      %add3A_219 = arith.addi %select_n3A, %mul3A_218 : i32
      %gt3A = arith.constant 0 : i32
      %gt3A_220 = arith.cmpi sgt, %while3A_216, %gt3A : i32
      %convert_element_type3A = arith.extui %gt3A_220 : i1 to i32
      %cond3A = arith.constant 0 : i32
      %cond3A_221 = arith.cmpi ne, %convert_element_type3A, %cond3A : i32
      scf.if %cond3A_221 {
        %dma_wait3A_285 = arith.constant 0 : i32
        %dma_wait3A_286 = arith.constant 0 : i32
        %dma_wait3A_287 = arith.constant 0 : i32
        %dma_wait3A_288 = tpu.memref_slice %arg7[%dma_wait3A_286, %dma_wait3A_287] : memref<3x96xi32, #tpu.memory_space<vmem>> -> memref<1x96xi32, #tpu.memory_space<vmem>>
        %dma_wait3A_289 = tpu.memref_squeeze %dma_wait3A_288 : memref<1x96xi32, #tpu.memory_space<vmem>> -> memref<96xi32, #tpu.memory_space<vmem>>
        %dma_wait3A_290 = arith.constant 0 : i32
        %dma_wait3A_291 = tpu.memref_slice %arg3[%dma_wait3A_285, %dma_wait3A_290] : memref<3456x96xi32, #tpu.memory_space<hbm>> -> memref<1x96xi32, #tpu.memory_space<hbm>>
        %dma_wait3A_292 = tpu.memref_squeeze %dma_wait3A_291 : memref<1x96xi32, #tpu.memory_space<hbm>> -> memref<96xi32, #tpu.memory_space<hbm>>
        %dma_wait3A_293 = arith.constant 0 : i32
        %dma_wait3A_294 = tpu.memref_slice %arg7[%dma_wait3A_286, %dma_wait3A_293] : memref<3x96xi32, #tpu.memory_space<vmem>> -> memref<1x96xi32, #tpu.memory_space<vmem>>
        %dma_wait3A_295 = tpu.memref_squeeze %dma_wait3A_294 : memref<1x96xi32, #tpu.memory_space<vmem>> -> memref<96xi32, #tpu.memory_space<vmem>>
        %dma_wait3A_296 = arith.constant 0 : i32
        %dma_wait3A_297 = tpu.memref_slice %arg3[%dma_wait3A_285, %dma_wait3A_296] : memref<3456x96xi32, #tpu.memory_space<hbm>> -> memref<1x96xi32, #tpu.memory_space<hbm>>
        %dma_wait3A_298 = tpu.memref_squeeze %dma_wait3A_297 : memref<1x96xi32, #tpu.memory_space<hbm>> -> memref<96xi32, #tpu.memory_space<hbm>>
        tpu.wait_dma2 semaphore(%arg11 : memref<!tpu.dma_semaphore, #tpu.memory_space<semaphore_mem>>) src(%dma_wait3A_298 : memref<96xi32, #tpu.memory_space<hbm>>) dst(%dma_wait3A_295 : memref<96xi32, #tpu.memory_space<vmem>>)
        %dma_wait3A_299 = arith.constant 0 : i32
        %dma_wait3A_300 = arith.constant 0 : i32
        %dma_wait3A_301 = arith.constant 0 : i32
        %dma_wait3A_302 = tpu.memref_slice %arg8[%dma_wait3A_300, %dma_wait3A_301] : memref<3x96xi32, #tpu.memory_space<vmem>> -> memref<1x96xi32, #tpu.memory_space<vmem>>
        %dma_wait3A_303 = tpu.memref_squeeze %dma_wait3A_302 : memref<1x96xi32, #tpu.memory_space<vmem>> -> memref<96xi32, #tpu.memory_space<vmem>>
        %dma_wait3A_304 = arith.constant 0 : i32
        %dma_wait3A_305 = tpu.memref_slice %arg4[%dma_wait3A_299, %dma_wait3A_304] : memref<3456x96xi32, #tpu.memory_space<hbm>> -> memref<1x96xi32, #tpu.memory_space<hbm>>
        %dma_wait3A_306 = tpu.memref_squeeze %dma_wait3A_305 : memref<1x96xi32, #tpu.memory_space<hbm>> -> memref<96xi32, #tpu.memory_space<hbm>>
        %dma_wait3A_307 = arith.constant 0 : i32
        %dma_wait3A_308 = tpu.memref_slice %arg8[%dma_wait3A_300, %dma_wait3A_307] : memref<3x96xi32, #tpu.memory_space<vmem>> -> memref<1x96xi32, #tpu.memory_space<vmem>>
        %dma_wait3A_309 = tpu.memref_squeeze %dma_wait3A_308 : memref<1x96xi32, #tpu.memory_space<vmem>> -> memref<96xi32, #tpu.memory_space<vmem>>
        %dma_wait3A_310 = arith.constant 0 : i32
        %dma_wait3A_311 = tpu.memref_slice %arg4[%dma_wait3A_299, %dma_wait3A_310] : memref<3456x96xi32, #tpu.memory_space<hbm>> -> memref<1x96xi32, #tpu.memory_space<hbm>>
        %dma_wait3A_312 = tpu.memref_squeeze %dma_wait3A_311 : memref<1x96xi32, #tpu.memory_space<hbm>> -> memref<96xi32, #tpu.memory_space<hbm>>
        tpu.wait_dma2 semaphore(%arg11 : memref<!tpu.dma_semaphore, #tpu.memory_space<semaphore_mem>>) src(%dma_wait3A_312 : memref<96xi32, #tpu.memory_space<hbm>>) dst(%dma_wait3A_309 : memref<96xi32, #tpu.memory_space<vmem>>)
        %dma_start3A_313 = arith.constant 0 : i32
        %dma_start3A_314 = arith.constant 0 : i32
        %dma_start3A_315 = arith.constant 0 : i32
        %dma_start3A_316 = arith.constant 0 : i32
        %dma_start3A_317 = tpu.memref_slice %arg9[%dma_start3A_314, %dma_start3A_315, %dma_start3A_316] : memref<3x96x128xf32, #tpu.memory_space<vmem>> -> memref<1x96x128xf32, #tpu.memory_space<vmem>>
        %dma_start3A_318 = tpu.memref_squeeze %dma_start3A_317 : memref<1x96x128xf32, #tpu.memory_space<vmem>> -> memref<96x128xf32, #tpu.memory_space<vmem>>
        %dma_start3A_319 = arith.constant 0 : i32
        %dma_start3A_320 = tpu.memref_slice %arg7[%dma_start3A_313, %dma_start3A_319] : memref<3x96xi32, #tpu.memory_space<vmem>> -> memref<1x96xi32, #tpu.memory_space<vmem>>
        %dma_start3A_321 = tpu.memref_squeeze %dma_start3A_320 : memref<1x96xi32, #tpu.memory_space<vmem>> -> memref<96xi32, #tpu.memory_space<vmem>>
        %dma_start3A_322 = arith.constant 0 : i32
        %dma_start3A_323 = arith.constant 0 : i32
        %dma_start3A_324 = tpu.memref_slice %arg2[%dma_start3A_322, %dma_start3A_323] : memref<10000x128xf32, #tpu.memory_space<hbm>> -> memref<10000x128xf32, #tpu.memory_space<hbm>>
        tpu.enqueue_indirect_dma source(%dma_start3A_324 : memref<10000x128xf32, #tpu.memory_space<hbm>>) target(%dma_start3A_318 : memref<96x128xf32, #tpu.memory_space<vmem>>) offsets(%dma_start3A_321 : memref<96xi32, #tpu.memory_space<vmem>>) semaphore(%arg14 : memref<!tpu.dma_semaphore, #tpu.memory_space<semaphore_mem>>)
        %dma_wait3A_325 = arith.constant 1 : i32
        %dma_wait3A_326 = arith.constant 1 : i32
        %dma_wait3A_327 = arith.constant 0 : i32
        %dma_wait3A_328 = arith.constant 0 : i32
        %dma_wait3A_329 = tpu.memref_slice %arg9[%dma_wait3A_326, %dma_wait3A_327, %dma_wait3A_328] : memref<3x96x128xf32, #tpu.memory_space<vmem>> -> memref<1x96x128xf32, #tpu.memory_space<vmem>>
        %dma_wait3A_330 = tpu.memref_squeeze %dma_wait3A_329 : memref<1x96x128xf32, #tpu.memory_space<vmem>> -> memref<96x128xf32, #tpu.memory_space<vmem>>
        %dma_wait3A_331 = arith.constant 0 : i32
        %dma_wait3A_332 = tpu.memref_slice %arg7[%dma_wait3A_325, %dma_wait3A_331] : memref<3x96xi32, #tpu.memory_space<vmem>> -> memref<1x96xi32, #tpu.memory_space<vmem>>
        %dma_wait3A_333 = tpu.memref_squeeze %dma_wait3A_332 : memref<1x96xi32, #tpu.memory_space<vmem>> -> memref<96xi32, #tpu.memory_space<vmem>>
        %dma_wait3A_334 = arith.constant 0 : i32
        %dma_wait3A_335 = arith.constant 0 : i32
        %dma_wait3A_336 = tpu.memref_slice %arg2[%dma_wait3A_334, %dma_wait3A_335] : memref<10000x128xf32, #tpu.memory_space<hbm>> -> memref<10000x128xf32, #tpu.memory_space<hbm>>
        tpu.wait_indirect_dma semaphore(%arg15 : memref<!tpu.dma_semaphore, #tpu.memory_space<semaphore_mem>>) src(%dma_wait3A_336 : memref<10000x128xf32, #tpu.memory_space<hbm>>) dst(%dma_wait3A_330 : memref<96x128xf32, #tpu.memory_space<vmem>>)
        %run_scoped3A_337 = arith.constant 1 : i32
        %run_scoped3A_338 = arith.constant 1 : i32
        "tpu.region"() ({
          %run_scoped3A_369 = tpu.sem_alloc : memref<!tpu.dma_semaphore, #tpu.memory_space<semaphore_mem>>
          %dma_start3A_370 = arith.constant 0 : i32
          %dma_start3A_371 = arith.constant 0 : i32
          %dma_start3A_372 = tpu.memref_slice %arg9[%run_scoped3A_337, %dma_start3A_370, %dma_start3A_371] : memref<3x96x128xf32, #tpu.memory_space<vmem>> -> memref<1x96x128xf32, #tpu.memory_space<vmem>>
          %dma_start3A_373 = tpu.memref_squeeze %dma_start3A_372 : memref<1x96x128xf32, #tpu.memory_space<vmem>> -> memref<96x128xf32, #tpu.memory_space<vmem>>
          %dma_start3A_374 = arith.constant 0 : i32
          %dma_start3A_375 = tpu.memref_slice %arg8[%run_scoped3A_338, %dma_start3A_374] : memref<3x96xi32, #tpu.memory_space<vmem>> -> memref<1x96xi32, #tpu.memory_space<vmem>>
          %dma_start3A_376 = tpu.memref_squeeze %dma_start3A_375 : memref<1x96xi32, #tpu.memory_space<vmem>> -> memref<96xi32, #tpu.memory_space<vmem>>
          %dma_start3A_377 = arith.constant 0 : i32
          %dma_start3A_378 = arith.constant 0 : i32
          %dma_start3A_379 = tpu.memref_slice %arg10[%dma_start3A_377, %dma_start3A_378] : memref<10112x128xf32, #tpu.memory_space<vmem_shared>> -> memref<10112x128xf32, #tpu.memory_space<vmem_shared>>
          tpu.enqueue_indirect_dma source(%dma_start3A_373 : memref<96x128xf32, #tpu.memory_space<vmem>>) target(%dma_start3A_379 : memref<10112x128xf32, #tpu.memory_space<vmem_shared>>) offsets(%dma_start3A_376 : memref<96xi32, #tpu.memory_space<vmem>>) semaphore(%run_scoped3A_369 : memref<!tpu.dma_semaphore, #tpu.memory_space<semaphore_mem>>) {add = true}
          %dma_wait3A_380 = arith.constant 0 : i32
          %dma_wait3A_381 = arith.constant 0 : i32
          %dma_wait3A_382 = tpu.memref_slice %arg9[%run_scoped3A_337, %dma_wait3A_380, %dma_wait3A_381] : memref<3x96x128xf32, #tpu.memory_space<vmem>> -> memref<1x96x128xf32, #tpu.memory_space<vmem>>
          %dma_wait3A_383 = tpu.memref_squeeze %dma_wait3A_382 : memref<1x96x128xf32, #tpu.memory_space<vmem>> -> memref<96x128xf32, #tpu.memory_space<vmem>>
          %dma_wait3A_384 = arith.constant 0 : i32
          %dma_wait3A_385 = tpu.memref_slice %arg8[%run_scoped3A_338, %dma_wait3A_384] : memref<3x96xi32, #tpu.memory_space<vmem>> -> memref<1x96xi32, #tpu.memory_space<vmem>>
          %dma_wait3A_386 = tpu.memref_squeeze %dma_wait3A_385 : memref<1x96xi32, #tpu.memory_space<vmem>> -> memref<96xi32, #tpu.memory_space<vmem>>
          %dma_wait3A_387 = arith.constant 0 : i32
          %dma_wait3A_388 = arith.constant 0 : i32
          %dma_wait3A_389 = tpu.memref_slice %arg10[%dma_wait3A_387, %dma_wait3A_388] : memref<10112x128xf32, #tpu.memory_space<vmem_shared>> -> memref<10112x128xf32, #tpu.memory_space<vmem_shared>>
          tpu.wait_indirect_dma semaphore(%run_scoped3A_369 : memref<!tpu.dma_semaphore, #tpu.memory_space<semaphore_mem>>) src(%dma_wait3A_383 : memref<96x128xf32, #tpu.memory_space<vmem>>) dst(%dma_wait3A_389 : memref<10112x128xf32, #tpu.memory_space<vmem_shared>>)
          tpu.yield
        }) : () -> ()
        %add3A_339 = arith.constant 0 : i32
        %add3A_340 = arith.addi %add3A_219, %add3A_339 : i32
        %add3A_341 = arith.constant 1 : i32
        %add3A_342 = arith.addi %add3A_340, %add3A_341 : i32
        %dma_start3A_343 = arith.constant 1 : i32
        %dma_start3A_344 = arith.constant 0 : i32
        %dma_start3A_345 = tpu.memref_slice %arg7[%dma_start3A_343, %dma_start3A_344] : memref<3x96xi32, #tpu.memory_space<vmem>> -> memref<1x96xi32, #tpu.memory_space<vmem>>
        %dma_start3A_346 = tpu.memref_squeeze %dma_start3A_345 : memref<1x96xi32, #tpu.memory_space<vmem>> -> memref<96xi32, #tpu.memory_space<vmem>>
        %dma_start3A_347 = arith.constant 0 : i32
        %dma_start3A_348 = tpu.memref_slice %arg3[%add3A_342, %dma_start3A_347] : memref<3456x96xi32, #tpu.memory_space<hbm>> -> memref<1x96xi32, #tpu.memory_space<hbm>>
        %dma_start3A_349 = tpu.memref_squeeze %dma_start3A_348 : memref<1x96xi32, #tpu.memory_space<hbm>> -> memref<96xi32, #tpu.memory_space<hbm>>
        %dma_start3A_350 = arith.constant 0 : i32
        %dma_start3A_351 = tpu.memref_slice %arg7[%dma_start3A_343, %dma_start3A_350] : memref<3x96xi32, #tpu.memory_space<vmem>> -> memref<1x96xi32, #tpu.memory_space<vmem>>
        %dma_start3A_352 = tpu.memref_squeeze %dma_start3A_351 : memref<1x96xi32, #tpu.memory_space<vmem>> -> memref<96xi32, #tpu.memory_space<vmem>>
        %dma_start3A_353 = arith.constant 0 : i32
        %dma_start3A_354 = tpu.memref_slice %arg3[%add3A_342, %dma_start3A_353] : memref<3456x96xi32, #tpu.memory_space<hbm>> -> memref<1x96xi32, #tpu.memory_space<hbm>>
        %dma_start3A_355 = tpu.memref_squeeze %dma_start3A_354 : memref<1x96xi32, #tpu.memory_space<hbm>> -> memref<96xi32, #tpu.memory_space<hbm>>
        tpu.enqueue_dma source(%dma_start3A_355 : memref<96xi32, #tpu.memory_space<hbm>>) target(%dma_start3A_352 : memref<96xi32, #tpu.memory_space<vmem>>) target_semaphore(%arg12 : memref<!tpu.dma_semaphore, #tpu.memory_space<semaphore_mem>>)
        %dma_start3A_356 = arith.constant 1 : i32
        %dma_start3A_357 = arith.constant 0 : i32
        %dma_start3A_358 = tpu.memref_slice %arg8[%dma_start3A_356, %dma_start3A_357] : memref<3x96xi32, #tpu.memory_space<vmem>> -> memref<1x96xi32, #tpu.memory_space<vmem>>
        %dma_start3A_359 = tpu.memref_squeeze %dma_start3A_358 : memref<1x96xi32, #tpu.memory_space<vmem>> -> memref<96xi32, #tpu.memory_space<vmem>>
        %dma_start3A_360 = arith.constant 0 : i32
        %dma_start3A_361 = tpu.memref_slice %arg4[%add3A_342, %dma_start3A_360] : memref<3456x96xi32, #tpu.memory_space<hbm>> -> memref<1x96xi32, #tpu.memory_space<hbm>>
        %dma_start3A_362 = tpu.memref_squeeze %dma_start3A_361 : memref<1x96xi32, #tpu.memory_space<hbm>> -> memref<96xi32, #tpu.memory_space<hbm>>
        %dma_start3A_363 = arith.constant 0 : i32
        %dma_start3A_364 = tpu.memref_slice %arg8[%dma_start3A_356, %dma_start3A_363] : memref<3x96xi32, #tpu.memory_space<vmem>> -> memref<1x96xi32, #tpu.memory_space<vmem>>
        %dma_start3A_365 = tpu.memref_squeeze %dma_start3A_364 : memref<1x96xi32, #tpu.memory_space<vmem>> -> memref<96xi32, #tpu.memory_space<vmem>>
        %dma_start3A_366 = arith.constant 0 : i32
        %dma_start3A_367 = tpu.memref_slice %arg4[%add3A_342, %dma_start3A_366] : memref<3456x96xi32, #tpu.memory_space<hbm>> -> memref<1x96xi32, #tpu.memory_space<hbm>>
        %dma_start3A_368 = tpu.memref_squeeze %dma_start3A_367 : memref<1x96xi32, #tpu.memory_space<hbm>> -> memref<96xi32, #tpu.memory_space<hbm>>
        tpu.enqueue_dma source(%dma_start3A_368 : memref<96xi32, #tpu.memory_space<hbm>>) target(%dma_start3A_365 : memref<96xi32, #tpu.memory_space<vmem>>) target_semaphore(%arg12 : memref<!tpu.dma_semaphore, #tpu.memory_space<semaphore_mem>>)
      } else {
      }
      %gt3A_222 = arith.constant 0 : i32
      %gt3A_223 = arith.cmpi sgt, %while3A_216, %gt3A_222 : i32
      %convert_element_type3A_224 = arith.extui %gt3A_223 : i1 to i32
      %cond3A_225 = arith.constant 0 : i32
      %cond3A_226 = arith.cmpi ne, %convert_element_type3A_224, %cond3A_225 : i32
      scf.if %cond3A_226 {
        %dma_wait3A_285 = arith.constant 0 : i32
        %dma_wait3A_286 = arith.constant 1 : i32
        %dma_wait3A_287 = arith.constant 0 : i32
        %dma_wait3A_288 = tpu.memref_slice %arg7[%dma_wait3A_286, %dma_wait3A_287] : memref<3x96xi32, #tpu.memory_space<vmem>> -> memref<1x96xi32, #tpu.memory_space<vmem>>
        %dma_wait3A_289 = tpu.memref_squeeze %dma_wait3A_288 : memref<1x96xi32, #tpu.memory_space<vmem>> -> memref<96xi32, #tpu.memory_space<vmem>>
        %dma_wait3A_290 = arith.constant 0 : i32
        %dma_wait3A_291 = tpu.memref_slice %arg3[%dma_wait3A_285, %dma_wait3A_290] : memref<3456x96xi32, #tpu.memory_space<hbm>> -> memref<1x96xi32, #tpu.memory_space<hbm>>
        %dma_wait3A_292 = tpu.memref_squeeze %dma_wait3A_291 : memref<1x96xi32, #tpu.memory_space<hbm>> -> memref<96xi32, #tpu.memory_space<hbm>>
        %dma_wait3A_293 = arith.constant 0 : i32
        %dma_wait3A_294 = tpu.memref_slice %arg7[%dma_wait3A_286, %dma_wait3A_293] : memref<3x96xi32, #tpu.memory_space<vmem>> -> memref<1x96xi32, #tpu.memory_space<vmem>>
        %dma_wait3A_295 = tpu.memref_squeeze %dma_wait3A_294 : memref<1x96xi32, #tpu.memory_space<vmem>> -> memref<96xi32, #tpu.memory_space<vmem>>
        %dma_wait3A_296 = arith.constant 0 : i32
        %dma_wait3A_297 = tpu.memref_slice %arg3[%dma_wait3A_285, %dma_wait3A_296] : memref<3456x96xi32, #tpu.memory_space<hbm>> -> memref<1x96xi32, #tpu.memory_space<hbm>>
        %dma_wait3A_298 = tpu.memref_squeeze %dma_wait3A_297 : memref<1x96xi32, #tpu.memory_space<hbm>> -> memref<96xi32, #tpu.memory_space<hbm>>
        tpu.wait_dma2 semaphore(%arg12 : memref<!tpu.dma_semaphore, #tpu.memory_space<semaphore_mem>>) src(%dma_wait3A_298 : memref<96xi32, #tpu.memory_space<hbm>>) dst(%dma_wait3A_295 : memref<96xi32, #tpu.memory_space<vmem>>)
        %dma_wait3A_299 = arith.constant 0 : i32
        %dma_wait3A_300 = arith.constant 1 : i32
        %dma_wait3A_301 = arith.constant 0 : i32
        %dma_wait3A_302 = tpu.memref_slice %arg8[%dma_wait3A_300, %dma_wait3A_301] : memref<3x96xi32, #tpu.memory_space<vmem>> -> memref<1x96xi32, #tpu.memory_space<vmem>>
        %dma_wait3A_303 = tpu.memref_squeeze %dma_wait3A_302 : memref<1x96xi32, #tpu.memory_space<vmem>> -> memref<96xi32, #tpu.memory_space<vmem>>
        %dma_wait3A_304 = arith.constant 0 : i32
        %dma_wait3A_305 = tpu.memref_slice %arg4[%dma_wait3A_299, %dma_wait3A_304] : memref<3456x96xi32, #tpu.memory_space<hbm>> -> memref<1x96xi32, #tpu.memory_space<hbm>>
        %dma_wait3A_306 = tpu.memref_squeeze %dma_wait3A_305 : memref<1x96xi32, #tpu.memory_space<hbm>> -> memref<96xi32, #tpu.memory_space<hbm>>
        %dma_wait3A_307 = arith.constant 0 : i32
        %dma_wait3A_308 = tpu.memref_slice %arg8[%dma_wait3A_300, %dma_wait3A_307] : memref<3x96xi32, #tpu.memory_space<vmem>> -> memref<1x96xi32, #tpu.memory_space<vmem>>
        %dma_wait3A_309 = tpu.memref_squeeze %dma_wait3A_308 : memref<1x96xi32, #tpu.memory_space<vmem>> -> memref<96xi32, #tpu.memory_space<vmem>>
        %dma_wait3A_310 = arith.constant 0 : i32
        %dma_wait3A_311 = tpu.memref_slice %arg4[%dma_wait3A_299, %dma_wait3A_310] : memref<3456x96xi32, #tpu.memory_space<hbm>> -> memref<1x96xi32, #tpu.memory_space<hbm>>
        %dma_wait3A_312 = tpu.memref_squeeze %dma_wait3A_311 : memref<1x96xi32, #tpu.memory_space<hbm>> -> memref<96xi32, #tpu.memory_space<hbm>>
        tpu.wait_dma2 semaphore(%arg12 : memref<!tpu.dma_semaphore, #tpu.memory_space<semaphore_mem>>) src(%dma_wait3A_312 : memref<96xi32, #tpu.memory_space<hbm>>) dst(%dma_wait3A_309 : memref<96xi32, #tpu.memory_space<vmem>>)
        %dma_start3A_313 = arith.constant 1 : i32
        %dma_start3A_314 = arith.constant 1 : i32
        %dma_start3A_315 = arith.constant 0 : i32
        %dma_start3A_316 = arith.constant 0 : i32
        %dma_start3A_317 = tpu.memref_slice %arg9[%dma_start3A_314, %dma_start3A_315, %dma_start3A_316] : memref<3x96x128xf32, #tpu.memory_space<vmem>> -> memref<1x96x128xf32, #tpu.memory_space<vmem>>
        %dma_start3A_318 = tpu.memref_squeeze %dma_start3A_317 : memref<1x96x128xf32, #tpu.memory_space<vmem>> -> memref<96x128xf32, #tpu.memory_space<vmem>>
        %dma_start3A_319 = arith.constant 0 : i32
        %dma_start3A_320 = tpu.memref_slice %arg7[%dma_start3A_313, %dma_start3A_319] : memref<3x96xi32, #tpu.memory_space<vmem>> -> memref<1x96xi32, #tpu.memory_space<vmem>>
        %dma_start3A_321 = tpu.memref_squeeze %dma_start3A_320 : memref<1x96xi32, #tpu.memory_space<vmem>> -> memref<96xi32, #tpu.memory_space<vmem>>
        %dma_start3A_322 = arith.constant 0 : i32
        %dma_start3A_323 = arith.constant 0 : i32
        %dma_start3A_324 = tpu.memref_slice %arg2[%dma_start3A_322, %dma_start3A_323] : memref<10000x128xf32, #tpu.memory_space<hbm>> -> memref<10000x128xf32, #tpu.memory_space<hbm>>
        tpu.enqueue_indirect_dma source(%dma_start3A_324 : memref<10000x128xf32, #tpu.memory_space<hbm>>) target(%dma_start3A_318 : memref<96x128xf32, #tpu.memory_space<vmem>>) offsets(%dma_start3A_321 : memref<96xi32, #tpu.memory_space<vmem>>) semaphore(%arg15 : memref<!tpu.dma_semaphore, #tpu.memory_space<semaphore_mem>>)
        %dma_wait3A_325 = arith.constant 2 : i32
        %dma_wait3A_326 = arith.constant 2 : i32
        %dma_wait3A_327 = arith.constant 0 : i32
        %dma_wait3A_328 = arith.constant 0 : i32
        %dma_wait3A_329 = tpu.memref_slice %arg9[%dma_wait3A_326, %dma_wait3A_327, %dma_wait3A_328] : memref<3x96x128xf32, #tpu.memory_space<vmem>> -> memref<1x96x128xf32, #tpu.memory_space<vmem>>
        %dma_wait3A_330 = tpu.memref_squeeze %dma_wait3A_329 : memref<1x96x128xf32, #tpu.memory_space<vmem>> -> memref<96x128xf32, #tpu.memory_space<vmem>>
        %dma_wait3A_331 = arith.constant 0 : i32
        %dma_wait3A_332 = tpu.memref_slice %arg7[%dma_wait3A_325, %dma_wait3A_331] : memref<3x96xi32, #tpu.memory_space<vmem>> -> memref<1x96xi32, #tpu.memory_space<vmem>>
        %dma_wait3A_333 = tpu.memref_squeeze %dma_wait3A_332 : memref<1x96xi32, #tpu.memory_space<vmem>> -> memref<96xi32, #tpu.memory_space<vmem>>
        %dma_wait3A_334 = arith.constant 0 : i32
        %dma_wait3A_335 = arith.constant 0 : i32
        %dma_wait3A_336 = tpu.memref_slice %arg2[%dma_wait3A_334, %dma_wait3A_335] : memref<10000x128xf32, #tpu.memory_space<hbm>> -> memref<10000x128xf32, #tpu.memory_space<hbm>>
        tpu.wait_indirect_dma semaphore(%arg16 : memref<!tpu.dma_semaphore, #tpu.memory_space<semaphore_mem>>) src(%dma_wait3A_336 : memref<10000x128xf32, #tpu.memory_space<hbm>>) dst(%dma_wait3A_330 : memref<96x128xf32, #tpu.memory_space<vmem>>)
        %run_scoped3A_337 = arith.constant 2 : i32
        %run_scoped3A_338 = arith.constant 2 : i32
        "tpu.region"() ({
          %run_scoped3A_369 = tpu.sem_alloc : memref<!tpu.dma_semaphore, #tpu.memory_space<semaphore_mem>>
          %dma_start3A_370 = arith.constant 0 : i32
          %dma_start3A_371 = arith.constant 0 : i32
          %dma_start3A_372 = tpu.memref_slice %arg9[%run_scoped3A_337, %dma_start3A_370, %dma_start3A_371] : memref<3x96x128xf32, #tpu.memory_space<vmem>> -> memref<1x96x128xf32, #tpu.memory_space<vmem>>
          %dma_start3A_373 = tpu.memref_squeeze %dma_start3A_372 : memref<1x96x128xf32, #tpu.memory_space<vmem>> -> memref<96x128xf32, #tpu.memory_space<vmem>>
          %dma_start3A_374 = arith.constant 0 : i32
          %dma_start3A_375 = tpu.memref_slice %arg8[%run_scoped3A_338, %dma_start3A_374] : memref<3x96xi32, #tpu.memory_space<vmem>> -> memref<1x96xi32, #tpu.memory_space<vmem>>
          %dma_start3A_376 = tpu.memref_squeeze %dma_start3A_375 : memref<1x96xi32, #tpu.memory_space<vmem>> -> memref<96xi32, #tpu.memory_space<vmem>>
          %dma_start3A_377 = arith.constant 0 : i32
          %dma_start3A_378 = arith.constant 0 : i32
          %dma_start3A_379 = tpu.memref_slice %arg10[%dma_start3A_377, %dma_start3A_378] : memref<10112x128xf32, #tpu.memory_space<vmem_shared>> -> memref<10112x128xf32, #tpu.memory_space<vmem_shared>>
          tpu.enqueue_indirect_dma source(%dma_start3A_373 : memref<96x128xf32, #tpu.memory_space<vmem>>) target(%dma_start3A_379 : memref<10112x128xf32, #tpu.memory_space<vmem_shared>>) offsets(%dma_start3A_376 : memref<96xi32, #tpu.memory_space<vmem>>) semaphore(%run_scoped3A_369 : memref<!tpu.dma_semaphore, #tpu.memory_space<semaphore_mem>>) {add = true}
          %dma_wait3A_380 = arith.constant 0 : i32
          %dma_wait3A_381 = arith.constant 0 : i32
          %dma_wait3A_382 = tpu.memref_slice %arg9[%run_scoped3A_337, %dma_wait3A_380, %dma_wait3A_381] : memref<3x96x128xf32, #tpu.memory_space<vmem>> -> memref<1x96x128xf32, #tpu.memory_space<vmem>>
          %dma_wait3A_383 = tpu.memref_squeeze %dma_wait3A_382 : memref<1x96x128xf32, #tpu.memory_space<vmem>> -> memref<96x128xf32, #tpu.memory_space<vmem>>
          %dma_wait3A_384 = arith.constant 0 : i32
          %dma_wait3A_385 = tpu.memref_slice %arg8[%run_scoped3A_338, %dma_wait3A_384] : memref<3x96xi32, #tpu.memory_space<vmem>> -> memref<1x96xi32, #tpu.memory_space<vmem>>
          %dma_wait3A_386 = tpu.memref_squeeze %dma_wait3A_385 : memref<1x96xi32, #tpu.memory_space<vmem>> -> memref<96xi32, #tpu.memory_space<vmem>>
          %dma_wait3A_387 = arith.constant 0 : i32
          %dma_wait3A_388 = arith.constant 0 : i32
          %dma_wait3A_389 = tpu.memref_slice %arg10[%dma_wait3A_387, %dma_wait3A_388] : memref<10112x128xf32, #tpu.memory_space<vmem_shared>> -> memref<10112x128xf32, #tpu.memory_space<vmem_shared>>
          tpu.wait_indirect_dma semaphore(%run_scoped3A_369 : memref<!tpu.dma_semaphore, #tpu.memory_space<semaphore_mem>>) src(%dma_wait3A_383 : memref<96x128xf32, #tpu.memory_space<vmem>>) dst(%dma_wait3A_389 : memref<10112x128xf32, #tpu.memory_space<vmem_shared>>)
          tpu.yield
        }) : () -> ()
        %add3A_339 = arith.constant 1 : i32
        %add3A_340 = arith.addi %add3A_219, %add3A_339 : i32
        %add3A_341 = arith.constant 1 : i32
        %add3A_342 = arith.addi %add3A_340, %add3A_341 : i32
        %dma_start3A_343 = arith.constant 2 : i32
        %dma_start3A_344 = arith.constant 0 : i32
        %dma_start3A_345 = tpu.memref_slice %arg7[%dma_start3A_343, %dma_start3A_344] : memref<3x96xi32, #tpu.memory_space<vmem>> -> memref<1x96xi32, #tpu.memory_space<vmem>>
        %dma_start3A_346 = tpu.memref_squeeze %dma_start3A_345 : memref<1x96xi32, #tpu.memory_space<vmem>> -> memref<96xi32, #tpu.memory_space<vmem>>
        %dma_start3A_347 = arith.constant 0 : i32
        %dma_start3A_348 = tpu.memref_slice %arg3[%add3A_342, %dma_start3A_347] : memref<3456x96xi32, #tpu.memory_space<hbm>> -> memref<1x96xi32, #tpu.memory_space<hbm>>
        %dma_start3A_349 = tpu.memref_squeeze %dma_start3A_348 : memref<1x96xi32, #tpu.memory_space<hbm>> -> memref<96xi32, #tpu.memory_space<hbm>>
        %dma_start3A_350 = arith.constant 0 : i32
        %dma_start3A_351 = tpu.memref_slice %arg7[%dma_start3A_343, %dma_start3A_350] : memref<3x96xi32, #tpu.memory_space<vmem>> -> memref<1x96xi32, #tpu.memory_space<vmem>>
        %dma_start3A_352 = tpu.memref_squeeze %dma_start3A_351 : memref<1x96xi32, #tpu.memory_space<vmem>> -> memref<96xi32, #tpu.memory_space<vmem>>
        %dma_start3A_353 = arith.constant 0 : i32
        %dma_start3A_354 = tpu.memref_slice %arg3[%add3A_342, %dma_start3A_353] : memref<3456x96xi32, #tpu.memory_space<hbm>> -> memref<1x96xi32, #tpu.memory_space<hbm>>
        %dma_start3A_355 = tpu.memref_squeeze %dma_start3A_354 : memref<1x96xi32, #tpu.memory_space<hbm>> -> memref<96xi32, #tpu.memory_space<hbm>>
        tpu.enqueue_dma source(%dma_start3A_355 : memref<96xi32, #tpu.memory_space<hbm>>) target(%dma_start3A_352 : memref<96xi32, #tpu.memory_space<vmem>>) target_semaphore(%arg13 : memref<!tpu.dma_semaphore, #tpu.memory_space<semaphore_mem>>)
        %dma_start3A_356 = arith.constant 2 : i32
        %dma_start3A_357 = arith.constant 0 : i32
        %dma_start3A_358 = tpu.memref_slice %arg8[%dma_start3A_356, %dma_start3A_357] : memref<3x96xi32, #tpu.memory_space<vmem>> -> memref<1x96xi32, #tpu.memory_space<vmem>>
        %dma_start3A_359 = tpu.memref_squeeze %dma_start3A_358 : memref<1x96xi32, #tpu.memory_space<vmem>> -> memref<96xi32, #tpu.memory_space<vmem>>
        %dma_start3A_360 = arith.constant 0 : i32
        %dma_start3A_361 = tpu.memref_slice %arg4[%add3A_342, %dma_start3A_360] : memref<3456x96xi32, #tpu.memory_space<hbm>> -> memref<1x96xi32, #tpu.memory_space<hbm>>
        %dma_start3A_362 = tpu.memref_squeeze %dma_start3A_361 : memref<1x96xi32, #tpu.memory_space<hbm>> -> memref<96xi32, #tpu.memory_space<hbm>>
        %dma_start3A_363 = arith.constant 0 : i32
        %dma_start3A_364 = tpu.memref_slice %arg8[%dma_start3A_356, %dma_start3A_363] : memref<3x96xi32, #tpu.memory_space<vmem>> -> memref<1x96xi32, #tpu.memory_space<vmem>>
        %dma_start3A_365 = tpu.memref_squeeze %dma_start3A_364 : memref<1x96xi32, #tpu.memory_space<vmem>> -> memref<96xi32, #tpu.memory_space<vmem>>
        %dma_start3A_366 = arith.constant 0 : i32
        %dma_start3A_367 = tpu.memref_slice %arg4[%add3A_342, %dma_start3A_366] : memref<3456x96xi32, #tpu.memory_space<hbm>> -> memref<1x96xi32, #tpu.memory_space<hbm>>
        %dma_start3A_368 = tpu.memref_squeeze %dma_start3A_367 : memref<1x96xi32, #tpu.memory_space<hbm>> -> memref<96xi32, #tpu.memory_space<hbm>>
        tpu.enqueue_dma source(%dma_start3A_368 : memref<96xi32, #tpu.memory_space<hbm>>) target(%dma_start3A_365 : memref<96xi32, #tpu.memory_space<vmem>>) target_semaphore(%arg13 : memref<!tpu.dma_semaphore, #tpu.memory_space<semaphore_mem>>)
      } else {
      }
      %dma_wait3A_227 = arith.constant 0 : i32
      %dma_wait3A_228 = arith.constant 2 : i32
      %dma_wait3A_229 = arith.constant 0 : i32
      %dma_wait3A_230 = tpu.memref_slice %arg7[%dma_wait3A_228, %dma_wait3A_229] : memref<3x96xi32, #tpu.memory_space<vmem>> -> memref<1x96xi32, #tpu.memory_space<vmem>>
      %dma_wait3A_231 = tpu.memref_squeeze %dma_wait3A_230 : memref<1x96xi32, #tpu.memory_space<vmem>> -> memref<96xi32, #tpu.memory_space<vmem>>
      %dma_wait3A_232 = arith.constant 0 : i32
      %dma_wait3A_233 = tpu.memref_slice %arg3[%dma_wait3A_227, %dma_wait3A_232] : memref<3456x96xi32, #tpu.memory_space<hbm>> -> memref<1x96xi32, #tpu.memory_space<hbm>>
      %dma_wait3A_234 = tpu.memref_squeeze %dma_wait3A_233 : memref<1x96xi32, #tpu.memory_space<hbm>> -> memref<96xi32, #tpu.memory_space<hbm>>
      %dma_wait3A_235 = arith.constant 0 : i32
      %dma_wait3A_236 = tpu.memref_slice %arg7[%dma_wait3A_228, %dma_wait3A_235] : memref<3x96xi32, #tpu.memory_space<vmem>> -> memref<1x96xi32, #tpu.memory_space<vmem>>
      %dma_wait3A_237 = tpu.memref_squeeze %dma_wait3A_236 : memref<1x96xi32, #tpu.memory_space<vmem>> -> memref<96xi32, #tpu.memory_space<vmem>>
      %dma_wait3A_238 = arith.constant 0 : i32
      %dma_wait3A_239 = tpu.memref_slice %arg3[%dma_wait3A_227, %dma_wait3A_238] : memref<3456x96xi32, #tpu.memory_space<hbm>> -> memref<1x96xi32, #tpu.memory_space<hbm>>
      %dma_wait3A_240 = tpu.memref_squeeze %dma_wait3A_239 : memref<1x96xi32, #tpu.memory_space<hbm>> -> memref<96xi32, #tpu.memory_space<hbm>>
      tpu.wait_dma2 semaphore(%arg13 : memref<!tpu.dma_semaphore, #tpu.memory_space<semaphore_mem>>) src(%dma_wait3A_240 : memref<96xi32, #tpu.memory_space<hbm>>) dst(%dma_wait3A_237 : memref<96xi32, #tpu.memory_space<vmem>>)
      %dma_wait3A_241 = arith.constant 0 : i32
      %dma_wait3A_242 = arith.constant 2 : i32
      %dma_wait3A_243 = arith.constant 0 : i32
      %dma_wait3A_244 = tpu.memref_slice %arg8[%dma_wait3A_242, %dma_wait3A_243] : memref<3x96xi32, #tpu.memory_space<vmem>> -> memref<1x96xi32, #tpu.memory_space<vmem>>
      %dma_wait3A_245 = tpu.memref_squeeze %dma_wait3A_244 : memref<1x96xi32, #tpu.memory_space<vmem>> -> memref<96xi32, #tpu.memory_space<vmem>>
      %dma_wait3A_246 = arith.constant 0 : i32
      %dma_wait3A_247 = tpu.memref_slice %arg4[%dma_wait3A_241, %dma_wait3A_246] : memref<3456x96xi32, #tpu.memory_space<hbm>> -> memref<1x96xi32, #tpu.memory_space<hbm>>
      %dma_wait3A_248 = tpu.memref_squeeze %dma_wait3A_247 : memref<1x96xi32, #tpu.memory_space<hbm>> -> memref<96xi32, #tpu.memory_space<hbm>>
      %dma_wait3A_249 = arith.constant 0 : i32
      %dma_wait3A_250 = tpu.memref_slice %arg8[%dma_wait3A_242, %dma_wait3A_249] : memref<3x96xi32, #tpu.memory_space<vmem>> -> memref<1x96xi32, #tpu.memory_space<vmem>>
      %dma_wait3A_251 = tpu.memref_squeeze %dma_wait3A_250 : memref<1x96xi32, #tpu.memory_space<vmem>> -> memref<96xi32, #tpu.memory_space<vmem>>
      %dma_wait3A_252 = arith.constant 0 : i32
      %dma_wait3A_253 = tpu.memref_slice %arg4[%dma_wait3A_241, %dma_wait3A_252] : memref<3456x96xi32, #tpu.memory_space<hbm>> -> memref<1x96xi32, #tpu.memory_space<hbm>>
      %dma_wait3A_254 = tpu.memref_squeeze %dma_wait3A_253 : memref<1x96xi32, #tpu.memory_space<hbm>> -> memref<96xi32, #tpu.memory_space<hbm>>
      tpu.wait_dma2 semaphore(%arg13 : memref<!tpu.dma_semaphore, #tpu.memory_space<semaphore_mem>>) src(%dma_wait3A_254 : memref<96xi32, #tpu.memory_space<hbm>>) dst(%dma_wait3A_251 : memref<96xi32, #tpu.memory_space<vmem>>)
      %dma_start3A_255 = arith.constant 2 : i32
      %dma_start3A_256 = arith.constant 2 : i32
      %dma_start3A_257 = arith.constant 0 : i32
      %dma_start3A_258 = arith.constant 0 : i32
      %dma_start3A_259 = tpu.memref_slice %arg9[%dma_start3A_256, %dma_start3A_257, %dma_start3A_258] : memref<3x96x128xf32, #tpu.memory_space<vmem>> -> memref<1x96x128xf32, #tpu.memory_space<vmem>>
      %dma_start3A_260 = tpu.memref_squeeze %dma_start3A_259 : memref<1x96x128xf32, #tpu.memory_space<vmem>> -> memref<96x128xf32, #tpu.memory_space<vmem>>
      %dma_start3A_261 = arith.constant 0 : i32
      %dma_start3A_262 = tpu.memref_slice %arg7[%dma_start3A_255, %dma_start3A_261] : memref<3x96xi32, #tpu.memory_space<vmem>> -> memref<1x96xi32, #tpu.memory_space<vmem>>
      %dma_start3A_263 = tpu.memref_squeeze %dma_start3A_262 : memref<1x96xi32, #tpu.memory_space<vmem>> -> memref<96xi32, #tpu.memory_space<vmem>>
      %dma_start3A_264 = arith.constant 0 : i32
      %dma_start3A_265 = arith.constant 0 : i32
      %dma_start3A_266 = tpu.memref_slice %arg2[%dma_start3A_264, %dma_start3A_265] : memref<10000x128xf32, #tpu.memory_space<hbm>> -> memref<10000x128xf32, #tpu.memory_space<hbm>>
      tpu.enqueue_indirect_dma source(%dma_start3A_266 : memref<10000x128xf32, #tpu.memory_space<hbm>>) target(%dma_start3A_260 : memref<96x128xf32, #tpu.memory_space<vmem>>) offsets(%dma_start3A_263 : memref<96xi32, #tpu.memory_space<vmem>>) semaphore(%arg16 : memref<!tpu.dma_semaphore, #tpu.memory_space<semaphore_mem>>)
      %dma_wait3A_267 = arith.constant 0 : i32
      %dma_wait3A_268 = arith.constant 0 : i32
      %dma_wait3A_269 = arith.constant 0 : i32
      %dma_wait3A_270 = arith.constant 0 : i32
      %dma_wait3A_271 = tpu.memref_slice %arg9[%dma_wait3A_268, %dma_wait3A_269, %dma_wait3A_270] : memref<3x96x128xf32, #tpu.memory_space<vmem>> -> memref<1x96x128xf32, #tpu.memory_space<vmem>>
      %dma_wait3A_272 = tpu.memref_squeeze %dma_wait3A_271 : memref<1x96x128xf32, #tpu.memory_space<vmem>> -> memref<96x128xf32, #tpu.memory_space<vmem>>
      %dma_wait3A_273 = arith.constant 0 : i32
      %dma_wait3A_274 = tpu.memref_slice %arg7[%dma_wait3A_267, %dma_wait3A_273] : memref<3x96xi32, #tpu.memory_space<vmem>> -> memref<1x96xi32, #tpu.memory_space<vmem>>
      %dma_wait3A_275 = tpu.memref_squeeze %dma_wait3A_274 : memref<1x96xi32, #tpu.memory_space<vmem>> -> memref<96xi32, #tpu.memory_space<vmem>>
      %dma_wait3A_276 = arith.constant 0 : i32
      %dma_wait3A_277 = arith.constant 0 : i32
      %dma_wait3A_278 = tpu.memref_slice %arg2[%dma_wait3A_276, %dma_wait3A_277] : memref<10000x128xf32, #tpu.memory_space<hbm>> -> memref<10000x128xf32, #tpu.memory_space<hbm>>
      tpu.wait_indirect_dma semaphore(%arg14 : memref<!tpu.dma_semaphore, #tpu.memory_space<semaphore_mem>>) src(%dma_wait3A_278 : memref<10000x128xf32, #tpu.memory_space<hbm>>) dst(%dma_wait3A_272 : memref<96x128xf32, #tpu.memory_space<vmem>>)
      %run_scoped3A_279 = arith.constant 0 : i32
      %run_scoped3A_280 = arith.constant 0 : i32
      "tpu.region"() ({
        %run_scoped3A_285 = tpu.sem_alloc : memref<!tpu.dma_semaphore, #tpu.memory_space<semaphore_mem>>
        %dma_start3A_286 = arith.constant 0 : i32
        %dma_start3A_287 = arith.constant 0 : i32
        %dma_start3A_288 = tpu.memref_slice %arg9[%run_scoped3A_279, %dma_start3A_286, %dma_start3A_287] : memref<3x96x128xf32, #tpu.memory_space<vmem>> -> memref<1x96x128xf32, #tpu.memory_space<vmem>>
        %dma_start3A_289 = tpu.memref_squeeze %dma_start3A_288 : memref<1x96x128xf32, #tpu.memory_space<vmem>> -> memref<96x128xf32, #tpu.memory_space<vmem>>
        %dma_start3A_290 = arith.constant 0 : i32
        %dma_start3A_291 = tpu.memref_slice %arg8[%run_scoped3A_280, %dma_start3A_290] : memref<3x96xi32, #tpu.memory_space<vmem>> -> memref<1x96xi32, #tpu.memory_space<vmem>>
        %dma_start3A_292 = tpu.memref_squeeze %dma_start3A_291 : memref<1x96xi32, #tpu.memory_space<vmem>> -> memref<96xi32, #tpu.memory_space<vmem>>
        %dma_start3A_293 = arith.constant 0 : i32
        %dma_start3A_294 = arith.constant 0 : i32
        %dma_start3A_295 = tpu.memref_slice %arg10[%dma_start3A_293, %dma_start3A_294] : memref<10112x128xf32, #tpu.memory_space<vmem_shared>> -> memref<10112x128xf32, #tpu.memory_space<vmem_shared>>
        tpu.enqueue_indirect_dma source(%dma_start3A_289 : memref<96x128xf32, #tpu.memory_space<vmem>>) target(%dma_start3A_295 : memref<10112x128xf32, #tpu.memory_space<vmem_shared>>) offsets(%dma_start3A_292 : memref<96xi32, #tpu.memory_space<vmem>>) semaphore(%run_scoped3A_285 : memref<!tpu.dma_semaphore, #tpu.memory_space<semaphore_mem>>) {add = true}
        %dma_wait3A_296 = arith.constant 0 : i32
        %dma_wait3A_297 = arith.constant 0 : i32
        %dma_wait3A_298 = tpu.memref_slice %arg9[%run_scoped3A_279, %dma_wait3A_296, %dma_wait3A_297] : memref<3x96x128xf32, #tpu.memory_space<vmem>> -> memref<1x96x128xf32, #tpu.memory_space<vmem>>
        %dma_wait3A_299 = tpu.memref_squeeze %dma_wait3A_298 : memref<1x96x128xf32, #tpu.memory_space<vmem>> -> memref<96x128xf32, #tpu.memory_space<vmem>>
        %dma_wait3A_300 = arith.constant 0 : i32
        %dma_wait3A_301 = tpu.memref_slice %arg8[%run_scoped3A_280, %dma_wait3A_300] : memref<3x96xi32, #tpu.memory_space<vmem>> -> memref<1x96xi32, #tpu.memory_space<vmem>>
        %dma_wait3A_302 = tpu.memref_squeeze %dma_wait3A_301 : memref<1x96xi32, #tpu.memory_space<vmem>> -> memref<96xi32, #tpu.memory_space<vmem>>
        %dma_wait3A_303 = arith.constant 0 : i32
        %dma_wait3A_304 = arith.constant 0 : i32
        %dma_wait3A_305 = tpu.memref_slice %arg10[%dma_wait3A_303, %dma_wait3A_304] : memref<10112x128xf32, #tpu.memory_space<vmem_shared>> -> memref<10112x128xf32, #tpu.memory_space<vmem_shared>>
        tpu.wait_indirect_dma semaphore(%run_scoped3A_285 : memref<!tpu.dma_semaphore, #tpu.memory_space<semaphore_mem>>) src(%dma_wait3A_299 : memref<96x128xf32, #tpu.memory_space<vmem>>) dst(%dma_wait3A_305 : memref<10112x128xf32, #tpu.memory_space<vmem_shared>>)
        tpu.yield
      }) : () -> ()
      %sub3A = arith.constant 1 : i32
      %sub3A_281 = arith.subi %select_n3A_8, %sub3A : i32
      %lt3A = arith.cmpi slt, %while3A_216, %sub3A_281 : i32
      %convert_element_type3A_282 = arith.extui %lt3A : i1 to i32
      %cond3A_283 = arith.constant 0 : i32
      %cond3A_284 = arith.cmpi ne, %convert_element_type3A_282, %cond3A_283 : i32
      scf.if %cond3A_284 {
        %add3A_285 = arith.constant 2 : i32
        %add3A_286 = arith.addi %add3A_219, %add3A_285 : i32
        %add3A_287 = arith.constant 1 : i32
        %add3A_288 = arith.addi %add3A_286, %add3A_287 : i32
        %dma_start3A_289 = arith.constant 0 : i32
        %dma_start3A_290 = arith.constant 0 : i32
        %dma_start3A_291 = tpu.memref_slice %arg7[%dma_start3A_289, %dma_start3A_290] : memref<3x96xi32, #tpu.memory_space<vmem>> -> memref<1x96xi32, #tpu.memory_space<vmem>>
        %dma_start3A_292 = tpu.memref_squeeze %dma_start3A_291 : memref<1x96xi32, #tpu.memory_space<vmem>> -> memref<96xi32, #tpu.memory_space<vmem>>
        %dma_start3A_293 = arith.constant 0 : i32
        %dma_start3A_294 = tpu.memref_slice %arg3[%add3A_288, %dma_start3A_293] : memref<3456x96xi32, #tpu.memory_space<hbm>> -> memref<1x96xi32, #tpu.memory_space<hbm>>
        %dma_start3A_295 = tpu.memref_squeeze %dma_start3A_294 : memref<1x96xi32, #tpu.memory_space<hbm>> -> memref<96xi32, #tpu.memory_space<hbm>>
        %dma_start3A_296 = arith.constant 0 : i32
        %dma_start3A_297 = tpu.memref_slice %arg7[%dma_start3A_289, %dma_start3A_296] : memref<3x96xi32, #tpu.memory_space<vmem>> -> memref<1x96xi32, #tpu.memory_space<vmem>>
        %dma_start3A_298 = tpu.memref_squeeze %dma_start3A_297 : memref<1x96xi32, #tpu.memory_space<vmem>> -> memref<96xi32, #tpu.memory_space<vmem>>
        %dma_start3A_299 = arith.constant 0 : i32
        %dma_start3A_300 = tpu.memref_slice %arg3[%add3A_288, %dma_start3A_299] : memref<3456x96xi32, #tpu.memory_space<hbm>> -> memref<1x96xi32, #tpu.memory_space<hbm>>
        %dma_start3A_301 = tpu.memref_squeeze %dma_start3A_300 : memref<1x96xi32, #tpu.memory_space<hbm>> -> memref<96xi32, #tpu.memory_space<hbm>>
        tpu.enqueue_dma source(%dma_start3A_301 : memref<96xi32, #tpu.memory_space<hbm>>) target(%dma_start3A_298 : memref<96xi32, #tpu.memory_space<vmem>>) target_semaphore(%arg11 : memref<!tpu.dma_semaphore, #tpu.memory_space<semaphore_mem>>)
        %dma_start3A_302 = arith.constant 0 : i32
        %dma_start3A_303 = arith.constant 0 : i32
        %dma_start3A_304 = tpu.memref_slice %arg8[%dma_start3A_302, %dma_start3A_303] : memref<3x96xi32, #tpu.memory_space<vmem>> -> memref<1x96xi32, #tpu.memory_space<vmem>>
        %dma_start3A_305 = tpu.memref_squeeze %dma_start3A_304 : memref<1x96xi32, #tpu.memory_space<vmem>> -> memref<96xi32, #tpu.memory_space<vmem>>
        %dma_start3A_306 = arith.constant 0 : i32
        %dma_start3A_307 = tpu.memref_slice %arg4[%add3A_288, %dma_start3A_306] : memref<3456x96xi32, #tpu.memory_space<hbm>> -> memref<1x96xi32, #tpu.memory_space<hbm>>
        %dma_start3A_308 = tpu.memref_squeeze %dma_start3A_307 : memref<1x96xi32, #tpu.memory_space<hbm>> -> memref<96xi32, #tpu.memory_space<hbm>>
        %dma_start3A_309 = arith.constant 0 : i32
        %dma_start3A_310 = tpu.memref_slice %arg8[%dma_start3A_302, %dma_start3A_309] : memref<3x96xi32, #tpu.memory_space<vmem>> -> memref<1x96xi32, #tpu.memory_space<vmem>>
        %dma_start3A_311 = tpu.memref_squeeze %dma_start3A_310 : memref<1x96xi32, #tpu.memory_space<vmem>> -> memref<96xi32, #tpu.memory_space<vmem>>
        %dma_start3A_312 = arith.constant 0 : i32
        %dma_start3A_313 = tpu.memref_slice %arg4[%add3A_288, %dma_start3A_312] : memref<3456x96xi32, #tpu.memory_space<hbm>> -> memref<1x96xi32, #tpu.memory_space<hbm>>
        %dma_start3A_314 = tpu.memref_squeeze %dma_start3A_313 : memref<1x96xi32, #tpu.memory_space<hbm>> -> memref<96xi32, #tpu.memory_space<hbm>>
        tpu.enqueue_dma source(%dma_start3A_314 : memref<96xi32, #tpu.memory_space<hbm>>) target(%dma_start3A_311 : memref<96xi32, #tpu.memory_space<vmem>>) target_semaphore(%arg11 : memref<!tpu.dma_semaphore, #tpu.memory_space<semaphore_mem>>)
      } else {
      }
    }
    %while3A_183 = arith.constant 1 : i32
    scf.for %while3A_216 = %while3A_181 to %while3A_177 step %while3A_183  : i32 {
      %mul3A_217 = arith.constant 3 : i32
      %mul3A_218 = arith.muli %mul3A_217, %while3A_216 : i32
      %add3A_219 = arith.addi %select_n3A, %mul3A_218 : i32
      %gt3A = arith.constant 0 : i32
      %gt3A_220 = arith.cmpi sgt, %while3A_216, %gt3A : i32
      %convert_element_type3A = arith.extui %gt3A_220 : i1 to i32
      %cond3A = arith.constant 0 : i32
      %cond3A_221 = arith.cmpi ne, %convert_element_type3A, %cond3A : i32
      scf.if %cond3A_221 {
        %dma_wait3A_285 = arith.constant 0 : i32
        %dma_wait3A_286 = arith.constant 0 : i32
        %dma_wait3A_287 = arith.constant 0 : i32
        %dma_wait3A_288 = tpu.memref_slice %arg7[%dma_wait3A_286, %dma_wait3A_287] : memref<3x96xi32, #tpu.memory_space<vmem>> -> memref<1x96xi32, #tpu.memory_space<vmem>>
        %dma_wait3A_289 = tpu.memref_squeeze %dma_wait3A_288 : memref<1x96xi32, #tpu.memory_space<vmem>> -> memref<96xi32, #tpu.memory_space<vmem>>
        %dma_wait3A_290 = arith.constant 0 : i32
        %dma_wait3A_291 = tpu.memref_slice %arg3[%dma_wait3A_285, %dma_wait3A_290] : memref<3456x96xi32, #tpu.memory_space<hbm>> -> memref<1x96xi32, #tpu.memory_space<hbm>>
        %dma_wait3A_292 = tpu.memref_squeeze %dma_wait3A_291 : memref<1x96xi32, #tpu.memory_space<hbm>> -> memref<96xi32, #tpu.memory_space<hbm>>
        %dma_wait3A_293 = arith.constant 0 : i32
        %dma_wait3A_294 = tpu.memref_slice %arg7[%dma_wait3A_286, %dma_wait3A_293] : memref<3x96xi32, #tpu.memory_space<vmem>> -> memref<1x96xi32, #tpu.memory_space<vmem>>
        %dma_wait3A_295 = tpu.memref_squeeze %dma_wait3A_294 : memref<1x96xi32, #tpu.memory_space<vmem>> -> memref<96xi32, #tpu.memory_space<vmem>>
        %dma_wait3A_296 = arith.constant 0 : i32
        %dma_wait3A_297 = tpu.memref_slice %arg3[%dma_wait3A_285, %dma_wait3A_296] : memref<3456x96xi32, #tpu.memory_space<hbm>> -> memref<1x96xi32, #tpu.memory_space<hbm>>
        %dma_wait3A_298 = tpu.memref_squeeze %dma_wait3A_297 : memref<1x96xi32, #tpu.memory_space<hbm>> -> memref<96xi32, #tpu.memory_space<hbm>>
        tpu.wait_dma2 semaphore(%arg11 : memref<!tpu.dma_semaphore, #tpu.memory_space<semaphore_mem>>) src(%dma_wait3A_298 : memref<96xi32, #tpu.memory_space<hbm>>) dst(%dma_wait3A_295 : memref<96xi32, #tpu.memory_space<vmem>>)
        %dma_wait3A_299 = arith.constant 0 : i32
        %dma_wait3A_300 = arith.constant 0 : i32
        %dma_wait3A_301 = arith.constant 0 : i32
        %dma_wait3A_302 = tpu.memref_slice %arg8[%dma_wait3A_300, %dma_wait3A_301] : memref<3x96xi32, #tpu.memory_space<vmem>> -> memref<1x96xi32, #tpu.memory_space<vmem>>
        %dma_wait3A_303 = tpu.memref_squeeze %dma_wait3A_302 : memref<1x96xi32, #tpu.memory_space<vmem>> -> memref<96xi32, #tpu.memory_space<vmem>>
        %dma_wait3A_304 = arith.constant 0 : i32
        %dma_wait3A_305 = tpu.memref_slice %arg4[%dma_wait3A_299, %dma_wait3A_304] : memref<3456x96xi32, #tpu.memory_space<hbm>> -> memref<1x96xi32, #tpu.memory_space<hbm>>
        %dma_wait3A_306 = tpu.memref_squeeze %dma_wait3A_305 : memref<1x96xi32, #tpu.memory_space<hbm>> -> memref<96xi32, #tpu.memory_space<hbm>>
        %dma_wait3A_307 = arith.constant 0 : i32
        %dma_wait3A_308 = tpu.memref_slice %arg8[%dma_wait3A_300, %dma_wait3A_307] : memref<3x96xi32, #tpu.memory_space<vmem>> -> memref<1x96xi32, #tpu.memory_space<vmem>>
        %dma_wait3A_309 = tpu.memref_squeeze %dma_wait3A_308 : memref<1x96xi32, #tpu.memory_space<vmem>> -> memref<96xi32, #tpu.memory_space<vmem>>
        %dma_wait3A_310 = arith.constant 0 : i32
        %dma_wait3A_311 = tpu.memref_slice %arg4[%dma_wait3A_299, %dma_wait3A_310] : memref<3456x96xi32, #tpu.memory_space<hbm>> -> memref<1x96xi32, #tpu.memory_space<hbm>>
        %dma_wait3A_312 = tpu.memref_squeeze %dma_wait3A_311 : memref<1x96xi32, #tpu.memory_space<hbm>> -> memref<96xi32, #tpu.memory_space<hbm>>
        tpu.wait_dma2 semaphore(%arg11 : memref<!tpu.dma_semaphore, #tpu.memory_space<semaphore_mem>>) src(%dma_wait3A_312 : memref<96xi32, #tpu.memory_space<hbm>>) dst(%dma_wait3A_309 : memref<96xi32, #tpu.memory_space<vmem>>)
        %dma_start3A_313 = arith.constant 0 : i32
        %dma_start3A_314 = arith.constant 0 : i32
        %dma_start3A_315 = arith.constant 0 : i32
        %dma_start3A_316 = arith.constant 0 : i32
        %dma_start3A_317 = tpu.memref_slice %arg9[%dma_start3A_314, %dma_start3A_315, %dma_start3A_316] : memref<3x96x128xf32, #tpu.memory_space<vmem>> -> memref<1x96x128xf32, #tpu.memory_space<vmem>>
        %dma_start3A_318 = tpu.memref_squeeze %dma_start3A_317 : memref<1x96x128xf32, #tpu.memory_space<vmem>> -> memref<96x128xf32, #tpu.memory_space<vmem>>
        %dma_start3A_319 = arith.constant 0 : i32
        %dma_start3A_320 = tpu.memref_slice %arg7[%dma_start3A_313, %dma_start3A_319] : memref<3x96xi32, #tpu.memory_space<vmem>> -> memref<1x96xi32, #tpu.memory_space<vmem>>
        %dma_start3A_321 = tpu.memref_squeeze %dma_start3A_320 : memref<1x96xi32, #tpu.memory_space<vmem>> -> memref<96xi32, #tpu.memory_space<vmem>>
        %dma_start3A_322 = arith.constant 0 : i32
        %dma_start3A_323 = arith.constant 0 : i32
        %dma_start3A_324 = tpu.memref_slice %arg2[%dma_start3A_322, %dma_start3A_323] : memref<10000x128xf32, #tpu.memory_space<hbm>> -> memref<10000x128xf32, #tpu.memory_space<hbm>>
        tpu.enqueue_indirect_dma source(%dma_start3A_324 : memref<10000x128xf32, #tpu.memory_space<hbm>>) target(%dma_start3A_318 : memref<96x128xf32, #tpu.memory_space<vmem>>) offsets(%dma_start3A_321 : memref<96xi32, #tpu.memory_space<vmem>>) semaphore(%arg14 : memref<!tpu.dma_semaphore, #tpu.memory_space<semaphore_mem>>)
        %dma_wait3A_325 = arith.constant 1 : i32
        %dma_wait3A_326 = arith.constant 1 : i32
        %dma_wait3A_327 = arith.constant 0 : i32
        %dma_wait3A_328 = arith.constant 0 : i32
        %dma_wait3A_329 = tpu.memref_slice %arg9[%dma_wait3A_326, %dma_wait3A_327, %dma_wait3A_328] : memref<3x96x128xf32, #tpu.memory_space<vmem>> -> memref<1x96x128xf32, #tpu.memory_space<vmem>>
        %dma_wait3A_330 = tpu.memref_squeeze %dma_wait3A_329 : memref<1x96x128xf32, #tpu.memory_space<vmem>> -> memref<96x128xf32, #tpu.memory_space<vmem>>
        %dma_wait3A_331 = arith.constant 0 : i32
        %dma_wait3A_332 = tpu.memref_slice %arg7[%dma_wait3A_325, %dma_wait3A_331] : memref<3x96xi32, #tpu.memory_space<vmem>> -> memref<1x96xi32, #tpu.memory_space<vmem>>
        %dma_wait3A_333 = tpu.memref_squeeze %dma_wait3A_332 : memref<1x96xi32, #tpu.memory_space<vmem>> -> memref<96xi32, #tpu.memory_space<vmem>>
        %dma_wait3A_334 = arith.constant 0 : i32
        %dma_wait3A_335 = arith.constant 0 : i32
        %dma_wait3A_336 = tpu.memref_slice %arg2[%dma_wait3A_334, %dma_wait3A_335] : memref<10000x128xf32, #tpu.memory_space<hbm>> -> memref<10000x128xf32, #tpu.memory_space<hbm>>
        tpu.wait_indirect_dma semaphore(%arg15 : memref<!tpu.dma_semaphore, #tpu.memory_space<semaphore_mem>>) src(%dma_wait3A_336 : memref<10000x128xf32, #tpu.memory_space<hbm>>) dst(%dma_wait3A_330 : memref<96x128xf32, #tpu.memory_space<vmem>>)
        %run_scoped3A_337 = arith.constant 1 : i32
        %run_scoped3A_338 = arith.constant 1 : i32
        "tpu.region"() ({
          %run_scoped3A_369 = tpu.sem_alloc : memref<!tpu.dma_semaphore, #tpu.memory_space<semaphore_mem>>
          %dma_start3A_370 = arith.constant 0 : i32
          %dma_start3A_371 = arith.constant 0 : i32
          %dma_start3A_372 = tpu.memref_slice %arg9[%run_scoped3A_337, %dma_start3A_370, %dma_start3A_371] : memref<3x96x128xf32, #tpu.memory_space<vmem>> -> memref<1x96x128xf32, #tpu.memory_space<vmem>>
          %dma_start3A_373 = tpu.memref_squeeze %dma_start3A_372 : memref<1x96x128xf32, #tpu.memory_space<vmem>> -> memref<96x128xf32, #tpu.memory_space<vmem>>
          %dma_start3A_374 = arith.constant 0 : i32
          %dma_start3A_375 = tpu.memref_slice %arg8[%run_scoped3A_338, %dma_start3A_374] : memref<3x96xi32, #tpu.memory_space<vmem>> -> memref<1x96xi32, #tpu.memory_space<vmem>>
          %dma_start3A_376 = tpu.memref_squeeze %dma_start3A_375 : memref<1x96xi32, #tpu.memory_space<vmem>> -> memref<96xi32, #tpu.memory_space<vmem>>
          %dma_start3A_377 = arith.constant 0 : i32
          %dma_start3A_378 = arith.constant 0 : i32
          %dma_start3A_379 = tpu.memref_slice %arg10[%dma_start3A_377, %dma_start3A_378] : memref<10112x128xf32, #tpu.memory_space<vmem_shared>> -> memref<10112x128xf32, #tpu.memory_space<vmem_shared>>
          tpu.enqueue_indirect_dma source(%dma_start3A_373 : memref<96x128xf32, #tpu.memory_space<vmem>>) target(%dma_start3A_379 : memref<10112x128xf32, #tpu.memory_space<vmem_shared>>) offsets(%dma_start3A_376 : memref<96xi32, #tpu.memory_space<vmem>>) semaphore(%run_scoped3A_369 : memref<!tpu.dma_semaphore, #tpu.memory_space<semaphore_mem>>) {add = true}
          %dma_wait3A_380 = arith.constant 0 : i32
          %dma_wait3A_381 = arith.constant 0 : i32
          %dma_wait3A_382 = tpu.memref_slice %arg9[%run_scoped3A_337, %dma_wait3A_380, %dma_wait3A_381] : memref<3x96x128xf32, #tpu.memory_space<vmem>> -> memref<1x96x128xf32, #tpu.memory_space<vmem>>
          %dma_wait3A_383 = tpu.memref_squeeze %dma_wait3A_382 : memref<1x96x128xf32, #tpu.memory_space<vmem>> -> memref<96x128xf32, #tpu.memory_space<vmem>>
          %dma_wait3A_384 = arith.constant 0 : i32
          %dma_wait3A_385 = tpu.memref_slice %arg8[%run_scoped3A_338, %dma_wait3A_384] : memref<3x96xi32, #tpu.memory_space<vmem>> -> memref<1x96xi32, #tpu.memory_space<vmem>>
          %dma_wait3A_386 = tpu.memref_squeeze %dma_wait3A_385 : memref<1x96xi32, #tpu.memory_space<vmem>> -> memref<96xi32, #tpu.memory_space<vmem>>
          %dma_wait3A_387 = arith.constant 0 : i32
          %dma_wait3A_388 = arith.constant 0 : i32
          %dma_wait3A_389 = tpu.memref_slice %arg10[%dma_wait3A_387, %dma_wait3A_388] : memref<10112x128xf32, #tpu.memory_space<vmem_shared>> -> memref<10112x128xf32, #tpu.memory_space<vmem_shared>>
          tpu.wait_indirect_dma semaphore(%run_scoped3A_369 : memref<!tpu.dma_semaphore, #tpu.memory_space<semaphore_mem>>) src(%dma_wait3A_383 : memref<96x128xf32, #tpu.memory_space<vmem>>) dst(%dma_wait3A_389 : memref<10112x128xf32, #tpu.memory_space<vmem_shared>>)
          tpu.yield
        }) : () -> ()
        %add3A_339 = arith.constant 0 : i32
        %add3A_340 = arith.addi %add3A_219, %add3A_339 : i32
        %add3A_341 = arith.constant 1 : i32
        %add3A_342 = arith.addi %add3A_340, %add3A_341 : i32
        %dma_start3A_343 = arith.constant 1 : i32
        %dma_start3A_344 = arith.constant 0 : i32
        %dma_start3A_345 = tpu.memref_slice %arg7[%dma_start3A_343, %dma_start3A_344] : memref<3x96xi32, #tpu.memory_space<vmem>> -> memref<1x96xi32, #tpu.memory_space<vmem>>
        %dma_start3A_346 = tpu.memref_squeeze %dma_start3A_345 : memref<1x96xi32, #tpu.memory_space<vmem>> -> memref<96xi32, #tpu.memory_space<vmem>>
        %dma_start3A_347 = arith.constant 0 : i32
        %dma_start3A_348 = tpu.memref_slice %arg3[%add3A_342, %dma_start3A_347] : memref<3456x96xi32, #tpu.memory_space<hbm>> -> memref<1x96xi32, #tpu.memory_space<hbm>>
        %dma_start3A_349 = tpu.memref_squeeze %dma_start3A_348 : memref<1x96xi32, #tpu.memory_space<hbm>> -> memref<96xi32, #tpu.memory_space<hbm>>
        %dma_start3A_350 = arith.constant 0 : i32
        %dma_start3A_351 = tpu.memref_slice %arg7[%dma_start3A_343, %dma_start3A_350] : memref<3x96xi32, #tpu.memory_space<vmem>> -> memref<1x96xi32, #tpu.memory_space<vmem>>
        %dma_start3A_352 = tpu.memref_squeeze %dma_start3A_351 : memref<1x96xi32, #tpu.memory_space<vmem>> -> memref<96xi32, #tpu.memory_space<vmem>>
        %dma_start3A_353 = arith.constant 0 : i32
        %dma_start3A_354 = tpu.memref_slice %arg3[%add3A_342, %dma_start3A_353] : memref<3456x96xi32, #tpu.memory_space<hbm>> -> memref<1x96xi32, #tpu.memory_space<hbm>>
        %dma_start3A_355 = tpu.memref_squeeze %dma_start3A_354 : memref<1x96xi32, #tpu.memory_space<hbm>> -> memref<96xi32, #tpu.memory_space<hbm>>
        tpu.enqueue_dma source(%dma_start3A_355 : memref<96xi32, #tpu.memory_space<hbm>>) target(%dma_start3A_352 : memref<96xi32, #tpu.memory_space<vmem>>) target_semaphore(%arg12 : memref<!tpu.dma_semaphore, #tpu.memory_space<semaphore_mem>>)
        %dma_start3A_356 = arith.constant 1 : i32
        %dma_start3A_357 = arith.constant 0 : i32
        %dma_start3A_358 = tpu.memref_slice %arg8[%dma_start3A_356, %dma_start3A_357] : memref<3x96xi32, #tpu.memory_space<vmem>> -> memref<1x96xi32, #tpu.memory_space<vmem>>
        %dma_start3A_359 = tpu.memref_squeeze %dma_start3A_358 : memref<1x96xi32, #tpu.memory_space<vmem>> -> memref<96xi32, #tpu.memory_space<vmem>>
        %dma_start3A_360 = arith.constant 0 : i32
        %dma_start3A_361 = tpu.memref_slice %arg4[%add3A_342, %dma_start3A_360] : memref<3456x96xi32, #tpu.memory_space<hbm>> -> memref<1x96xi32, #tpu.memory_space<hbm>>
        %dma_start3A_362 = tpu.memref_squeeze %dma_start3A_361 : memref<1x96xi32, #tpu.memory_space<hbm>> -> memref<96xi32, #tpu.memory_space<hbm>>
        %dma_start3A_363 = arith.constant 0 : i32
        %dma_start3A_364 = tpu.memref_slice %arg8[%dma_start3A_356, %dma_start3A_363] : memref<3x96xi32, #tpu.memory_space<vmem>> -> memref<1x96xi32, #tpu.memory_space<vmem>>
        %dma_start3A_365 = tpu.memref_squeeze %dma_start3A_364 : memref<1x96xi32, #tpu.memory_space<vmem>> -> memref<96xi32, #tpu.memory_space<vmem>>
        %dma_start3A_366 = arith.constant 0 : i32
        %dma_start3A_367 = tpu.memref_slice %arg4[%add3A_342, %dma_start3A_366] : memref<3456x96xi32, #tpu.memory_space<hbm>> -> memref<1x96xi32, #tpu.memory_space<hbm>>
        %dma_start3A_368 = tpu.memref_squeeze %dma_start3A_367 : memref<1x96xi32, #tpu.memory_space<hbm>> -> memref<96xi32, #tpu.memory_space<hbm>>
        tpu.enqueue_dma source(%dma_start3A_368 : memref<96xi32, #tpu.memory_space<hbm>>) target(%dma_start3A_365 : memref<96xi32, #tpu.memory_space<vmem>>) target_semaphore(%arg12 : memref<!tpu.dma_semaphore, #tpu.memory_space<semaphore_mem>>)
      } else {
      }
      %gt3A_222 = arith.constant 0 : i32
      %gt3A_223 = arith.cmpi sgt, %while3A_216, %gt3A_222 : i32
      %convert_element_type3A_224 = arith.extui %gt3A_223 : i1 to i32
      %cond3A_225 = arith.constant 0 : i32
      %cond3A_226 = arith.cmpi ne, %convert_element_type3A_224, %cond3A_225 : i32
      scf.if %cond3A_226 {
        %dma_wait3A_285 = arith.constant 0 : i32
        %dma_wait3A_286 = arith.constant 1 : i32
        %dma_wait3A_287 = arith.constant 0 : i32
        %dma_wait3A_288 = tpu.memref_slice %arg7[%dma_wait3A_286, %dma_wait3A_287] : memref<3x96xi32, #tpu.memory_space<vmem>> -> memref<1x96xi32, #tpu.memory_space<vmem>>
        %dma_wait3A_289 = tpu.memref_squeeze %dma_wait3A_288 : memref<1x96xi32, #tpu.memory_space<vmem>> -> memref<96xi32, #tpu.memory_space<vmem>>
        %dma_wait3A_290 = arith.constant 0 : i32
        %dma_wait3A_291 = tpu.memref_slice %arg3[%dma_wait3A_285, %dma_wait3A_290] : memref<3456x96xi32, #tpu.memory_space<hbm>> -> memref<1x96xi32, #tpu.memory_space<hbm>>
        %dma_wait3A_292 = tpu.memref_squeeze %dma_wait3A_291 : memref<1x96xi32, #tpu.memory_space<hbm>> -> memref<96xi32, #tpu.memory_space<hbm>>
        %dma_wait3A_293 = arith.constant 0 : i32
        %dma_wait3A_294 = tpu.memref_slice %arg7[%dma_wait3A_286, %dma_wait3A_293] : memref<3x96xi32, #tpu.memory_space<vmem>> -> memref<1x96xi32, #tpu.memory_space<vmem>>
        %dma_wait3A_295 = tpu.memref_squeeze %dma_wait3A_294 : memref<1x96xi32, #tpu.memory_space<vmem>> -> memref<96xi32, #tpu.memory_space<vmem>>
        %dma_wait3A_296 = arith.constant 0 : i32
        %dma_wait3A_297 = tpu.memref_slice %arg3[%dma_wait3A_285, %dma_wait3A_296] : memref<3456x96xi32, #tpu.memory_space<hbm>> -> memref<1x96xi32, #tpu.memory_space<hbm>>
        %dma_wait3A_298 = tpu.memref_squeeze %dma_wait3A_297 : memref<1x96xi32, #tpu.memory_space<hbm>> -> memref<96xi32, #tpu.memory_space<hbm>>
        tpu.wait_dma2 semaphore(%arg12 : memref<!tpu.dma_semaphore, #tpu.memory_space<semaphore_mem>>) src(%dma_wait3A_298 : memref<96xi32, #tpu.memory_space<hbm>>) dst(%dma_wait3A_295 : memref<96xi32, #tpu.memory_space<vmem>>)
        %dma_wait3A_299 = arith.constant 0 : i32
        %dma_wait3A_300 = arith.constant 1 : i32
        %dma_wait3A_301 = arith.constant 0 : i32
        %dma_wait3A_302 = tpu.memref_slice %arg8[%dma_wait3A_300, %dma_wait3A_301] : memref<3x96xi32, #tpu.memory_space<vmem>> -> memref<1x96xi32, #tpu.memory_space<vmem>>
        %dma_wait3A_303 = tpu.memref_squeeze %dma_wait3A_302 : memref<1x96xi32, #tpu.memory_space<vmem>> -> memref<96xi32, #tpu.memory_space<vmem>>
        %dma_wait3A_304 = arith.constant 0 : i32
        %dma_wait3A_305 = tpu.memref_slice %arg4[%dma_wait3A_299, %dma_wait3A_304] : memref<3456x96xi32, #tpu.memory_space<hbm>> -> memref<1x96xi32, #tpu.memory_space<hbm>>
        %dma_wait3A_306 = tpu.memref_squeeze %dma_wait3A_305 : memref<1x96xi32, #tpu.memory_space<hbm>> -> memref<96xi32, #tpu.memory_space<hbm>>
        %dma_wait3A_307 = arith.constant 0 : i32
        %dma_wait3A_308 = tpu.memref_slice %arg8[%dma_wait3A_300, %dma_wait3A_307] : memref<3x96xi32, #tpu.memory_space<vmem>> -> memref<1x96xi32, #tpu.memory_space<vmem>>
        %dma_wait3A_309 = tpu.memref_squeeze %dma_wait3A_308 : memref<1x96xi32, #tpu.memory_space<vmem>> -> memref<96xi32, #tpu.memory_space<vmem>>
        %dma_wait3A_310 = arith.constant 0 : i32
        %dma_wait3A_311 = tpu.memref_slice %arg4[%dma_wait3A_299, %dma_wait3A_310] : memref<3456x96xi32, #tpu.memory_space<hbm>> -> memref<1x96xi32, #tpu.memory_space<hbm>>
        %dma_wait3A_312 = tpu.memref_squeeze %dma_wait3A_311 : memref<1x96xi32, #tpu.memory_space<hbm>> -> memref<96xi32, #tpu.memory_space<hbm>>
        tpu.wait_dma2 semaphore(%arg12 : memref<!tpu.dma_semaphore, #tpu.memory_space<semaphore_mem>>) src(%dma_wait3A_312 : memref<96xi32, #tpu.memory_space<hbm>>) dst(%dma_wait3A_309 : memref<96xi32, #tpu.memory_space<vmem>>)
        %dma_start3A_313 = arith.constant 1 : i32
        %dma_start3A_314 = arith.constant 1 : i32
        %dma_start3A_315 = arith.constant 0 : i32
        %dma_start3A_316 = arith.constant 0 : i32
        %dma_start3A_317 = tpu.memref_slice %arg9[%dma_start3A_314, %dma_start3A_315, %dma_start3A_316] : memref<3x96x128xf32, #tpu.memory_space<vmem>> -> memref<1x96x128xf32, #tpu.memory_space<vmem>>
        %dma_start3A_318 = tpu.memref_squeeze %dma_start3A_317 : memref<1x96x128xf32, #tpu.memory_space<vmem>> -> memref<96x128xf32, #tpu.memory_space<vmem>>
        %dma_start3A_319 = arith.constant 0 : i32
        %dma_start3A_320 = tpu.memref_slice %arg7[%dma_start3A_313, %dma_start3A_319] : memref<3x96xi32, #tpu.memory_space<vmem>> -> memref<1x96xi32, #tpu.memory_space<vmem>>
        %dma_start3A_321 = tpu.memref_squeeze %dma_start3A_320 : memref<1x96xi32, #tpu.memory_space<vmem>> -> memref<96xi32, #tpu.memory_space<vmem>>
        %dma_start3A_322 = arith.constant 0 : i32
        %dma_start3A_323 = arith.constant 0 : i32
        %dma_start3A_324 = tpu.memref_slice %arg2[%dma_start3A_322, %dma_start3A_323] : memref<10000x128xf32, #tpu.memory_space<hbm>> -> memref<10000x128xf32, #tpu.memory_space<hbm>>
        tpu.enqueue_indirect_dma source(%dma_start3A_324 : memref<10000x128xf32, #tpu.memory_space<hbm>>) target(%dma_start3A_318 : memref<96x128xf32, #tpu.memory_space<vmem>>) offsets(%dma_start3A_321 : memref<96xi32, #tpu.memory_space<vmem>>) semaphore(%arg15 : memref<!tpu.dma_semaphore, #tpu.memory_space<semaphore_mem>>)
        %dma_wait3A_325 = arith.constant 2 : i32
        %dma_wait3A_326 = arith.constant 2 : i32
        %dma_wait3A_327 = arith.constant 0 : i32
        %dma_wait3A_328 = arith.constant 0 : i32
        %dma_wait3A_329 = tpu.memref_slice %arg9[%dma_wait3A_326, %dma_wait3A_327, %dma_wait3A_328] : memref<3x96x128xf32, #tpu.memory_space<vmem>> -> memref<1x96x128xf32, #tpu.memory_space<vmem>>
        %dma_wait3A_330 = tpu.memref_squeeze %dma_wait3A_329 : memref<1x96x128xf32, #tpu.memory_space<vmem>> -> memref<96x128xf32, #tpu.memory_space<vmem>>
        %dma_wait3A_331 = arith.constant 0 : i32
        %dma_wait3A_332 = tpu.memref_slice %arg7[%dma_wait3A_325, %dma_wait3A_331] : memref<3x96xi32, #tpu.memory_space<vmem>> -> memref<1x96xi32, #tpu.memory_space<vmem>>
        %dma_wait3A_333 = tpu.memref_squeeze %dma_wait3A_332 : memref<1x96xi32, #tpu.memory_space<vmem>> -> memref<96xi32, #tpu.memory_space<vmem>>
        %dma_wait3A_334 = arith.constant 0 : i32
        %dma_wait3A_335 = arith.constant 0 : i32
        %dma_wait3A_336 = tpu.memref_slice %arg2[%dma_wait3A_334, %dma_wait3A_335] : memref<10000x128xf32, #tpu.memory_space<hbm>> -> memref<10000x128xf32, #tpu.memory_space<hbm>>
        tpu.wait_indirect_dma semaphore(%arg16 : memref<!tpu.dma_semaphore, #tpu.memory_space<semaphore_mem>>) src(%dma_wait3A_336 : memref<10000x128xf32, #tpu.memory_space<hbm>>) dst(%dma_wait3A_330 : memref<96x128xf32, #tpu.memory_space<vmem>>)
        %run_scoped3A_337 = arith.constant 2 : i32
        %run_scoped3A_338 = arith.constant 2 : i32
        "tpu.region"() ({
          %run_scoped3A_369 = tpu.sem_alloc : memref<!tpu.dma_semaphore, #tpu.memory_space<semaphore_mem>>
          %dma_start3A_370 = arith.constant 0 : i32
          %dma_start3A_371 = arith.constant 0 : i32
          %dma_start3A_372 = tpu.memref_slice %arg9[%run_scoped3A_337, %dma_start3A_370, %dma_start3A_371] : memref<3x96x128xf32, #tpu.memory_space<vmem>> -> memref<1x96x128xf32, #tpu.memory_space<vmem>>
          %dma_start3A_373 = tpu.memref_squeeze %dma_start3A_372 : memref<1x96x128xf32, #tpu.memory_space<vmem>> -> memref<96x128xf32, #tpu.memory_space<vmem>>
          %dma_start3A_374 = arith.constant 0 : i32
          %dma_start3A_375 = tpu.memref_slice %arg8[%run_scoped3A_338, %dma_start3A_374] : memref<3x96xi32, #tpu.memory_space<vmem>> -> memref<1x96xi32, #tpu.memory_space<vmem>>
          %dma_start3A_376 = tpu.memref_squeeze %dma_start3A_375 : memref<1x96xi32, #tpu.memory_space<vmem>> -> memref<96xi32, #tpu.memory_space<vmem>>
          %dma_start3A_377 = arith.constant 0 : i32
          %dma_start3A_378 = arith.constant 0 : i32
          %dma_start3A_379 = tpu.memref_slice %arg10[%dma_start3A_377, %dma_start3A_378] : memref<10112x128xf32, #tpu.memory_space<vmem_shared>> -> memref<10112x128xf32, #tpu.memory_space<vmem_shared>>
          tpu.enqueue_indirect_dma source(%dma_start3A_373 : memref<96x128xf32, #tpu.memory_space<vmem>>) target(%dma_start3A_379 : memref<10112x128xf32, #tpu.memory_space<vmem_shared>>) offsets(%dma_start3A_376 : memref<96xi32, #tpu.memory_space<vmem>>) semaphore(%run_scoped3A_369 : memref<!tpu.dma_semaphore, #tpu.memory_space<semaphore_mem>>) {add = true}
          %dma_wait3A_380 = arith.constant 0 : i32
          %dma_wait3A_381 = arith.constant 0 : i32
          %dma_wait3A_382 = tpu.memref_slice %arg9[%run_scoped3A_337, %dma_wait3A_380, %dma_wait3A_381] : memref<3x96x128xf32, #tpu.memory_space<vmem>> -> memref<1x96x128xf32, #tpu.memory_space<vmem>>
          %dma_wait3A_383 = tpu.memref_squeeze %dma_wait3A_382 : memref<1x96x128xf32, #tpu.memory_space<vmem>> -> memref<96x128xf32, #tpu.memory_space<vmem>>
          %dma_wait3A_384 = arith.constant 0 : i32
          %dma_wait3A_385 = tpu.memref_slice %arg8[%run_scoped3A_338, %dma_wait3A_384] : memref<3x96xi32, #tpu.memory_space<vmem>> -> memref<1x96xi32, #tpu.memory_space<vmem>>
          %dma_wait3A_386 = tpu.memref_squeeze %dma_wait3A_385 : memref<1x96xi32, #tpu.memory_space<vmem>> -> memref<96xi32, #tpu.memory_space<vmem>>
          %dma_wait3A_387 = arith.constant 0 : i32
          %dma_wait3A_388 = arith.constant 0 : i32
          %dma_wait3A_389 = tpu.memref_slice %arg10[%dma_wait3A_387, %dma_wait3A_388] : memref<10112x128xf32, #tpu.memory_space<vmem_shared>> -> memref<10112x128xf32, #tpu.memory_space<vmem_shared>>
          tpu.wait_indirect_dma semaphore(%run_scoped3A_369 : memref<!tpu.dma_semaphore, #tpu.memory_space<semaphore_mem>>) src(%dma_wait3A_383 : memref<96x128xf32, #tpu.memory_space<vmem>>) dst(%dma_wait3A_389 : memref<10112x128xf32, #tpu.memory_space<vmem_shared>>)
          tpu.yield
        }) : () -> ()
        %add3A_339 = arith.constant 1 : i32
        %add3A_340 = arith.addi %add3A_219, %add3A_339 : i32
        %add3A_341 = arith.constant 1 : i32
        %add3A_342 = arith.addi %add3A_340, %add3A_341 : i32
        %dma_start3A_343 = arith.constant 2 : i32
        %dma_start3A_344 = arith.constant 0 : i32
        %dma_start3A_345 = tpu.memref_slice %arg7[%dma_start3A_343, %dma_start3A_344] : memref<3x96xi32, #tpu.memory_space<vmem>> -> memref<1x96xi32, #tpu.memory_space<vmem>>
        %dma_start3A_346 = tpu.memref_squeeze %dma_start3A_345 : memref<1x96xi32, #tpu.memory_space<vmem>> -> memref<96xi32, #tpu.memory_space<vmem>>
        %dma_start3A_347 = arith.constant 0 : i32
        %dma_start3A_348 = tpu.memref_slice %arg3[%add3A_342, %dma_start3A_347] : memref<3456x96xi32, #tpu.memory_space<hbm>> -> memref<1x96xi32, #tpu.memory_space<hbm>>
        %dma_start3A_349 = tpu.memref_squeeze %dma_start3A_348 : memref<1x96xi32, #tpu.memory_space<hbm>> -> memref<96xi32, #tpu.memory_space<hbm>>
        %dma_start3A_350 = arith.constant 0 : i32
        %dma_start3A_351 = tpu.memref_slice %arg7[%dma_start3A_343, %dma_start3A_350] : memref<3x96xi32, #tpu.memory_space<vmem>> -> memref<1x96xi32, #tpu.memory_space<vmem>>
        %dma_start3A_352 = tpu.memref_squeeze %dma_start3A_351 : memref<1x96xi32, #tpu.memory_space<vmem>> -> memref<96xi32, #tpu.memory_space<vmem>>
        %dma_start3A_353 = arith.constant 0 : i32
        %dma_start3A_354 = tpu.memref_slice %arg3[%add3A_342, %dma_start3A_353] : memref<3456x96xi32, #tpu.memory_space<hbm>> -> memref<1x96xi32, #tpu.memory_space<hbm>>
        %dma_start3A_355 = tpu.memref_squeeze %dma_start3A_354 : memref<1x96xi32, #tpu.memory_space<hbm>> -> memref<96xi32, #tpu.memory_space<hbm>>
        tpu.enqueue_dma source(%dma_start3A_355 : memref<96xi32, #tpu.memory_space<hbm>>) target(%dma_start3A_352 : memref<96xi32, #tpu.memory_space<vmem>>) target_semaphore(%arg13 : memref<!tpu.dma_semaphore, #tpu.memory_space<semaphore_mem>>)
        %dma_start3A_356 = arith.constant 2 : i32
        %dma_start3A_357 = arith.constant 0 : i32
        %dma_start3A_358 = tpu.memref_slice %arg8[%dma_start3A_356, %dma_start3A_357] : memref<3x96xi32, #tpu.memory_space<vmem>> -> memref<1x96xi32, #tpu.memory_space<vmem>>
        %dma_start3A_359 = tpu.memref_squeeze %dma_start3A_358 : memref<1x96xi32, #tpu.memory_space<vmem>> -> memref<96xi32, #tpu.memory_space<vmem>>
        %dma_start3A_360 = arith.constant 0 : i32
        %dma_start3A_361 = tpu.memref_slice %arg4[%add3A_342, %dma_start3A_360] : memref<3456x96xi32, #tpu.memory_space<hbm>> -> memref<1x96xi32, #tpu.memory_space<hbm>>
        %dma_start3A_362 = tpu.memref_squeeze %dma_start3A_361 : memref<1x96xi32, #tpu.memory_space<hbm>> -> memref<96xi32, #tpu.memory_space<hbm>>
        %dma_start3A_363 = arith.constant 0 : i32
        %dma_start3A_364 = tpu.memref_slice %arg8[%dma_start3A_356, %dma_start3A_363] : memref<3x96xi32, #tpu.memory_space<vmem>> -> memref<1x96xi32, #tpu.memory_space<vmem>>
        %dma_start3A_365 = tpu.memref_squeeze %dma_start3A_364 : memref<1x96xi32, #tpu.memory_space<vmem>> -> memref<96xi32, #tpu.memory_space<vmem>>
        %dma_start3A_366 = arith.constant 0 : i32
        %dma_start3A_367 = tpu.memref_slice %arg4[%add3A_342, %dma_start3A_366] : memref<3456x96xi32, #tpu.memory_space<hbm>> -> memref<1x96xi32, #tpu.memory_space<hbm>>
        %dma_start3A_368 = tpu.memref_squeeze %dma_start3A_367 : memref<1x96xi32, #tpu.memory_space<hbm>> -> memref<96xi32, #tpu.memory_space<hbm>>
        tpu.enqueue_dma source(%dma_start3A_368 : memref<96xi32, #tpu.memory_space<hbm>>) target(%dma_start3A_365 : memref<96xi32, #tpu.memory_space<vmem>>) target_semaphore(%arg13 : memref<!tpu.dma_semaphore, #tpu.memory_space<semaphore_mem>>)
      } else {
      }
      %dma_wait3A_227 = arith.constant 0 : i32
      %dma_wait3A_228 = arith.constant 2 : i32
      %dma_wait3A_229 = arith.constant 0 : i32
      %dma_wait3A_230 = tpu.memref_slice %arg7[%dma_wait3A_228, %dma_wait3A_229] : memref<3x96xi32, #tpu.memory_space<vmem>> -> memref<1x96xi32, #tpu.memory_space<vmem>>
      %dma_wait3A_231 = tpu.memref_squeeze %dma_wait3A_230 : memref<1x96xi32, #tpu.memory_space<vmem>> -> memref<96xi32, #tpu.memory_space<vmem>>
      %dma_wait3A_232 = arith.constant 0 : i32
      %dma_wait3A_233 = tpu.memref_slice %arg3[%dma_wait3A_227, %dma_wait3A_232] : memref<3456x96xi32, #tpu.memory_space<hbm>> -> memref<1x96xi32, #tpu.memory_space<hbm>>
      %dma_wait3A_234 = tpu.memref_squeeze %dma_wait3A_233 : memref<1x96xi32, #tpu.memory_space<hbm>> -> memref<96xi32, #tpu.memory_space<hbm>>
      %dma_wait3A_235 = arith.constant 0 : i32
      %dma_wait3A_236 = tpu.memref_slice %arg7[%dma_wait3A_228, %dma_wait3A_235] : memref<3x96xi32, #tpu.memory_space<vmem>> -> memref<1x96xi32, #tpu.memory_space<vmem>>
      %dma_wait3A_237 = tpu.memref_squeeze %dma_wait3A_236 : memref<1x96xi32, #tpu.memory_space<vmem>> -> memref<96xi32, #tpu.memory_space<vmem>>
      %dma_wait3A_238 = arith.constant 0 : i32
      %dma_wait3A_239 = tpu.memref_slice %arg3[%dma_wait3A_227, %dma_wait3A_238] : memref<3456x96xi32, #tpu.memory_space<hbm>> -> memref<1x96xi32, #tpu.memory_space<hbm>>
      %dma_wait3A_240 = tpu.memref_squeeze %dma_wait3A_239 : memref<1x96xi32, #tpu.memory_space<hbm>> -> memref<96xi32, #tpu.memory_space<hbm>>
      tpu.wait_dma2 semaphore(%arg13 : memref<!tpu.dma_semaphore, #tpu.memory_space<semaphore_mem>>) src(%dma_wait3A_240 : memref<96xi32, #tpu.memory_space<hbm>>) dst(%dma_wait3A_237 : memref<96xi32, #tpu.memory_space<vmem>>)
      %dma_wait3A_241 = arith.constant 0 : i32
      %dma_wait3A_242 = arith.constant 2 : i32
      %dma_wait3A_243 = arith.constant 0 : i32
      %dma_wait3A_244 = tpu.memref_slice %arg8[%dma_wait3A_242, %dma_wait3A_243] : memref<3x96xi32, #tpu.memory_space<vmem>> -> memref<1x96xi32, #tpu.memory_space<vmem>>
      %dma_wait3A_245 = tpu.memref_squeeze %dma_wait3A_244 : memref<1x96xi32, #tpu.memory_space<vmem>> -> memref<96xi32, #tpu.memory_space<vmem>>
      %dma_wait3A_246 = arith.constant 0 : i32
      %dma_wait3A_247 = tpu.memref_slice %arg4[%dma_wait3A_241, %dma_wait3A_246] : memref<3456x96xi32, #tpu.memory_space<hbm>> -> memref<1x96xi32, #tpu.memory_space<hbm>>
      %dma_wait3A_248 = tpu.memref_squeeze %dma_wait3A_247 : memref<1x96xi32, #tpu.memory_space<hbm>> -> memref<96xi32, #tpu.memory_space<hbm>>
      %dma_wait3A_249 = arith.constant 0 : i32
      %dma_wait3A_250 = tpu.memref_slice %arg8[%dma_wait3A_242, %dma_wait3A_249] : memref<3x96xi32, #tpu.memory_space<vmem>> -> memref<1x96xi32, #tpu.memory_space<vmem>>
      %dma_wait3A_251 = tpu.memref_squeeze %dma_wait3A_250 : memref<1x96xi32, #tpu.memory_space<vmem>> -> memref<96xi32, #tpu.memory_space<vmem>>
      %dma_wait3A_252 = arith.constant 0 : i32
      %dma_wait3A_253 = tpu.memref_slice %arg4[%dma_wait3A_241, %dma_wait3A_252] : memref<3456x96xi32, #tpu.memory_space<hbm>> -> memref<1x96xi32, #tpu.memory_space<hbm>>
      %dma_wait3A_254 = tpu.memref_squeeze %dma_wait3A_253 : memref<1x96xi32, #tpu.memory_space<hbm>> -> memref<96xi32, #tpu.memory_space<hbm>>
      tpu.wait_dma2 semaphore(%arg13 : memref<!tpu.dma_semaphore, #tpu.memory_space<semaphore_mem>>) src(%dma_wait3A_254 : memref<96xi32, #tpu.memory_space<hbm>>) dst(%dma_wait3A_251 : memref<96xi32, #tpu.memory_space<vmem>>)
      %dma_start3A_255 = arith.constant 2 : i32
      %dma_start3A_256 = arith.constant 2 : i32
      %dma_start3A_257 = arith.constant 0 : i32
      %dma_start3A_258 = arith.constant 0 : i32
      %dma_start3A_259 = tpu.memref_slice %arg9[%dma_start3A_256, %dma_start3A_257, %dma_start3A_258] : memref<3x96x128xf32, #tpu.memory_space<vmem>> -> memref<1x96x128xf32, #tpu.memory_space<vmem>>
      %dma_start3A_260 = tpu.memref_squeeze %dma_start3A_259 : memref<1x96x128xf32, #tpu.memory_space<vmem>> -> memref<96x128xf32, #tpu.memory_space<vmem>>
      %dma_start3A_261 = arith.constant 0 : i32
      %dma_start3A_262 = tpu.memref_slice %arg7[%dma_start3A_255, %dma_start3A_261] : memref<3x96xi32, #tpu.memory_space<vmem>> -> memref<1x96xi32, #tpu.memory_space<vmem>>
      %dma_start3A_263 = tpu.memref_squeeze %dma_start3A_262 : memref<1x96xi32, #tpu.memory_space<vmem>> -> memref<96xi32, #tpu.memory_space<vmem>>
      %dma_start3A_264 = arith.constant 0 : i32
      %dma_start3A_265 = arith.constant 0 : i32
      %dma_start3A_266 = tpu.memref_slice %arg2[%dma_start3A_264, %dma_start3A_265] : memref<10000x128xf32, #tpu.memory_space<hbm>> -> memref<10000x128xf32, #tpu.memory_space<hbm>>
      tpu.enqueue_indirect_dma source(%dma_start3A_266 : memref<10000x128xf32, #tpu.memory_space<hbm>>) target(%dma_start3A_260 : memref<96x128xf32, #tpu.memory_space<vmem>>) offsets(%dma_start3A_263 : memref<96xi32, #tpu.memory_space<vmem>>) semaphore(%arg16 : memref<!tpu.dma_semaphore, #tpu.memory_space<semaphore_mem>>)
      %dma_wait3A_267 = arith.constant 0 : i32
      %dma_wait3A_268 = arith.constant 0 : i32
      %dma_wait3A_269 = arith.constant 0 : i32
      %dma_wait3A_270 = arith.constant 0 : i32
      %dma_wait3A_271 = tpu.memref_slice %arg9[%dma_wait3A_268, %dma_wait3A_269, %dma_wait3A_270] : memref<3x96x128xf32, #tpu.memory_space<vmem>> -> memref<1x96x128xf32, #tpu.memory_space<vmem>>
      %dma_wait3A_272 = tpu.memref_squeeze %dma_wait3A_271 : memref<1x96x128xf32, #tpu.memory_space<vmem>> -> memref<96x128xf32, #tpu.memory_space<vmem>>
      %dma_wait3A_273 = arith.constant 0 : i32
      %dma_wait3A_274 = tpu.memref_slice %arg7[%dma_wait3A_267, %dma_wait3A_273] : memref<3x96xi32, #tpu.memory_space<vmem>> -> memref<1x96xi32, #tpu.memory_space<vmem>>
      %dma_wait3A_275 = tpu.memref_squeeze %dma_wait3A_274 : memref<1x96xi32, #tpu.memory_space<vmem>> -> memref<96xi32, #tpu.memory_space<vmem>>
      %dma_wait3A_276 = arith.constant 0 : i32
      %dma_wait3A_277 = arith.constant 0 : i32
      %dma_wait3A_278 = tpu.memref_slice %arg2[%dma_wait3A_276, %dma_wait3A_277] : memref<10000x128xf32, #tpu.memory_space<hbm>> -> memref<10000x128xf32, #tpu.memory_space<hbm>>
      tpu.wait_indirect_dma semaphore(%arg14 : memref<!tpu.dma_semaphore, #tpu.memory_space<semaphore_mem>>) src(%dma_wait3A_278 : memref<10000x128xf32, #tpu.memory_space<hbm>>) dst(%dma_wait3A_272 : memref<96x128xf32, #tpu.memory_space<vmem>>)
      %run_scoped3A_279 = arith.constant 0 : i32
      %run_scoped3A_280 = arith.constant 0 : i32
      "tpu.region"() ({
        %run_scoped3A_285 = tpu.sem_alloc : memref<!tpu.dma_semaphore, #tpu.memory_space<semaphore_mem>>
        %dma_start3A_286 = arith.constant 0 : i32
        %dma_start3A_287 = arith.constant 0 : i32
        %dma_start3A_288 = tpu.memref_slice %arg9[%run_scoped3A_279, %dma_start3A_286, %dma_start3A_287] : memref<3x96x128xf32, #tpu.memory_space<vmem>> -> memref<1x96x128xf32, #tpu.memory_space<vmem>>
        %dma_start3A_289 = tpu.memref_squeeze %dma_start3A_288 : memref<1x96x128xf32, #tpu.memory_space<vmem>> -> memref<96x128xf32, #tpu.memory_space<vmem>>
        %dma_start3A_290 = arith.constant 0 : i32
        %dma_start3A_291 = tpu.memref_slice %arg8[%run_scoped3A_280, %dma_start3A_290] : memref<3x96xi32, #tpu.memory_space<vmem>> -> memref<1x96xi32, #tpu.memory_space<vmem>>
        %dma_start3A_292 = tpu.memref_squeeze %dma_start3A_291 : memref<1x96xi32, #tpu.memory_space<vmem>> -> memref<96xi32, #tpu.memory_space<vmem>>
        %dma_start3A_293 = arith.constant 0 : i32
        %dma_start3A_294 = arith.constant 0 : i32
        %dma_start3A_295 = tpu.memref_slice %arg10[%dma_start3A_293, %dma_start3A_294] : memref<10112x128xf32, #tpu.memory_space<vmem_shared>> -> memref<10112x128xf32, #tpu.memory_space<vmem_shared>>
        tpu.enqueue_indirect_dma source(%dma_start3A_289 : memref<96x128xf32, #tpu.memory_space<vmem>>) target(%dma_start3A_295 : memref<10112x128xf32, #tpu.memory_space<vmem_shared>>) offsets(%dma_start3A_292 : memref<96xi32, #tpu.memory_space<vmem>>) semaphore(%run_scoped3A_285 : memref<!tpu.dma_semaphore, #tpu.memory_space<semaphore_mem>>) {add = true}
        %dma_wait3A_296 = arith.constant 0 : i32
        %dma_wait3A_297 = arith.constant 0 : i32
        %dma_wait3A_298 = tpu.memref_slice %arg9[%run_scoped3A_279, %dma_wait3A_296, %dma_wait3A_297] : memref<3x96x128xf32, #tpu.memory_space<vmem>> -> memref<1x96x128xf32, #tpu.memory_space<vmem>>
        %dma_wait3A_299 = tpu.memref_squeeze %dma_wait3A_298 : memref<1x96x128xf32, #tpu.memory_space<vmem>> -> memref<96x128xf32, #tpu.memory_space<vmem>>
        %dma_wait3A_300 = arith.constant 0 : i32
        %dma_wait3A_301 = tpu.memref_slice %arg8[%run_scoped3A_280, %dma_wait3A_300] : memref<3x96xi32, #tpu.memory_space<vmem>> -> memref<1x96xi32, #tpu.memory_space<vmem>>
        %dma_wait3A_302 = tpu.memref_squeeze %dma_wait3A_301 : memref<1x96xi32, #tpu.memory_space<vmem>> -> memref<96xi32, #tpu.memory_space<vmem>>
        %dma_wait3A_303 = arith.constant 0 : i32
        %dma_wait3A_304 = arith.constant 0 : i32
        %dma_wait3A_305 = tpu.memref_slice %arg10[%dma_wait3A_303, %dma_wait3A_304] : memref<10112x128xf32, #tpu.memory_space<vmem_shared>> -> memref<10112x128xf32, #tpu.memory_space<vmem_shared>>
        tpu.wait_indirect_dma semaphore(%run_scoped3A_285 : memref<!tpu.dma_semaphore, #tpu.memory_space<semaphore_mem>>) src(%dma_wait3A_299 : memref<96x128xf32, #tpu.memory_space<vmem>>) dst(%dma_wait3A_305 : memref<10112x128xf32, #tpu.memory_space<vmem_shared>>)
        tpu.yield
      }) : () -> ()
      %sub3A = arith.constant 1 : i32
      %sub3A_281 = arith.subi %select_n3A_8, %sub3A : i32
      %lt3A = arith.cmpi slt, %while3A_216, %sub3A_281 : i32
      %convert_element_type3A_282 = arith.extui %lt3A : i1 to i32
      %cond3A_283 = arith.constant 0 : i32
      %cond3A_284 = arith.cmpi ne, %convert_element_type3A_282, %cond3A_283 : i32
      scf.if %cond3A_284 {
        %add3A_285 = arith.constant 2 : i32
        %add3A_286 = arith.addi %add3A_219, %add3A_285 : i32
        %add3A_287 = arith.constant 1 : i32
        %add3A_288 = arith.addi %add3A_286, %add3A_287 : i32
        %dma_start3A_289 = arith.constant 0 : i32
        %dma_start3A_290 = arith.constant 0 : i32
        %dma_start3A_291 = tpu.memref_slice %arg7[%dma_start3A_289, %dma_start3A_290] : memref<3x96xi32, #tpu.memory_space<vmem>> -> memref<1x96xi32, #tpu.memory_space<vmem>>
        %dma_start3A_292 = tpu.memref_squeeze %dma_start3A_291 : memref<1x96xi32, #tpu.memory_space<vmem>> -> memref<96xi32, #tpu.memory_space<vmem>>
        %dma_start3A_293 = arith.constant 0 : i32
        %dma_start3A_294 = tpu.memref_slice %arg3[%add3A_288, %dma_start3A_293] : memref<3456x96xi32, #tpu.memory_space<hbm>> -> memref<1x96xi32, #tpu.memory_space<hbm>>
        %dma_start3A_295 = tpu.memref_squeeze %dma_start3A_294 : memref<1x96xi32, #tpu.memory_space<hbm>> -> memref<96xi32, #tpu.memory_space<hbm>>
        %dma_start3A_296 = arith.constant 0 : i32
        %dma_start3A_297 = tpu.memref_slice %arg7[%dma_start3A_289, %dma_start3A_296] : memref<3x96xi32, #tpu.memory_space<vmem>> -> memref<1x96xi32, #tpu.memory_space<vmem>>
        %dma_start3A_298 = tpu.memref_squeeze %dma_start3A_297 : memref<1x96xi32, #tpu.memory_space<vmem>> -> memref<96xi32, #tpu.memory_space<vmem>>
        %dma_start3A_299 = arith.constant 0 : i32
        %dma_start3A_300 = tpu.memref_slice %arg3[%add3A_288, %dma_start3A_299] : memref<3456x96xi32, #tpu.memory_space<hbm>> -> memref<1x96xi32, #tpu.memory_space<hbm>>
        %dma_start3A_301 = tpu.memref_squeeze %dma_start3A_300 : memref<1x96xi32, #tpu.memory_space<hbm>> -> memref<96xi32, #tpu.memory_space<hbm>>
        tpu.enqueue_dma source(%dma_start3A_301 : memref<96xi32, #tpu.memory_space<hbm>>) target(%dma_start3A_298 : memref<96xi32, #tpu.memory_space<vmem>>) target_semaphore(%arg11 : memref<!tpu.dma_semaphore, #tpu.memory_space<semaphore_mem>>)
        %dma_start3A_302 = arith.constant 0 : i32
        %dma_start3A_303 = arith.constant 0 : i32
        %dma_start3A_304 = tpu.memref_slice %arg8[%dma_start3A_302, %dma_start3A_303] : memref<3x96xi32, #tpu.memory_space<vmem>> -> memref<1x96xi32, #tpu.memory_space<vmem>>
        %dma_start3A_305 = tpu.memref_squeeze %dma_start3A_304 : memref<1x96xi32, #tpu.memory_space<vmem>> -> memref<96xi32, #tpu.memory_space<vmem>>
        %dma_start3A_306 = arith.constant 0 : i32
        %dma_start3A_307 = tpu.memref_slice %arg4[%add3A_288, %dma_start3A_306] : memref<3456x96xi32, #tpu.memory_space<hbm>> -> memref<1x96xi32, #tpu.memory_space<hbm>>
        %dma_start3A_308 = tpu.memref_squeeze %dma_start3A_307 : memref<1x96xi32, #tpu.memory_space<hbm>> -> memref<96xi32, #tpu.memory_space<hbm>>
        %dma_start3A_309 = arith.constant 0 : i32
        %dma_start3A_310 = tpu.memref_slice %arg8[%dma_start3A_302, %dma_start3A_309] : memref<3x96xi32, #tpu.memory_space<vmem>> -> memref<1x96xi32, #tpu.memory_space<vmem>>
        %dma_start3A_311 = tpu.memref_squeeze %dma_start3A_310 : memref<1x96xi32, #tpu.memory_space<vmem>> -> memref<96xi32, #tpu.memory_space<vmem>>
        %dma_start3A_312 = arith.constant 0 : i32
        %dma_start3A_313 = tpu.memref_slice %arg4[%add3A_288, %dma_start3A_312] : memref<3456x96xi32, #tpu.memory_space<hbm>> -> memref<1x96xi32, #tpu.memory_space<hbm>>
        %dma_start3A_314 = tpu.memref_squeeze %dma_start3A_313 : memref<1x96xi32, #tpu.memory_space<hbm>> -> memref<96xi32, #tpu.memory_space<hbm>>
        tpu.enqueue_dma source(%dma_start3A_314 : memref<96xi32, #tpu.memory_space<hbm>>) target(%dma_start3A_311 : memref<96xi32, #tpu.memory_space<vmem>>) target_semaphore(%arg11 : memref<!tpu.dma_semaphore, #tpu.memory_space<semaphore_mem>>)
      } else {
      }
    }
    %dma_wait3A_184 = arith.constant 1 : i32
    %dma_wait3A_185 = arith.constant 1 : i32
    %dma_wait3A_186 = arith.constant 0 : i32
    %dma_wait3A_187 = arith.constant 0 : i32
    %dma_wait3A_188 = tpu.memref_slice %arg9[%dma_wait3A_185, %dma_wait3A_186, %dma_wait3A_187] : memref<3x96x128xf32, #tpu.memory_space<vmem>> -> memref<1x96x128xf32, #tpu.memory_space<vmem>>
    %dma_wait3A_189 = tpu.memref_squeeze %dma_wait3A_188 : memref<1x96x128xf32, #tpu.memory_space<vmem>> -> memref<96x128xf32, #tpu.memory_space<vmem>>
    %dma_wait3A_190 = arith.constant 0 : i32
    %dma_wait3A_191 = tpu.memref_slice %arg7[%dma_wait3A_184, %dma_wait3A_190] : memref<3x96xi32, #tpu.memory_space<vmem>> -> memref<1x96xi32, #tpu.memory_space<vmem>>
    %dma_wait3A_192 = tpu.memref_squeeze %dma_wait3A_191 : memref<1x96xi32, #tpu.memory_space<vmem>> -> memref<96xi32, #tpu.memory_space<vmem>>
    %dma_wait3A_193 = arith.constant 0 : i32
    %dma_wait3A_194 = arith.constant 0 : i32
    %dma_wait3A_195 = tpu.memref_slice %arg2[%dma_wait3A_193, %dma_wait3A_194] : memref<10000x128xf32, #tpu.memory_space<hbm>> -> memref<10000x128xf32, #tpu.memory_space<hbm>>
    tpu.wait_indirect_dma semaphore(%arg15 : memref<!tpu.dma_semaphore, #tpu.memory_space<semaphore_mem>>) src(%dma_wait3A_195 : memref<10000x128xf32, #tpu.memory_space<hbm>>) dst(%dma_wait3A_189 : memref<96x128xf32, #tpu.memory_space<vmem>>)
    %run_scoped3A = arith.constant 1 : i32
    %run_scoped3A_196 = arith.constant 1 : i32
    "tpu.region"() ({
      %run_scoped3A_216 = tpu.sem_alloc : memref<!tpu.dma_semaphore, #tpu.memory_space<semaphore_mem>>
      %dma_start3A_217 = arith.constant 0 : i32
      %dma_start3A_218 = arith.constant 0 : i32
      %dma_start3A_219 = tpu.memref_slice %arg9[%run_scoped3A, %dma_start3A_217, %dma_start3A_218] : memref<3x96x128xf32, #tpu.memory_space<vmem>> -> memref<1x96x128xf32, #tpu.memory_space<vmem>>
      %dma_start3A_220 = tpu.memref_squeeze %dma_start3A_219 : memref<1x96x128xf32, #tpu.memory_space<vmem>> -> memref<96x128xf32, #tpu.memory_space<vmem>>
      %dma_start3A_221 = arith.constant 0 : i32
      %dma_start3A_222 = tpu.memref_slice %arg8[%run_scoped3A_196, %dma_start3A_221] : memref<3x96xi32, #tpu.memory_space<vmem>> -> memref<1x96xi32, #tpu.memory_space<vmem>>
      %dma_start3A_223 = tpu.memref_squeeze %dma_start3A_222 : memref<1x96xi32, #tpu.memory_space<vmem>> -> memref<96xi32, #tpu.memory_space<vmem>>
      %dma_start3A_224 = arith.constant 0 : i32
      %dma_start3A_225 = arith.constant 0 : i32
      %dma_start3A_226 = tpu.memref_slice %arg10[%dma_start3A_224, %dma_start3A_225] : memref<10112x128xf32, #tpu.memory_space<vmem_shared>> -> memref<10112x128xf32, #tpu.memory_space<vmem_shared>>
      tpu.enqueue_indirect_dma source(%dma_start3A_220 : memref<96x128xf32, #tpu.memory_space<vmem>>) target(%dma_start3A_226 : memref<10112x128xf32, #tpu.memory_space<vmem_shared>>) offsets(%dma_start3A_223 : memref<96xi32, #tpu.memory_space<vmem>>) semaphore(%run_scoped3A_216 : memref<!tpu.dma_semaphore, #tpu.memory_space<semaphore_mem>>) {add = true}
      %dma_wait3A_227 = arith.constant 0 : i32
      %dma_wait3A_228 = arith.constant 0 : i32
      %dma_wait3A_229 = tpu.memref_slice %arg9[%run_scoped3A, %dma_wait3A_227, %dma_wait3A_228] : memref<3x96x128xf32, #tpu.memory_space<vmem>> -> memref<1x96x128xf32, #tpu.memory_space<vmem>>
      %dma_wait3A_230 = tpu.memref_squeeze %dma_wait3A_229 : memref<1x96x128xf32, #tpu.memory_space<vmem>> -> memref<96x128xf32, #tpu.memory_space<vmem>>
      %dma_wait3A_231 = arith.constant 0 : i32
      %dma_wait3A_232 = tpu.memref_slice %arg8[%run_scoped3A_196, %dma_wait3A_231] : memref<3x96xi32, #tpu.memory_space<vmem>> -> memref<1x96xi32, #tpu.memory_space<vmem>>
      %dma_wait3A_233 = tpu.memref_squeeze %dma_wait3A_232 : memref<1x96xi32, #tpu.memory_space<vmem>> -> memref<96xi32, #tpu.memory_space<vmem>>
      %dma_wait3A_234 = arith.constant 0 : i32
      %dma_wait3A_235 = arith.constant 0 : i32
      %dma_wait3A_236 = tpu.memref_slice %arg10[%dma_wait3A_234, %dma_wait3A_235] : memref<10112x128xf32, #tpu.memory_space<vmem_shared>> -> memref<10112x128xf32, #tpu.memory_space<vmem_shared>>
      tpu.wait_indirect_dma semaphore(%run_scoped3A_216 : memref<!tpu.dma_semaphore, #tpu.memory_space<semaphore_mem>>) src(%dma_wait3A_230 : memref<96x128xf32, #tpu.memory_space<vmem>>) dst(%dma_wait3A_236 : memref<10112x128xf32, #tpu.memory_space<vmem_shared>>)
      tpu.yield
    }) : () -> ()
    %dma_wait3A_197 = arith.constant 2 : i32
    %dma_wait3A_198 = arith.constant 2 : i32
    %dma_wait3A_199 = arith.constant 0 : i32
    %dma_wait3A_200 = arith.constant 0 : i32
    %dma_wait3A_201 = tpu.memref_slice %arg9[%dma_wait3A_198, %dma_wait3A_199, %dma_wait3A_200] : memref<3x96x128xf32, #tpu.memory_space<vmem>> -> memref<1x96x128xf32, #tpu.memory_space<vmem>>
    %dma_wait3A_202 = tpu.memref_squeeze %dma_wait3A_201 : memref<1x96x128xf32, #tpu.memory_space<vmem>> -> memref<96x128xf32, #tpu.memory_space<vmem>>
    %dma_wait3A_203 = arith.constant 0 : i32
    %dma_wait3A_204 = tpu.memref_slice %arg7[%dma_wait3A_197, %dma_wait3A_203] : memref<3x96xi32, #tpu.memory_space<vmem>> -> memref<1x96xi32, #tpu.memory_space<vmem>>
    %dma_wait3A_205 = tpu.memref_squeeze %dma_wait3A_204 : memref<1x96xi32, #tpu.memory_space<vmem>> -> memref<96xi32, #tpu.memory_space<vmem>>
    %dma_wait3A_206 = arith.constant 0 : i32
    %dma_wait3A_207 = arith.constant 0 : i32
    %dma_wait3A_208 = tpu.memref_slice %arg2[%dma_wait3A_206, %dma_wait3A_207] : memref<10000x128xf32, #tpu.memory_space<hbm>> -> memref<10000x128xf32, #tpu.memory_space<hbm>>
    tpu.wait_indirect_dma semaphore(%arg16 : memref<!tpu.dma_semaphore, #tpu.memory_space<semaphore_mem>>) src(%dma_wait3A_208 : memref<10000x128xf32, #tpu.memory_space<hbm>>) dst(%dma_wait3A_202 : memref<96x128xf32, #tpu.memory_space<vmem>>)
    %run_scoped3A_209 = arith.constant 2 : i32
    %run_scoped3A_210 = arith.constant 2 : i32
    "tpu.region"() ({
      %run_scoped3A_216 = tpu.sem_alloc : memref<!tpu.dma_semaphore, #tpu.memory_space<semaphore_mem>>
      %dma_start3A_217 = arith.constant 0 : i32
      %dma_start3A_218 = arith.constant 0 : i32
      %dma_start3A_219 = tpu.memref_slice %arg9[%run_scoped3A_209, %dma_start3A_217, %dma_start3A_218] : memref<3x96x128xf32, #tpu.memory_space<vmem>> -> memref<1x96x128xf32, #tpu.memory_space<vmem>>
      %dma_start3A_220 = tpu.memref_squeeze %dma_start3A_219 : memref<1x96x128xf32, #tpu.memory_space<vmem>> -> memref<96x128xf32, #tpu.memory_space<vmem>>
      %dma_start3A_221 = arith.constant 0 : i32
      %dma_start3A_222 = tpu.memref_slice %arg8[%run_scoped3A_210, %dma_start3A_221] : memref<3x96xi32, #tpu.memory_space<vmem>> -> memref<1x96xi32, #tpu.memory_space<vmem>>
      %dma_start3A_223 = tpu.memref_squeeze %dma_start3A_222 : memref<1x96xi32, #tpu.memory_space<vmem>> -> memref<96xi32, #tpu.memory_space<vmem>>
      %dma_start3A_224 = arith.constant 0 : i32
      %dma_start3A_225 = arith.constant 0 : i32
      %dma_start3A_226 = tpu.memref_slice %arg10[%dma_start3A_224, %dma_start3A_225] : memref<10112x128xf32, #tpu.memory_space<vmem_shared>> -> memref<10112x128xf32, #tpu.memory_space<vmem_shared>>
      tpu.enqueue_indirect_dma source(%dma_start3A_220 : memref<96x128xf32, #tpu.memory_space<vmem>>) target(%dma_start3A_226 : memref<10112x128xf32, #tpu.memory_space<vmem_shared>>) offsets(%dma_start3A_223 : memref<96xi32, #tpu.memory_space<vmem>>) semaphore(%run_scoped3A_216 : memref<!tpu.dma_semaphore, #tpu.memory_space<semaphore_mem>>) {add = true}
      %dma_wait3A_227 = arith.constant 0 : i32
      %dma_wait3A_228 = arith.constant 0 : i32
      %dma_wait3A_229 = tpu.memref_slice %arg9[%run_scoped3A_209, %dma_wait3A_227, %dma_wait3A_228] : memref<3x96x128xf32, #tpu.memory_space<vmem>> -> memref<1x96x128xf32, #tpu.memory_space<vmem>>
      %dma_wait3A_230 = tpu.memref_squeeze %dma_wait3A_229 : memref<1x96x128xf32, #tpu.memory_space<vmem>> -> memref<96x128xf32, #tpu.memory_space<vmem>>
      %dma_wait3A_231 = arith.constant 0 : i32
      %dma_wait3A_232 = tpu.memref_slice %arg8[%run_scoped3A_210, %dma_wait3A_231] : memref<3x96xi32, #tpu.memory_space<vmem>> -> memref<1x96xi32, #tpu.memory_space<vmem>>
      %dma_wait3A_233 = tpu.memref_squeeze %dma_wait3A_232 : memref<1x96xi32, #tpu.memory_space<vmem>> -> memref<96xi32, #tpu.memory_space<vmem>>
      %dma_wait3A_234 = arith.constant 0 : i32
      %dma_wait3A_235 = arith.constant 0 : i32
      %dma_wait3A_236 = tpu.memref_slice %arg10[%dma_wait3A_234, %dma_wait3A_235] : memref<10112x128xf32, #tpu.memory_space<vmem_shared>> -> memref<10112x128xf32, #tpu.memory_space<vmem_shared>>
      tpu.wait_indirect_dma semaphore(%run_scoped3A_216 : memref<!tpu.dma_semaphore, #tpu.memory_space<semaphore_mem>>) src(%dma_wait3A_230 : memref<96x128xf32, #tpu.memory_space<vmem>>) dst(%dma_wait3A_236 : memref<10112x128xf32, #tpu.memory_space<vmem_shared>>)
      tpu.yield
    }) : () -> ()
    %barrier3A_211 = arith.constant 0 : index
    tpu.barrier barrier_id(%barrier3A_211)
    %mul3A_212 = arith.constant 632 : i32
    %mul3A_213 = arith.muli %arg1, %mul3A_212 : i32
    %mul3A_214 = arith.constant 632 : i32
    %mul3A_215 = arith.muli %arg1, %mul3A_214 : i32
    "tpu.region"() ({
      %run_scoped3A_216 = tpu.sem_alloc : memref<!tpu.dma_semaphore, #tpu.memory_space<semaphore_mem>>
      %dma_start3A_217 = arith.constant 0 : i32
      %dma_start3A_218 = tpu.memref_slice %arg6[%arg0, %mul3A_215, %dma_start3A_217] : memref<2x10112x128xf32, #tpu.memory_space<hbm>> -> memref<1x632x128xf32, #tpu.memory_space<hbm>>
      %dma_start3A_219 = tpu.memref_squeeze %dma_start3A_218 : memref<1x632x128xf32, #tpu.memory_space<hbm>> -> memref<632x128xf32, #tpu.memory_space<hbm>>
      %dma_start3A_220 = arith.constant 0 : i32
      %dma_start3A_221 = tpu.memref_slice %arg10[%mul3A_213, %dma_start3A_220] : memref<10112x128xf32, #tpu.memory_space<vmem_shared>> -> memref<632x128xf32, #tpu.memory_space<vmem_shared>>
      tpu.enqueue_dma source(%dma_start3A_221 : memref<632x128xf32, #tpu.memory_space<vmem_shared>>) target(%dma_start3A_219 : memref<632x128xf32, #tpu.memory_space<hbm>>) target_semaphore(%run_scoped3A_216 : memref<!tpu.dma_semaphore, #tpu.memory_space<semaphore_mem>>)
      %dma_wait3A_222 = arith.constant 0 : i32
      %dma_wait3A_223 = tpu.memref_slice %arg6[%arg0, %mul3A_215, %dma_wait3A_222] : memref<2x10112x128xf32, #tpu.memory_space<hbm>> -> memref<1x632x128xf32, #tpu.memory_space<hbm>>
      %dma_wait3A_224 = tpu.memref_squeeze %dma_wait3A_223 : memref<1x632x128xf32, #tpu.memory_space<hbm>> -> memref<632x128xf32, #tpu.memory_space<hbm>>
      %dma_wait3A_225 = arith.constant 0 : i32
      %dma_wait3A_226 = tpu.memref_slice %arg10[%mul3A_213, %dma_wait3A_225] : memref<10112x128xf32, #tpu.memory_space<vmem_shared>> -> memref<632x128xf32, #tpu.memory_space<vmem_shared>>
      tpu.wait_dma2 semaphore(%run_scoped3A_216 : memref<!tpu.dma_semaphore, #tpu.memory_space<semaphore_mem>>) src(%dma_wait3A_226 : memref<632x128xf32, #tpu.memory_space<vmem_shared>>) dst(%dma_wait3A_224 : memref<632x128xf32, #tpu.memory_space<hbm>>)
      tpu.yield
    }) : () -> ()
    return
  }
}

module attributes {stable_mosaic.version = 14 : i64} {
  func.func @_mm1_body(%arg0: i32, %arg1: memref<1000x128xf32, #tpu.memory_space<vmem>>, %arg2: memref<128x128xf32, #tpu.memory_space<vmem>>, %arg3: memref<2x1000x128xf32, #tpu.memory_space<vmem>>, %arg4: memref<1000x128xf32, #tpu.memory_space<vmem>>) attributes {dimension_semantics = [#tpu.dimension_semantics<arbitrary>], iteration_bounds = array<i64: 10>, scalar_prefetch = 0 : i64, scratch_operands = 0 : i64, tpu.core_type = #tpu.core_type<tc>, window_params = [{transform_indices = @transform_0, window_bounds = array<i64: 1000, 128>}, {pipeline_mode = #tpu.pipeline_mode<synchronous>, transform_indices = @transform_1, window_bounds = array<i64: 128, 128>}, {transform_indices = @transform_2, window_bounds = array<i64: 2, 1000, 128>}, {transform_indices = @transform_3, window_bounds = array<i64: 1000, 128>}]} {
    %get3A = arith.constant 0 : index
    %get3A_0 = arith.constant 0 : index
    %get3A_1 = vector.load %arg1[%get3A, %get3A_0] : memref<1000x128xf32, #tpu.memory_space<vmem>>, vector<1000x128xf32>
    %get3A_2 = arith.constant 0 : index
    %get3A_3 = arith.constant 0 : index
    %get3A_4 = vector.load %arg2[%get3A_2, %get3A_3] : memref<128x128xf32, #tpu.memory_space<vmem>>, vector<128x128xf32>
    %dot_general3A = arith.constant dense<0.000000e+00> : vector<1000x128xf32>
    %dot_general3A_5 = tpu.matmul %get3A_1, %get3A_4, %dot_general3A {dimension_numbers = #tpu.dot_dimension_numbers<[1], [0], [0], [1], [0, 0, 1, 1], [], []>, transpose_lhs_hint = false} : vector<1000x128xf32>, vector<128x128xf32>, vector<1000x128xf32> -> vector<1000x128xf32>
    %get3A_6 = arith.constant 0 : index
    %get3A_7 = arith.constant 0 : index
    %get3A_8 = arith.constant 0 : index
    %get3A_9 = vector.load %arg3[%get3A_6, %get3A_7, %get3A_8] : memref<2x1000x128xf32, #tpu.memory_space<vmem>>, vector<1x1000x128xf32>
    %get3A_10 = vector.shape_cast %get3A_9 : vector<1x1000x128xf32> to vector<1000x128xf32>
    %get3A_11 = arith.constant 1 : index
    %get3A_12 = arith.constant 0 : index
    %get3A_13 = arith.constant 0 : index
    %get3A_14 = vector.load %arg3[%get3A_11, %get3A_12, %get3A_13] : memref<2x1000x128xf32, #tpu.memory_space<vmem>>, vector<1x1000x128xf32>
    %get3A_15 = vector.shape_cast %get3A_14 : vector<1x1000x128xf32> to vector<1000x128xf32>
    %add3A = arith.addf %get3A_10, %get3A_15 : vector<1000x128xf32>
    %add3A_16 = arith.constant 1.000000e+00 : f32
    %add3A_17 = vector.broadcast %add3A_16 : f32 to vector<1000x128xf32>
    %add3A_18 = arith.addf %add3A, %add3A_17 : vector<1000x128xf32>
    %slice3A = vector.extract_strided_slice %add3A_18 {offsets = [0, 0], sizes = [1000, 1], strides = [1, 1]} : vector<1000x128xf32> to vector<1000x1xf32>
    %rsqrt3A = math.rsqrt %slice3A : vector<1000x1xf32>
    %mul3A = vector.broadcast %rsqrt3A : vector<1000x1xf32> to vector<1000x128xf32>
    %mul3A_19 = arith.mulf %dot_general3A_5, %mul3A : vector<1000x128xf32>
    %swap3A = arith.constant 0 : index
    %swap3A_20 = arith.constant 0 : index
    %swap3A_21 = vector.load %arg4[%swap3A, %swap3A_20] : memref<1000x128xf32, #tpu.memory_space<vmem>>, vector<1000x128xf32>
    tpu.vector_store %arg4[%swap3A, %swap3A_20], %mul3A_19 {strides = array<i32>} : memref<1000x128xf32, #tpu.memory_space<vmem>>, vector<1000x128xf32>,
    return
  }
  func.func @transform_0(%arg0: i32) -> (i32, i32) {
    %c0_i32 = arith.constant 0 : i32
    %c0_i32_0 = arith.constant 0 : i32
    return %arg0, %c0_i32 : i32, i32
  }
  func.func @transform_1(%arg0: i32) -> (i32, i32) {
    %c0_i32 = arith.constant 0 : i32
    %c0_i32_0 = arith.constant 0 : i32
    %c0_i32_1 = arith.constant 0 : i32
    return %c0_i32, %c0_i32_0 : i32, i32
  }
  func.func @transform_2(%arg0: i32) -> (i32, i32, i32) {
    %c0_i32 = arith.constant 0 : i32
    %c0_i32_0 = arith.constant 0 : i32
    %c0_i32_1 = arith.constant 0 : i32
    return %c0_i32, %arg0, %c0_i32_0 : i32, i32, i32
  }
  func.func @transform_3(%arg0: i32) -> (i32, i32) {
    %c0_i32 = arith.constant 0 : i32
    %c0_i32_0 = arith.constant 0 : i32
    return %arg0, %c0_i32 : i32, i32
  }
}

module attributes {stable_mosaic.version = 14 : i64} {
  func.func @_mm2_body(%arg0: i32, %arg1: memref<2x1000x128xf32, #tpu.memory_space<vmem>>, %arg2: memref<1000x128xf32, #tpu.memory_space<vmem>>, %arg3: memref<2x1000x128xf32, #tpu.memory_space<vmem>>, %arg4: memref<1x128xf32, #tpu.memory_space<vmem>>, %arg5: memref<128x128xf32, #tpu.memory_space<vmem>>, %arg6: memref<1000x128xf32, #tpu.memory_space<vmem>>) attributes {dimension_semantics = [#tpu.dimension_semantics<arbitrary>], iteration_bounds = array<i64: 10>, scalar_prefetch = 0 : i64, scratch_operands = 0 : i64, tpu.core_type = #tpu.core_type<tc>, window_params = [{transform_indices = @transform_0, window_bounds = array<i64: 2, 1000, 128>}, {transform_indices = @transform_1, window_bounds = array<i64: 1000, 128>}, {transform_indices = @transform_2, window_bounds = array<i64: 2, 1000, 128>}, {pipeline_mode = #tpu.pipeline_mode<synchronous>, transform_indices = @transform_3, window_bounds = array<i64: 1, 128>}, {pipeline_mode = #tpu.pipeline_mode<synchronous>, transform_indices = @transform_4, window_bounds = array<i64: 128, 128>}, {transform_indices = @transform_5, window_bounds = array<i64: 1000, 128>}]} {
    %get3A = arith.constant 0 : index
    %get3A_0 = arith.constant 0 : index
    %get3A_1 = arith.constant 0 : index
    %get3A_2 = vector.load %arg3[%get3A, %get3A_0, %get3A_1] : memref<2x1000x128xf32, #tpu.memory_space<vmem>>, vector<1x1000x128xf32>
    %get3A_3 = vector.shape_cast %get3A_2 : vector<1x1000x128xf32> to vector<1000x128xf32>
    %get3A_4 = arith.constant 1 : index
    %get3A_5 = arith.constant 0 : index
    %get3A_6 = arith.constant 0 : index
    %get3A_7 = vector.load %arg3[%get3A_4, %get3A_5, %get3A_6] : memref<2x1000x128xf32, #tpu.memory_space<vmem>>, vector<1x1000x128xf32>
    %get3A_8 = vector.shape_cast %get3A_7 : vector<1x1000x128xf32> to vector<1000x128xf32>
    %add3A = arith.addf %get3A_3, %get3A_8 : vector<1000x128xf32>
    %add3A_9 = arith.constant 1.000000e+00 : f32
    %add3A_10 = vector.broadcast %add3A_9 : f32 to vector<1000x128xf32>
    %add3A_11 = arith.addf %add3A, %add3A_10 : vector<1000x128xf32>
    %slice3A = vector.extract_strided_slice %add3A_11 {offsets = [0, 0], sizes = [1000, 1], strides = [1, 1]} : vector<1000x128xf32> to vector<1000x1xf32>
    %rsqrt3A = math.rsqrt %slice3A : vector<1000x1xf32>
    %get3A_12 = arith.constant 0 : index
    %get3A_13 = arith.constant 0 : index
    %get3A_14 = arith.constant 0 : index
    %get3A_15 = vector.load %arg1[%get3A_12, %get3A_13, %get3A_14] : memref<2x1000x128xf32, #tpu.memory_space<vmem>>, vector<1x1000x128xf32>
    %get3A_16 = vector.shape_cast %get3A_15 : vector<1x1000x128xf32> to vector<1000x128xf32>
    %get3A_17 = arith.constant 1 : index
    %get3A_18 = arith.constant 0 : index
    %get3A_19 = arith.constant 0 : index
    %get3A_20 = vector.load %arg1[%get3A_17, %get3A_18, %get3A_19] : memref<2x1000x128xf32, #tpu.memory_space<vmem>>, vector<1x1000x128xf32>
    %get3A_21 = vector.shape_cast %get3A_20 : vector<1x1000x128xf32> to vector<1000x128xf32>
    %add3A_22 = arith.addf %get3A_16, %get3A_21 : vector<1000x128xf32>
    %get3A_23 = arith.constant 0 : index
    %get3A_24 = arith.constant 0 : index
    %get3A_25 = vector.load %arg2[%get3A_23, %get3A_24] : memref<1000x128xf32, #tpu.memory_space<vmem>>, vector<1000x128xf32>
    %add3A_26 = arith.addf %add3A_22, %get3A_25 : vector<1000x128xf32>
    %mul3A = vector.broadcast %rsqrt3A : vector<1000x1xf32> to vector<1000x128xf32>
    %mul3A_27 = arith.mulf %add3A_26, %mul3A : vector<1000x128xf32>
    %get3A_28 = arith.constant 0 : index
    %get3A_29 = arith.constant 0 : index
    %get3A_30 = vector.load %arg4[%get3A_28, %get3A_29] : memref<1x128xf32, #tpu.memory_space<vmem>>, vector<1x128xf32>
    %add3A_31 = vector.broadcast %get3A_30 : vector<1x128xf32> to vector<1000x128xf32>
    %add3A_32 = arith.addf %mul3A_27, %add3A_31 : vector<1000x128xf32>
    %max3A = arith.constant 0.000000e+00 : f32
    %max3A_33 = vector.broadcast %max3A : f32 to vector<1000x128xf32>
    %max3A_34 = arith.maximumf %add3A_32, %max3A_33 : vector<1000x128xf32>
    %get3A_35 = arith.constant 0 : index
    %get3A_36 = arith.constant 0 : index
    %get3A_37 = vector.load %arg5[%get3A_35, %get3A_36] : memref<128x128xf32, #tpu.memory_space<vmem>>, vector<128x128xf32>
    %dot_general3A = arith.constant dense<0.000000e+00> : vector<1000x128xf32>
    %dot_general3A_38 = tpu.matmul %max3A_34, %get3A_37, %dot_general3A {dimension_numbers = #tpu.dot_dimension_numbers<[1], [0], [0], [1], [0, 0, 1, 1], [], []>, transpose_lhs_hint = false} : vector<1000x128xf32>, vector<128x128xf32>, vector<1000x128xf32> -> vector<1000x128xf32>
    %mul3A_39 = vector.broadcast %rsqrt3A : vector<1000x1xf32> to vector<1000x128xf32>
    %mul3A_40 = arith.mulf %dot_general3A_38, %mul3A_39 : vector<1000x128xf32>
    %swap3A = arith.constant 0 : index
    %swap3A_41 = arith.constant 0 : index
    %swap3A_42 = vector.load %arg6[%swap3A, %swap3A_41] : memref<1000x128xf32, #tpu.memory_space<vmem>>, vector<1000x128xf32>
    tpu.vector_store %arg6[%swap3A, %swap3A_41], %mul3A_40 {strides = array<i32>} : memref<1000x128xf32, #tpu.memory_space<vmem>>, vector<1000x128xf32>,
    return
  }
  func.func @transform_0(%arg0: i32) -> (i32, i32, i32) {
    %c0_i32 = arith.constant 0 : i32
    %c0_i32_0 = arith.constant 0 : i32
    %c0_i32_1 = arith.constant 0 : i32
    return %c0_i32, %arg0, %c0_i32_0 : i32, i32, i32
  }
  func.func @transform_1(%arg0: i32) -> (i32, i32) {
    %c0_i32 = arith.constant 0 : i32
    %c0_i32_0 = arith.constant 0 : i32
    return %arg0, %c0_i32 : i32, i32
  }
  func.func @transform_2(%arg0: i32) -> (i32, i32, i32) {
    %c0_i32 = arith.constant 0 : i32
    %c0_i32_0 = arith.constant 0 : i32
    %c0_i32_1 = arith.constant 0 : i32
    return %c0_i32, %arg0, %c0_i32_0 : i32, i32, i32
  }
  func.func @transform_3(%arg0: i32) -> (i32, i32) {
    %c0_i32 = arith.constant 0 : i32
    %c0_i32_0 = arith.constant 0 : i32
    %c0_i32_1 = arith.constant 0 : i32
    return %c0_i32, %c0_i32_0 : i32, i32
  }
  func.func @transform_4(%arg0: i32) -> (i32, i32) {
    %c0_i32 = arith.constant 0 : i32
    %c0_i32_0 = arith.constant 0 : i32
    %c0_i32_1 = arith.constant 0 : i32
    return %c0_i32, %c0_i32_0 : i32, i32
  }
  func.func @transform_5(%arg0: i32) -> (i32, i32) {
    %c0_i32 = arith.constant 0 : i32
    %c0_i32_0 = arith.constant 0 : i32
    return %arg0, %c0_i32 : i32, i32
  }
}

module attributes {stable_mosaic.version = 14 : i64} {
  func.func @_mm3_body(%arg0: i32, %arg1: memref<2x1000x128xf32, #tpu.memory_space<vmem>>, %arg2: memref<1000x128xf32, #tpu.memory_space<vmem>>, %arg3: memref<2x1000x128xf32, #tpu.memory_space<vmem>>, %arg4: memref<1x128xf32, #tpu.memory_space<vmem>>, %arg5: memref<1000x128xf32, #tpu.memory_space<vmem>>) attributes {dimension_semantics = [#tpu.dimension_semantics<arbitrary>], iteration_bounds = array<i64: 10>, scalar_prefetch = 0 : i64, scratch_operands = 0 : i64, tpu.core_type = #tpu.core_type<tc>, window_params = [{transform_indices = @transform_0, window_bounds = array<i64: 2, 1000, 128>}, {transform_indices = @transform_1, window_bounds = array<i64: 1000, 128>}, {transform_indices = @transform_2, window_bounds = array<i64: 2, 1000, 128>}, {pipeline_mode = #tpu.pipeline_mode<synchronous>, transform_indices = @transform_3, window_bounds = array<i64: 1, 128>}, {transform_indices = @transform_4, window_bounds = array<i64: 1000, 128>}]} {
    %get3A = arith.constant 0 : index
    %get3A_0 = arith.constant 0 : index
    %get3A_1 = arith.constant 0 : index
    %get3A_2 = vector.load %arg3[%get3A, %get3A_0, %get3A_1] : memref<2x1000x128xf32, #tpu.memory_space<vmem>>, vector<1x1000x128xf32>
    %get3A_3 = vector.shape_cast %get3A_2 : vector<1x1000x128xf32> to vector<1000x128xf32>
    %get3A_4 = arith.constant 1 : index
    %get3A_5 = arith.constant 0 : index
    %get3A_6 = arith.constant 0 : index
    %get3A_7 = vector.load %arg3[%get3A_4, %get3A_5, %get3A_6] : memref<2x1000x128xf32, #tpu.memory_space<vmem>>, vector<1x1000x128xf32>
    %get3A_8 = vector.shape_cast %get3A_7 : vector<1x1000x128xf32> to vector<1000x128xf32>
    %add3A = arith.addf %get3A_3, %get3A_8 : vector<1000x128xf32>
    %add3A_9 = arith.constant 1.000000e+00 : f32
    %add3A_10 = vector.broadcast %add3A_9 : f32 to vector<1000x128xf32>
    %add3A_11 = arith.addf %add3A, %add3A_10 : vector<1000x128xf32>
    %slice3A = vector.extract_strided_slice %add3A_11 {offsets = [0, 0], sizes = [1000, 1], strides = [1, 1]} : vector<1000x128xf32> to vector<1000x1xf32>
    %rsqrt3A = math.rsqrt %slice3A : vector<1000x1xf32>
    %get3A_12 = arith.constant 0 : index
    %get3A_13 = arith.constant 0 : index
    %get3A_14 = arith.constant 0 : index
    %get3A_15 = vector.load %arg1[%get3A_12, %get3A_13, %get3A_14] : memref<2x1000x128xf32, #tpu.memory_space<vmem>>, vector<1x1000x128xf32>
    %get3A_16 = vector.shape_cast %get3A_15 : vector<1x1000x128xf32> to vector<1000x128xf32>
    %get3A_17 = arith.constant 1 : index
    %get3A_18 = arith.constant 0 : index
    %get3A_19 = arith.constant 0 : index
    %get3A_20 = vector.load %arg1[%get3A_17, %get3A_18, %get3A_19] : memref<2x1000x128xf32, #tpu.memory_space<vmem>>, vector<1x1000x128xf32>
    %get3A_21 = vector.shape_cast %get3A_20 : vector<1x1000x128xf32> to vector<1000x128xf32>
    %add3A_22 = arith.addf %get3A_16, %get3A_21 : vector<1000x128xf32>
    %get3A_23 = arith.constant 0 : index
    %get3A_24 = arith.constant 0 : index
    %get3A_25 = vector.load %arg2[%get3A_23, %get3A_24] : memref<1000x128xf32, #tpu.memory_space<vmem>>, vector<1000x128xf32>
    %add3A_26 = arith.addf %add3A_22, %get3A_25 : vector<1000x128xf32>
    %mul3A = vector.broadcast %rsqrt3A : vector<1000x1xf32> to vector<1000x128xf32>
    %mul3A_27 = arith.mulf %add3A_26, %mul3A : vector<1000x128xf32>
    %get3A_28 = arith.constant 0 : index
    %get3A_29 = arith.constant 0 : index
    %get3A_30 = vector.load %arg4[%get3A_28, %get3A_29] : memref<1x128xf32, #tpu.memory_space<vmem>>, vector<1x128xf32>
    %add3A_31 = vector.broadcast %get3A_30 : vector<1x128xf32> to vector<1000x128xf32>
    %add3A_32 = arith.addf %mul3A_27, %add3A_31 : vector<1000x128xf32>
    %swap3A = arith.constant 0 : index
    %swap3A_33 = arith.constant 0 : index
    %swap3A_34 = vector.load %arg5[%swap3A, %swap3A_33] : memref<1000x128xf32, #tpu.memory_space<vmem>>, vector<1000x128xf32>
    tpu.vector_store %arg5[%swap3A, %swap3A_33], %add3A_32 {strides = array<i32>} : memref<1000x128xf32, #tpu.memory_space<vmem>>, vector<1000x128xf32>,
    return
  }
  func.func @transform_0(%arg0: i32) -> (i32, i32, i32) {
    %c0_i32 = arith.constant 0 : i32
    %c0_i32_0 = arith.constant 0 : i32
    %c0_i32_1 = arith.constant 0 : i32
    return %c0_i32, %arg0, %c0_i32_0 : i32, i32, i32
  }
  func.func @transform_1(%arg0: i32) -> (i32, i32) {
    %c0_i32 = arith.constant 0 : i32
    %c0_i32_0 = arith.constant 0 : i32
    return %arg0, %c0_i32 : i32, i32
  }
  func.func @transform_2(%arg0: i32) -> (i32, i32, i32) {
    %c0_i32 = arith.constant 0 : i32
    %c0_i32_0 = arith.constant 0 : i32
    %c0_i32_1 = arith.constant 0 : i32
    return %c0_i32, %arg0, %c0_i32_0 : i32, i32, i32
  }
  func.func @transform_3(%arg0: i32) -> (i32, i32) {
    %c0_i32 = arith.constant 0 : i32
    %c0_i32_0 = arith.constant 0 : i32
    %c0_i32_1 = arith.constant 0 : i32
    return %c0_i32, %c0_i32_0 : i32, i32
  }
  func.func @transform_4(%arg0: i32) -> (i32, i32) {
    %c0_i32 = arith.constant 0 : i32
    %c0_i32_0 = arith.constant 0 : i32
    return %arg0, %c0_i32 : i32, i32
  }
}

</mosaic_0001>

<sc_bundles>
// kernel: kernel.11.cloned.1.call-start
scs
__scs_entry_jumppad:
0x0: {  	(pc) =	sbr.rel $0x88, $3  }
0x1: {  	(tag) =	ssettag $0x0;
	lr =	simm.s32 $0x1  }
0x2: {  	[smem:$0x3F9B] =	sst lr;
	_ =	strace $0xD0000000  }
0x3: {  	_ = 	snop  }
0x4: {  	_ = 	snop  }
0x5: {  	_ = 	snop  }
0x6: {  	_ = 	snop  }
0x7: {  	_ = 	snop  }
__scs_overlays_trampoline_lowered:
0x8: {  	[smem:$0x3FAA] =	sst s0  }
0x9: {  	[smem:$0x3FAB] =	sst s1  }
0xa: {  	[smem:$0x3FAC] =	sst s2  }
0xb: {  	[smem:$0x3FAD] =	sst s3  }
0xc: {  	[smem:$0x3FAE] =	sst s4  }
0xd: {  	[smem:$0x3FAF] =	sst s5  }
0xe: {  	[smem:$0x3FB0] =	sst s6  }
0xf: {  	[smem:$0x3FB1] =	sst s7  }
0x10: {  	[smem:$0x3FB2] =	sst s8  }
0x11: {  	[smem:$0x3FB3] =	sst s9;
	s0 =	simm.s32 @!p0 $0x0  }
0x12: {  	s1 =	sld [smem:$0x3F99];
	s0 =	simm.s32 @p0 $0x1  }
0x13: {  	[smem:$0x3FB4] =	sst s0;
	s0 =	simm.s32 @!p1 $0x0  }
0x14: {  	s2 =	sld [smem:$0x3F98];
	s0 =	simm.s32 @p1 $0x1  }
0x15: {  	[smem:$0x3FB5] =	sst s0;
	s0 =	simm.s32 @!p2 $0x0  }
0x16: {  	s3 =	sld [smem:$0x3FDB];
	s0 =	simm.s32 @p2 $0x1  }
0x17: {  	s4 =	simm.s32 $0x1BF5;
	[smem:$0x3FB7] =	sst s0  }
0x18: {  	s0 =	sld [smem:$0x3F9A];
	_ =	swait.ge [sflag:s4], $0x0  }
0x19: {  	s7 =	sld [smem:$0x3F9B]  }
0x1a: {  	s8 =	sadd.s32 $0xFFFFE003, lr  }
0x1b: {  	s9 =	sadd.s32 $0xFFFFFEF7, lr;
	s5 =	simm.s32 $0xFFFFFFFF;
	p2 =	slt.u32 s8, $0xFFFFF086  }
0x1c: {  	p1 =	slt.u32 s9, $0xF7A;
	s5 =	simm.s32 @!p2 $0x0  }
0x1d: {  	s5 =	simm.s32 @p1 $0x1;
	p0 =	seq.s32 s7, s2  }
0x1e: {  	s7 =	smul.u32 @!p0 $0xF7A, s2;
	p2 =	seq.s32 @!p0 s5, $0x0  }
0x1f: {  	s9 =	smul.u32 $0xF7A, s1;
	s8 =	simm.s32 @!p0 $0x1BF5;
	p2 =	por !p2, p0  }
0x20: {  	[sflag:s8] =	ssyncset.s32 @!p0 $0xFFFFF086;
	s6 =	sadd.s32 @!p0 s3, s7;
	s7 =	simm.s32 @!p0 $0x108  }
0x21: {  	s3 =	sadd.s32 s3, s9;
	s6 =	sadd.s32 @!p0 $0x88, s6;
	s7 =	simm.s32 @p2 $0x1082  }
0x22: {  	[simem:s7], [sflag:s8] =	dma.local @!p0 [hbm:s6], $0xF7A  }
0x23: {  	s9 =	sor.u32 $0xD0000000, s2;
	s6 =	simm.s32 $0x108;
	_ =	swait.ge @!p0 [sflag:s8], $0x0  }
0x24: {  	s3 =	sadd.s32 $0x88, s3;
	s6 =	simm.s32 @!p1 $0x1082;
	[sflag:s4] =	ssyncset.s32 $0xFFFFF086  }
0x25: {  	[simem:s6], [sflag:s4] =	dma.local [hbm:s3], $0xF7A  }
0x26: {  	[smem:$0x3F9B] =	sst s1;
	(tag) =	ssettag s2;
	_ =	strace s9  }
0x27: {  	s1 =	sld [smem:$0x3FAB]  }
0x28: {  	s2 =	sld [smem:$0x3FAC]  }
0x29: {  	s4 =	sld [smem:$0x3FAE]  }
0x2a: {  	p0 =	seq.s32 s5, $0x0;
	s5 =	sld [smem:$0x3FAF]  }
0x2b: {  	s6 =	sld [smem:$0x3FB0]  }
0x2c: {  	s7 =	sld [smem:$0x3FB1]  }
0x2d: {  	s3 =	simm.s32 $0x108;
	s8 =	sld [smem:$0x3FB2]  }
0x2e: {  	s3 =	simm.s32 @!p0 $0x1082;
	s9 =	sld [smem:$0x3FB3]  }
0x2f: {  	lr =	sadd.s32 s0, s3;
	s0 =	sld [smem:$0x3FAA]  }
0x30: {  	s3 =	sld [smem:$0x3FAD]  }
0x31: {  	[smem:$0x3FB6] =	sst s10  }
0x32: {  	s10 =	sld [smem:$0x3FB4];
	_ =	sdelay $0x3  }
0x33: {  	p0 =	seq.s32 s10, $0x1;
	s10 =	sld [smem:$0x3FB6];
	_ =	sdelay $0x3  }
0x34: {  	[smem:$0x3FB6] =	sst s10  }
0x35: {  	s10 =	sld [smem:$0x3FB5];
	_ =	sdelay $0x3  }
0x36: {  	p1 =	seq.s32 s10, $0x1;
	s10 =	sld [smem:$0x3FB6];
	_ =	sdelay $0x3  }
0x37: {  	[smem:$0x3FB6] =	sst s10  }
0x38: {  	s10 =	sld [smem:$0x3FB7]  }
0x39: {  	_ = 	snop;
	(pc) =	sbr.ind lr, $3  }
0x3a: {  	_ = 	snop  }
0x3b: {  	_ = 	snop  }
0x3c: {  	p2 =	seq.s32 s10, $0x1;
	s10 =	sld [smem:$0x3FB6]  }
0x3d: {  	_ =	shalt  }
0x3e: {  	_ =	shalt  }
0x3f: {  	_ =	shalt  }
0x40: {  	_ =	shalt  }
0x41: {  	_ =	shalt  }
0x42: {  	_ =	shalt  }
0x43: {  	_ =	shalt  }
0x44: {  	_ =	shalt  }
0x45: {  	_ =	shalt  }
0x46: {  	_ =	shalt  }
0x47: {  	_ =	shalt  }
0x48: {  	_ =	shalt  }
0x49: {  	_ =	shalt  }
0x4a: {  	_ =	shalt  }
0x4b: {  	_ =	shalt  }
0x4c: {  	_ =	shalt  }
0x4d: {  	_ =	shalt  }
0x4e: {  	_ =	shalt  }
0x4f: {  	_ =	shalt  }
0x50: {  	_ =	shalt  }
0x51: {  	_ =	shalt  }
0x52: {  	_ =	shalt  }
0x53: {  	_ =	shalt  }
0x54: {  	_ =	shalt  }
0x55: {  	_ =	shalt  }
0x56: {  	_ =	shalt  }
0x57: {  	_ =	shalt  }
0x58: {  	_ =	shalt  }
0x59: {  	_ =	shalt  }
0x5a: {  	_ =	shalt  }
0x5b: {  	_ =	shalt  }
0x5c: {  	_ =	shalt  }
0x5d: {  	_ =	shalt  }
0x5e: {  	_ =	shalt  }
0x5f: {  	_ =	shalt  }
0x60: {  	_ =	shalt  }
0x61: {  	_ =	shalt  }
0x62: {  	_ =	shalt  }
0x63: {  	_ =	shalt  }
0x64: {  	_ =	shalt  }
0x65: {  	_ =	shalt  }
0x66: {  	_ =	shalt  }
0x67: {  	_ =	shalt  }
0x68: {  	_ =	shalt  }
0x69: {  	_ =	shalt  }
0x6a: {  	_ =	shalt  }
0x6b: {  	_ =	shalt  }
0x6c: {  	_ =	shalt  }
0x6d: {  	_ =	shalt  }
0x6e: {  	_ =	shalt  }
0x6f: {  	_ =	shalt  }
0x70: {  	_ =	shalt  }
0x71: {  	_ =	shalt  }
0x72: {  	_ =	shalt  }
0x73: {  	_ =	shalt  }
0x74: {  	_ =	shalt  }
0x75: {  	_ =	shalt  }
0x76: {  	_ =	shalt  }
0x77: {  	_ =	shalt  }
0x78: {  	_ =	shalt  }
0x79: {  	_ =	shalt  }
0x7a: {  	_ =	shalt  }
0x7b: {  	_ =	shalt  }
0x7c: {  	_ =	shalt  }
0x7d: {  	_ =	shalt  }
0x7e: {  	_ =	shalt  }
0x7f: {  	_ =	shalt  }
0x80: {  	_ =	shalt  }
0x81: {  	_ =	shalt  }
0x82: {  	_ =	shalt  }
0x83: {  	_ =	shalt  }
0x84: {  	_ =	shalt  }
0x85: {  	_ =	shalt  }
0x86: {  	_ =	shalt  }
0x87: {  	_ =	shalt  }
.Lfunc_end0:
.L_simem_size_0:
called_computation.1_lowered:
.L_overlay_start_0:
0x88: {  	s2 =	sld [smem:$0x3FD9]  }
0x89: {  	s3 =	sld [smem:$0x3FFE];
	_ =	sdelay $0x1  }
0x8a: {  	s1 =	srdreg.scid  }
0x8b: {  	s0 =	sand.u32 $0x1, s1  }
0x8c: {  	s17 =	sshll.u32 s0, $0xA;
	s2 =	sadd.s32 s3, s2  }
0x8d: {  	s2 =	sadd.s32 s2, s17  }
0x8e: {  	[smem:$0x3FC2] =	sst s2  }
0x8f: {  	_ = 	snop  }
0x90: {  	s2 =	sld [smem:$0x3FD0];
	(tm) =	ssettm $0x1  }
0x91: {  	s18 =	sld [smem:$0x3FFB];
	_ =	sdelay $0x3  }
0x92: {  	_ =	strace s18  }
0x93: {  	s3 =	sld [smem:$0x3FFC];
	_ =	sdelay $0x3  }
0x94: {  	_ =	strace s3  }
0x95: {  	s3 =	sld [smem:$0x3FFD];
	_ =	sdelay $0x3  }
0x96: {  	_ =	strace s3  }
0x97: {  	_ =	strace $0x8FFFFFFF  }
0x98: {  	s19 =	sld [smem:$0x3FDB];
	_ =	sdelay $0x1  }
0x99: {  	s4 =	simm.s32 $_scs_section_size  }
0x9a: {  	s5 =	simm.s32 $_size__tile_overlayer_lowered;
	s6 =	simm.s32 $_tile_overlayer_lowered  }
0x9b: {  	s22 =	simm.s32 $0x1BFF;
	s21 =	sshll.u32 s6, $0x1;
	s3 =	sadd.s32 s4, s19  }
0x9c: {  	s7 =	simm.s32 $0x0;
	s20 =	sshll.u32 s5, $0x1;
	s5 =	sadd.s32 s21, s3  }
0x9d: {  	[timem:s7], [sflag:s22] =	dma.local [hbm:s5], s20  }
0x9e: {  	_ =	swait.ge [sflag:s22], s20  }
0x9f: {  	s4 =	ssub.s32 $0x0, s20;
	[sflag:s22] =	ssyncset.done $0x0  }
0xa0: {  	[sflag:s22] =	ssyncadd.s32 s4;
	_ =	sdelay $0x1  }
0xa1: {  	s23 =	simm.s32 $0x1B8B  }
0xa2: {  	_ =	swait.ge [sflag:s23], $0x1  }
0xa3: {  	[sflag:s23] =	ssyncset.done $0x0  }
0xa4: {  	s25 =	simm.s32 $0x1B8E;
	s24 =	sld [smem:$0x3FFE];
	[sflag:s23] =	ssyncadd.s32 $0xFFFFFFFF  }
0xa5: {  	s26 =	simm.s32 $execute0_lowered;
	[smem:$0x3FD2] =	sst s25  }
0xa6: {  	s5 =	sshll.u32 s26, $0x1;
	_ =	strace $0x80000049;
	[dreg:$0x1] =	wrdreg $0xFFFFFFFF  }
0xa7: {  	s28 =	simm.s32 $_size_execute0_lowered;
	s3 =	sadd.s32 s3, s5;
	[dreg:$0x0] =	wrdreg $0x0  }
0xa8: {  	s5 =	sshll.u32 s28, $0x1;
	[dreg:$0x2] =	wrdreg s3  }
0xa9: {  	[dreg:$0x3] =	wrdreg s5  }
0xaa: {  	[dreg:$0x4] =	wrdreg $0xC0  }
0xab: {  	_ =	task [dreg:s7], $0x5FFFF  }
0xac: {  	[dreg:$0x1] =	wrdreg $0xFFFFFFFF  }
0xad: {  	[dreg:$0x0] =	wrdreg $0x60  }
0xae: {  	[dreg:$0x2] =	wrdreg s2  }
0xaf: {  	[dreg:$0x3] =	wrdreg s24  }
0xb0: {  	[dreg:$0x4] =	wrdreg $0x94000  }
0xb1: {  	[dreg:$0x5] =	wrdreg $0x9  }
0xb2: {  	_ =	task.clear_ibuf [dreg:s7], $0x6FFFF;
	_ =	strace $0x90000049  }
0xb3: {  	s29 =	simm.s32 $0x9;
	_ =	strace $0x8000004B  }
0xb4: {  	_ =	swait.ge [sflag:s29], $0x1  }
0xb5: {  	[sflag:s29] =	ssyncadd.s32 $0xFFFFFFFF  }
0xb6: {  	_ =	strace $0x9000004B  }
0xb7: {  	_ =	sfence  }
0xb8: {  	s30 =	sld [smem:$0x0];
	_ =	sdelay $0x2  }
0xb9: {  	s31 =	sshll.u32 s1, $0xD;
	s1 =	sshrl.u32 s1, $0x2  }
0xba: {  	s3 =	sand.u32 $0x4000, s31;
	s1 =	sadd.s32 s1, s30  }
0xbb: {  	s0 =	sor.u32 s3, s0;
	s1 =	sshll.u32 s1, $0x11  }
0xbc: {  	s0 =	sor.u32 s1, s0  }
0xbd: {  	s0 =	sadd.s32 $0x8F2B, s0  }
0xbe: {  	[sflag:s0] =	ssyncadd.remote.s32 $0x1  }
0xbf: {  	_ =	sfence.sel $0xFFFF  }
0xc0: {  	[dreg:$0x0] =	wrdreg $0xFFFFFFFF;
	(pc) =	sbr.abs _section_cstart, $3  }
0xc1: {  	[dreg:$0x1] =	wrdreg $0xFFFFFFFF  }
0xc2: {  	_ =	task.clear_ibuf [dreg:s7], $0x2FFFF;
	_ =	strace $0x9FFFFFFF  }
0xc3: {  	(tm) =	ssettm $0x7FFFFFFF  }
tec
execute0_lowered:
.L_overlay_start_1:
0x0: {  	(tag) =	ssettag $0x1  }
0x1: {  	s1 =	rddreg [dreg:$0x0]  }
0x2: {  	s0 =	rddreg [dreg:$0x1]  }
0x3: {  	s2 =	rddreg [dreg:$0x2];
	s3 =	srdreg.scid;
	s4 =	simm.s32 $0x0  }
0x4: {  	s10 =	stileid.u32;
	s16 =	simm.s32 $0x7;
	s28 =	simm.s32 $0x3  }
0x5: {  	s29 =	simm.s32 $0x6400;
	s30 =	simm.s32 $0x4;
	s31 =	simm.s32 $0x5  }
0x6: {  	s3 =	sand.u32 $0x1, s3;
	[smem:$0x7FF] =	sst s4;
	s6 =	smul.u32 $0x13C00, s10  }
0x7: {  	s11 =	sadd.s32 $0x61400, s0;
	s12 =	sadd.s32 $0x2400, s0;
	s7 =	smul.u32 $0x6C, s10  }
0x8: {  	s8 =	sadd.s32 $0xFC00, s0;
	s9 =	smul.u32 $0x4F000, s10;
	s21 =	sshll.u32 s10, $0x6  }
0x9: {  	s10 =	simm.s32 $0x280;
	s5 =	smul.u32 $0x13C000, s3;
	_ =	strace $0x8000004A  }
0xa: {  	s17 =	ssub.s32 $0x2, s3;
	[dreg:$0x4] =	wrdreg s8;
	p0 =	seq.s32 s3, $0x0  }
0xb: {  	s18 =	sshrl.u32 s17, $0x1;
	s3 =	sadd.s32 $0x6C0, s7;
	s20 =	sshrl.u32 s9, $0x2  }
0xc: {  	s5 =	sadd.s32 s6, s5;
	s19 =	ssub.s32 s17, s18;
	s3 =	smov.u32 @p0 s7  }
0xd: {  	s15 =	sadd.s32 s20, s2;
	s6 =	sor.u32 $0x1C07, s21;
	s17 =	simm.s32 $0x200  }
0xe: {  	s18 =	simm.s32 $0x1;
	s20 =	simm.s32 $0x400;
	s5 =	sshrl.u32 s5, $0x3  }
0xf: {  	s3 =	sshll.u32 s3, $0x4;
	s26 =	smax.u32 s19, $0x1;
	s15 =	sshrl.u32 s15, $0x3  }
0x10: {  	s19 =	simm.s32 $0x60;
	s7 =	sadd.s32 s11, s3;
	s22 =	sor.u32 $0x10, s3  }
0x11: {  	s8 =	sadd.s32 s12, s3;
	[dreg:$0xa] =	wrdreg s26;
	s23 =	sadd.s32 s11, s22  }
0x12: {  	s3 =	sor.u32 $0x20, s3;
	s24 =	sadd.s32 s12, s22;
	[dreg:$0x5] =	wrdreg s23  }
.Ltmp0:
0x13: {  	s25 =	sadd.s32 s11, s3;
	[dreg:$0x6] =	wrdreg s24;
	(pc) =	sbr.rel .LBB2_1-.Ltmp0, $4  }
0x14: {  	s0 =	sadd.s32 s5, s0;
	s3 =	sadd.s32 s12, s3;
	[dreg:$0x7] =	wrdreg s25  }
0x15: {  	s26 =	simm.s32 $0x300;
	s0 =	sadd.s32 $0x6EC00, s0;
	[dreg:$0x8] =	wrdreg s3  }
0x16: {  	s11 =	simm.s32 $0x3400;
	[dreg:$0x9] =	wrdreg s0;
	s23 =	simm.s32 $0x2  }
0x17: {  	s25 =	simm.s32 $0x100;
	s0 =	simm.s32 $0x6;
	s3 =	simm.s32 $0x0  }
.LBB2_4:
0x18: {  	_ =	swait.ge [sflag:s31], $0x3000  }
0x19: {  	[sflag:s31] =	ssyncset.done $0x0  }
0x1a: {  	s10 =	simm.s32 $0x280;
	s11 =	simm.s32 $0x3400;
	[sflag:s31] =	ssyncadd.s32 $0xFFFFD000  }
0x1b: {  	[spmem:s2] =	stream.indirect.scatter.add.f32 [tilespmem:s11], [sflag:$0x7], $0x80, s10, s19, $0xb8;
	[tilespmem:$0x1D000] =	vst v63  }
0x1c: {  	_ =	swait.ge [sflag:s16], $0x3000  }
0x1d: {  	[sflag:s16] =	ssyncset.done $0x0  }
0x1e: {  	[sflag:s16] =	ssyncadd.s32 $0xFFFFD000  }
0x1f: {  	_ =	swait.ge [sflag:s0], $0x3000  }
0x20: {  	[sflag:s0] =	ssyncset.done $0x0  }
0x21: {  	[sflag:s0] =	ssyncadd.s32 $0xFFFFD000  }
0x22: {  	[spmem:s2] =	stream.indirect.scatter.add.f32 [tilespmem:s29], [sflag:$0x7], $0x80, s26, s19, $0xb8;
	[tilespmem:$0x1D000] =	vst v63  }
0x23: {  	_ =	swait.ge [sflag:s16], $0x3000  }
0x24: {  	[sflag:s16] =	ssyncset.done $0x0  }
0x25: {  	[sflag:s16] =	ssyncadd.s32 $0xFFFFD000  }
0x26: {  	[bflag:$0x0] =	sbarrier.arrive $0xFFFF  }
0x27: {  	s5 =	rddreg [dreg:$0x9]  }
0x28: {  	[hbm:s5], [sflag:s6] =	dma.local [spmem:s15], $0x2780  }
0x29: {  	_ =	swait.ge [sflag:s16], $0x2780  }
0x2a: {  	s3 =	sadd.s32 $0x1, s3;
	s24 =	rddreg [dreg:$0xa]  }
0x2b: {  	p0 =	sne.s32 s3, s24  }
.Ltmp1:
0x2c: {  	_ = 	snop;
	(pc) =	sbr.rel @!p0 .LBB2_5-.Ltmp1, $3  }
0x2d: {  	_ =	sdelay $0x1  }
0x2e: {  	[sflag:s16] =	ssyncset.done $0x0  }
0x2f: {  	[sflag:s16] =	ssyncadd.s32 $0xFFFFD880  }
.LBB2_1:
0x30: {  	s5 =	rddreg [dreg:$0x4]  }
0x31: {  	[spmem:s15], [sflag:s6] =	dma.local [hbm:s5], $0x2780  }
0x32: {  	_ =	swait.ge [sflag:s16], $0x2780  }
0x33: {  	[sflag:s16] =	ssyncset.done $0x0  }
0x34: {  	[sflag:s16] =	ssyncadd.s32 $0xFFFFD880  }
0x35: {  	[bflag:$0x0] =	sbarrier.arrive $0xFFFF  }
0x36: {  	[tilespmem:s4], [sflag:$0x1] =	stream.linear.gather [hbm4b:s7+s4], $0x80, $0x38;
	[tilespmem:$0x1D000] =	vst v63  }
0x37: {  	_ = 	snop  }
0x38: {  	[tilespmem:s17], [sflag:$0x1] =	stream.linear.gather [hbm4b:s8+s4], $0x80, $0x38;
	[tilespmem:$0x1D000] =	vst v63  }
0x39: {  	_ =	swait.ge [sflag:s18], $0x80  }
0x3a: {  	[sflag:s18] =	ssyncset.done $0x0  }
0x3b: {  	[sflag:s18] =	ssyncadd.s32 $0xFFFFFF80  }
0x3c: {  	_ =	swait.ge [sflag:s18], $0x80  }
0x3d: {  	[sflag:s18] =	ssyncset.done $0x0  }
0x3e: {  	[sflag:s18] =	ssyncadd.s32 $0xFFFFFF80  }
0x3f: {  	[tilespmem:s20], [sflag:$0x4] =	stream.indirect.gather [hbm4b:s1+s19], $0x80, s4, s19, $0xb8;
	[tilespmem:$0x1D000] =	vst v63  }
0x40: {  	s9 =	simm.s32 $0x80;
	s14 =	rddreg [dreg:$0x5]  }
0x41: {  	[tilespmem:s9], [sflag:$0x2] =	stream.linear.gather [hbm4b:s14+s4], $0x80, $0x38;
	[tilespmem:$0x1D000] =	vst v63  }
0x42: {  	s21 =	rddreg [dreg:$0x6]  }
0x43: {  	[tilespmem:s10], [sflag:$0x2] =	stream.linear.gather [hbm4b:s21+s4], $0x80, $0x38;
	[tilespmem:$0x1D000] =	vst v63  }
0x44: {  	_ =	swait.ge [sflag:s23], $0x80  }
0x45: {  	[sflag:s23] =	ssyncset.done $0x0  }
0x46: {  	[sflag:s23] =	ssyncadd.s32 $0xFFFFFF80  }
0x47: {  	_ =	swait.ge [sflag:s23], $0x80  }
0x48: {  	[sflag:s23] =	ssyncset.done $0x0  }
0x49: {  	[sflag:s23] =	ssyncadd.s32 $0xFFFFFF80  }
0x4a: {  	[tilespmem:s11], [sflag:$0x5] =	stream.indirect.gather [hbm4b:s1+s19], $0x80, s9, s19, $0xb8;
	[tilespmem:$0x1D000] =	vst v63  }
0x4b: {  	s22 =	rddreg [dreg:$0x7]  }
0x4c: {  	[tilespmem:s25], [sflag:$0x3] =	stream.linear.gather [hbm4b:s22+s4], $0x80, $0x38;
	[tilespmem:$0x1D000] =	vst v63  }
0x4d: {  	s5 =	simm.s32 $0x0;
	s24 =	rddreg [dreg:$0x8]  }
0x4e: {  	[tilespmem:s26], [sflag:$0x3] =	stream.linear.gather [hbm4b:s24+s4], $0x80, $0x38;
	[tilespmem:$0x1D000] =	vst v63  }
.LBB2_2:
0x4f: {  	p0 =	seq.s32 s5, $0x0  }
0x50: {  	s9 =	simm.s32 @!p0 $0x1  }
0x51: {  	_ =	swait.ge @!p0 [sflag:s9], $0x80  }
0x52: {  	[sflag:s9] =	ssyncset.done @!p0 $0x0  }
0x53: {  	[sflag:s9] =	ssyncadd.s32 @!p0 $0xFFFFFF80  }
0x54: {  	_ =	swait.ge @!p0 [sflag:s9], $0x80  }
0x55: {  	s10 =	simm.s32 @!p0 $0x0;
	[sflag:s9] =	ssyncset.done @!p0 $0x0  }
0x56: {  	s11 =	simm.s32 @!p0 $0x400;
	[sflag:s9] =	ssyncadd.s32 @!p0 $0xFFFFFF80;
	s9 =	simm.s32 @!p0 $0x60  }
0x57: {  	[tilespmem:s11], [sflag:$0x4] =	stream.indirect.gather @!p0 [hbm4b:s1+s9], $0x80, s10, s9, $0xb8;
	[tilespmem:$0x1D000] =	vst v63  }
0x58: {  	s11 =	simm.s32 @!p0 $0x5  }
0x59: {  	_ =	swait.ge @!p0 [sflag:s11], $0x3000  }
0x5a: {  	s12 =	simm.s32 @!p0 $0x3400;
	[sflag:s11] =	ssyncset.done @!p0 $0x0  }
0x5b: {  	s13 =	simm.s32 @!p0 $0x7;
	[sflag:s11] =	ssyncadd.s32 @!p0 $0xFFFFD000;
	s11 =	simm.s32 @!p0 $0x280  }
0x5c: {  	[spmem:s2] =	stream.indirect.scatter.add.f32 @!p0 [tilespmem:s12], [sflag:$0x7], $0x80, s11, s9, $0xb8;
	[tilespmem:$0x1D000] =	vst v63  }
0x5d: {  	_ =	swait.ge @!p0 [sflag:s13], $0x3000  }
0x5e: {  	s14 =	sadd.s32 @!p0 s5, s7;
	[sflag:s13] =	ssyncset.done @!p0 $0x0  }
0x5f: {  	s22 =	simm.s32 @!p0 $0x80;
	s21 =	sadd.s32 @!p0 $0x10, s14;
	[sflag:s13] =	ssyncadd.s32 @!p0 $0xFFFFD000  }
0x60: {  	[tilespmem:s22], [sflag:$0x2] =	stream.linear.gather @!p0 [hbm4b:s21+s10], $0x80, $0x38;
	[tilespmem:$0x1D000] =	vst v63  }
0x61: {  	s21 =	sadd.s32 @!p0 s5, s8  }
0x62: {  	s24 =	sadd.s32 @!p0 $0x10, s21  }
0x63: {  	[tilespmem:s11], [sflag:$0x2] =	stream.linear.gather @!p0 [hbm4b:s24+s10], $0x80, $0x38;
	[tilespmem:$0x1D000] =	vst v63  }
0x64: {  	s11 =	simm.s32 @!p0 $0x2  }
0x65: {  	_ =	swait.ge @!p0 [sflag:s11], $0x80  }
0x66: {  	[sflag:s11] =	ssyncset.done @!p0 $0x0  }
0x67: {  	[sflag:s11] =	ssyncadd.s32 @!p0 $0xFFFFFF80  }
0x68: {  	_ =	swait.ge @!p0 [sflag:s11], $0x80  }
0x69: {  	[sflag:s11] =	ssyncset.done @!p0 $0x0  }
0x6a: {  	[sflag:s11] =	ssyncadd.s32 @!p0 $0xFFFFFF80;
	s11 =	simm.s32 @!p0 $0x6  }
0x6b: {  	[tilespmem:s12], [sflag:$0x5] =	stream.indirect.gather @!p0 [hbm4b:s1+s9], $0x80, s22, s9, $0xb8;
	[tilespmem:$0x1D000] =	vst v63  }
0x6c: {  	_ =	swait.ge @!p0 [sflag:s11], $0x3000  }
0x6d: {  	[sflag:s11] =	ssyncset.done @!p0 $0x0  }
0x6e: {  	s12 =	simm.s32 @!p0 $0x6400;
	[sflag:s11] =	ssyncadd.s32 @!p0 $0xFFFFD000;
	s11 =	simm.s32 @!p0 $0x300  }
0x6f: {  	[spmem:s2] =	stream.indirect.scatter.add.f32 @!p0 [tilespmem:s12], [sflag:$0x7], $0x80, s11, s9, $0xb8;
	[tilespmem:$0x1D000] =	vst v63  }
0x70: {  	_ =	swait.ge @!p0 [sflag:s13], $0x3000  }
0x71: {  	[sflag:s13] =	ssyncset.done @!p0 $0x0  }
0x72: {  	s9 =	sadd.s32 @!p0 $0x20, s14;
	s12 =	simm.s32 @!p0 $0x100;
	[sflag:s13] =	ssyncadd.s32 @!p0 $0xFFFFD000  }
0x73: {  	[tilespmem:s12], [sflag:$0x3] =	stream.linear.gather @!p0 [hbm4b:s9+s10], $0x80, $0x38;
	[tilespmem:$0x1D000] =	vst v63  }
0x74: {  	s9 =	sadd.s32 @!p0 $0x20, s21  }
0x75: {  	[tilespmem:s11], [sflag:$0x3] =	stream.linear.gather @!p0 [hbm4b:s9+s10], $0x80, $0x38;
	[tilespmem:$0x1D000] =	vst v63  }
0x76: {  	_ =	swait.ge [sflag:s28], $0x80  }
0x77: {  	[sflag:s28] =	ssyncset.done $0x0  }
0x78: {  	[sflag:s28] =	ssyncadd.s32 $0xFFFFFF80  }
0x79: {  	_ =	swait.ge [sflag:s28], $0x80  }
0x7a: {  	[sflag:s28] =	ssyncset.done $0x0  }
0x7b: {  	[sflag:s28] =	ssyncadd.s32 $0xFFFFFF80  }
0x7c: {  	[tilespmem:s29], [sflag:$0x6] =	stream.indirect.gather [hbm4b:s1+s19], $0x80, s25, s19, $0xb8;
	[tilespmem:$0x1D000] =	vst v63  }
0x7d: {  	_ =	swait.ge [sflag:s30], $0x3000  }
0x7e: {  	p0 =	seq.s32 s5, $0x690;
	[sflag:s30] =	ssyncset.done $0x0  }
.Ltmp2:
0x7f: {  	[sflag:s30] =	ssyncadd.s32 $0xFFFFD000;
	(pc) =	sbr.rel @p0 .LBB2_4-.Ltmp2, $4  }
0x80: {  	[spmem:s2] =	stream.indirect.scatter.add.f32 [tilespmem:s20], [sflag:$0x7], $0x80, s17, s19, $0xb8;
	[tilespmem:$0x1D000] =	vst v63  }
0x81: {  	_ =	swait.ge [sflag:s16], $0x3000  }
0x82: {  	[sflag:s16] =	ssyncset.done $0x0  }
0x83: {  	[sflag:s16] =	ssyncadd.s32 $0xFFFFD000  }
.Ltmp3:
0x84: {  	s9 =	sadd.s32 s5, s7;
	(pc) =	sbr.rel .LBB2_2-.Ltmp3, $4  }
0x85: {  	s24 =	sadd.s32 s5, s8;
	s9 =	sadd.s32 $0x30, s9  }
0x86: {  	[tilespmem:s4], [sflag:$0x1] =	stream.linear.gather [hbm4b:s9+s4], $0x80, $0x38;
	[tilespmem:$0x1D000] =	vst v63  }
0x87: {  	s5 =	sadd.s32 $0x30, s5;
	s9 =	sadd.s32 $0x30, s24  }
0x88: {  	[tilespmem:s17], [sflag:$0x1] =	stream.linear.gather [hbm4b:s9+s4], $0x80, $0x38;
	[tilespmem:$0x1D000] =	vst v63  }
.LBB2_5:
0x89: {  	_ =	sfence.sel $0x180000  }
0x8a: {  	[bflag:$0x0] =	sbarrier.arrive $0xFFFF  }
0x8b: {  	_ =	strace $0x9000004A  }
0x8c: {  	s0 =	stileid.u32;
	[bflag:$0x2] =	sbarrier.arrive $0xFFFF  }
0x8d: {  	p0 =	sne.s32 s0, $0x0;
	s0 =	rddreg [dreg:$0x3]  }
0x8e: {  	s0 =	sadd.s32 @!p0 $0x100000, s0  }
0x8f: {  	[sflag:s0] =	ssyncadd.tile.s32 @!p0 $0x1;
	_ =	shalt  }
.Lfunc_end2:
_tile_overlayer_lowered:
.L_overlay_start_2:
0x90: {  	(tag) =	ssettag $0x2  }
0x91: {  	s0 =	rddreg [dreg:$0x0];
	s2 =	stileid.u32  }
0x92: {  	s1 =	rddreg [dreg:$0x1];
	p0 =	sne.s32 s2, $0x0  }
0x93: {  	s3 =	rddreg [dreg:$0x2];
	[bflag:$0x3] =	sbarrier.arrive $0xFFFF;
	s2 =	simm.s32 @!p0 $0x1C07  }
0x94: {  	[timem:s3], [sflag:s2] =	dma.local @!p0 [hbm:s0], s1  }
0x95: {  	s0 =	simm.s32 @!p0 $0x7  }
0x96: {  	_ =	swait.ge @!p0 [sflag:s0], s1  }
0x97: {  	s1 =	ssub.s32 @!p0 $0x0, s1;
	[sflag:s0] =	ssyncset.done @!p0 $0x0  }
0x98: {  	[sflag:s0] =	ssyncadd.s32 @!p0 s1  }
0x99: {  	[bflag:$0x3] =	sbarrier.arrive $0xFFFF  }
0x9a: {  	_ =	shalt  }

// kernel: kernel.14.cloned.1.call-start
scs
__scs_entry_jumppad:
0x0: {  	(pc) =	sbr.rel $0x88, $3  }
0x1: {  	(tag) =	ssettag $0x0;
	lr =	simm.s32 $0x1  }
0x2: {  	[smem:$0x3F9B] =	sst lr;
	_ =	strace $0xD0000000  }
0x3: {  	_ = 	snop  }
0x4: {  	_ = 	snop  }
0x5: {  	_ = 	snop  }
0x6: {  	_ = 	snop  }
0x7: {  	_ = 	snop  }
__scs_overlays_trampoline_lowered:
0x8: {  	[smem:$0x3FAA] =	sst s0  }
0x9: {  	[smem:$0x3FAB] =	sst s1  }
0xa: {  	[smem:$0x3FAC] =	sst s2  }
0xb: {  	[smem:$0x3FAD] =	sst s3  }
0xc: {  	[smem:$0x3FAE] =	sst s4  }
0xd: {  	[smem:$0x3FAF] =	sst s5  }
0xe: {  	[smem:$0x3FB0] =	sst s6  }
0xf: {  	[smem:$0x3FB1] =	sst s7  }
0x10: {  	[smem:$0x3FB2] =	sst s8  }
0x11: {  	[smem:$0x3FB3] =	sst s9;
	s0 =	simm.s32 @!p0 $0x0  }
0x12: {  	s1 =	sld [smem:$0x3F99];
	s0 =	simm.s32 @p0 $0x1  }
0x13: {  	[smem:$0x3FB4] =	sst s0;
	s0 =	simm.s32 @!p1 $0x0  }
0x14: {  	s2 =	sld [smem:$0x3F98];
	s0 =	simm.s32 @p1 $0x1  }
0x15: {  	[smem:$0x3FB5] =	sst s0;
	s0 =	simm.s32 @!p2 $0x0  }
0x16: {  	s3 =	sld [smem:$0x3FDB];
	s0 =	simm.s32 @p2 $0x1  }
0x17: {  	s4 =	simm.s32 $0x1BF5;
	[smem:$0x3FB7] =	sst s0  }
0x18: {  	s0 =	sld [smem:$0x3F9A];
	_ =	swait.ge [sflag:s4], $0x0  }
0x19: {  	s7 =	sld [smem:$0x3F9B]  }
0x1a: {  	s8 =	sadd.s32 $0xFFFFE003, lr  }
0x1b: {  	s9 =	sadd.s32 $0xFFFFFEF7, lr;
	s5 =	simm.s32 $0xFFFFFFFF;
	p2 =	slt.u32 s8, $0xFFFFF086  }
0x1c: {  	p1 =	slt.u32 s9, $0xF7A;
	s5 =	simm.s32 @!p2 $0x0  }
0x1d: {  	s5 =	simm.s32 @p1 $0x1;
	p0 =	seq.s32 s7, s2  }
0x1e: {  	s7 =	smul.u32 @!p0 $0xF7A, s2;
	p2 =	seq.s32 @!p0 s5, $0x0  }
0x1f: {  	s9 =	smul.u32 $0xF7A, s1;
	s8 =	simm.s32 @!p0 $0x1BF5;
	p2 =	por !p2, p0  }
0x20: {  	[sflag:s8] =	ssyncset.s32 @!p0 $0xFFFFF086;
	s6 =	sadd.s32 @!p0 s3, s7;
	s7 =	simm.s32 @!p0 $0x108  }
0x21: {  	s3 =	sadd.s32 s3, s9;
	s6 =	sadd.s32 @!p0 $0x88, s6;
	s7 =	simm.s32 @p2 $0x1082  }
0x22: {  	[simem:s7], [sflag:s8] =	dma.local @!p0 [hbm:s6], $0xF7A  }
0x23: {  	s9 =	sor.u32 $0xD0000000, s2;
	s6 =	simm.s32 $0x108;
	_ =	swait.ge @!p0 [sflag:s8], $0x0  }
0x24: {  	s3 =	sadd.s32 $0x88, s3;
	s6 =	simm.s32 @!p1 $0x1082;
	[sflag:s4] =	ssyncset.s32 $0xFFFFF086  }
0x25: {  	[simem:s6], [sflag:s4] =	dma.local [hbm:s3], $0xF7A  }
0x26: {  	[smem:$0x3F9B] =	sst s1;
	(tag) =	ssettag s2;
	_ =	strace s9  }
0x27: {  	s1 =	sld [smem:$0x3FAB]  }
0x28: {  	s2 =	sld [smem:$0x3FAC]  }
0x29: {  	s4 =	sld [smem:$0x3FAE]  }
0x2a: {  	p0 =	seq.s32 s5, $0x0;
	s5 =	sld [smem:$0x3FAF]  }
0x2b: {  	s6 =	sld [smem:$0x3FB0]  }
0x2c: {  	s7 =	sld [smem:$0x3FB1]  }
0x2d: {  	s3 =	simm.s32 $0x108;
	s8 =	sld [smem:$0x3FB2]  }
0x2e: {  	s3 =	simm.s32 @!p0 $0x1082;
	s9 =	sld [smem:$0x3FB3]  }
0x2f: {  	lr =	sadd.s32 s0, s3;
	s0 =	sld [smem:$0x3FAA]  }
0x30: {  	s3 =	sld [smem:$0x3FAD]  }
0x31: {  	[smem:$0x3FB6] =	sst s10  }
0x32: {  	s10 =	sld [smem:$0x3FB4];
	_ =	sdelay $0x3  }
0x33: {  	p0 =	seq.s32 s10, $0x1;
	s10 =	sld [smem:$0x3FB6];
	_ =	sdelay $0x3  }
0x34: {  	[smem:$0x3FB6] =	sst s10  }
0x35: {  	s10 =	sld [smem:$0x3FB5];
	_ =	sdelay $0x3  }
0x36: {  	p1 =	seq.s32 s10, $0x1;
	s10 =	sld [smem:$0x3FB6];
	_ =	sdelay $0x3  }
0x37: {  	[smem:$0x3FB6] =	sst s10  }
0x38: {  	s10 =	sld [smem:$0x3FB7]  }
0x39: {  	_ = 	snop;
	(pc) =	sbr.ind lr, $3  }
0x3a: {  	_ = 	snop  }
0x3b: {  	_ = 	snop  }
0x3c: {  	p2 =	seq.s32 s10, $0x1;
	s10 =	sld [smem:$0x3FB6]  }
0x3d: {  	_ =	shalt  }
0x3e: {  	_ =	shalt  }
0x3f: {  	_ =	shalt  }
0x40: {  	_ =	shalt  }
0x41: {  	_ =	shalt  }
0x42: {  	_ =	shalt  }
0x43: {  	_ =	shalt  }
0x44: {  	_ =	shalt  }
0x45: {  	_ =	shalt  }
0x46: {  	_ =	shalt  }
0x47: {  	_ =	shalt  }
0x48: {  	_ =	shalt  }
0x49: {  	_ =	shalt  }
0x4a: {  	_ =	shalt  }
0x4b: {  	_ =	shalt  }
0x4c: {  	_ =	shalt  }
0x4d: {  	_ =	shalt  }
0x4e: {  	_ =	shalt  }
0x4f: {  	_ =	shalt  }
0x50: {  	_ =	shalt  }
0x51: {  	_ =	shalt  }
0x52: {  	_ =	shalt  }
0x53: {  	_ =	shalt  }
0x54: {  	_ =	shalt  }
0x55: {  	_ =	shalt  }
0x56: {  	_ =	shalt  }
0x57: {  	_ =	shalt  }
0x58: {  	_ =	shalt  }
0x59: {  	_ =	shalt  }
0x5a: {  	_ =	shalt  }
0x5b: {  	_ =	shalt  }
0x5c: {  	_ =	shalt  }
0x5d: {  	_ =	shalt  }
0x5e: {  	_ =	shalt  }
0x5f: {  	_ =	shalt  }
0x60: {  	_ =	shalt  }
0x61: {  	_ =	shalt  }
0x62: {  	_ =	shalt  }
0x63: {  	_ =	shalt  }
0x64: {  	_ =	shalt  }
0x65: {  	_ =	shalt  }
0x66: {  	_ =	shalt  }
0x67: {  	_ =	shalt  }
0x68: {  	_ =	shalt  }
0x69: {  	_ =	shalt  }
0x6a: {  	_ =	shalt  }
0x6b: {  	_ =	shalt  }
0x6c: {  	_ =	shalt  }
0x6d: {  	_ =	shalt  }
0x6e: {  	_ =	shalt  }
0x6f: {  	_ =	shalt  }
0x70: {  	_ =	shalt  }
0x71: {  	_ =	shalt  }
0x72: {  	_ =	shalt  }
0x73: {  	_ =	shalt  }
0x74: {  	_ =	shalt  }
0x75: {  	_ =	shalt  }
0x76: {  	_ =	shalt  }
0x77: {  	_ =	shalt  }
0x78: {  	_ =	shalt  }
0x79: {  	_ =	shalt  }
0x7a: {  	_ =	shalt  }
0x7b: {  	_ =	shalt  }
0x7c: {  	_ =	shalt  }
0x7d: {  	_ =	shalt  }
0x7e: {  	_ =	shalt  }
0x7f: {  	_ =	shalt  }
0x80: {  	_ =	shalt  }
0x81: {  	_ =	shalt  }
0x82: {  	_ =	shalt  }
0x83: {  	_ =	shalt  }
0x84: {  	_ =	shalt  }
0x85: {  	_ =	shalt  }
0x86: {  	_ =	shalt  }
0x87: {  	_ =	shalt  }
.Lfunc_end0:
.L_simem_size_0:
called_computation.2_lowered:
.L_overlay_start_0:
0x88: {  	s2 =	sld [smem:$0x3FD9]  }
0x89: {  	s3 =	sld [smem:$0x3FFE];
	_ =	sdelay $0x1  }
0x8a: {  	s1 =	srdreg.scid  }
0x8b: {  	s0 =	sand.u32 $0x1, s1  }
0x8c: {  	s17 =	sshll.u32 s0, $0xA;
	s2 =	sadd.s32 s3, s2  }
0x8d: {  	s2 =	sadd.s32 s2, s17  }
0x8e: {  	[smem:$0x3FC2] =	sst s2  }
0x8f: {  	_ = 	snop  }
0x90: {  	s2 =	sld [smem:$0x3FD0];
	(tm) =	ssettm $0x1  }
0x91: {  	s18 =	sld [smem:$0x3FFB];
	_ =	sdelay $0x3  }
0x92: {  	_ =	strace s18  }
0x93: {  	s3 =	sld [smem:$0x3FFC];
	_ =	sdelay $0x3  }
0x94: {  	_ =	strace s3  }
0x95: {  	s3 =	sld [smem:$0x3FFD];
	_ =	sdelay $0x3  }
0x96: {  	_ =	strace s3  }
0x97: {  	_ =	strace $0x8FFFFFFF  }
0x98: {  	s19 =	sld [smem:$0x3FDB];
	_ =	sdelay $0x1  }
0x99: {  	s4 =	simm.s32 $_scs_section_size  }
0x9a: {  	s5 =	simm.s32 $_size__tile_overlayer_lowered;
	s6 =	simm.s32 $_tile_overlayer_lowered  }
0x9b: {  	s22 =	simm.s32 $0x1BFF;
	s21 =	sshll.u32 s6, $0x1;
	s3 =	sadd.s32 s4, s19  }
0x9c: {  	s7 =	simm.s32 $0x0;
	s20 =	sshll.u32 s5, $0x1;
	s5 =	sadd.s32 s21, s3  }
0x9d: {  	[timem:s7], [sflag:s22] =	dma.local [hbm:s5], s20  }
0x9e: {  	_ =	swait.ge [sflag:s22], s20  }
0x9f: {  	s4 =	ssub.s32 $0x0, s20;
	[sflag:s22] =	ssyncset.done $0x0  }
0xa0: {  	[sflag:s22] =	ssyncadd.s32 s4;
	_ =	sdelay $0x1  }
0xa1: {  	s23 =	simm.s32 $0x1B8B  }
0xa2: {  	_ =	swait.ge [sflag:s23], $0x1  }
0xa3: {  	[sflag:s23] =	ssyncset.done $0x0  }
0xa4: {  	s25 =	simm.s32 $0x1B8E;
	s24 =	sld [smem:$0x3FFE];
	[sflag:s23] =	ssyncadd.s32 $0xFFFFFFFF  }
0xa5: {  	s26 =	simm.s32 $execute0_lowered;
	[smem:$0x3FD2] =	sst s25  }
0xa6: {  	s5 =	sshll.u32 s26, $0x1;
	_ =	strace $0x8000004C;
	[dreg:$0x1] =	wrdreg $0xFFFFFFFF  }
0xa7: {  	s28 =	simm.s32 $_size_execute0_lowered;
	s3 =	sadd.s32 s3, s5;
	[dreg:$0x0] =	wrdreg $0x0  }
0xa8: {  	s5 =	sshll.u32 s28, $0x1;
	[dreg:$0x2] =	wrdreg s3  }
0xa9: {  	[dreg:$0x3] =	wrdreg s5  }
0xaa: {  	[dreg:$0x4] =	wrdreg $0xC0  }
0xab: {  	_ =	task [dreg:s7], $0x5FFFF  }
0xac: {  	[dreg:$0x1] =	wrdreg $0xFFFFFFFF  }
0xad: {  	[dreg:$0x0] =	wrdreg $0x60  }
0xae: {  	[dreg:$0x2] =	wrdreg s2  }
0xaf: {  	[dreg:$0x3] =	wrdreg s24  }
0xb0: {  	[dreg:$0x4] =	wrdreg $0x94000  }
0xb1: {  	[dreg:$0x5] =	wrdreg $0x9  }
0xb2: {  	_ =	task.clear_ibuf [dreg:s7], $0x6FFFF;
	_ =	strace $0x9000004C  }
0xb3: {  	s29 =	simm.s32 $0x9;
	_ =	strace $0x8000004E  }
0xb4: {  	_ =	swait.ge [sflag:s29], $0x1  }
0xb5: {  	[sflag:s29] =	ssyncadd.s32 $0xFFFFFFFF  }
0xb6: {  	_ =	strace $0x9000004E  }
0xb7: {  	_ =	sfence  }
0xb8: {  	s30 =	sld [smem:$0x0];
	_ =	sdelay $0x2  }
0xb9: {  	s31 =	sshll.u32 s1, $0xD;
	s1 =	sshrl.u32 s1, $0x2  }
0xba: {  	s3 =	sand.u32 $0x4000, s31;
	s1 =	sadd.s32 s1, s30  }
0xbb: {  	s0 =	sor.u32 s3, s0;
	s1 =	sshll.u32 s1, $0x11  }
0xbc: {  	s0 =	sor.u32 s1, s0  }
0xbd: {  	s0 =	sadd.s32 $0x8F2B, s0  }
0xbe: {  	[sflag:s0] =	ssyncadd.remote.s32 $0x1  }
0xbf: {  	_ =	sfence.sel $0xFFFF  }
0xc0: {  	[dreg:$0x0] =	wrdreg $0xFFFFFFFF;
	(pc) =	sbr.abs _section_cstart, $3  }
0xc1: {  	[dreg:$0x1] =	wrdreg $0xFFFFFFFF  }
0xc2: {  	_ =	task.clear_ibuf [dreg:s7], $0x2FFFF;
	_ =	strace $0x9FFFFFFF  }
0xc3: {  	(tm) =	ssettm $0x7FFFFFFF  }
tec
execute0_lowered:
.L_overlay_start_1:
0x0: {  	(tag) =	ssettag $0x1  }
0x1: {  	s1 =	rddreg [dreg:$0x0]  }
0x2: {  	s0 =	rddreg [dreg:$0x1]  }
0x3: {  	s2 =	rddreg [dreg:$0x2];
	s3 =	srdreg.scid;
	s4 =	simm.s32 $0x0  }
0x4: {  	s10 =	stileid.u32;
	s16 =	simm.s32 $0x7;
	s28 =	simm.s32 $0x3  }
0x5: {  	s29 =	simm.s32 $0x6400;
	s30 =	simm.s32 $0x4;
	s31 =	simm.s32 $0x5  }
0x6: {  	s3 =	sand.u32 $0x1, s3;
	[smem:$0x7FF] =	sst s4;
	s6 =	smul.u32 $0x13C00, s10  }
0x7: {  	s11 =	sadd.s32 $0x61400, s0;
	s12 =	sadd.s32 $0x2400, s0;
	s7 =	smul.u32 $0x6C, s10  }
0x8: {  	s8 =	sadd.s32 $0xFC00, s0;
	s9 =	smul.u32 $0x4F000, s10;
	s21 =	sshll.u32 s10, $0x6  }
0x9: {  	s10 =	simm.s32 $0x280;
	s5 =	smul.u32 $0x13C000, s3;
	_ =	strace $0x8000004D  }
0xa: {  	s17 =	ssub.s32 $0x2, s3;
	[dreg:$0x4] =	wrdreg s8;
	p0 =	seq.s32 s3, $0x0  }
0xb: {  	s18 =	sshrl.u32 s17, $0x1;
	s3 =	sadd.s32 $0x6C0, s7;
	s20 =	sshrl.u32 s9, $0x2  }
0xc: {  	s5 =	sadd.s32 s6, s5;
	s19 =	ssub.s32 s17, s18;
	s3 =	smov.u32 @p0 s7  }
0xd: {  	s15 =	sadd.s32 s20, s2;
	s6 =	sor.u32 $0x1C07, s21;
	s17 =	simm.s32 $0x200  }
0xe: {  	s18 =	simm.s32 $0x1;
	s20 =	simm.s32 $0x400;
	s5 =	sshrl.u32 s5, $0x3  }
0xf: {  	s3 =	sshll.u32 s3, $0x4;
	s26 =	smax.u32 s19, $0x1;
	s15 =	sshrl.u32 s15, $0x3  }
0x10: {  	s19 =	simm.s32 $0x60;
	s7 =	sadd.s32 s11, s3;
	s22 =	sor.u32 $0x10, s3  }
0x11: {  	s8 =	sadd.s32 s12, s3;
	[dreg:$0xa] =	wrdreg s26;
	s23 =	sadd.s32 s11, s22  }
0x12: {  	s3 =	sor.u32 $0x20, s3;
	s24 =	sadd.s32 s12, s22;
	[dreg:$0x5] =	wrdreg s23  }
.Ltmp0:
0x13: {  	s25 =	sadd.s32 s11, s3;
	[dreg:$0x6] =	wrdreg s24;
	(pc) =	sbr.rel .LBB2_1-.Ltmp0, $4  }
0x14: {  	s0 =	sadd.s32 s5, s0;
	s3 =	sadd.s32 s12, s3;
	[dreg:$0x7] =	wrdreg s25  }
0x15: {  	s26 =	simm.s32 $0x300;
	s0 =	sadd.s32 $0x6EC00, s0;
	[dreg:$0x8] =	wrdreg s3  }
0x16: {  	s11 =	simm.s32 $0x3400;
	[dreg:$0x9] =	wrdreg s0;
	s23 =	simm.s32 $0x2  }
0x17: {  	s25 =	simm.s32 $0x100;
	s0 =	simm.s32 $0x6;
	s3 =	simm.s32 $0x0  }
.LBB2_4:
0x18: {  	_ =	swait.ge [sflag:s31], $0x3000  }
0x19: {  	[sflag:s31] =	ssyncset.done $0x0  }
0x1a: {  	s10 =	simm.s32 $0x280;
	s11 =	simm.s32 $0x3400;
	[sflag:s31] =	ssyncadd.s32 $0xFFFFD000  }
0x1b: {  	[spmem:s2] =	stream.indirect.scatter.add.f32 [tilespmem:s11], [sflag:$0x7], $0x80, s10, s19, $0xb8;
	[tilespmem:$0x1D000] =	vst v63  }
0x1c: {  	_ =	swait.ge [sflag:s16], $0x3000  }
0x1d: {  	[sflag:s16] =	ssyncset.done $0x0  }
0x1e: {  	[sflag:s16] =	ssyncadd.s32 $0xFFFFD000  }
0x1f: {  	_ =	swait.ge [sflag:s0], $0x3000  }
0x20: {  	[sflag:s0] =	ssyncset.done $0x0  }
0x21: {  	[sflag:s0] =	ssyncadd.s32 $0xFFFFD000  }
0x22: {  	[spmem:s2] =	stream.indirect.scatter.add.f32 [tilespmem:s29], [sflag:$0x7], $0x80, s26, s19, $0xb8;
	[tilespmem:$0x1D000] =	vst v63  }
0x23: {  	_ =	swait.ge [sflag:s16], $0x3000  }
0x24: {  	[sflag:s16] =	ssyncset.done $0x0  }
0x25: {  	[sflag:s16] =	ssyncadd.s32 $0xFFFFD000  }
0x26: {  	[bflag:$0x0] =	sbarrier.arrive $0xFFFF  }
0x27: {  	s5 =	rddreg [dreg:$0x9]  }
0x28: {  	[hbm:s5], [sflag:s6] =	dma.local [spmem:s15], $0x2780  }
0x29: {  	_ =	swait.ge [sflag:s16], $0x2780  }
0x2a: {  	s3 =	sadd.s32 $0x1, s3;
	s24 =	rddreg [dreg:$0xa]  }
0x2b: {  	p0 =	sne.s32 s3, s24  }
.Ltmp1:
0x2c: {  	_ = 	snop;
	(pc) =	sbr.rel @!p0 .LBB2_5-.Ltmp1, $3  }
0x2d: {  	_ =	sdelay $0x1  }
0x2e: {  	[sflag:s16] =	ssyncset.done $0x0  }
0x2f: {  	[sflag:s16] =	ssyncadd.s32 $0xFFFFD880  }
.LBB2_1:
0x30: {  	s5 =	rddreg [dreg:$0x4]  }
0x31: {  	[spmem:s15], [sflag:s6] =	dma.local [hbm:s5], $0x2780  }
0x32: {  	_ =	swait.ge [sflag:s16], $0x2780  }
0x33: {  	[sflag:s16] =	ssyncset.done $0x0  }
0x34: {  	[sflag:s16] =	ssyncadd.s32 $0xFFFFD880  }
0x35: {  	[bflag:$0x0] =	sbarrier.arrive $0xFFFF  }
0x36: {  	[tilespmem:s4], [sflag:$0x1] =	stream.linear.gather [hbm4b:s7+s4], $0x80, $0x38;
	[tilespmem:$0x1D000] =	vst v63  }
0x37: {  	_ = 	snop  }
0x38: {  	[tilespmem:s17], [sflag:$0x1] =	stream.linear.gather [hbm4b:s8+s4], $0x80, $0x38;
	[tilespmem:$0x1D000] =	vst v63  }
0x39: {  	_ =	swait.ge [sflag:s18], $0x80  }
0x3a: {  	[sflag:s18] =	ssyncset.done $0x0  }
0x3b: {  	[sflag:s18] =	ssyncadd.s32 $0xFFFFFF80  }
0x3c: {  	_ =	swait.ge [sflag:s18], $0x80  }
0x3d: {  	[sflag:s18] =	ssyncset.done $0x0  }
0x3e: {  	[sflag:s18] =	ssyncadd.s32 $0xFFFFFF80  }
0x3f: {  	[tilespmem:s20], [sflag:$0x4] =	stream.indirect.gather [hbm4b:s1+s19], $0x80, s4, s19, $0xb8;
	[tilespmem:$0x1D000] =	vst v63  }
0x40: {  	s9 =	simm.s32 $0x80;
	s14 =	rddreg [dreg:$0x5]  }
0x41: {  	[tilespmem:s9], [sflag:$0x2] =	stream.linear.gather [hbm4b:s14+s4], $0x80, $0x38;
	[tilespmem:$0x1D000] =	vst v63  }
0x42: {  	s21 =	rddreg [dreg:$0x6]  }
0x43: {  	[tilespmem:s10], [sflag:$0x2] =	stream.linear.gather [hbm4b:s21+s4], $0x80, $0x38;
	[tilespmem:$0x1D000] =	vst v63  }
0x44: {  	_ =	swait.ge [sflag:s23], $0x80  }
0x45: {  	[sflag:s23] =	ssyncset.done $0x0  }
0x46: {  	[sflag:s23] =	ssyncadd.s32 $0xFFFFFF80  }
0x47: {  	_ =	swait.ge [sflag:s23], $0x80  }
0x48: {  	[sflag:s23] =	ssyncset.done $0x0  }
0x49: {  	[sflag:s23] =	ssyncadd.s32 $0xFFFFFF80  }
0x4a: {  	[tilespmem:s11], [sflag:$0x5] =	stream.indirect.gather [hbm4b:s1+s19], $0x80, s9, s19, $0xb8;
	[tilespmem:$0x1D000] =	vst v63  }
0x4b: {  	s22 =	rddreg [dreg:$0x7]  }
0x4c: {  	[tilespmem:s25], [sflag:$0x3] =	stream.linear.gather [hbm4b:s22+s4], $0x80, $0x38;
	[tilespmem:$0x1D000] =	vst v63  }
0x4d: {  	s5 =	simm.s32 $0x0;
	s24 =	rddreg [dreg:$0x8]  }
0x4e: {  	[tilespmem:s26], [sflag:$0x3] =	stream.linear.gather [hbm4b:s24+s4], $0x80, $0x38;
	[tilespmem:$0x1D000] =	vst v63  }
.LBB2_2:
0x4f: {  	p0 =	seq.s32 s5, $0x0  }
0x50: {  	s9 =	simm.s32 @!p0 $0x1  }
0x51: {  	_ =	swait.ge @!p0 [sflag:s9], $0x80  }
0x52: {  	[sflag:s9] =	ssyncset.done @!p0 $0x0  }
0x53: {  	[sflag:s9] =	ssyncadd.s32 @!p0 $0xFFFFFF80  }
0x54: {  	_ =	swait.ge @!p0 [sflag:s9], $0x80  }
0x55: {  	s10 =	simm.s32 @!p0 $0x0;
	[sflag:s9] =	ssyncset.done @!p0 $0x0  }
0x56: {  	s11 =	simm.s32 @!p0 $0x400;
	[sflag:s9] =	ssyncadd.s32 @!p0 $0xFFFFFF80;
	s9 =	simm.s32 @!p0 $0x60  }
0x57: {  	[tilespmem:s11], [sflag:$0x4] =	stream.indirect.gather @!p0 [hbm4b:s1+s9], $0x80, s10, s9, $0xb8;
	[tilespmem:$0x1D000] =	vst v63  }
0x58: {  	s11 =	simm.s32 @!p0 $0x5  }
0x59: {  	_ =	swait.ge @!p0 [sflag:s11], $0x3000  }
0x5a: {  	s12 =	simm.s32 @!p0 $0x3400;
	[sflag:s11] =	ssyncset.done @!p0 $0x0  }
0x5b: {  	s13 =	simm.s32 @!p0 $0x7;
	[sflag:s11] =	ssyncadd.s32 @!p0 $0xFFFFD000;
	s11 =	simm.s32 @!p0 $0x280  }
0x5c: {  	[spmem:s2] =	stream.indirect.scatter.add.f32 @!p0 [tilespmem:s12], [sflag:$0x7], $0x80, s11, s9, $0xb8;
	[tilespmem:$0x1D000] =	vst v63  }
0x5d: {  	_ =	swait.ge @!p0 [sflag:s13], $0x3000  }
0x5e: {  	s14 =	sadd.s32 @!p0 s5, s7;
	[sflag:s13] =	ssyncset.done @!p0 $0x0  }
0x5f: {  	s22 =	simm.s32 @!p0 $0x80;
	s21 =	sadd.s32 @!p0 $0x10, s14;
	[sflag:s13] =	ssyncadd.s32 @!p0 $0xFFFFD000  }
0x60: {  	[tilespmem:s22], [sflag:$0x2] =	stream.linear.gather @!p0 [hbm4b:s21+s10], $0x80, $0x38;
	[tilespmem:$0x1D000] =	vst v63  }
0x61: {  	s21 =	sadd.s32 @!p0 s5, s8  }
0x62: {  	s24 =	sadd.s32 @!p0 $0x10, s21  }
0x63: {  	[tilespmem:s11], [sflag:$0x2] =	stream.linear.gather @!p0 [hbm4b:s24+s10], $0x80, $0x38;
	[tilespmem:$0x1D000] =	vst v63  }
0x64: {  	s11 =	simm.s32 @!p0 $0x2  }
0x65: {  	_ =	swait.ge @!p0 [sflag:s11], $0x80  }
0x66: {  	[sflag:s11] =	ssyncset.done @!p0 $0x0  }
0x67: {  	[sflag:s11] =	ssyncadd.s32 @!p0 $0xFFFFFF80  }
0x68: {  	_ =	swait.ge @!p0 [sflag:s11], $0x80  }
0x69: {  	[sflag:s11] =	ssyncset.done @!p0 $0x0  }
0x6a: {  	[sflag:s11] =	ssyncadd.s32 @!p0 $0xFFFFFF80;
	s11 =	simm.s32 @!p0 $0x6  }
0x6b: {  	[tilespmem:s12], [sflag:$0x5] =	stream.indirect.gather @!p0 [hbm4b:s1+s9], $0x80, s22, s9, $0xb8;
	[tilespmem:$0x1D000] =	vst v63  }
0x6c: {  	_ =	swait.ge @!p0 [sflag:s11], $0x3000  }
0x6d: {  	[sflag:s11] =	ssyncset.done @!p0 $0x0  }
0x6e: {  	s12 =	simm.s32 @!p0 $0x6400;
	[sflag:s11] =	ssyncadd.s32 @!p0 $0xFFFFD000;
	s11 =	simm.s32 @!p0 $0x300  }
0x6f: {  	[spmem:s2] =	stream.indirect.scatter.add.f32 @!p0 [tilespmem:s12], [sflag:$0x7], $0x80, s11, s9, $0xb8;
	[tilespmem:$0x1D000] =	vst v63  }
0x70: {  	_ =	swait.ge @!p0 [sflag:s13], $0x3000  }
0x71: {  	[sflag:s13] =	ssyncset.done @!p0 $0x0  }
0x72: {  	s9 =	sadd.s32 @!p0 $0x20, s14;
	s12 =	simm.s32 @!p0 $0x100;
	[sflag:s13] =	ssyncadd.s32 @!p0 $0xFFFFD000  }
0x73: {  	[tilespmem:s12], [sflag:$0x3] =	stream.linear.gather @!p0 [hbm4b:s9+s10], $0x80, $0x38;
	[tilespmem:$0x1D000] =	vst v63  }
0x74: {  	s9 =	sadd.s32 @!p0 $0x20, s21  }
0x75: {  	[tilespmem:s11], [sflag:$0x3] =	stream.linear.gather @!p0 [hbm4b:s9+s10], $0x80, $0x38;
	[tilespmem:$0x1D000] =	vst v63  }
0x76: {  	_ =	swait.ge [sflag:s28], $0x80  }
0x77: {  	[sflag:s28] =	ssyncset.done $0x0  }
0x78: {  	[sflag:s28] =	ssyncadd.s32 $0xFFFFFF80  }
0x79: {  	_ =	swait.ge [sflag:s28], $0x80  }
0x7a: {  	[sflag:s28] =	ssyncset.done $0x0  }
0x7b: {  	[sflag:s28] =	ssyncadd.s32 $0xFFFFFF80  }
0x7c: {  	[tilespmem:s29], [sflag:$0x6] =	stream.indirect.gather [hbm4b:s1+s19], $0x80, s25, s19, $0xb8;
	[tilespmem:$0x1D000] =	vst v63  }
0x7d: {  	_ =	swait.ge [sflag:s30], $0x3000  }
0x7e: {  	p0 =	seq.s32 s5, $0x690;
	[sflag:s30] =	ssyncset.done $0x0  }
.Ltmp2:
0x7f: {  	[sflag:s30] =	ssyncadd.s32 $0xFFFFD000;
	(pc) =	sbr.rel @p0 .LBB2_4-.Ltmp2, $4  }
0x80: {  	[spmem:s2] =	stream.indirect.scatter.add.f32 [tilespmem:s20], [sflag:$0x7], $0x80, s17, s19, $0xb8;
	[tilespmem:$0x1D000] =	vst v63  }
0x81: {  	_ =	swait.ge [sflag:s16], $0x3000  }
0x82: {  	[sflag:s16] =	ssyncset.done $0x0  }
0x83: {  	[sflag:s16] =	ssyncadd.s32 $0xFFFFD000  }
.Ltmp3:
0x84: {  	s9 =	sadd.s32 s5, s7;
	(pc) =	sbr.rel .LBB2_2-.Ltmp3, $4  }
0x85: {  	s24 =	sadd.s32 s5, s8;
	s9 =	sadd.s32 $0x30, s9  }
0x86: {  	[tilespmem:s4], [sflag:$0x1] =	stream.linear.gather [hbm4b:s9+s4], $0x80, $0x38;
	[tilespmem:$0x1D000] =	vst v63  }
0x87: {  	s5 =	sadd.s32 $0x30, s5;
	s9 =	sadd.s32 $0x30, s24  }
0x88: {  	[tilespmem:s17], [sflag:$0x1] =	stream.linear.gather [hbm4b:s9+s4], $0x80, $0x38;
	[tilespmem:$0x1D000] =	vst v63  }
.LBB2_5:
0x89: {  	_ =	sfence.sel $0x180000  }
0x8a: {  	[bflag:$0x0] =	sbarrier.arrive $0xFFFF  }
0x8b: {  	_ =	strace $0x9000004D  }
0x8c: {  	s0 =	stileid.u32;
	[bflag:$0x2] =	sbarrier.arrive $0xFFFF  }
0x8d: {  	p0 =	sne.s32 s0, $0x0;
	s0 =	rddreg [dreg:$0x3]  }
0x8e: {  	s0 =	sadd.s32 @!p0 $0x100000, s0  }
0x8f: {  	[sflag:s0] =	ssyncadd.tile.s32 @!p0 $0x1;
	_ =	shalt  }
.Lfunc_end2:
_tile_overlayer_lowered:
.L_overlay_start_2:
0x90: {  	(tag) =	ssettag $0x2  }
0x91: {  	s0 =	rddreg [dreg:$0x0];
	s2 =	stileid.u32  }
0x92: {  	s1 =	rddreg [dreg:$0x1];
	p0 =	sne.s32 s2, $0x0  }
0x93: {  	s3 =	rddreg [dreg:$0x2];
	[bflag:$0x3] =	sbarrier.arrive $0xFFFF;
	s2 =	simm.s32 @!p0 $0x1C07  }
0x94: {  	[timem:s3], [sflag:s2] =	dma.local @!p0 [hbm:s0], s1  }
0x95: {  	s0 =	simm.s32 @!p0 $0x7  }
0x96: {  	_ =	swait.ge @!p0 [sflag:s0], s1  }
0x97: {  	s1 =	ssub.s32 @!p0 $0x0, s1;
	[sflag:s0] =	ssyncset.done @!p0 $0x0  }
0x98: {  	[sflag:s0] =	ssyncadd.s32 @!p0 s1  }
0x99: {  	[bflag:$0x3] =	sbarrier.arrive $0xFFFF  }
0x9a: {  	_ =	shalt  }

// kernel: kernel.8.cloned.1.call-start
scs
__scs_entry_jumppad:
0x0: {  	(pc) =	sbr.rel $0x88, $3  }
0x1: {  	(tag) =	ssettag $0x0;
	lr =	simm.s32 $0x1  }
0x2: {  	[smem:$0x3F9B] =	sst lr;
	_ =	strace $0xD0000000  }
0x3: {  	_ = 	snop  }
0x4: {  	_ = 	snop  }
0x5: {  	_ = 	snop  }
0x6: {  	_ = 	snop  }
0x7: {  	_ = 	snop  }
__scs_overlays_trampoline_lowered:
0x8: {  	[smem:$0x3FAA] =	sst s0  }
0x9: {  	[smem:$0x3FAB] =	sst s1  }
0xa: {  	[smem:$0x3FAC] =	sst s2  }
0xb: {  	[smem:$0x3FAD] =	sst s3  }
0xc: {  	[smem:$0x3FAE] =	sst s4  }
0xd: {  	[smem:$0x3FAF] =	sst s5  }
0xe: {  	[smem:$0x3FB0] =	sst s6  }
0xf: {  	[smem:$0x3FB1] =	sst s7  }
0x10: {  	[smem:$0x3FB2] =	sst s8  }
0x11: {  	[smem:$0x3FB3] =	sst s9;
	s0 =	simm.s32 @!p0 $0x0  }
0x12: {  	s1 =	sld [smem:$0x3F99];
	s0 =	simm.s32 @p0 $0x1  }
0x13: {  	[smem:$0x3FB4] =	sst s0;
	s0 =	simm.s32 @!p1 $0x0  }
0x14: {  	s2 =	sld [smem:$0x3F98];
	s0 =	simm.s32 @p1 $0x1  }
0x15: {  	[smem:$0x3FB5] =	sst s0;
	s0 =	simm.s32 @!p2 $0x0  }
0x16: {  	s3 =	sld [smem:$0x3FDB];
	s0 =	simm.s32 @p2 $0x1  }
0x17: {  	s4 =	simm.s32 $0x1BF5;
	[smem:$0x3FB7] =	sst s0  }
0x18: {  	s0 =	sld [smem:$0x3F9A];
	_ =	swait.ge [sflag:s4], $0x0  }
0x19: {  	s7 =	sld [smem:$0x3F9B]  }
0x1a: {  	s8 =	sadd.s32 $0xFFFFE003, lr  }
0x1b: {  	s9 =	sadd.s32 $0xFFFFFEF7, lr;
	s5 =	simm.s32 $0xFFFFFFFF;
	p2 =	slt.u32 s8, $0xFFFFF086  }
0x1c: {  	p1 =	slt.u32 s9, $0xF7A;
	s5 =	simm.s32 @!p2 $0x0  }
0x1d: {  	s5 =	simm.s32 @p1 $0x1;
	p0 =	seq.s32 s7, s2  }
0x1e: {  	s7 =	smul.u32 @!p0 $0xF7A, s2;
	p2 =	seq.s32 @!p0 s5, $0x0  }
0x1f: {  	s9 =	smul.u32 $0xF7A, s1;
	s8 =	simm.s32 @!p0 $0x1BF5;
	p2 =	por !p2, p0  }
0x20: {  	[sflag:s8] =	ssyncset.s32 @!p0 $0xFFFFF086;
	s6 =	sadd.s32 @!p0 s3, s7;
	s7 =	simm.s32 @!p0 $0x108  }
0x21: {  	s3 =	sadd.s32 s3, s9;
	s6 =	sadd.s32 @!p0 $0x88, s6;
	s7 =	simm.s32 @p2 $0x1082  }
0x22: {  	[simem:s7], [sflag:s8] =	dma.local @!p0 [hbm:s6], $0xF7A  }
0x23: {  	s9 =	sor.u32 $0xD0000000, s2;
	s6 =	simm.s32 $0x108;
	_ =	swait.ge @!p0 [sflag:s8], $0x0  }
0x24: {  	s3 =	sadd.s32 $0x88, s3;
	s6 =	simm.s32 @!p1 $0x1082;
	[sflag:s4] =	ssyncset.s32 $0xFFFFF086  }
0x25: {  	[simem:s6], [sflag:s4] =	dma.local [hbm:s3], $0xF7A  }
0x26: {  	[smem:$0x3F9B] =	sst s1;
	(tag) =	ssettag s2;
	_ =	strace s9  }
0x27: {  	s1 =	sld [smem:$0x3FAB]  }
0x28: {  	s2 =	sld [smem:$0x3FAC]  }
0x29: {  	s4 =	sld [smem:$0x3FAE]  }
0x2a: {  	p0 =	seq.s32 s5, $0x0;
	s5 =	sld [smem:$0x3FAF]  }
0x2b: {  	s6 =	sld [smem:$0x3FB0]  }
0x2c: {  	s7 =	sld [smem:$0x3FB1]  }
0x2d: {  	s3 =	simm.s32 $0x108;
	s8 =	sld [smem:$0x3FB2]  }
0x2e: {  	s3 =	simm.s32 @!p0 $0x1082;
	s9 =	sld [smem:$0x3FB3]  }
0x2f: {  	lr =	sadd.s32 s0, s3;
	s0 =	sld [smem:$0x3FAA]  }
0x30: {  	s3 =	sld [smem:$0x3FAD]  }
0x31: {  	[smem:$0x3FB6] =	sst s10  }
0x32: {  	s10 =	sld [smem:$0x3FB4];
	_ =	sdelay $0x3  }
0x33: {  	p0 =	seq.s32 s10, $0x1;
	s10 =	sld [smem:$0x3FB6];
	_ =	sdelay $0x3  }
0x34: {  	[smem:$0x3FB6] =	sst s10  }
0x35: {  	s10 =	sld [smem:$0x3FB5];
	_ =	sdelay $0x3  }
0x36: {  	p1 =	seq.s32 s10, $0x1;
	s10 =	sld [smem:$0x3FB6];
	_ =	sdelay $0x3  }
0x37: {  	[smem:$0x3FB6] =	sst s10  }
0x38: {  	s10 =	sld [smem:$0x3FB7]  }
0x39: {  	_ = 	snop;
	(pc) =	sbr.ind lr, $3  }
0x3a: {  	_ = 	snop  }
0x3b: {  	_ = 	snop  }
0x3c: {  	p2 =	seq.s32 s10, $0x1;
	s10 =	sld [smem:$0x3FB6]  }
0x3d: {  	_ =	shalt  }
0x3e: {  	_ =	shalt  }
0x3f: {  	_ =	shalt  }
0x40: {  	_ =	shalt  }
0x41: {  	_ =	shalt  }
0x42: {  	_ =	shalt  }
0x43: {  	_ =	shalt  }
0x44: {  	_ =	shalt  }
0x45: {  	_ =	shalt  }
0x46: {  	_ =	shalt  }
0x47: {  	_ =	shalt  }
0x48: {  	_ =	shalt  }
0x49: {  	_ =	shalt  }
0x4a: {  	_ =	shalt  }
0x4b: {  	_ =	shalt  }
0x4c: {  	_ =	shalt  }
0x4d: {  	_ =	shalt  }
0x4e: {  	_ =	shalt  }
0x4f: {  	_ =	shalt  }
0x50: {  	_ =	shalt  }
0x51: {  	_ =	shalt  }
0x52: {  	_ =	shalt  }
0x53: {  	_ =	shalt  }
0x54: {  	_ =	shalt  }
0x55: {  	_ =	shalt  }
0x56: {  	_ =	shalt  }
0x57: {  	_ =	shalt  }
0x58: {  	_ =	shalt  }
0x59: {  	_ =	shalt  }
0x5a: {  	_ =	shalt  }
0x5b: {  	_ =	shalt  }
0x5c: {  	_ =	shalt  }
0x5d: {  	_ =	shalt  }
0x5e: {  	_ =	shalt  }
0x5f: {  	_ =	shalt  }
0x60: {  	_ =	shalt  }
0x61: {  	_ =	shalt  }
0x62: {  	_ =	shalt  }
0x63: {  	_ =	shalt  }
0x64: {  	_ =	shalt  }
0x65: {  	_ =	shalt  }
0x66: {  	_ =	shalt  }
0x67: {  	_ =	shalt  }
0x68: {  	_ =	shalt  }
0x69: {  	_ =	shalt  }
0x6a: {  	_ =	shalt  }
0x6b: {  	_ =	shalt  }
0x6c: {  	_ =	shalt  }
0x6d: {  	_ =	shalt  }
0x6e: {  	_ =	shalt  }
0x6f: {  	_ =	shalt  }
0x70: {  	_ =	shalt  }
0x71: {  	_ =	shalt  }
0x72: {  	_ =	shalt  }
0x73: {  	_ =	shalt  }
0x74: {  	_ =	shalt  }
0x75: {  	_ =	shalt  }
0x76: {  	_ =	shalt  }
0x77: {  	_ =	shalt  }
0x78: {  	_ =	shalt  }
0x79: {  	_ =	shalt  }
0x7a: {  	_ =	shalt  }
0x7b: {  	_ =	shalt  }
0x7c: {  	_ =	shalt  }
0x7d: {  	_ =	shalt  }
0x7e: {  	_ =	shalt  }
0x7f: {  	_ =	shalt  }
0x80: {  	_ =	shalt  }
0x81: {  	_ =	shalt  }
0x82: {  	_ =	shalt  }
0x83: {  	_ =	shalt  }
0x84: {  	_ =	shalt  }
0x85: {  	_ =	shalt  }
0x86: {  	_ =	shalt  }
0x87: {  	_ =	shalt  }
.Lfunc_end0:
.L_simem_size_0:
called_computation_lowered:
.L_overlay_start_0:
0x88: {  	s2 =	sld [smem:$0x3FD9]  }
0x89: {  	s3 =	sld [smem:$0x3FFE];
	_ =	sdelay $0x1  }
0x8a: {  	s1 =	srdreg.scid  }
0x8b: {  	s0 =	sand.u32 $0x1, s1  }
0x8c: {  	s17 =	sshll.u32 s0, $0xA;
	s2 =	sadd.s32 s3, s2  }
0x8d: {  	s2 =	sadd.s32 s2, s17  }
0x8e: {  	[smem:$0x3FC2] =	sst s2  }
0x8f: {  	_ = 	snop  }
0x90: {  	s2 =	sld [smem:$0x3FD0];
	(tm) =	ssettm $0x1  }
0x91: {  	s18 =	sld [smem:$0x3FFB];
	_ =	sdelay $0x3  }
0x92: {  	_ =	strace s18  }
0x93: {  	s3 =	sld [smem:$0x3FFC];
	_ =	sdelay $0x3  }
0x94: {  	_ =	strace s3  }
0x95: {  	s3 =	sld [smem:$0x3FFD];
	_ =	sdelay $0x3  }
0x96: {  	_ =	strace s3  }
0x97: {  	_ =	strace $0x8FFFFFFF  }
0x98: {  	s19 =	sld [smem:$0x3FDB];
	_ =	sdelay $0x1  }
0x99: {  	s4 =	simm.s32 $_scs_section_size  }
0x9a: {  	s5 =	simm.s32 $_size__tile_overlayer_lowered;
	s6 =	simm.s32 $_tile_overlayer_lowered  }
0x9b: {  	s22 =	simm.s32 $0x1BFF;
	s21 =	sshll.u32 s6, $0x1;
	s3 =	sadd.s32 s4, s19  }
0x9c: {  	s7 =	simm.s32 $0x0;
	s20 =	sshll.u32 s5, $0x1;
	s5 =	sadd.s32 s21, s3  }
0x9d: {  	[timem:s7], [sflag:s22] =	dma.local [hbm:s5], s20  }
0x9e: {  	_ =	swait.ge [sflag:s22], s20  }
0x9f: {  	s4 =	ssub.s32 $0x0, s20;
	[sflag:s22] =	ssyncset.done $0x0  }
0xa0: {  	[sflag:s22] =	ssyncadd.s32 s4;
	_ =	sdelay $0x1  }
0xa1: {  	s23 =	simm.s32 $0x1B8B  }
0xa2: {  	_ =	swait.ge [sflag:s23], $0x1  }
0xa3: {  	[sflag:s23] =	ssyncset.done $0x0  }
0xa4: {  	s25 =	simm.s32 $0x1B8E;
	s24 =	sld [smem:$0x3FFE];
	[sflag:s23] =	ssyncadd.s32 $0xFFFFFFFF  }
0xa5: {  	s26 =	simm.s32 $execute0_lowered;
	[smem:$0x3FD2] =	sst s25  }
0xa6: {  	s5 =	sshll.u32 s26, $0x1;
	_ =	strace $0x80000046;
	[dreg:$0x1] =	wrdreg $0xFFFFFFFF  }
0xa7: {  	s28 =	simm.s32 $_size_execute0_lowered;
	s3 =	sadd.s32 s3, s5;
	[dreg:$0x0] =	wrdreg $0x0  }
0xa8: {  	s5 =	sshll.u32 s28, $0x1;
	[dreg:$0x2] =	wrdreg s3  }
0xa9: {  	[dreg:$0x3] =	wrdreg s5  }
0xaa: {  	[dreg:$0x4] =	wrdreg $0xC0  }
0xab: {  	_ =	task [dreg:s7], $0x5FFFF  }
0xac: {  	[dreg:$0x1] =	wrdreg $0xFFFFFFFF  }
0xad: {  	[dreg:$0x0] =	wrdreg $0x60  }
0xae: {  	[dreg:$0x2] =	wrdreg s24  }
0xaf: {  	[dreg:$0x3] =	wrdreg s2  }
0xb0: {  	[dreg:$0x4] =	wrdreg $0x31000  }
0xb1: {  	[dreg:$0x5] =	wrdreg $0x9  }
0xb2: {  	_ =	task.clear_ibuf [dreg:s7], $0x6FFFF;
	_ =	strace $0x90000046  }
0xb3: {  	s29 =	simm.s32 $0x9;
	_ =	strace $0x80000048  }
0xb4: {  	_ =	swait.ge [sflag:s29], $0x1  }
0xb5: {  	[sflag:s29] =	ssyncadd.s32 $0xFFFFFFFF  }
0xb6: {  	_ =	strace $0x90000048  }
0xb7: {  	_ =	sfence  }
0xb8: {  	s30 =	sld [smem:$0x0];
	_ =	sdelay $0x2  }
0xb9: {  	s31 =	sshll.u32 s1, $0xD;
	s1 =	sshrl.u32 s1, $0x2  }
0xba: {  	s3 =	sand.u32 $0x4000, s31;
	s1 =	sadd.s32 s1, s30  }
0xbb: {  	s0 =	sor.u32 s3, s0;
	s1 =	sshll.u32 s1, $0x11  }
0xbc: {  	s0 =	sor.u32 s1, s0  }
0xbd: {  	s0 =	sadd.s32 $0x8F2B, s0  }
0xbe: {  	[sflag:s0] =	ssyncadd.remote.s32 $0x1  }
0xbf: {  	_ =	sfence.sel $0xFFFF  }
0xc0: {  	[dreg:$0x0] =	wrdreg $0xFFFFFFFF;
	(pc) =	sbr.abs _section_cstart, $3  }
0xc1: {  	[dreg:$0x1] =	wrdreg $0xFFFFFFFF  }
0xc2: {  	_ =	task.clear_ibuf [dreg:s7], $0x2FFFF;
	_ =	strace $0x9FFFFFFF  }
0xc3: {  	(tm) =	ssettm $0x7FFFFFFF  }
tec
execute0_lowered:
.L_overlay_start_1:
0x0: {  	(tag) =	ssettag $0x1  }
0x1: {  	s6 =	rddreg [dreg:$0x0]  }
0x2: {  	s1 =	rddreg [dreg:$0x1]  }
0x3: {  	s2 =	rddreg [dreg:$0x2]  }
0x4: {  	s3 =	srdreg.scid;
	s0 =	rddreg [dreg:$0x3]  }
0x5: {  	s4 =	simm.s32 $0x0;
	s16 =	simm.s32 $0x80;
	s17 =	simm.s32 $0x60  }
0x6: {  	s18 =	simm.s32 $0x2;
	s9 =	sand.u32 $0x1, s3;
	s3 =	stileid.u32  }
0x7: {  	s19 =	simm.s32 $0x0;
	[smem:$0x7FF] =	sst s4;
	s5 =	smul.u32 $0x13C000, s9  }
0x8: {  	s11 =	sadd.s32 $0x2400, s6;
	s7 =	smul.u32 $0x13C00, s3;
	_ =	strace $0x80000047  }
0x9: {  	s8 =	sshll.u32 s3, $0x1;
	s23 =	smul.u32 $0x4F000, s3;
	s12 =	ssub.s32 $0x2, s9  }
0xa: {  	s14 =	sshll.u32 s9, $0x9;
	s26 =	sshll.u32 s3, $0x6;
	s29 =	smul.u32 $0xD80, s3  }
0xb: {  	s31 =	smul.u32 $0x6C0, s9;
	s22 =	sor.u32 s9, s8;
	s24 =	sshrl.u32 s12, $0x1  }
0xc: {  	s5 =	sadd.s32 s7, s5;
	s13 =	smul.u32 $0x3600, s22;
	s8 =	sshrl.u32 s23, $0x2  }
0xd: {  	s12 =	ssub.s32 s12, s24;
	s28 =	smul.u32 $0x6C0, s22;
	s10 =	sshrl.u32 s5, $0x3  }
0xe: {  	s5 =	sadd.s32 $0xFC00, s6;
	s15 =	sadd.s32 s8, s2;
	s9 =	smax.u32 s12, $0x1  }
0xf: {  	s10 =	sadd.s32 s10, s6;
	s13 =	sand.u32 $0x7FC00, s13;
	s6 =	sor.u32 $0x1C03, s26  }
0x10: {  	s30 =	sadd.s32 s11, s28;
	s12 =	sshrl.u32 s15, $0x3;
	s25 =	sor.u32 s14, s13  }
0x11: {  	s15 =	simm.s32 $0x1;
	s8 =	sadd.s32 $0x12400, s10;
	s13 =	sshrl.u32 s25, $0x3  }
0x12: {  	s10 =	sadd.s32 $0x6B0, s30;
	s7 =	sadd.s32 s11, s13;
	s11 =	sadd.s32 s29, s11  }
0x13: {  	s14 =	simm.s32 $0x100;
	s13 =	simm.s32 $0x3;
	s11 =	sadd.s32 s31, s11  }
.LBB2_1:
0x14: {  	[spmem:s12], [sflag:s6] =	dma.local [hbm:s5], $0x2780  }
0x15: {  	_ =	swait.ge [sflag:s13], $0x2780  }
0x16: {  	[sflag:s13] =	ssyncset.done $0x0  }
0x17: {  	[sflag:s13] =	ssyncadd.s32 $0xFFFFD880  }
0x18: {  	[tilespmem:s14], [sflag:$0x3] =	stream.linear.gather [hbm4b:s1+s4], $0x3000, $0x38;
	[tilespmem:$0x16D00] =	vst v63  }
0x19: {  	_ =	swait.ge [sflag:s13], $0x3000  }
0x1a: {  	[sflag:s13] =	ssyncset.done $0x0  }
0x1b: {  	[sflag:s13] =	ssyncadd.s32 $0xFFFFD000  }
0x1c: {  	[bflag:$0x0] =	sbarrier.arrive $0xFFFF  }
0x1d: {  	[tilespmem:s4], [sflag:$0x1] =	stream.linear.gather [hbm4b:s7+s4], $0x80, $0x38;
	[tilespmem:$0x16D00] =	vst v63  }
0x1e: {  	_ =	swait.ge [sflag:s15], $0x80  }
0x1f: {  	s20 =	sadd.s32 $0xFFFFF960, s11;
	[sflag:s15] =	ssyncset.done $0x0  }
0x20: {  	s21 =	sadd.s32 $0x6B0, s20;
	[sflag:s15] =	ssyncadd.s32 $0xFFFFFF80  }
0x21: {  	[tilespmem:s16], [sflag:$0x2] =	stream.linear.gather [hbm4b:s21+s4], $0x80, $0x38;
	[tilespmem:$0x16D00] =	vst v63  }
0x22: {  	_ = 	snop  }
0x23: {  	[spmem:s2] =	stream.indirect.scatter.add.f32 [tilespmem:s14], [sflag:$0x3], $0x80, s4, s17, $0xb8;
	[tilespmem:$0x16D00] =	vst v63  }
0x24: {  	_ =	swait.ge [sflag:s13], $0x3000  }
0x25: {  	[sflag:s13] =	ssyncset.done $0x0  }
0x26: {  	[sflag:s13] =	ssyncadd.s32 $0xFFFFD000  }
0x27: {  	_ =	swait.ge [sflag:s18], $0x80  }
0x28: {  	[sflag:s18] =	ssyncset.done $0x0  }
0x29: {  	s20 =	sadd.s32 $0x6C0, s20;
	[sflag:s18] =	ssyncadd.s32 $0xFFFFFF80  }
0x2a: {  	[tilespmem:s4], [sflag:$0x1] =	stream.linear.gather [hbm4b:s20+s4], $0x80, $0x38;
	[tilespmem:$0x16D00] =	vst v63  }
0x2b: {  	_ = 	snop  }
0x2c: {  	[spmem:s2] =	stream.indirect.scatter.add.f32 [tilespmem:s14], [sflag:$0x3], $0x80, s16, s17, $0xb8;
	[tilespmem:$0x16D00] =	vst v63  }
0x2d: {  	_ =	swait.ge [sflag:s13], $0x3000  }
0x2e: {  	s20 =	simm.s32 $0xFFFFF980;
	[sflag:s13] =	ssyncset.done $0x0  }
.LBB2_2:
0x2f: {  	p0 =	sne.s32 s20, $0xFFFFFFE0  }
0x30: {  	[sflag:s13] =	ssyncadd.s32 $0xFFFFD000;
	s21 =	smov.u32 s20;
	s20 =	sadd.s32 $0x20, s20  }
0x31: {  	_ = 	snop  }
0x32: {  	_ =	swait.ge [sflag:s15], $0x80  }
0x33: {  	s21 =	sadd.s32 s21, s11;
	[sflag:s15] =	ssyncset.done $0x0  }
0x34: {  	s22 =	sadd.s32 $0x6B0, s21;
	[sflag:s15] =	ssyncadd.s32 $0xFFFFFF80  }
0x35: {  	[tilespmem:s16], [sflag:$0x2] =	stream.linear.gather [hbm4b:s22+s4], $0x80, $0x38;
	[tilespmem:$0x16D00] =	vst v63  }
0x36: {  	_ = 	snop  }
0x37: {  	[spmem:s2] =	stream.indirect.scatter.add.f32 [tilespmem:s14], [sflag:$0x3], $0x80, s4, s17, $0xb8;
	[tilespmem:$0x16D00] =	vst v63  }
0x38: {  	_ =	swait.ge [sflag:s13], $0x3000  }
0x39: {  	[sflag:s13] =	ssyncset.done $0x0  }
0x3a: {  	[sflag:s13] =	ssyncadd.s32 $0xFFFFD000  }
0x3b: {  	_ =	swait.ge [sflag:s18], $0x80  }
0x3c: {  	[sflag:s18] =	ssyncset.done $0x0  }
0x3d: {  	s21 =	sadd.s32 $0x6C0, s21;
	[sflag:s18] =	ssyncadd.s32 $0xFFFFFF80  }
0x3e: {  	[tilespmem:s4], [sflag:$0x1] =	stream.linear.gather [hbm4b:s21+s4], $0x80, $0x38;
	[tilespmem:$0x16D00] =	vst v63  }
.Ltmp0:
0x3f: {  	_ = 	snop;
	(pc) =	sbr.rel @p0 .LBB2_2-.Ltmp0, $4  }
0x40: {  	_ = 	snop  }
0x41: {  	[spmem:s2] =	stream.indirect.scatter.add.f32 [tilespmem:s14], [sflag:$0x3], $0x80, s16, s17, $0xb8;
	[tilespmem:$0x16D00] =	vst v63  }
0x42: {  	_ =	swait.ge [sflag:s13], $0x3000  }
0x43: {  	[sflag:s13] =	ssyncset.done $0x0  }
0x44: {  	[sflag:s13] =	ssyncadd.s32 $0xFFFFD000  }
0x45: {  	_ =	swait.ge [sflag:s15], $0x80  }
0x46: {  	[sflag:s15] =	ssyncset.done $0x0  }
0x47: {  	[sflag:s15] =	ssyncadd.s32 $0xFFFFFF80  }
0x48: {  	[tilespmem:s16], [sflag:$0x2] =	stream.linear.gather [hbm4b:s10+s4], $0x80, $0x38;
	[tilespmem:$0x16D00] =	vst v63  }
0x49: {  	_ = 	snop  }
0x4a: {  	[spmem:s2] =	stream.indirect.scatter.add.f32 [tilespmem:s14], [sflag:$0x3], $0x80, s4, s17, $0xb8;
	[tilespmem:$0x16D00] =	vst v63  }
0x4b: {  	_ =	swait.ge [sflag:s13], $0x3000  }
0x4c: {  	[sflag:s13] =	ssyncset.done $0x0  }
0x4d: {  	[sflag:s13] =	ssyncadd.s32 $0xFFFFD000  }
0x4e: {  	_ =	swait.ge [sflag:s18], $0x80  }
0x4f: {  	[sflag:s18] =	ssyncset.done $0x0  }
0x50: {  	[sflag:s18] =	ssyncadd.s32 $0xFFFFFF80  }
0x51: {  	[spmem:s2] =	stream.indirect.scatter.add.f32 [tilespmem:s14], [sflag:$0x3], $0x80, s16, s17, $0xb8;
	[tilespmem:$0x16D00] =	vst v63  }
0x52: {  	_ =	swait.ge [sflag:s13], $0x3000  }
0x53: {  	s19 =	sadd.s32 $0x1, s19;
	[sflag:s13] =	ssyncset.done $0x0  }
0x54: {  	p0 =	sne.s32 s19, s9;
	[sflag:s13] =	ssyncadd.s32 $0xFFFFD000  }
.Ltmp1:
0x55: {  	[bflag:$0x0] =	sbarrier.arrive $0xFFFF;
	(pc) =	sbr.rel @p0 .LBB2_1-.Ltmp1, $4  }
0x56: {  	[hbm:s8], [sflag:s6] =	dma.local [spmem:s12], $0x2780  }
0x57: {  	_ =	swait.ge [sflag:s13], $0x2780  }
0x58: {  	[sflag:s13] =	ssyncset.done $0x0  }
0x59: {  	[sflag:s13] =	ssyncadd.s32 $0xFFFFD880  }
0x5a: {  	_ =	sfence.sel $0x180000  }
0x5b: {  	[bflag:$0x0] =	sbarrier.arrive $0xFFFF  }
0x5c: {  	p0 =	sne.s32 s3, $0x0;
	_ =	strace $0x90000047  }
0x5d: {  	s0 =	sadd.s32 @!p0 $0x100000, s0;
	[bflag:$0x2] =	sbarrier.arrive $0xFFFF  }
0x5e: {  	[sflag:s0] =	ssyncadd.tile.s32 @!p0 $0x1;
	_ =	shalt  }
.Lfunc_end2:
_tile_overlayer_lowered:
.L_overlay_start_2:
0x5f: {  	(tag) =	ssettag $0x2  }
0x60: {  	s0 =	rddreg [dreg:$0x0];
	s2 =	stileid.u32  }
0x61: {  	s1 =	rddreg [dreg:$0x1];
	p0 =	sne.s32 s2, $0x0  }
0x62: {  	s3 =	rddreg [dreg:$0x2];
	[bflag:$0x3] =	sbarrier.arrive $0xFFFF;
	s2 =	simm.s32 @!p0 $0x1C03  }
0x63: {  	[timem:s3], [sflag:s2] =	dma.local @!p0 [hbm:s0], s1  }
0x64: {  	s0 =	simm.s32 @!p0 $0x3  }
0x65: {  	_ =	swait.ge @!p0 [sflag:s0], s1  }
0x66: {  	s1 =	ssub.s32 @!p0 $0x0, s1;
	[sflag:s0] =	ssyncset.done @!p0 $0x0  }
0x67: {  	[sflag:s0] =	ssyncadd.s32 @!p0 s1  }
0x68: {  	[bflag:$0x3] =	sbarrier.arrive $0xFFFF  }
0x69: {  	_ =	shalt  }

</sc_bundles>
